<compile_context>
chip_gen: v7x
topology: tpu7x:2x2x1
jax: 0.10.2.dev20260603
libtpu: 0.0.44.dev20260713+nightly
codegen_flags: <defaults>
</compile_context>

<pallas_src>
import functools

import jax
import jax.numpy as jnp
from jax import lax
from jax.experimental import pallas as pl
from jax.experimental.pallas import tpu as pltpu
from jax.experimental.pallas import tpu_sc as plsc

_B, _F, _V = 4, 128, 12288
_ROWS = _B * _F
_V4 = 4 * _V
_NW = 32
_RPW = _ROWS // _NW
_LANES = 16
_UNROLL = 4

_mesh = plsc.VectorSubcoreMesh(core_axis_name="c", subcore_axis_name="s")


@functools.partial(
    pl.kernel,
    out_type=jax.ShapeDtypeStruct((_ROWS, _V4), jnp.float32),
    mesh=_mesh,
    compiler_params=pltpu.CompilerParams(needs_layout_passes=False, use_tc_tiling_on_sc=False),
    scratch_types=[
        pltpu.VMEM((_V,), jnp.float32),
        pltpu.VMEM((_V,), jnp.float32),
        pltpu.VMEM((_V4,), jnp.float32),
        pltpu.VMEM((_V4,), jnp.float32),
        pltpu.SemaphoreType.DMA,
        pltpu.SemaphoreType.DMA,
        pltpu.SemaphoreType.DMA,
        pltpu.SemaphoreType.DMA,
    ],
)
def _unpool_sc(x_hbm, out_hbm, in0, in1, out0, out1, si0, si1, so0, so1):
    wid = lax.axis_index("s") * 2 + lax.axis_index("c")
    row0 = wid * _RPW
    ins = (in0, in1)
    outs = (out0, out1)
    sins = (si0, si1)
    souts = (so0, so1)

    in_h = [None, None]
    out_h = [None, None]
    in_h[0] = pltpu.async_copy(x_hbm.at[row0 + 0], in0, si0)
    for r in range(_RPW):
        b = r % 2
        in_h[b].wait()
        if r + 1 < _RPW:
            in_h[1 - b] = pltpu.async_copy(
                x_hbm.at[row0 + r + 1], ins[1 - b], sins[1 - b])
        if r >= 2:
            out_h[b].wait()
        src = ins[b]
        dst = outs[b]

        @plsc.parallel_loop(0, _V4 // _LANES, step=4, unroll=_UNROLL)
        def body(j, src=src, dst=dst):
            iota4 = lax.iota(jnp.int32, _LANES) // 4
            for q in range(4):
                vals = plsc.load_gather(src, [iota4 + (4 * (j + q))])
                dst[pl.ds((j + q) * _LANES, _LANES)] = vals
        out_h[b] = pltpu.async_copy(dst, out_hbm.at[row0 + r], souts[b])
    out_h[0].wait()
    out_h[1].wait()


def kernel(x, indices_spa, indices_sph):
    x2 = x.reshape(_ROWS, _V)
    out = _unpool_sc(x2)
    return out.reshape(_B, _F, _V4, 1, 1, 1)

# --- scband reference (transcript-rebuilt; emitter-appended) ---
"""Pipeline reference for scband-healpix-avg-unpool-39513699123544 (READ-ONLY COPY).

The authoritative reference and input builder live on the scoring server;
editing this copy changes nothing except your own understanding.
"""

import jax, jax.numpy as jnp
import numpy as np

KERNEL_SIZE = 4


def setup_inputs(seed: int = 0) -> dict:
    key = jax.random.key(seed)
    k1, = jax.random.split(key, 1)
    x = jax.random.normal(k1, (4, 128, 12288, 1, 1, 1), dtype=jnp.float32)
    indices_spa = jnp.zeros((1,), dtype=jnp.int64)
    indices_sph = jnp.zeros((1,), dtype=jnp.int64)
    return {"x": x, "indices_spa": indices_spa, "indices_sph": indices_sph}


def reference(x, indices_spa, indices_sph):
    # HealpixAvgUnpool.forward with hemisphere=False
    B, Fin, V, X, Y, Z = x.shape
    # permute(0,1,3,4,5,2) then reshape to (B, Fin*X*Y*Z, V)
    x = jnp.transpose(x, (0, 1, 3, 4, 5, 2)).reshape(B, Fin * X * Y * Z, V)
    # F.interpolate(scale_factor=4, mode='nearest') on a 3D tensor (B, C, V)
    # repeats each element 4 times consecutively along the last axis
    x = jnp.repeat(x, KERNEL_SIZE, axis=-1)
    V2 = x.shape[-1]
    x = x.reshape(B, Fin, X, Y, Z, V2)
    x = jnp.transpose(x, (0, 1, 5, 2, 3, 4))
    return x

if __name__ == "__main__":
    import jax
    _d = setup_inputs()
    print(jax.jit(kernel)(*tuple(_d.values())))

</pallas_src>

<mosaic_0001>
#map = affine_map<(d0, d1) -> (0, 0)>
module attributes {stable_mosaic.version = 14 : i64} {
  func.func @_unpool_sc(%arg0: i32, %arg1: i32, %arg2: memref<512x12288xf32, #tpu.memory_space<hbm>>, %arg3: memref<512x49152xf32, #tpu.memory_space<hbm>>, %arg4: memref<12288xf32, #tpu.memory_space<vmem>>, %arg5: memref<12288xf32, #tpu.memory_space<vmem>>, %arg6: memref<49152xf32, #tpu.memory_space<vmem>>, %arg7: memref<49152xf32, #tpu.memory_space<vmem>>, %arg8: memref<!tpu.dma_semaphore, #tpu.memory_space<semaphore_mem>>, %arg9: memref<!tpu.dma_semaphore, #tpu.memory_space<semaphore_mem>>, %arg10: memref<!tpu.dma_semaphore, #tpu.memory_space<semaphore_mem>>, %arg11: memref<!tpu.dma_semaphore, #tpu.memory_space<semaphore_mem>>) attributes {dimension_semantics = [#tpu.dimension_semantics<core_parallel>, #tpu.dimension_semantics<subcore_parallel>], iteration_bounds = array<i64: 2, 16>, scalar_prefetch = 0 : i64, scratch_operands = 8 : i64, tpu.core_type = #tpu.core_type<sc_vector_subcore>, window_params = [{transform_indices = #map}, {transform_indices = #map}]} {
    %mul3A = arith.constant 2 : i32
    %mul3A_0 = arith.muli %arg1, %mul3A : i32
    %add3A = arith.addi %mul3A_0, %arg0 : i32
    %mul3A_1 = arith.constant 16 : i32
    %mul3A_2 = arith.muli %add3A, %mul3A_1 : i32
    %add3A_3 = arith.constant 0 : i32
    %add3A_4 = arith.addi %mul3A_2, %add3A_3 : i32
    %dma_start3A = arith.constant 0 : i32
    %dma_start3A_5 = tpu.memref_slice %arg2[%add3A_4, %dma_start3A] : memref<512x12288xf32, #tpu.memory_space<hbm>> -> memref<1x12288xf32, #tpu.memory_space<hbm>>
    %dma_start3A_6 = tpu.memref_squeeze %dma_start3A_5 : memref<1x12288xf32, #tpu.memory_space<hbm>> -> memref<12288xf32, #tpu.memory_space<hbm>>
    %dma_start3A_7 = arith.constant 0 : i32
    %dma_start3A_8 = tpu.memref_slice %arg2[%add3A_4, %dma_start3A_7] : memref<512x12288xf32, #tpu.memory_space<hbm>> -> memref<1x12288xf32, #tpu.memory_space<hbm>>
    %dma_start3A_9 = tpu.memref_squeeze %dma_start3A_8 : memref<1x12288xf32, #tpu.memory_space<hbm>> -> memref<12288xf32, #tpu.memory_space<hbm>>
    tpu.enqueue_dma source(%dma_start3A_9 : memref<12288xf32, #tpu.memory_space<hbm>>) target(%arg4 : memref<12288xf32, #tpu.memory_space<vmem>>) target_semaphore(%arg8 : memref<!tpu.dma_semaphore, #tpu.memory_space<semaphore_mem>>)
    %dma_wait3A = arith.constant 0 : i32
    %dma_wait3A_10 = tpu.memref_slice %arg2[%add3A_4, %dma_wait3A] : memref<512x12288xf32, #tpu.memory_space<hbm>> -> memref<1x12288xf32, #tpu.memory_space<hbm>>
    %dma_wait3A_11 = tpu.memref_squeeze %dma_wait3A_10 : memref<1x12288xf32, #tpu.memory_space<hbm>> -> memref<12288xf32, #tpu.memory_space<hbm>>
    %dma_wait3A_12 = arith.constant 0 : i32
    %dma_wait3A_13 = tpu.memref_slice %arg2[%add3A_4, %dma_wait3A_12] : memref<512x12288xf32, #tpu.memory_space<hbm>> -> memref<1x12288xf32, #tpu.memory_space<hbm>>
    %dma_wait3A_14 = tpu.memref_squeeze %dma_wait3A_13 : memref<1x12288xf32, #tpu.memory_space<hbm>> -> memref<12288xf32, #tpu.memory_space<hbm>>
    tpu.wait_dma2 semaphore(%arg8 : memref<!tpu.dma_semaphore, #tpu.memory_space<semaphore_mem>>) src(%dma_wait3A_14 : memref<12288xf32, #tpu.memory_space<hbm>>) dst(%arg4 : memref<12288xf32, #tpu.memory_space<vmem>>)
    %add3A_15 = arith.constant 0 : i32
    %add3A_16 = arith.addi %mul3A_2, %add3A_15 : i32
    %add3A_17 = arith.constant 1 : i32
    %add3A_18 = arith.addi %add3A_16, %add3A_17 : i32
    %dma_start3A_19 = arith.constant 0 : i32
    %dma_start3A_20 = tpu.memref_slice %arg2[%add3A_18, %dma_start3A_19] : memref<512x12288xf32, #tpu.memory_space<hbm>> -> memref<1x12288xf32, #tpu.memory_space<hbm>>
    %dma_start3A_21 = tpu.memref_squeeze %dma_start3A_20 : memref<1x12288xf32, #tpu.memory_space<hbm>> -> memref<12288xf32, #tpu.memory_space<hbm>>
    %dma_start3A_22 = arith.constant 0 : i32
    %dma_start3A_23 = tpu.memref_slice %arg2[%add3A_18, %dma_start3A_22] : memref<512x12288xf32, #tpu.memory_space<hbm>> -> memref<1x12288xf32, #tpu.memory_space<hbm>>
    %dma_start3A_24 = tpu.memref_squeeze %dma_start3A_23 : memref<1x12288xf32, #tpu.memory_space<hbm>> -> memref<12288xf32, #tpu.memory_space<hbm>>
    tpu.enqueue_dma source(%dma_start3A_24 : memref<12288xf32, #tpu.memory_space<hbm>>) target(%arg5 : memref<12288xf32, #tpu.memory_space<vmem>>) target_semaphore(%arg9 : memref<!tpu.dma_semaphore, #tpu.memory_space<semaphore_mem>>)
    %parallel_loop3A = arith.constant 0 : i32
    %parallel_loop3A_25 = arith.constant 3072 : i32
    %parallel_loop3A_26 = arith.constant 4 : i32
    scf.for %parallel_loop3A_526 = %parallel_loop3A to %parallel_loop3A_25 step %parallel_loop3A_26  : i32 {
      %parallel_loop3A_527 = tpu.iota {dimensions = array<i32: 0>} : vector<16xi32>
      %parallel_loop3A_528 = arith.constant 4 : i32
      %parallel_loop3A_529 = vector.broadcast %parallel_loop3A_528 : i32 to vector<16xi32>
      %parallel_loop3A_530 = arith.divsi %parallel_loop3A_527, %parallel_loop3A_529 : vector<16xi32>
      %parallel_loop3A_531 = arith.constant 0 : i32
      %parallel_loop3A_532 = vector.broadcast %parallel_loop3A_531 : i32 to vector<16xi32>
      %parallel_loop3A_533 = arith.cmpi sgt, %parallel_loop3A_527, %parallel_loop3A_532 : vector<16xi32>
      %parallel_loop3A_534 = arith.extui %parallel_loop3A_533 : vector<16xi1> to vector<16xi32>
      %parallel_loop3A_535 = arith.constant 0 : i32
      %parallel_loop3A_536 = vector.broadcast %parallel_loop3A_535 : i32 to vector<16xi32>
      %parallel_loop3A_537 = arith.cmpi slt, %parallel_loop3A_527, %parallel_loop3A_536 : vector<16xi32>
      %parallel_loop3A_538 = arith.extui %parallel_loop3A_537 : vector<16xi1> to vector<16xi32>
      %parallel_loop3A_539 = arith.subi %parallel_loop3A_534, %parallel_loop3A_538 : vector<16xi32>
      %parallel_loop3A_540 = arith.constant 0 : i32
      %parallel_loop3A_541 = arith.cmpi sgt, %parallel_loop3A_528, %parallel_loop3A_540 : i32
      %parallel_loop3A_542 = arith.extui %parallel_loop3A_541 : i1 to i32
      %parallel_loop3A_543 = arith.constant 0 : i32
      %parallel_loop3A_544 = arith.cmpi slt, %parallel_loop3A_528, %parallel_loop3A_543 : i32
      %parallel_loop3A_545 = arith.extui %parallel_loop3A_544 : i1 to i32
      %parallel_loop3A_546 = arith.subi %parallel_loop3A_542, %parallel_loop3A_545 : i32
      %parallel_loop3A_547 = vector.broadcast %parallel_loop3A_546 : i32 to vector<16xi32>
      %parallel_loop3A_548 = arith.cmpi ne, %parallel_loop3A_539, %parallel_loop3A_547 : vector<16xi32>
      %parallel_loop3A_549 = vector.broadcast %parallel_loop3A_528 : i32 to vector<16xi32>
      %parallel_loop3A_550 = arith.remsi %parallel_loop3A_527, %parallel_loop3A_549 : vector<16xi32>
      %parallel_loop3A_551 = arith.constant 0 : i32
      %parallel_loop3A_552 = vector.broadcast %parallel_loop3A_551 : i32 to vector<16xi32>
      %parallel_loop3A_553 = arith.cmpi ne, %parallel_loop3A_550, %parallel_loop3A_552 : vector<16xi32>
      %parallel_loop3A_554 = arith.andi %parallel_loop3A_548, %parallel_loop3A_553 : vector<16xi1>
      %parallel_loop3A_555 = arith.constant 1 : i32
      %parallel_loop3A_556 = vector.broadcast %parallel_loop3A_555 : i32 to vector<16xi32>
      %parallel_loop3A_557 = arith.subi %parallel_loop3A_530, %parallel_loop3A_556 : vector<16xi32>
      %parallel_loop3A_558 = arith.select %parallel_loop3A_554, %parallel_loop3A_557, %parallel_loop3A_530 : vector<16xi1>, vector<16xi32>
      %parallel_loop3A_559 = arith.constant 0 : i32
      %parallel_loop3A_560 = arith.addi %parallel_loop3A_526, %parallel_loop3A_559 : i32
      %parallel_loop3A_561 = arith.constant 4 : i32
      %parallel_loop3A_562 = arith.muli %parallel_loop3A_561, %parallel_loop3A_560 : i32
      %parallel_loop3A_563 = vector.broadcast %parallel_loop3A_562 : i32 to vector<16xi32>
      %parallel_loop3A_564 = arith.addi %parallel_loop3A_558, %parallel_loop3A_563 : vector<16xi32>
      %parallel_loop3A_565 = tpu.vector_load_idx %arg4[%parallel_loop3A_564] : memref<12288xf32, #tpu.memory_space<vmem>>[vector<16xi32>], vector<16xf32>,
      %parallel_loop3A_566 = arith.constant 0 : i32
      %parallel_loop3A_567 = arith.addi %parallel_loop3A_526, %parallel_loop3A_566 : i32
      %parallel_loop3A_568 = arith.constant 16 : i32
      %parallel_loop3A_569 = arith.muli %parallel_loop3A_567, %parallel_loop3A_568 : i32
      %parallel_loop3A_570 = arith.index_cast %parallel_loop3A_569 : i32 to index
      %parallel_loop3A_571 = tpu.vector_load %arg6[%parallel_loop3A_570] {strides = array<i32>} : memref<49152xf32, #tpu.memory_space<vmem>>, vector<16xf32>,
      tpu.vector_store %arg6[%parallel_loop3A_570], %parallel_loop3A_565 {strides = array<i32>} : memref<49152xf32, #tpu.memory_space<vmem>>, vector<16xf32>,
      %parallel_loop3A_572 = arith.constant 1 : i32
      %parallel_loop3A_573 = arith.addi %parallel_loop3A_526, %parallel_loop3A_572 : i32
      %parallel_loop3A_574 = arith.constant 4 : i32
      %parallel_loop3A_575 = arith.muli %parallel_loop3A_574, %parallel_loop3A_573 : i32
      %parallel_loop3A_576 = vector.broadcast %parallel_loop3A_575 : i32 to vector<16xi32>
      %parallel_loop3A_577 = arith.addi %parallel_loop3A_558, %parallel_loop3A_576 : vector<16xi32>
      %parallel_loop3A_578 = tpu.vector_load_idx %arg4[%parallel_loop3A_577] : memref<12288xf32, #tpu.memory_space<vmem>>[vector<16xi32>], vector<16xf32>,
      %parallel_loop3A_579 = arith.constant 1 : i32
      %parallel_loop3A_580 = arith.addi %parallel_loop3A_526, %parallel_loop3A_579 : i32
      %parallel_loop3A_581 = arith.constant 16 : i32
      %parallel_loop3A_582 = arith.muli %parallel_loop3A_580, %parallel_loop3A_581 : i32
      %parallel_loop3A_583 = arith.index_cast %parallel_loop3A_582 : i32 to index
      %parallel_loop3A_584 = tpu.vector_load %arg6[%parallel_loop3A_583] {strides = array<i32>} : memref<49152xf32, #tpu.memory_space<vmem>>, vector<16xf32>,
      tpu.vector_store %arg6[%parallel_loop3A_583], %parallel_loop3A_578 {strides = array<i32>} : memref<49152xf32, #tpu.memory_space<vmem>>, vector<16xf32>,
      %parallel_loop3A_585 = arith.constant 2 : i32
      %parallel_loop3A_586 = arith.addi %parallel_loop3A_526, %parallel_loop3A_585 : i32
      %parallel_loop3A_587 = arith.constant 4 : i32
      %parallel_loop3A_588 = arith.muli %parallel_loop3A_587, %parallel_loop3A_586 : i32
      %parallel_loop3A_589 = vector.broadcast %parallel_loop3A_588 : i32 to vector<16xi32>
      %parallel_loop3A_590 = arith.addi %parallel_loop3A_558, %parallel_loop3A_589 : vector<16xi32>
      %parallel_loop3A_591 = tpu.vector_load_idx %arg4[%parallel_loop3A_590] : memref<12288xf32, #tpu.memory_space<vmem>>[vector<16xi32>], vector<16xf32>,
      %parallel_loop3A_592 = arith.constant 2 : i32
      %parallel_loop3A_593 = arith.addi %parallel_loop3A_526, %parallel_loop3A_592 : i32
      %parallel_loop3A_594 = arith.constant 16 : i32
      %parallel_loop3A_595 = arith.muli %parallel_loop3A_593, %parallel_loop3A_594 : i32
      %parallel_loop3A_596 = arith.index_cast %parallel_loop3A_595 : i32 to index
      %parallel_loop3A_597 = tpu.vector_load %arg6[%parallel_loop3A_596] {strides = array<i32>} : memref<49152xf32, #tpu.memory_space<vmem>>, vector<16xf32>,
      tpu.vector_store %arg6[%parallel_loop3A_596], %parallel_loop3A_591 {strides = array<i32>} : memref<49152xf32, #tpu.memory_space<vmem>>, vector<16xf32>,
      %parallel_loop3A_598 = arith.constant 3 : i32
      %parallel_loop3A_599 = arith.addi %parallel_loop3A_526, %parallel_loop3A_598 : i32
      %parallel_loop3A_600 = arith.constant 4 : i32
      %parallel_loop3A_601 = arith.muli %parallel_loop3A_600, %parallel_loop3A_599 : i32
      %parallel_loop3A_602 = vector.broadcast %parallel_loop3A_601 : i32 to vector<16xi32>
      %parallel_loop3A_603 = arith.addi %parallel_loop3A_558, %parallel_loop3A_602 : vector<16xi32>
      %parallel_loop3A_604 = tpu.vector_load_idx %arg4[%parallel_loop3A_603] : memref<12288xf32, #tpu.memory_space<vmem>>[vector<16xi32>], vector<16xf32>,
      %parallel_loop3A_605 = arith.constant 3 : i32
      %parallel_loop3A_606 = arith.addi %parallel_loop3A_526, %parallel_loop3A_605 : i32
      %parallel_loop3A_607 = arith.constant 16 : i32
      %parallel_loop3A_608 = arith.muli %parallel_loop3A_606, %parallel_loop3A_607 : i32
      %parallel_loop3A_609 = arith.index_cast %parallel_loop3A_608 : i32 to index
      %parallel_loop3A_610 = tpu.vector_load %arg6[%parallel_loop3A_609] {strides = array<i32>} : memref<49152xf32, #tpu.memory_space<vmem>>, vector<16xf32>,
      tpu.vector_store %arg6[%parallel_loop3A_609], %parallel_loop3A_604 {strides = array<i32>} : memref<49152xf32, #tpu.memory_space<vmem>>, vector<16xf32>,
    } {sc.loop_unroll_factor = 4 : i64, sc.parallel_access}
    %add3A_27 = arith.constant 0 : i32
    %add3A_28 = arith.addi %mul3A_2, %add3A_27 : i32
    %dma_start3A_29 = arith.constant 0 : i32
    %dma_start3A_30 = tpu.memref_slice %arg3[%add3A_28, %dma_start3A_29] : memref<512x49152xf32, #tpu.memory_space<hbm>> -> memref<1x49152xf32, #tpu.memory_space<hbm>>
    %dma_start3A_31 = tpu.memref_squeeze %dma_start3A_30 : memref<1x49152xf32, #tpu.memory_space<hbm>> -> memref<49152xf32, #tpu.memory_space<hbm>>
    %dma_start3A_32 = arith.constant 0 : i32
    %dma_start3A_33 = tpu.memref_slice %arg3[%add3A_28, %dma_start3A_32] : memref<512x49152xf32, #tpu.memory_space<hbm>> -> memref<1x49152xf32, #tpu.memory_space<hbm>>
    %dma_start3A_34 = tpu.memref_squeeze %dma_start3A_33 : memref<1x49152xf32, #tpu.memory_space<hbm>> -> memref<49152xf32, #tpu.memory_space<hbm>>
    tpu.enqueue_dma source(%arg6 : memref<49152xf32, #tpu.memory_space<vmem>>) target(%dma_start3A_34 : memref<49152xf32, #tpu.memory_space<hbm>>) target_semaphore(%arg10 : memref<!tpu.dma_semaphore, #tpu.memory_space<semaphore_mem>>)
    %dma_wait3A_35 = arith.constant 0 : i32
    %dma_wait3A_36 = tpu.memref_slice %arg2[%add3A_18, %dma_wait3A_35] : memref<512x12288xf32, #tpu.memory_space<hbm>> -> memref<1x12288xf32, #tpu.memory_space<hbm>>
    %dma_wait3A_37 = tpu.memref_squeeze %dma_wait3A_36 : memref<1x12288xf32, #tpu.memory_space<hbm>> -> memref<12288xf32, #tpu.memory_space<hbm>>
    %dma_wait3A_38 = arith.constant 0 : i32
    %dma_wait3A_39 = tpu.memref_slice %arg2[%add3A_18, %dma_wait3A_38] : memref<512x12288xf32, #tpu.memory_space<hbm>> -> memref<1x12288xf32, #tpu.memory_space<hbm>>
    %dma_wait3A_40 = tpu.memref_squeeze %dma_wait3A_39 : memref<1x12288xf32, #tpu.memory_space<hbm>> -> memref<12288xf32, #tpu.memory_space<hbm>>
    tpu.wait_dma2 semaphore(%arg9 : memref<!tpu.dma_semaphore, #tpu.memory_space<semaphore_mem>>) src(%dma_wait3A_40 : memref<12288xf32, #tpu.memory_space<hbm>>) dst(%arg5 : memref<12288xf32, #tpu.memory_space<vmem>>)
    %add3A_41 = arith.constant 1 : i32
    %add3A_42 = arith.addi %mul3A_2, %add3A_41 : i32
    %add3A_43 = arith.constant 1 : i32
    %add3A_44 = arith.addi %add3A_42, %add3A_43 : i32
    %dma_start3A_45 = arith.constant 0 : i32
    %dma_start3A_46 = tpu.memref_slice %arg2[%add3A_44, %dma_start3A_45] : memref<512x12288xf32, #tpu.memory_space<hbm>> -> memref<1x12288xf32, #tpu.memory_space<hbm>>
    %dma_start3A_47 = tpu.memref_squeeze %dma_start3A_46 : memref<1x12288xf32, #tpu.memory_space<hbm>> -> memref<12288xf32, #tpu.memory_space<hbm>>
    %dma_start3A_48 = arith.constant 0 : i32
    %dma_start3A_49 = tpu.memref_slice %arg2[%add3A_44, %dma_start3A_48] : memref<512x12288xf32, #tpu.memory_space<hbm>> -> memref<1x12288xf32, #tpu.memory_space<hbm>>
    %dma_start3A_50 = tpu.memref_squeeze %dma_start3A_49 : memref<1x12288xf32, #tpu.memory_space<hbm>> -> memref<12288xf32, #tpu.memory_space<hbm>>
    tpu.enqueue_dma source(%dma_start3A_50 : memref<12288xf32, #tpu.memory_space<hbm>>) target(%arg4 : memref<12288xf32, #tpu.memory_space<vmem>>) target_semaphore(%arg8 : memref<!tpu.dma_semaphore, #tpu.memory_space<semaphore_mem>>)
    %parallel_loop3A_51 = arith.constant 0 : i32
    %parallel_loop3A_52 = arith.constant 3072 : i32
    %parallel_loop3A_53 = arith.constant 4 : i32
    scf.for %parallel_loop3A_526 = %parallel_loop3A_51 to %parallel_loop3A_52 step %parallel_loop3A_53  : i32 {
      %parallel_loop3A_527 = tpu.iota {dimensions = array<i32: 0>} : vector<16xi32>
      %parallel_loop3A_528 = arith.constant 4 : i32
      %parallel_loop3A_529 = vector.broadcast %parallel_loop3A_528 : i32 to vector<16xi32>
      %parallel_loop3A_530 = arith.divsi %parallel_loop3A_527, %parallel_loop3A_529 : vector<16xi32>
      %parallel_loop3A_531 = arith.constant 0 : i32
      %parallel_loop3A_532 = vector.broadcast %parallel_loop3A_531 : i32 to vector<16xi32>
      %parallel_loop3A_533 = arith.cmpi sgt, %parallel_loop3A_527, %parallel_loop3A_532 : vector<16xi32>
      %parallel_loop3A_534 = arith.extui %parallel_loop3A_533 : vector<16xi1> to vector<16xi32>
      %parallel_loop3A_535 = arith.constant 0 : i32
      %parallel_loop3A_536 = vector.broadcast %parallel_loop3A_535 : i32 to vector<16xi32>
      %parallel_loop3A_537 = arith.cmpi slt, %parallel_loop3A_527, %parallel_loop3A_536 : vector<16xi32>
      %parallel_loop3A_538 = arith.extui %parallel_loop3A_537 : vector<16xi1> to vector<16xi32>
      %parallel_loop3A_539 = arith.subi %parallel_loop3A_534, %parallel_loop3A_538 : vector<16xi32>
      %parallel_loop3A_540 = arith.constant 0 : i32
      %parallel_loop3A_541 = arith.cmpi sgt, %parallel_loop3A_528, %parallel_loop3A_540 : i32
      %parallel_loop3A_542 = arith.extui %parallel_loop3A_541 : i1 to i32
      %parallel_loop3A_543 = arith.constant 0 : i32
      %parallel_loop3A_544 = arith.cmpi slt, %parallel_loop3A_528, %parallel_loop3A_543 : i32
      %parallel_loop3A_545 = arith.extui %parallel_loop3A_544 : i1 to i32
      %parallel_loop3A_546 = arith.subi %parallel_loop3A_542, %parallel_loop3A_545 : i32
      %parallel_loop3A_547 = vector.broadcast %parallel_loop3A_546 : i32 to vector<16xi32>
      %parallel_loop3A_548 = arith.cmpi ne, %parallel_loop3A_539, %parallel_loop3A_547 : vector<16xi32>
      %parallel_loop3A_549 = vector.broadcast %parallel_loop3A_528 : i32 to vector<16xi32>
      %parallel_loop3A_550 = arith.remsi %parallel_loop3A_527, %parallel_loop3A_549 : vector<16xi32>
      %parallel_loop3A_551 = arith.constant 0 : i32
      %parallel_loop3A_552 = vector.broadcast %parallel_loop3A_551 : i32 to vector<16xi32>
      %parallel_loop3A_553 = arith.cmpi ne, %parallel_loop3A_550, %parallel_loop3A_552 : vector<16xi32>
      %parallel_loop3A_554 = arith.andi %parallel_loop3A_548, %parallel_loop3A_553 : vector<16xi1>
      %parallel_loop3A_555 = arith.constant 1 : i32
      %parallel_loop3A_556 = vector.broadcast %parallel_loop3A_555 : i32 to vector<16xi32>
      %parallel_loop3A_557 = arith.subi %parallel_loop3A_530, %parallel_loop3A_556 : vector<16xi32>
      %parallel_loop3A_558 = arith.select %parallel_loop3A_554, %parallel_loop3A_557, %parallel_loop3A_530 : vector<16xi1>, vector<16xi32>
      %parallel_loop3A_559 = arith.constant 0 : i32
      %parallel_loop3A_560 = arith.addi %parallel_loop3A_526, %parallel_loop3A_559 : i32
      %parallel_loop3A_561 = arith.constant 4 : i32
      %parallel_loop3A_562 = arith.muli %parallel_loop3A_561, %parallel_loop3A_560 : i32
      %parallel_loop3A_563 = vector.broadcast %parallel_loop3A_562 : i32 to vector<16xi32>
      %parallel_loop3A_564 = arith.addi %parallel_loop3A_558, %parallel_loop3A_563 : vector<16xi32>
      %parallel_loop3A_565 = tpu.vector_load_idx %arg5[%parallel_loop3A_564] : memref<12288xf32, #tpu.memory_space<vmem>>[vector<16xi32>], vector<16xf32>,
      %parallel_loop3A_566 = arith.constant 0 : i32
      %parallel_loop3A_567 = arith.addi %parallel_loop3A_526, %parallel_loop3A_566 : i32
      %parallel_loop3A_568 = arith.constant 16 : i32
      %parallel_loop3A_569 = arith.muli %parallel_loop3A_567, %parallel_loop3A_568 : i32
      %parallel_loop3A_570 = arith.index_cast %parallel_loop3A_569 : i32 to index
      %parallel_loop3A_571 = tpu.vector_load %arg7[%parallel_loop3A_570] {strides = array<i32>} : memref<49152xf32, #tpu.memory_space<vmem>>, vector<16xf32>,
      tpu.vector_store %arg7[%parallel_loop3A_570], %parallel_loop3A_565 {strides = array<i32>} : memref<49152xf32, #tpu.memory_space<vmem>>, vector<16xf32>,
      %parallel_loop3A_572 = arith.constant 1 : i32
      %parallel_loop3A_573 = arith.addi %parallel_loop3A_526, %parallel_loop3A_572 : i32
      %parallel_loop3A_574 = arith.constant 4 : i32
      %parallel_loop3A_575 = arith.muli %parallel_loop3A_574, %parallel_loop3A_573 : i32
      %parallel_loop3A_576 = vector.broadcast %parallel_loop3A_575 : i32 to vector<16xi32>
      %parallel_loop3A_577 = arith.addi %parallel_loop3A_558, %parallel_loop3A_576 : vector<16xi32>
      %parallel_loop3A_578 = tpu.vector_load_idx %arg5[%parallel_loop3A_577] : memref<12288xf32, #tpu.memory_space<vmem>>[vector<16xi32>], vector<16xf32>,
      %parallel_loop3A_579 = arith.constant 1 : i32
      %parallel_loop3A_580 = arith.addi %parallel_loop3A_526, %parallel_loop3A_579 : i32
      %parallel_loop3A_581 = arith.constant 16 : i32
      %parallel_loop3A_582 = arith.muli %parallel_loop3A_580, %parallel_loop3A_581 : i32
      %parallel_loop3A_583 = arith.index_cast %parallel_loop3A_582 : i32 to index
      %parallel_loop3A_584 = tpu.vector_load %arg7[%parallel_loop3A_583] {strides = array<i32>} : memref<49152xf32, #tpu.memory_space<vmem>>, vector<16xf32>,
      tpu.vector_store %arg7[%parallel_loop3A_583], %parallel_loop3A_578 {strides = array<i32>} : memref<49152xf32, #tpu.memory_space<vmem>>, vector<16xf32>,
      %parallel_loop3A_585 = arith.constant 2 : i32
      %parallel_loop3A_586 = arith.addi %parallel_loop3A_526, %parallel_loop3A_585 : i32
      %parallel_loop3A_587 = arith.constant 4 : i32
      %parallel_loop3A_588 = arith.muli %parallel_loop3A_587, %parallel_loop3A_586 : i32
      %parallel_loop3A_589 = vector.broadcast %parallel_loop3A_588 : i32 to vector<16xi32>
      %parallel_loop3A_590 = arith.addi %parallel_loop3A_558, %parallel_loop3A_589 : vector<16xi32>
      %parallel_loop3A_591 = tpu.vector_load_idx %arg5[%parallel_loop3A_590] : memref<12288xf32, #tpu.memory_space<vmem>>[vector<16xi32>], vector<16xf32>,
      %parallel_loop3A_592 = arith.constant 2 : i32
      %parallel_loop3A_593 = arith.addi %parallel_loop3A_526, %parallel_loop3A_592 : i32
      %parallel_loop3A_594 = arith.constant 16 : i32
      %parallel_loop3A_595 = arith.muli %parallel_loop3A_593, %parallel_loop3A_594 : i32
      %parallel_loop3A_596 = arith.index_cast %parallel_loop3A_595 : i32 to index
      %parallel_loop3A_597 = tpu.vector_load %arg7[%parallel_loop3A_596] {strides = array<i32>} : memref<49152xf32, #tpu.memory_space<vmem>>, vector<16xf32>,
      tpu.vector_store %arg7[%parallel_loop3A_596], %parallel_loop3A_591 {strides = array<i32>} : memref<49152xf32, #tpu.memory_space<vmem>>, vector<16xf32>,
      %parallel_loop3A_598 = arith.constant 3 : i32
      %parallel_loop3A_599 = arith.addi %parallel_loop3A_526, %parallel_loop3A_598 : i32
      %parallel_loop3A_600 = arith.constant 4 : i32
      %parallel_loop3A_601 = arith.muli %parallel_loop3A_600, %parallel_loop3A_599 : i32
      %parallel_loop3A_602 = vector.broadcast %parallel_loop3A_601 : i32 to vector<16xi32>
      %parallel_loop3A_603 = arith.addi %parallel_loop3A_558, %parallel_loop3A_602 : vector<16xi32>
      %parallel_loop3A_604 = tpu.vector_load_idx %arg5[%parallel_loop3A_603] : memref<12288xf32, #tpu.memory_space<vmem>>[vector<16xi32>], vector<16xf32>,
      %parallel_loop3A_605 = arith.constant 3 : i32
      %parallel_loop3A_606 = arith.addi %parallel_loop3A_526, %parallel_loop3A_605 : i32
      %parallel_loop3A_607 = arith.constant 16 : i32
      %parallel_loop3A_608 = arith.muli %parallel_loop3A_606, %parallel_loop3A_607 : i32
      %parallel_loop3A_609 = arith.index_cast %parallel_loop3A_608 : i32 to index
      %parallel_loop3A_610 = tpu.vector_load %arg7[%parallel_loop3A_609] {strides = array<i32>} : memref<49152xf32, #tpu.memory_space<vmem>>, vector<16xf32>,
      tpu.vector_store %arg7[%parallel_loop3A_609], %parallel_loop3A_604 {strides = array<i32>} : memref<49152xf32, #tpu.memory_space<vmem>>, vector<16xf32>,
    } {sc.loop_unroll_factor = 4 : i64, sc.parallel_access}
    %add3A_54 = arith.constant 1 : i32
    %add3A_55 = arith.addi %mul3A_2, %add3A_54 : i32
    %dma_start3A_56 = arith.constant 0 : i32
    %dma_start3A_57 = tpu.memref_slice %arg3[%add3A_55, %dma_start3A_56] : memref<512x49152xf32, #tpu.memory_space<hbm>> -> memref<1x49152xf32, #tpu.memory_space<hbm>>
    %dma_start3A_58 = tpu.memref_squeeze %dma_start3A_57 : memref<1x49152xf32, #tpu.memory_space<hbm>> -> memref<49152xf32, #tpu.memory_space<hbm>>
    %dma_start3A_59 = arith.constant 0 : i32
    %dma_start3A_60 = tpu.memref_slice %arg3[%add3A_55, %dma_start3A_59] : memref<512x49152xf32, #tpu.memory_space<hbm>> -> memref<1x49152xf32, #tpu.memory_space<hbm>>
    %dma_start3A_61 = tpu.memref_squeeze %dma_start3A_60 : memref<1x49152xf32, #tpu.memory_space<hbm>> -> memref<49152xf32, #tpu.memory_space<hbm>>
    tpu.enqueue_dma source(%arg7 : memref<49152xf32, #tpu.memory_space<vmem>>) target(%dma_start3A_61 : memref<49152xf32, #tpu.memory_space<hbm>>) target_semaphore(%arg11 : memref<!tpu.dma_semaphore, #tpu.memory_space<semaphore_mem>>)
    %dma_wait3A_62 = arith.constant 0 : i32
    %dma_wait3A_63 = tpu.memref_slice %arg2[%add3A_44, %dma_wait3A_62] : memref<512x12288xf32, #tpu.memory_space<hbm>> -> memref<1x12288xf32, #tpu.memory_space<hbm>>
    %dma_wait3A_64 = tpu.memref_squeeze %dma_wait3A_63 : memref<1x12288xf32, #tpu.memory_space<hbm>> -> memref<12288xf32, #tpu.memory_space<hbm>>
    %dma_wait3A_65 = arith.constant 0 : i32
    %dma_wait3A_66 = tpu.memref_slice %arg2[%add3A_44, %dma_wait3A_65] : memref<512x12288xf32, #tpu.memory_space<hbm>> -> memref<1x12288xf32, #tpu.memory_space<hbm>>
    %dma_wait3A_67 = tpu.memref_squeeze %dma_wait3A_66 : memref<1x12288xf32, #tpu.memory_space<hbm>> -> memref<12288xf32, #tpu.memory_space<hbm>>
    tpu.wait_dma2 semaphore(%arg8 : memref<!tpu.dma_semaphore, #tpu.memory_space<semaphore_mem>>) src(%dma_wait3A_67 : memref<12288xf32, #tpu.memory_space<hbm>>) dst(%arg4 : memref<12288xf32, #tpu.memory_space<vmem>>)
    %add3A_68 = arith.constant 2 : i32
    %add3A_69 = arith.addi %mul3A_2, %add3A_68 : i32
    %add3A_70 = arith.constant 1 : i32
    %add3A_71 = arith.addi %add3A_69, %add3A_70 : i32
    %dma_start3A_72 = arith.constant 0 : i32
    %dma_start3A_73 = tpu.memref_slice %arg2[%add3A_71, %dma_start3A_72] : memref<512x12288xf32, #tpu.memory_space<hbm>> -> memref<1x12288xf32, #tpu.memory_space<hbm>>
    %dma_start3A_74 = tpu.memref_squeeze %dma_start3A_73 : memref<1x12288xf32, #tpu.memory_space<hbm>> -> memref<12288xf32, #tpu.memory_space<hbm>>
    %dma_start3A_75 = arith.constant 0 : i32
    %dma_start3A_76 = tpu.memref_slice %arg2[%add3A_71, %dma_start3A_75] : memref<512x12288xf32, #tpu.memory_space<hbm>> -> memref<1x12288xf32, #tpu.memory_space<hbm>>
    %dma_start3A_77 = tpu.memref_squeeze %dma_start3A_76 : memref<1x12288xf32, #tpu.memory_space<hbm>> -> memref<12288xf32, #tpu.memory_space<hbm>>
    tpu.enqueue_dma source(%dma_start3A_77 : memref<12288xf32, #tpu.memory_space<hbm>>) target(%arg5 : memref<12288xf32, #tpu.memory_space<vmem>>) target_semaphore(%arg9 : memref<!tpu.dma_semaphore, #tpu.memory_space<semaphore_mem>>)
    %dma_wait3A_78 = arith.constant 0 : i32
    %dma_wait3A_79 = tpu.memref_slice %arg3[%add3A_28, %dma_wait3A_78] : memref<512x49152xf32, #tpu.memory_space<hbm>> -> memref<1x49152xf32, #tpu.memory_space<hbm>>
    %dma_wait3A_80 = tpu.memref_squeeze %dma_wait3A_79 : memref<1x49152xf32, #tpu.memory_space<hbm>> -> memref<49152xf32, #tpu.memory_space<hbm>>
    %dma_wait3A_81 = arith.constant 0 : i32
    %dma_wait3A_82 = tpu.memref_slice %arg3[%add3A_28, %dma_wait3A_81] : memref<512x49152xf32, #tpu.memory_space<hbm>> -> memref<1x49152xf32, #tpu.memory_space<hbm>>
    %dma_wait3A_83 = tpu.memref_squeeze %dma_wait3A_82 : memref<1x49152xf32, #tpu.memory_space<hbm>> -> memref<49152xf32, #tpu.memory_space<hbm>>
    tpu.wait_dma2 semaphore(%arg10 : memref<!tpu.dma_semaphore, #tpu.memory_space<semaphore_mem>>) src(%arg6 : memref<49152xf32, #tpu.memory_space<vmem>>) dst(%dma_wait3A_83 : memref<49152xf32, #tpu.memory_space<hbm>>)
    %parallel_loop3A_84 = arith.constant 0 : i32
    %parallel_loop3A_85 = arith.constant 3072 : i32
    %parallel_loop3A_86 = arith.constant 4 : i32
    scf.for %parallel_loop3A_526 = %parallel_loop3A_84 to %parallel_loop3A_85 step %parallel_loop3A_86  : i32 {
      %parallel_loop3A_527 = tpu.iota {dimensions = array<i32: 0>} : vector<16xi32>
      %parallel_loop3A_528 = arith.constant 4 : i32
      %parallel_loop3A_529 = vector.broadcast %parallel_loop3A_528 : i32 to vector<16xi32>
      %parallel_loop3A_530 = arith.divsi %parallel_loop3A_527, %parallel_loop3A_529 : vector<16xi32>
      %parallel_loop3A_531 = arith.constant 0 : i32
      %parallel_loop3A_532 = vector.broadcast %parallel_loop3A_531 : i32 to vector<16xi32>
      %parallel_loop3A_533 = arith.cmpi sgt, %parallel_loop3A_527, %parallel_loop3A_532 : vector<16xi32>
      %parallel_loop3A_534 = arith.extui %parallel_loop3A_533 : vector<16xi1> to vector<16xi32>
      %parallel_loop3A_535 = arith.constant 0 : i32
      %parallel_loop3A_536 = vector.broadcast %parallel_loop3A_535 : i32 to vector<16xi32>
      %parallel_loop3A_537 = arith.cmpi slt, %parallel_loop3A_527, %parallel_loop3A_536 : vector<16xi32>
      %parallel_loop3A_538 = arith.extui %parallel_loop3A_537 : vector<16xi1> to vector<16xi32>
      %parallel_loop3A_539 = arith.subi %parallel_loop3A_534, %parallel_loop3A_538 : vector<16xi32>
      %parallel_loop3A_540 = arith.constant 0 : i32
      %parallel_loop3A_541 = arith.cmpi sgt, %parallel_loop3A_528, %parallel_loop3A_540 : i32
      %parallel_loop3A_542 = arith.extui %parallel_loop3A_541 : i1 to i32
      %parallel_loop3A_543 = arith.constant 0 : i32
      %parallel_loop3A_544 = arith.cmpi slt, %parallel_loop3A_528, %parallel_loop3A_543 : i32
      %parallel_loop3A_545 = arith.extui %parallel_loop3A_544 : i1 to i32
      %parallel_loop3A_546 = arith.subi %parallel_loop3A_542, %parallel_loop3A_545 : i32
      %parallel_loop3A_547 = vector.broadcast %parallel_loop3A_546 : i32 to vector<16xi32>
      %parallel_loop3A_548 = arith.cmpi ne, %parallel_loop3A_539, %parallel_loop3A_547 : vector<16xi32>
      %parallel_loop3A_549 = vector.broadcast %parallel_loop3A_528 : i32 to vector<16xi32>
      %parallel_loop3A_550 = arith.remsi %parallel_loop3A_527, %parallel_loop3A_549 : vector<16xi32>
      %parallel_loop3A_551 = arith.constant 0 : i32
      %parallel_loop3A_552 = vector.broadcast %parallel_loop3A_551 : i32 to vector<16xi32>
      %parallel_loop3A_553 = arith.cmpi ne, %parallel_loop3A_550, %parallel_loop3A_552 : vector<16xi32>
      %parallel_loop3A_554 = arith.andi %parallel_loop3A_548, %parallel_loop3A_553 : vector<16xi1>
      %parallel_loop3A_555 = arith.constant 1 : i32
      %parallel_loop3A_556 = vector.broadcast %parallel_loop3A_555 : i32 to vector<16xi32>
      %parallel_loop3A_557 = arith.subi %parallel_loop3A_530, %parallel_loop3A_556 : vector<16xi32>
      %parallel_loop3A_558 = arith.select %parallel_loop3A_554, %parallel_loop3A_557, %parallel_loop3A_530 : vector<16xi1>, vector<16xi32>
      %parallel_loop3A_559 = arith.constant 0 : i32
      %parallel_loop3A_560 = arith.addi %parallel_loop3A_526, %parallel_loop3A_559 : i32
      %parallel_loop3A_561 = arith.constant 4 : i32
      %parallel_loop3A_562 = arith.muli %parallel_loop3A_561, %parallel_loop3A_560 : i32
      %parallel_loop3A_563 = vector.broadcast %parallel_loop3A_562 : i32 to vector<16xi32>
      %parallel_loop3A_564 = arith.addi %parallel_loop3A_558, %parallel_loop3A_563 : vector<16xi32>
      %parallel_loop3A_565 = tpu.vector_load_idx %arg4[%parallel_loop3A_564] : memref<12288xf32, #tpu.memory_space<vmem>>[vector<16xi32>], vector<16xf32>,
      %parallel_loop3A_566 = arith.constant 0 : i32
      %parallel_loop3A_567 = arith.addi %parallel_loop3A_526, %parallel_loop3A_566 : i32
      %parallel_loop3A_568 = arith.constant 16 : i32
      %parallel_loop3A_569 = arith.muli %parallel_loop3A_567, %parallel_loop3A_568 : i32
      %parallel_loop3A_570 = arith.index_cast %parallel_loop3A_569 : i32 to index
      %parallel_loop3A_571 = tpu.vector_load %arg6[%parallel_loop3A_570] {strides = array<i32>} : memref<49152xf32, #tpu.memory_space<vmem>>, vector<16xf32>,
      tpu.vector_store %arg6[%parallel_loop3A_570], %parallel_loop3A_565 {strides = array<i32>} : memref<49152xf32, #tpu.memory_space<vmem>>, vector<16xf32>,
      %parallel_loop3A_572 = arith.constant 1 : i32
      %parallel_loop3A_573 = arith.addi %parallel_loop3A_526, %parallel_loop3A_572 : i32
      %parallel_loop3A_574 = arith.constant 4 : i32
      %parallel_loop3A_575 = arith.muli %parallel_loop3A_574, %parallel_loop3A_573 : i32
      %parallel_loop3A_576 = vector.broadcast %parallel_loop3A_575 : i32 to vector<16xi32>
      %parallel_loop3A_577 = arith.addi %parallel_loop3A_558, %parallel_loop3A_576 : vector<16xi32>
      %parallel_loop3A_578 = tpu.vector_load_idx %arg4[%parallel_loop3A_577] : memref<12288xf32, #tpu.memory_space<vmem>>[vector<16xi32>], vector<16xf32>,
      %parallel_loop3A_579 = arith.constant 1 : i32
      %parallel_loop3A_580 = arith.addi %parallel_loop3A_526, %parallel_loop3A_579 : i32
      %parallel_loop3A_581 = arith.constant 16 : i32
      %parallel_loop3A_582 = arith.muli %parallel_loop3A_580, %parallel_loop3A_581 : i32
      %parallel_loop3A_583 = arith.index_cast %parallel_loop3A_582 : i32 to index
      %parallel_loop3A_584 = tpu.vector_load %arg6[%parallel_loop3A_583] {strides = array<i32>} : memref<49152xf32, #tpu.memory_space<vmem>>, vector<16xf32>,
      tpu.vector_store %arg6[%parallel_loop3A_583], %parallel_loop3A_578 {strides = array<i32>} : memref<49152xf32, #tpu.memory_space<vmem>>, vector<16xf32>,
      %parallel_loop3A_585 = arith.constant 2 : i32
      %parallel_loop3A_586 = arith.addi %parallel_loop3A_526, %parallel_loop3A_585 : i32
      %parallel_loop3A_587 = arith.constant 4 : i32
      %parallel_loop3A_588 = arith.muli %parallel_loop3A_587, %parallel_loop3A_586 : i32
      %parallel_loop3A_589 = vector.broadcast %parallel_loop3A_588 : i32 to vector<16xi32>
      %parallel_loop3A_590 = arith.addi %parallel_loop3A_558, %parallel_loop3A_589 : vector<16xi32>
      %parallel_loop3A_591 = tpu.vector_load_idx %arg4[%parallel_loop3A_590] : memref<12288xf32, #tpu.memory_space<vmem>>[vector<16xi32>], vector<16xf32>,
      %parallel_loop3A_592 = arith.constant 2 : i32
      %parallel_loop3A_593 = arith.addi %parallel_loop3A_526, %parallel_loop3A_592 : i32
      %parallel_loop3A_594 = arith.constant 16 : i32
      %parallel_loop3A_595 = arith.muli %parallel_loop3A_593, %parallel_loop3A_594 : i32
      %parallel_loop3A_596 = arith.index_cast %parallel_loop3A_595 : i32 to index
      %parallel_loop3A_597 = tpu.vector_load %arg6[%parallel_loop3A_596] {strides = array<i32>} : memref<49152xf32, #tpu.memory_space<vmem>>, vector<16xf32>,
      tpu.vector_store %arg6[%parallel_loop3A_596], %parallel_loop3A_591 {strides = array<i32>} : memref<49152xf32, #tpu.memory_space<vmem>>, vector<16xf32>,
      %parallel_loop3A_598 = arith.constant 3 : i32
      %parallel_loop3A_599 = arith.addi %parallel_loop3A_526, %parallel_loop3A_598 : i32
      %parallel_loop3A_600 = arith.constant 4 : i32
      %parallel_loop3A_601 = arith.muli %parallel_loop3A_600, %parallel_loop3A_599 : i32
      %parallel_loop3A_602 = vector.broadcast %parallel_loop3A_601 : i32 to vector<16xi32>
      %parallel_loop3A_603 = arith.addi %parallel_loop3A_558, %parallel_loop3A_602 : vector<16xi32>
      %parallel_loop3A_604 = tpu.vector_load_idx %arg4[%parallel_loop3A_603] : memref<12288xf32, #tpu.memory_space<vmem>>[vector<16xi32>], vector<16xf32>,
      %parallel_loop3A_605 = arith.constant 3 : i32
      %parallel_loop3A_606 = arith.addi %parallel_loop3A_526, %parallel_loop3A_605 : i32
      %parallel_loop3A_607 = arith.constant 16 : i32
      %parallel_loop3A_608 = arith.muli %parallel_loop3A_606, %parallel_loop3A_607 : i32
      %parallel_loop3A_609 = arith.index_cast %parallel_loop3A_608 : i32 to index
      %parallel_loop3A_610 = tpu.vector_load %arg6[%parallel_loop3A_609] {strides = array<i32>} : memref<49152xf32, #tpu.memory_space<vmem>>, vector<16xf32>,
      tpu.vector_store %arg6[%parallel_loop3A_609], %parallel_loop3A_604 {strides = array<i32>} : memref<49152xf32, #tpu.memory_space<vmem>>, vector<16xf32>,
    } {sc.loop_unroll_factor = 4 : i64, sc.parallel_access}
    %add3A_87 = arith.constant 2 : i32
    %add3A_88 = arith.addi %mul3A_2, %add3A_87 : i32
    %dma_start3A_89 = arith.constant 0 : i32
    %dma_start3A_90 = tpu.memref_slice %arg3[%add3A_88, %dma_start3A_89] : memref<512x49152xf32, #tpu.memory_space<hbm>> -> memref<1x49152xf32, #tpu.memory_space<hbm>>
    %dma_start3A_91 = tpu.memref_squeeze %dma_start3A_90 : memref<1x49152xf32, #tpu.memory_space<hbm>> -> memref<49152xf32, #tpu.memory_space<hbm>>
    %dma_start3A_92 = arith.constant 0 : i32
    %dma_start3A_93 = tpu.memref_slice %arg3[%add3A_88, %dma_start3A_92] : memref<512x49152xf32, #tpu.memory_space<hbm>> -> memref<1x49152xf32, #tpu.memory_space<hbm>>
    %dma_start3A_94 = tpu.memref_squeeze %dma_start3A_93 : memref<1x49152xf32, #tpu.memory_space<hbm>> -> memref<49152xf32, #tpu.memory_space<hbm>>
    tpu.enqueue_dma source(%arg6 : memref<49152xf32, #tpu.memory_space<vmem>>) target(%dma_start3A_94 : memref<49152xf32, #tpu.memory_space<hbm>>) target_semaphore(%arg10 : memref<!tpu.dma_semaphore, #tpu.memory_space<semaphore_mem>>)
    %dma_wait3A_95 = arith.constant 0 : i32
    %dma_wait3A_96 = tpu.memref_slice %arg2[%add3A_71, %dma_wait3A_95] : memref<512x12288xf32, #tpu.memory_space<hbm>> -> memref<1x12288xf32, #tpu.memory_space<hbm>>
    %dma_wait3A_97 = tpu.memref_squeeze %dma_wait3A_96 : memref<1x12288xf32, #tpu.memory_space<hbm>> -> memref<12288xf32, #tpu.memory_space<hbm>>
    %dma_wait3A_98 = arith.constant 0 : i32
    %dma_wait3A_99 = tpu.memref_slice %arg2[%add3A_71, %dma_wait3A_98] : memref<512x12288xf32, #tpu.memory_space<hbm>> -> memref<1x12288xf32, #tpu.memory_space<hbm>>
    %dma_wait3A_100 = tpu.memref_squeeze %dma_wait3A_99 : memref<1x12288xf32, #tpu.memory_space<hbm>> -> memref<12288xf32, #tpu.memory_space<hbm>>
    tpu.wait_dma2 semaphore(%arg9 : memref<!tpu.dma_semaphore, #tpu.memory_space<semaphore_mem>>) src(%dma_wait3A_100 : memref<12288xf32, #tpu.memory_space<hbm>>) dst(%arg5 : memref<12288xf32, #tpu.memory_space<vmem>>)
    %add3A_101 = arith.constant 3 : i32
    %add3A_102 = arith.addi %mul3A_2, %add3A_101 : i32
    %add3A_103 = arith.constant 1 : i32
    %add3A_104 = arith.addi %add3A_102, %add3A_103 : i32
    %dma_start3A_105 = arith.constant 0 : i32
    %dma_start3A_106 = tpu.memref_slice %arg2[%add3A_104, %dma_start3A_105] : memref<512x12288xf32, #tpu.memory_space<hbm>> -> memref<1x12288xf32, #tpu.memory_space<hbm>>
    %dma_start3A_107 = tpu.memref_squeeze %dma_start3A_106 : memref<1x12288xf32, #tpu.memory_space<hbm>> -> memref<12288xf32, #tpu.memory_space<hbm>>
    %dma_start3A_108 = arith.constant 0 : i32
    %dma_start3A_109 = tpu.memref_slice %arg2[%add3A_104, %dma_start3A_108] : memref<512x12288xf32, #tpu.memory_space<hbm>> -> memref<1x12288xf32, #tpu.memory_space<hbm>>
    %dma_start3A_110 = tpu.memref_squeeze %dma_start3A_109 : memref<1x12288xf32, #tpu.memory_space<hbm>> -> memref<12288xf32, #tpu.memory_space<hbm>>
    tpu.enqueue_dma source(%dma_start3A_110 : memref<12288xf32, #tpu.memory_space<hbm>>) target(%arg4 : memref<12288xf32, #tpu.memory_space<vmem>>) target_semaphore(%arg8 : memref<!tpu.dma_semaphore, #tpu.memory_space<semaphore_mem>>)
    %dma_wait3A_111 = arith.constant 0 : i32
    %dma_wait3A_112 = tpu.memref_slice %arg3[%add3A_55, %dma_wait3A_111] : memref<512x49152xf32, #tpu.memory_space<hbm>> -> memref<1x49152xf32, #tpu.memory_space<hbm>>
    %dma_wait3A_113 = tpu.memref_squeeze %dma_wait3A_112 : memref<1x49152xf32, #tpu.memory_space<hbm>> -> memref<49152xf32, #tpu.memory_space<hbm>>
    %dma_wait3A_114 = arith.constant 0 : i32
    %dma_wait3A_115 = tpu.memref_slice %arg3[%add3A_55, %dma_wait3A_114] : memref<512x49152xf32, #tpu.memory_space<hbm>> -> memref<1x49152xf32, #tpu.memory_space<hbm>>
    %dma_wait3A_116 = tpu.memref_squeeze %dma_wait3A_115 : memref<1x49152xf32, #tpu.memory_space<hbm>> -> memref<49152xf32, #tpu.memory_space<hbm>>
    tpu.wait_dma2 semaphore(%arg11 : memref<!tpu.dma_semaphore, #tpu.memory_space<semaphore_mem>>) src(%arg7 : memref<49152xf32, #tpu.memory_space<vmem>>) dst(%dma_wait3A_116 : memref<49152xf32, #tpu.memory_space<hbm>>)
    %parallel_loop3A_117 = arith.constant 0 : i32
    %parallel_loop3A_118 = arith.constant 3072 : i32
    %parallel_loop3A_119 = arith.constant 4 : i32
    scf.for %parallel_loop3A_526 = %parallel_loop3A_117 to %parallel_loop3A_118 step %parallel_loop3A_119  : i32 {
      %parallel_loop3A_527 = tpu.iota {dimensions = array<i32: 0>} : vector<16xi32>
      %parallel_loop3A_528 = arith.constant 4 : i32
      %parallel_loop3A_529 = vector.broadcast %parallel_loop3A_528 : i32 to vector<16xi32>
      %parallel_loop3A_530 = arith.divsi %parallel_loop3A_527, %parallel_loop3A_529 : vector<16xi32>
      %parallel_loop3A_531 = arith.constant 0 : i32
      %parallel_loop3A_532 = vector.broadcast %parallel_loop3A_531 : i32 to vector<16xi32>
      %parallel_loop3A_533 = arith.cmpi sgt, %parallel_loop3A_527, %parallel_loop3A_532 : vector<16xi32>
      %parallel_loop3A_534 = arith.extui %parallel_loop3A_533 : vector<16xi1> to vector<16xi32>
      %parallel_loop3A_535 = arith.constant 0 : i32
      %parallel_loop3A_536 = vector.broadcast %parallel_loop3A_535 : i32 to vector<16xi32>
      %parallel_loop3A_537 = arith.cmpi slt, %parallel_loop3A_527, %parallel_loop3A_536 : vector<16xi32>
      %parallel_loop3A_538 = arith.extui %parallel_loop3A_537 : vector<16xi1> to vector<16xi32>
      %parallel_loop3A_539 = arith.subi %parallel_loop3A_534, %parallel_loop3A_538 : vector<16xi32>
      %parallel_loop3A_540 = arith.constant 0 : i32
      %parallel_loop3A_541 = arith.cmpi sgt, %parallel_loop3A_528, %parallel_loop3A_540 : i32
      %parallel_loop3A_542 = arith.extui %parallel_loop3A_541 : i1 to i32
      %parallel_loop3A_543 = arith.constant 0 : i32
      %parallel_loop3A_544 = arith.cmpi slt, %parallel_loop3A_528, %parallel_loop3A_543 : i32
      %parallel_loop3A_545 = arith.extui %parallel_loop3A_544 : i1 to i32
      %parallel_loop3A_546 = arith.subi %parallel_loop3A_542, %parallel_loop3A_545 : i32
      %parallel_loop3A_547 = vector.broadcast %parallel_loop3A_546 : i32 to vector<16xi32>
      %parallel_loop3A_548 = arith.cmpi ne, %parallel_loop3A_539, %parallel_loop3A_547 : vector<16xi32>
      %parallel_loop3A_549 = vector.broadcast %parallel_loop3A_528 : i32 to vector<16xi32>
      %parallel_loop3A_550 = arith.remsi %parallel_loop3A_527, %parallel_loop3A_549 : vector<16xi32>
      %parallel_loop3A_551 = arith.constant 0 : i32
      %parallel_loop3A_552 = vector.broadcast %parallel_loop3A_551 : i32 to vector<16xi32>
      %parallel_loop3A_553 = arith.cmpi ne, %parallel_loop3A_550, %parallel_loop3A_552 : vector<16xi32>
      %parallel_loop3A_554 = arith.andi %parallel_loop3A_548, %parallel_loop3A_553 : vector<16xi1>
      %parallel_loop3A_555 = arith.constant 1 : i32
      %parallel_loop3A_556 = vector.broadcast %parallel_loop3A_555 : i32 to vector<16xi32>
      %parallel_loop3A_557 = arith.subi %parallel_loop3A_530, %parallel_loop3A_556 : vector<16xi32>
      %parallel_loop3A_558 = arith.select %parallel_loop3A_554, %parallel_loop3A_557, %parallel_loop3A_530 : vector<16xi1>, vector<16xi32>
      %parallel_loop3A_559 = arith.constant 0 : i32
      %parallel_loop3A_560 = arith.addi %parallel_loop3A_526, %parallel_loop3A_559 : i32
      %parallel_loop3A_561 = arith.constant 4 : i32
      %parallel_loop3A_562 = arith.muli %parallel_loop3A_561, %parallel_loop3A_560 : i32
      %parallel_loop3A_563 = vector.broadcast %parallel_loop3A_562 : i32 to vector<16xi32>
      %parallel_loop3A_564 = arith.addi %parallel_loop3A_558, %parallel_loop3A_563 : vector<16xi32>
      %parallel_loop3A_565 = tpu.vector_load_idx %arg5[%parallel_loop3A_564] : memref<12288xf32, #tpu.memory_space<vmem>>[vector<16xi32>], vector<16xf32>,
      %parallel_loop3A_566 = arith.constant 0 : i32
      %parallel_loop3A_567 = arith.addi %parallel_loop3A_526, %parallel_loop3A_566 : i32
      %parallel_loop3A_568 = arith.constant 16 : i32
      %parallel_loop3A_569 = arith.muli %parallel_loop3A_567, %parallel_loop3A_568 : i32
      %parallel_loop3A_570 = arith.index_cast %parallel_loop3A_569 : i32 to index
      %parallel_loop3A_571 = tpu.vector_load %arg7[%parallel_loop3A_570] {strides = array<i32>} : memref<49152xf32, #tpu.memory_space<vmem>>, vector<16xf32>,
      tpu.vector_store %arg7[%parallel_loop3A_570], %parallel_loop3A_565 {strides = array<i32>} : memref<49152xf32, #tpu.memory_space<vmem>>, vector<16xf32>,
      %parallel_loop3A_572 = arith.constant 1 : i32
      %parallel_loop3A_573 = arith.addi %parallel_loop3A_526, %parallel_loop3A_572 : i32
      %parallel_loop3A_574 = arith.constant 4 : i32
      %parallel_loop3A_575 = arith.muli %parallel_loop3A_574, %parallel_loop3A_573 : i32
      %parallel_loop3A_576 = vector.broadcast %parallel_loop3A_575 : i32 to vector<16xi32>
      %parallel_loop3A_577 = arith.addi %parallel_loop3A_558, %parallel_loop3A_576 : vector<16xi32>
      %parallel_loop3A_578 = tpu.vector_load_idx %arg5[%parallel_loop3A_577] : memref<12288xf32, #tpu.memory_space<vmem>>[vector<16xi32>], vector<16xf32>,
      %parallel_loop3A_579 = arith.constant 1 : i32
      %parallel_loop3A_580 = arith.addi %parallel_loop3A_526, %parallel_loop3A_579 : i32
      %parallel_loop3A_581 = arith.constant 16 : i32
      %parallel_loop3A_582 = arith.muli %parallel_loop3A_580, %parallel_loop3A_581 : i32
      %parallel_loop3A_583 = arith.index_cast %parallel_loop3A_582 : i32 to index
      %parallel_loop3A_584 = tpu.vector_load %arg7[%parallel_loop3A_583] {strides = array<i32>} : memref<49152xf32, #tpu.memory_space<vmem>>, vector<16xf32>,
      tpu.vector_store %arg7[%parallel_loop3A_583], %parallel_loop3A_578 {strides = array<i32>} : memref<49152xf32, #tpu.memory_space<vmem>>, vector<16xf32>,
      %parallel_loop3A_585 = arith.constant 2 : i32
      %parallel_loop3A_586 = arith.addi %parallel_loop3A_526, %parallel_loop3A_585 : i32
      %parallel_loop3A_587 = arith.constant 4 : i32
      %parallel_loop3A_588 = arith.muli %parallel_loop3A_587, %parallel_loop3A_586 : i32
      %parallel_loop3A_589 = vector.broadcast %parallel_loop3A_588 : i32 to vector<16xi32>
      %parallel_loop3A_590 = arith.addi %parallel_loop3A_558, %parallel_loop3A_589 : vector<16xi32>
      %parallel_loop3A_591 = tpu.vector_load_idx %arg5[%parallel_loop3A_590] : memref<12288xf32, #tpu.memory_space<vmem>>[vector<16xi32>], vector<16xf32>,
      %parallel_loop3A_592 = arith.constant 2 : i32
      %parallel_loop3A_593 = arith.addi %parallel_loop3A_526, %parallel_loop3A_592 : i32
      %parallel_loop3A_594 = arith.constant 16 : i32
      %parallel_loop3A_595 = arith.muli %parallel_loop3A_593, %parallel_loop3A_594 : i32
      %parallel_loop3A_596 = arith.index_cast %parallel_loop3A_595 : i32 to index
      %parallel_loop3A_597 = tpu.vector_load %arg7[%parallel_loop3A_596] {strides = array<i32>} : memref<49152xf32, #tpu.memory_space<vmem>>, vector<16xf32>,
      tpu.vector_store %arg7[%parallel_loop3A_596], %parallel_loop3A_591 {strides = array<i32>} : memref<49152xf32, #tpu.memory_space<vmem>>, vector<16xf32>,
      %parallel_loop3A_598 = arith.constant 3 : i32
      %parallel_loop3A_599 = arith.addi %parallel_loop3A_526, %parallel_loop3A_598 : i32
      %parallel_loop3A_600 = arith.constant 4 : i32
      %parallel_loop3A_601 = arith.muli %parallel_loop3A_600, %parallel_loop3A_599 : i32
      %parallel_loop3A_602 = vector.broadcast %parallel_loop3A_601 : i32 to vector<16xi32>
      %parallel_loop3A_603 = arith.addi %parallel_loop3A_558, %parallel_loop3A_602 : vector<16xi32>
      %parallel_loop3A_604 = tpu.vector_load_idx %arg5[%parallel_loop3A_603] : memref<12288xf32, #tpu.memory_space<vmem>>[vector<16xi32>], vector<16xf32>,
      %parallel_loop3A_605 = arith.constant 3 : i32
      %parallel_loop3A_606 = arith.addi %parallel_loop3A_526, %parallel_loop3A_605 : i32
      %parallel_loop3A_607 = arith.constant 16 : i32
      %parallel_loop3A_608 = arith.muli %parallel_loop3A_606, %parallel_loop3A_607 : i32
      %parallel_loop3A_609 = arith.index_cast %parallel_loop3A_608 : i32 to index
      %parallel_loop3A_610 = tpu.vector_load %arg7[%parallel_loop3A_609] {strides = array<i32>} : memref<49152xf32, #tpu.memory_space<vmem>>, vector<16xf32>,
      tpu.vector_store %arg7[%parallel_loop3A_609], %parallel_loop3A_604 {strides = array<i32>} : memref<49152xf32, #tpu.memory_space<vmem>>, vector<16xf32>,
    } {sc.loop_unroll_factor = 4 : i64, sc.parallel_access}
    %add3A_120 = arith.constant 3 : i32
    %add3A_121 = arith.addi %mul3A_2, %add3A_120 : i32
    %dma_start3A_122 = arith.constant 0 : i32
    %dma_start3A_123 = tpu.memref_slice %arg3[%add3A_121, %dma_start3A_122] : memref<512x49152xf32, #tpu.memory_space<hbm>> -> memref<1x49152xf32, #tpu.memory_space<hbm>>
    %dma_start3A_124 = tpu.memref_squeeze %dma_start3A_123 : memref<1x49152xf32, #tpu.memory_space<hbm>> -> memref<49152xf32, #tpu.memory_space<hbm>>
    %dma_start3A_125 = arith.constant 0 : i32
    %dma_start3A_126 = tpu.memref_slice %arg3[%add3A_121, %dma_start3A_125] : memref<512x49152xf32, #tpu.memory_space<hbm>> -> memref<1x49152xf32, #tpu.memory_space<hbm>>
    %dma_start3A_127 = tpu.memref_squeeze %dma_start3A_126 : memref<1x49152xf32, #tpu.memory_space<hbm>> -> memref<49152xf32, #tpu.memory_space<hbm>>
    tpu.enqueue_dma source(%arg7 : memref<49152xf32, #tpu.memory_space<vmem>>) target(%dma_start3A_127 : memref<49152xf32, #tpu.memory_space<hbm>>) target_semaphore(%arg11 : memref<!tpu.dma_semaphore, #tpu.memory_space<semaphore_mem>>)
    %dma_wait3A_128 = arith.constant 0 : i32
    %dma_wait3A_129 = tpu.memref_slice %arg2[%add3A_104, %dma_wait3A_128] : memref<512x12288xf32, #tpu.memory_space<hbm>> -> memref<1x12288xf32, #tpu.memory_space<hbm>>
    %dma_wait3A_130 = tpu.memref_squeeze %dma_wait3A_129 : memref<1x12288xf32, #tpu.memory_space<hbm>> -> memref<12288xf32, #tpu.memory_space<hbm>>
    %dma_wait3A_131 = arith.constant 0 : i32
    %dma_wait3A_132 = tpu.memref_slice %arg2[%add3A_104, %dma_wait3A_131] : memref<512x12288xf32, #tpu.memory_space<hbm>> -> memref<1x12288xf32, #tpu.memory_space<hbm>>
    %dma_wait3A_133 = tpu.memref_squeeze %dma_wait3A_132 : memref<1x12288xf32, #tpu.memory_space<hbm>> -> memref<12288xf32, #tpu.memory_space<hbm>>
    tpu.wait_dma2 semaphore(%arg8 : memref<!tpu.dma_semaphore, #tpu.memory_space<semaphore_mem>>) src(%dma_wait3A_133 : memref<12288xf32, #tpu.memory_space<hbm>>) dst(%arg4 : memref<12288xf32, #tpu.memory_space<vmem>>)
    %add3A_134 = arith.constant 4 : i32
    %add3A_135 = arith.addi %mul3A_2, %add3A_134 : i32
    %add3A_136 = arith.constant 1 : i32
    %add3A_137 = arith.addi %add3A_135, %add3A_136 : i32
    %dma_start3A_138 = arith.constant 0 : i32
    %dma_start3A_139 = tpu.memref_slice %arg2[%add3A_137, %dma_start3A_138] : memref<512x12288xf32, #tpu.memory_space<hbm>> -> memref<1x12288xf32, #tpu.memory_space<hbm>>
    %dma_start3A_140 = tpu.memref_squeeze %dma_start3A_139 : memref<1x12288xf32, #tpu.memory_space<hbm>> -> memref<12288xf32, #tpu.memory_space<hbm>>
    %dma_start3A_141 = arith.constant 0 : i32
    %dma_start3A_142 = tpu.memref_slice %arg2[%add3A_137, %dma_start3A_141] : memref<512x12288xf32, #tpu.memory_space<hbm>> -> memref<1x12288xf32, #tpu.memory_space<hbm>>
    %dma_start3A_143 = tpu.memref_squeeze %dma_start3A_142 : memref<1x12288xf32, #tpu.memory_space<hbm>> -> memref<12288xf32, #tpu.memory_space<hbm>>
    tpu.enqueue_dma source(%dma_start3A_143 : memref<12288xf32, #tpu.memory_space<hbm>>) target(%arg5 : memref<12288xf32, #tpu.memory_space<vmem>>) target_semaphore(%arg9 : memref<!tpu.dma_semaphore, #tpu.memory_space<semaphore_mem>>)
    %dma_wait3A_144 = arith.constant 0 : i32
    %dma_wait3A_145 = tpu.memref_slice %arg3[%add3A_88, %dma_wait3A_144] : memref<512x49152xf32, #tpu.memory_space<hbm>> -> memref<1x49152xf32, #tpu.memory_space<hbm>>
    %dma_wait3A_146 = tpu.memref_squeeze %dma_wait3A_145 : memref<1x49152xf32, #tpu.memory_space<hbm>> -> memref<49152xf32, #tpu.memory_space<hbm>>
    %dma_wait3A_147 = arith.constant 0 : i32
    %dma_wait3A_148 = tpu.memref_slice %arg3[%add3A_88, %dma_wait3A_147] : memref<512x49152xf32, #tpu.memory_space<hbm>> -> memref<1x49152xf32, #tpu.memory_space<hbm>>
    %dma_wait3A_149 = tpu.memref_squeeze %dma_wait3A_148 : memref<1x49152xf32, #tpu.memory_space<hbm>> -> memref<49152xf32, #tpu.memory_space<hbm>>
    tpu.wait_dma2 semaphore(%arg10 : memref<!tpu.dma_semaphore, #tpu.memory_space<semaphore_mem>>) src(%arg6 : memref<49152xf32, #tpu.memory_space<vmem>>) dst(%dma_wait3A_149 : memref<49152xf32, #tpu.memory_space<hbm>>)
    %parallel_loop3A_150 = arith.constant 0 : i32
    %parallel_loop3A_151 = arith.constant 3072 : i32
    %parallel_loop3A_152 = arith.constant 4 : i32
    scf.for %parallel_loop3A_526 = %parallel_loop3A_150 to %parallel_loop3A_151 step %parallel_loop3A_152  : i32 {
      %parallel_loop3A_527 = tpu.iota {dimensions = array<i32: 0>} : vector<16xi32>
      %parallel_loop3A_528 = arith.constant 4 : i32
      %parallel_loop3A_529 = vector.broadcast %parallel_loop3A_528 : i32 to vector<16xi32>
      %parallel_loop3A_530 = arith.divsi %parallel_loop3A_527, %parallel_loop3A_529 : vector<16xi32>
      %parallel_loop3A_531 = arith.constant 0 : i32
      %parallel_loop3A_532 = vector.broadcast %parallel_loop3A_531 : i32 to vector<16xi32>
      %parallel_loop3A_533 = arith.cmpi sgt, %parallel_loop3A_527, %parallel_loop3A_532 : vector<16xi32>
      %parallel_loop3A_534 = arith.extui %parallel_loop3A_533 : vector<16xi1> to vector<16xi32>
      %parallel_loop3A_535 = arith.constant 0 : i32
      %parallel_loop3A_536 = vector.broadcast %parallel_loop3A_535 : i32 to vector<16xi32>
      %parallel_loop3A_537 = arith.cmpi slt, %parallel_loop3A_527, %parallel_loop3A_536 : vector<16xi32>
      %parallel_loop3A_538 = arith.extui %parallel_loop3A_537 : vector<16xi1> to vector<16xi32>
      %parallel_loop3A_539 = arith.subi %parallel_loop3A_534, %parallel_loop3A_538 : vector<16xi32>
      %parallel_loop3A_540 = arith.constant 0 : i32
      %parallel_loop3A_541 = arith.cmpi sgt, %parallel_loop3A_528, %parallel_loop3A_540 : i32
      %parallel_loop3A_542 = arith.extui %parallel_loop3A_541 : i1 to i32
      %parallel_loop3A_543 = arith.constant 0 : i32
      %parallel_loop3A_544 = arith.cmpi slt, %parallel_loop3A_528, %parallel_loop3A_543 : i32
      %parallel_loop3A_545 = arith.extui %parallel_loop3A_544 : i1 to i32
      %parallel_loop3A_546 = arith.subi %parallel_loop3A_542, %parallel_loop3A_545 : i32
      %parallel_loop3A_547 = vector.broadcast %parallel_loop3A_546 : i32 to vector<16xi32>
      %parallel_loop3A_548 = arith.cmpi ne, %parallel_loop3A_539, %parallel_loop3A_547 : vector<16xi32>
      %parallel_loop3A_549 = vector.broadcast %parallel_loop3A_528 : i32 to vector<16xi32>
      %parallel_loop3A_550 = arith.remsi %parallel_loop3A_527, %parallel_loop3A_549 : vector<16xi32>
      %parallel_loop3A_551 = arith.constant 0 : i32
      %parallel_loop3A_552 = vector.broadcast %parallel_loop3A_551 : i32 to vector<16xi32>
      %parallel_loop3A_553 = arith.cmpi ne, %parallel_loop3A_550, %parallel_loop3A_552 : vector<16xi32>
      %parallel_loop3A_554 = arith.andi %parallel_loop3A_548, %parallel_loop3A_553 : vector<16xi1>
      %parallel_loop3A_555 = arith.constant 1 : i32
      %parallel_loop3A_556 = vector.broadcast %parallel_loop3A_555 : i32 to vector<16xi32>
      %parallel_loop3A_557 = arith.subi %parallel_loop3A_530, %parallel_loop3A_556 : vector<16xi32>
      %parallel_loop3A_558 = arith.select %parallel_loop3A_554, %parallel_loop3A_557, %parallel_loop3A_530 : vector<16xi1>, vector<16xi32>
      %parallel_loop3A_559 = arith.constant 0 : i32
      %parallel_loop3A_560 = arith.addi %parallel_loop3A_526, %parallel_loop3A_559 : i32
      %parallel_loop3A_561 = arith.constant 4 : i32
      %parallel_loop3A_562 = arith.muli %parallel_loop3A_561, %parallel_loop3A_560 : i32
      %parallel_loop3A_563 = vector.broadcast %parallel_loop3A_562 : i32 to vector<16xi32>
      %parallel_loop3A_564 = arith.addi %parallel_loop3A_558, %parallel_loop3A_563 : vector<16xi32>
      %parallel_loop3A_565 = tpu.vector_load_idx %arg4[%parallel_loop3A_564] : memref<12288xf32, #tpu.memory_space<vmem>>[vector<16xi32>], vector<16xf32>,
      %parallel_loop3A_566 = arith.constant 0 : i32
      %parallel_loop3A_567 = arith.addi %parallel_loop3A_526, %parallel_loop3A_566 : i32
      %parallel_loop3A_568 = arith.constant 16 : i32
      %parallel_loop3A_569 = arith.muli %parallel_loop3A_567, %parallel_loop3A_568 : i32
      %parallel_loop3A_570 = arith.index_cast %parallel_loop3A_569 : i32 to index
      %parallel_loop3A_571 = tpu.vector_load %arg6[%parallel_loop3A_570] {strides = array<i32>} : memref<49152xf32, #tpu.memory_space<vmem>>, vector<16xf32>,
      tpu.vector_store %arg6[%parallel_loop3A_570], %parallel_loop3A_565 {strides = array<i32>} : memref<49152xf32, #tpu.memory_space<vmem>>, vector<16xf32>,
      %parallel_loop3A_572 = arith.constant 1 : i32
      %parallel_loop3A_573 = arith.addi %parallel_loop3A_526, %parallel_loop3A_572 : i32
      %parallel_loop3A_574 = arith.constant 4 : i32
      %parallel_loop3A_575 = arith.muli %parallel_loop3A_574, %parallel_loop3A_573 : i32
      %parallel_loop3A_576 = vector.broadcast %parallel_loop3A_575 : i32 to vector<16xi32>
      %parallel_loop3A_577 = arith.addi %parallel_loop3A_558, %parallel_loop3A_576 : vector<16xi32>
      %parallel_loop3A_578 = tpu.vector_load_idx %arg4[%parallel_loop3A_577] : memref<12288xf32, #tpu.memory_space<vmem>>[vector<16xi32>], vector<16xf32>,
      %parallel_loop3A_579 = arith.constant 1 : i32
      %parallel_loop3A_580 = arith.addi %parallel_loop3A_526, %parallel_loop3A_579 : i32
      %parallel_loop3A_581 = arith.constant 16 : i32
      %parallel_loop3A_582 = arith.muli %parallel_loop3A_580, %parallel_loop3A_581 : i32
      %parallel_loop3A_583 = arith.index_cast %parallel_loop3A_582 : i32 to index
      %parallel_loop3A_584 = tpu.vector_load %arg6[%parallel_loop3A_583] {strides = array<i32>} : memref<49152xf32, #tpu.memory_space<vmem>>, vector<16xf32>,
      tpu.vector_store %arg6[%parallel_loop3A_583], %parallel_loop3A_578 {strides = array<i32>} : memref<49152xf32, #tpu.memory_space<vmem>>, vector<16xf32>,
      %parallel_loop3A_585 = arith.constant 2 : i32
      %parallel_loop3A_586 = arith.addi %parallel_loop3A_526, %parallel_loop3A_585 : i32
      %parallel_loop3A_587 = arith.constant 4 : i32
      %parallel_loop3A_588 = arith.muli %parallel_loop3A_587, %parallel_loop3A_586 : i32
      %parallel_loop3A_589 = vector.broadcast %parallel_loop3A_588 : i32 to vector<16xi32>
      %parallel_loop3A_590 = arith.addi %parallel_loop3A_558, %parallel_loop3A_589 : vector<16xi32>
      %parallel_loop3A_591 = tpu.vector_load_idx %arg4[%parallel_loop3A_590] : memref<12288xf32, #tpu.memory_space<vmem>>[vector<16xi32>], vector<16xf32>,
      %parallel_loop3A_592 = arith.constant 2 : i32
      %parallel_loop3A_593 = arith.addi %parallel_loop3A_526, %parallel_loop3A_592 : i32
      %parallel_loop3A_594 = arith.constant 16 : i32
      %parallel_loop3A_595 = arith.muli %parallel_loop3A_593, %parallel_loop3A_594 : i32
      %parallel_loop3A_596 = arith.index_cast %parallel_loop3A_595 : i32 to index
      %parallel_loop3A_597 = tpu.vector_load %arg6[%parallel_loop3A_596] {strides = array<i32>} : memref<49152xf32, #tpu.memory_space<vmem>>, vector<16xf32>,
      tpu.vector_store %arg6[%parallel_loop3A_596], %parallel_loop3A_591 {strides = array<i32>} : memref<49152xf32, #tpu.memory_space<vmem>>, vector<16xf32>,
      %parallel_loop3A_598 = arith.constant 3 : i32
      %parallel_loop3A_599 = arith.addi %parallel_loop3A_526, %parallel_loop3A_598 : i32
      %parallel_loop3A_600 = arith.constant 4 : i32
      %parallel_loop3A_601 = arith.muli %parallel_loop3A_600, %parallel_loop3A_599 : i32
      %parallel_loop3A_602 = vector.broadcast %parallel_loop3A_601 : i32 to vector<16xi32>
      %parallel_loop3A_603 = arith.addi %parallel_loop3A_558, %parallel_loop3A_602 : vector<16xi32>
      %parallel_loop3A_604 = tpu.vector_load_idx %arg4[%parallel_loop3A_603] : memref<12288xf32, #tpu.memory_space<vmem>>[vector<16xi32>], vector<16xf32>,
      %parallel_loop3A_605 = arith.constant 3 : i32
      %parallel_loop3A_606 = arith.addi %parallel_loop3A_526, %parallel_loop3A_605 : i32
      %parallel_loop3A_607 = arith.constant 16 : i32
      %parallel_loop3A_608 = arith.muli %parallel_loop3A_606, %parallel_loop3A_607 : i32
      %parallel_loop3A_609 = arith.index_cast %parallel_loop3A_608 : i32 to index
      %parallel_loop3A_610 = tpu.vector_load %arg6[%parallel_loop3A_609] {strides = array<i32>} : memref<49152xf32, #tpu.memory_space<vmem>>, vector<16xf32>,
      tpu.vector_store %arg6[%parallel_loop3A_609], %parallel_loop3A_604 {strides = array<i32>} : memref<49152xf32, #tpu.memory_space<vmem>>, vector<16xf32>,
    } {sc.loop_unroll_factor = 4 : i64, sc.parallel_access}
    %add3A_153 = arith.constant 4 : i32
    %add3A_154 = arith.addi %mul3A_2, %add3A_153 : i32
    %dma_start3A_155 = arith.constant 0 : i32
    %dma_start3A_156 = tpu.memref_slice %arg3[%add3A_154, %dma_start3A_155] : memref<512x49152xf32, #tpu.memory_space<hbm>> -> memref<1x49152xf32, #tpu.memory_space<hbm>>
    %dma_start3A_157 = tpu.memref_squeeze %dma_start3A_156 : memref<1x49152xf32, #tpu.memory_space<hbm>> -> memref<49152xf32, #tpu.memory_space<hbm>>
    %dma_start3A_158 = arith.constant 0 : i32
    %dma_start3A_159 = tpu.memref_slice %arg3[%add3A_154, %dma_start3A_158] : memref<512x49152xf32, #tpu.memory_space<hbm>> -> memref<1x49152xf32, #tpu.memory_space<hbm>>
    %dma_start3A_160 = tpu.memref_squeeze %dma_start3A_159 : memref<1x49152xf32, #tpu.memory_space<hbm>> -> memref<49152xf32, #tpu.memory_space<hbm>>
    tpu.enqueue_dma source(%arg6 : memref<49152xf32, #tpu.memory_space<vmem>>) target(%dma_start3A_160 : memref<49152xf32, #tpu.memory_space<hbm>>) target_semaphore(%arg10 : memref<!tpu.dma_semaphore, #tpu.memory_space<semaphore_mem>>)
    %dma_wait3A_161 = arith.constant 0 : i32
    %dma_wait3A_162 = tpu.memref_slice %arg2[%add3A_137, %dma_wait3A_161] : memref<512x12288xf32, #tpu.memory_space<hbm>> -> memref<1x12288xf32, #tpu.memory_space<hbm>>
    %dma_wait3A_163 = tpu.memref_squeeze %dma_wait3A_162 : memref<1x12288xf32, #tpu.memory_space<hbm>> -> memref<12288xf32, #tpu.memory_space<hbm>>
    %dma_wait3A_164 = arith.constant 0 : i32
    %dma_wait3A_165 = tpu.memref_slice %arg2[%add3A_137, %dma_wait3A_164] : memref<512x12288xf32, #tpu.memory_space<hbm>> -> memref<1x12288xf32, #tpu.memory_space<hbm>>
    %dma_wait3A_166 = tpu.memref_squeeze %dma_wait3A_165 : memref<1x12288xf32, #tpu.memory_space<hbm>> -> memref<12288xf32, #tpu.memory_space<hbm>>
    tpu.wait_dma2 semaphore(%arg9 : memref<!tpu.dma_semaphore, #tpu.memory_space<semaphore_mem>>) src(%dma_wait3A_166 : memref<12288xf32, #tpu.memory_space<hbm>>) dst(%arg5 : memref<12288xf32, #tpu.memory_space<vmem>>)
    %add3A_167 = arith.constant 5 : i32
    %add3A_168 = arith.addi %mul3A_2, %add3A_167 : i32
    %add3A_169 = arith.constant 1 : i32
    %add3A_170 = arith.addi %add3A_168, %add3A_169 : i32
    %dma_start3A_171 = arith.constant 0 : i32
    %dma_start3A_172 = tpu.memref_slice %arg2[%add3A_170, %dma_start3A_171] : memref<512x12288xf32, #tpu.memory_space<hbm>> -> memref<1x12288xf32, #tpu.memory_space<hbm>>
    %dma_start3A_173 = tpu.memref_squeeze %dma_start3A_172 : memref<1x12288xf32, #tpu.memory_space<hbm>> -> memref<12288xf32, #tpu.memory_space<hbm>>
    %dma_start3A_174 = arith.constant 0 : i32
    %dma_start3A_175 = tpu.memref_slice %arg2[%add3A_170, %dma_start3A_174] : memref<512x12288xf32, #tpu.memory_space<hbm>> -> memref<1x12288xf32, #tpu.memory_space<hbm>>
    %dma_start3A_176 = tpu.memref_squeeze %dma_start3A_175 : memref<1x12288xf32, #tpu.memory_space<hbm>> -> memref<12288xf32, #tpu.memory_space<hbm>>
    tpu.enqueue_dma source(%dma_start3A_176 : memref<12288xf32, #tpu.memory_space<hbm>>) target(%arg4 : memref<12288xf32, #tpu.memory_space<vmem>>) target_semaphore(%arg8 : memref<!tpu.dma_semaphore, #tpu.memory_space<semaphore_mem>>)
    %dma_wait3A_177 = arith.constant 0 : i32
    %dma_wait3A_178 = tpu.memref_slice %arg3[%add3A_121, %dma_wait3A_177] : memref<512x49152xf32, #tpu.memory_space<hbm>> -> memref<1x49152xf32, #tpu.memory_space<hbm>>
    %dma_wait3A_179 = tpu.memref_squeeze %dma_wait3A_178 : memref<1x49152xf32, #tpu.memory_space<hbm>> -> memref<49152xf32, #tpu.memory_space<hbm>>
    %dma_wait3A_180 = arith.constant 0 : i32
    %dma_wait3A_181 = tpu.memref_slice %arg3[%add3A_121, %dma_wait3A_180] : memref<512x49152xf32, #tpu.memory_space<hbm>> -> memref<1x49152xf32, #tpu.memory_space<hbm>>
    %dma_wait3A_182 = tpu.memref_squeeze %dma_wait3A_181 : memref<1x49152xf32, #tpu.memory_space<hbm>> -> memref<49152xf32, #tpu.memory_space<hbm>>
    tpu.wait_dma2 semaphore(%arg11 : memref<!tpu.dma_semaphore, #tpu.memory_space<semaphore_mem>>) src(%arg7 : memref<49152xf32, #tpu.memory_space<vmem>>) dst(%dma_wait3A_182 : memref<49152xf32, #tpu.memory_space<hbm>>)
    %parallel_loop3A_183 = arith.constant 0 : i32
    %parallel_loop3A_184 = arith.constant 3072 : i32
    %parallel_loop3A_185 = arith.constant 4 : i32
    scf.for %parallel_loop3A_526 = %parallel_loop3A_183 to %parallel_loop3A_184 step %parallel_loop3A_185  : i32 {
      %parallel_loop3A_527 = tpu.iota {dimensions = array<i32: 0>} : vector<16xi32>
      %parallel_loop3A_528 = arith.constant 4 : i32
      %parallel_loop3A_529 = vector.broadcast %parallel_loop3A_528 : i32 to vector<16xi32>
      %parallel_loop3A_530 = arith.divsi %parallel_loop3A_527, %parallel_loop3A_529 : vector<16xi32>
      %parallel_loop3A_531 = arith.constant 0 : i32
      %parallel_loop3A_532 = vector.broadcast %parallel_loop3A_531 : i32 to vector<16xi32>
      %parallel_loop3A_533 = arith.cmpi sgt, %parallel_loop3A_527, %parallel_loop3A_532 : vector<16xi32>
      %parallel_loop3A_534 = arith.extui %parallel_loop3A_533 : vector<16xi1> to vector<16xi32>
      %parallel_loop3A_535 = arith.constant 0 : i32
      %parallel_loop3A_536 = vector.broadcast %parallel_loop3A_535 : i32 to vector<16xi32>
      %parallel_loop3A_537 = arith.cmpi slt, %parallel_loop3A_527, %parallel_loop3A_536 : vector<16xi32>
      %parallel_loop3A_538 = arith.extui %parallel_loop3A_537 : vector<16xi1> to vector<16xi32>
      %parallel_loop3A_539 = arith.subi %parallel_loop3A_534, %parallel_loop3A_538 : vector<16xi32>
      %parallel_loop3A_540 = arith.constant 0 : i32
      %parallel_loop3A_541 = arith.cmpi sgt, %parallel_loop3A_528, %parallel_loop3A_540 : i32
      %parallel_loop3A_542 = arith.extui %parallel_loop3A_541 : i1 to i32
      %parallel_loop3A_543 = arith.constant 0 : i32
      %parallel_loop3A_544 = arith.cmpi slt, %parallel_loop3A_528, %parallel_loop3A_543 : i32
      %parallel_loop3A_545 = arith.extui %parallel_loop3A_544 : i1 to i32
      %parallel_loop3A_546 = arith.subi %parallel_loop3A_542, %parallel_loop3A_545 : i32
      %parallel_loop3A_547 = vector.broadcast %parallel_loop3A_546 : i32 to vector<16xi32>
      %parallel_loop3A_548 = arith.cmpi ne, %parallel_loop3A_539, %parallel_loop3A_547 : vector<16xi32>
      %parallel_loop3A_549 = vector.broadcast %parallel_loop3A_528 : i32 to vector<16xi32>
      %parallel_loop3A_550 = arith.remsi %parallel_loop3A_527, %parallel_loop3A_549 : vector<16xi32>
      %parallel_loop3A_551 = arith.constant 0 : i32
      %parallel_loop3A_552 = vector.broadcast %parallel_loop3A_551 : i32 to vector<16xi32>
      %parallel_loop3A_553 = arith.cmpi ne, %parallel_loop3A_550, %parallel_loop3A_552 : vector<16xi32>
      %parallel_loop3A_554 = arith.andi %parallel_loop3A_548, %parallel_loop3A_553 : vector<16xi1>
      %parallel_loop3A_555 = arith.constant 1 : i32
      %parallel_loop3A_556 = vector.broadcast %parallel_loop3A_555 : i32 to vector<16xi32>
      %parallel_loop3A_557 = arith.subi %parallel_loop3A_530, %parallel_loop3A_556 : vector<16xi32>
      %parallel_loop3A_558 = arith.select %parallel_loop3A_554, %parallel_loop3A_557, %parallel_loop3A_530 : vector<16xi1>, vector<16xi32>
      %parallel_loop3A_559 = arith.constant 0 : i32
      %parallel_loop3A_560 = arith.addi %parallel_loop3A_526, %parallel_loop3A_559 : i32
      %parallel_loop3A_561 = arith.constant 4 : i32
      %parallel_loop3A_562 = arith.muli %parallel_loop3A_561, %parallel_loop3A_560 : i32
      %parallel_loop3A_563 = vector.broadcast %parallel_loop3A_562 : i32 to vector<16xi32>
      %parallel_loop3A_564 = arith.addi %parallel_loop3A_558, %parallel_loop3A_563 : vector<16xi32>
      %parallel_loop3A_565 = tpu.vector_load_idx %arg5[%parallel_loop3A_564] : memref<12288xf32, #tpu.memory_space<vmem>>[vector<16xi32>], vector<16xf32>,
      %parallel_loop3A_566 = arith.constant 0 : i32
      %parallel_loop3A_567 = arith.addi %parallel_loop3A_526, %parallel_loop3A_566 : i32
      %parallel_loop3A_568 = arith.constant 16 : i32
      %parallel_loop3A_569 = arith.muli %parallel_loop3A_567, %parallel_loop3A_568 : i32
      %parallel_loop3A_570 = arith.index_cast %parallel_loop3A_569 : i32 to index
      %parallel_loop3A_571 = tpu.vector_load %arg7[%parallel_loop3A_570] {strides = array<i32>} : memref<49152xf32, #tpu.memory_space<vmem>>, vector<16xf32>,
      tpu.vector_store %arg7[%parallel_loop3A_570], %parallel_loop3A_565 {strides = array<i32>} : memref<49152xf32, #tpu.memory_space<vmem>>, vector<16xf32>,
      %parallel_loop3A_572 = arith.constant 1 : i32
      %parallel_loop3A_573 = arith.addi %parallel_loop3A_526, %parallel_loop3A_572 : i32
      %parallel_loop3A_574 = arith.constant 4 : i32
      %parallel_loop3A_575 = arith.muli %parallel_loop3A_574, %parallel_loop3A_573 : i32
      %parallel_loop3A_576 = vector.broadcast %parallel_loop3A_575 : i32 to vector<16xi32>
      %parallel_loop3A_577 = arith.addi %parallel_loop3A_558, %parallel_loop3A_576 : vector<16xi32>
      %parallel_loop3A_578 = tpu.vector_load_idx %arg5[%parallel_loop3A_577] : memref<12288xf32, #tpu.memory_space<vmem>>[vector<16xi32>], vector<16xf32>,
      %parallel_loop3A_579 = arith.constant 1 : i32
      %parallel_loop3A_580 = arith.addi %parallel_loop3A_526, %parallel_loop3A_579 : i32
      %parallel_loop3A_581 = arith.constant 16 : i32
      %parallel_loop3A_582 = arith.muli %parallel_loop3A_580, %parallel_loop3A_581 : i32
      %parallel_loop3A_583 = arith.index_cast %parallel_loop3A_582 : i32 to index
      %parallel_loop3A_584 = tpu.vector_load %arg7[%parallel_loop3A_583] {strides = array<i32>} : memref<49152xf32, #tpu.memory_space<vmem>>, vector<16xf32>,
      tpu.vector_store %arg7[%parallel_loop3A_583], %parallel_loop3A_578 {strides = array<i32>} : memref<49152xf32, #tpu.memory_space<vmem>>, vector<16xf32>,
      %parallel_loop3A_585 = arith.constant 2 : i32
      %parallel_loop3A_586 = arith.addi %parallel_loop3A_526, %parallel_loop3A_585 : i32
      %parallel_loop3A_587 = arith.constant 4 : i32
      %parallel_loop3A_588 = arith.muli %parallel_loop3A_587, %parallel_loop3A_586 : i32
      %parallel_loop3A_589 = vector.broadcast %parallel_loop3A_588 : i32 to vector<16xi32>
      %parallel_loop3A_590 = arith.addi %parallel_loop3A_558, %parallel_loop3A_589 : vector<16xi32>
      %parallel_loop3A_591 = tpu.vector_load_idx %arg5[%parallel_loop3A_590] : memref<12288xf32, #tpu.memory_space<vmem>>[vector<16xi32>], vector<16xf32>,
      %parallel_loop3A_592 = arith.constant 2 : i32
      %parallel_loop3A_593 = arith.addi %parallel_loop3A_526, %parallel_loop3A_592 : i32
      %parallel_loop3A_594 = arith.constant 16 : i32
      %parallel_loop3A_595 = arith.muli %parallel_loop3A_593, %parallel_loop3A_594 : i32
      %parallel_loop3A_596 = arith.index_cast %parallel_loop3A_595 : i32 to index
      %parallel_loop3A_597 = tpu.vector_load %arg7[%parallel_loop3A_596] {strides = array<i32>} : memref<49152xf32, #tpu.memory_space<vmem>>, vector<16xf32>,
      tpu.vector_store %arg7[%parallel_loop3A_596], %parallel_loop3A_591 {strides = array<i32>} : memref<49152xf32, #tpu.memory_space<vmem>>, vector<16xf32>,
      %parallel_loop3A_598 = arith.constant 3 : i32
      %parallel_loop3A_599 = arith.addi %parallel_loop3A_526, %parallel_loop3A_598 : i32
      %parallel_loop3A_600 = arith.constant 4 : i32
      %parallel_loop3A_601 = arith.muli %parallel_loop3A_600, %parallel_loop3A_599 : i32
      %parallel_loop3A_602 = vector.broadcast %parallel_loop3A_601 : i32 to vector<16xi32>
      %parallel_loop3A_603 = arith.addi %parallel_loop3A_558, %parallel_loop3A_602 : vector<16xi32>
      %parallel_loop3A_604 = tpu.vector_load_idx %arg5[%parallel_loop3A_603] : memref<12288xf32, #tpu.memory_space<vmem>>[vector<16xi32>], vector<16xf32>,
      %parallel_loop3A_605 = arith.constant 3 : i32
      %parallel_loop3A_606 = arith.addi %parallel_loop3A_526, %parallel_loop3A_605 : i32
      %parallel_loop3A_607 = arith.constant 16 : i32
      %parallel_loop3A_608 = arith.muli %parallel_loop3A_606, %parallel_loop3A_607 : i32
      %parallel_loop3A_609 = arith.index_cast %parallel_loop3A_608 : i32 to index
      %parallel_loop3A_610 = tpu.vector_load %arg7[%parallel_loop3A_609] {strides = array<i32>} : memref<49152xf32, #tpu.memory_space<vmem>>, vector<16xf32>,
      tpu.vector_store %arg7[%parallel_loop3A_609], %parallel_loop3A_604 {strides = array<i32>} : memref<49152xf32, #tpu.memory_space<vmem>>, vector<16xf32>,
    } {sc.loop_unroll_factor = 4 : i64, sc.parallel_access}
    %add3A_186 = arith.constant 5 : i32
    %add3A_187 = arith.addi %mul3A_2, %add3A_186 : i32
    %dma_start3A_188 = arith.constant 0 : i32
    %dma_start3A_189 = tpu.memref_slice %arg3[%add3A_187, %dma_start3A_188] : memref<512x49152xf32, #tpu.memory_space<hbm>> -> memref<1x49152xf32, #tpu.memory_space<hbm>>
    %dma_start3A_190 = tpu.memref_squeeze %dma_start3A_189 : memref<1x49152xf32, #tpu.memory_space<hbm>> -> memref<49152xf32, #tpu.memory_space<hbm>>
    %dma_start3A_191 = arith.constant 0 : i32
    %dma_start3A_192 = tpu.memref_slice %arg3[%add3A_187, %dma_start3A_191] : memref<512x49152xf32, #tpu.memory_space<hbm>> -> memref<1x49152xf32, #tpu.memory_space<hbm>>
    %dma_start3A_193 = tpu.memref_squeeze %dma_start3A_192 : memref<1x49152xf32, #tpu.memory_space<hbm>> -> memref<49152xf32, #tpu.memory_space<hbm>>
    tpu.enqueue_dma source(%arg7 : memref<49152xf32, #tpu.memory_space<vmem>>) target(%dma_start3A_193 : memref<49152xf32, #tpu.memory_space<hbm>>) target_semaphore(%arg11 : memref<!tpu.dma_semaphore, #tpu.memory_space<semaphore_mem>>)
    %dma_wait3A_194 = arith.constant 0 : i32
    %dma_wait3A_195 = tpu.memref_slice %arg2[%add3A_170, %dma_wait3A_194] : memref<512x12288xf32, #tpu.memory_space<hbm>> -> memref<1x12288xf32, #tpu.memory_space<hbm>>
    %dma_wait3A_196 = tpu.memref_squeeze %dma_wait3A_195 : memref<1x12288xf32, #tpu.memory_space<hbm>> -> memref<12288xf32, #tpu.memory_space<hbm>>
    %dma_wait3A_197 = arith.constant 0 : i32
    %dma_wait3A_198 = tpu.memref_slice %arg2[%add3A_170, %dma_wait3A_197] : memref<512x12288xf32, #tpu.memory_space<hbm>> -> memref<1x12288xf32, #tpu.memory_space<hbm>>
    %dma_wait3A_199 = tpu.memref_squeeze %dma_wait3A_198 : memref<1x12288xf32, #tpu.memory_space<hbm>> -> memref<12288xf32, #tpu.memory_space<hbm>>
    tpu.wait_dma2 semaphore(%arg8 : memref<!tpu.dma_semaphore, #tpu.memory_space<semaphore_mem>>) src(%dma_wait3A_199 : memref<12288xf32, #tpu.memory_space<hbm>>) dst(%arg4 : memref<12288xf32, #tpu.memory_space<vmem>>)
    %add3A_200 = arith.constant 6 : i32
    %add3A_201 = arith.addi %mul3A_2, %add3A_200 : i32
    %add3A_202 = arith.constant 1 : i32
    %add3A_203 = arith.addi %add3A_201, %add3A_202 : i32
    %dma_start3A_204 = arith.constant 0 : i32
    %dma_start3A_205 = tpu.memref_slice %arg2[%add3A_203, %dma_start3A_204] : memref<512x12288xf32, #tpu.memory_space<hbm>> -> memref<1x12288xf32, #tpu.memory_space<hbm>>
    %dma_start3A_206 = tpu.memref_squeeze %dma_start3A_205 : memref<1x12288xf32, #tpu.memory_space<hbm>> -> memref<12288xf32, #tpu.memory_space<hbm>>
    %dma_start3A_207 = arith.constant 0 : i32
    %dma_start3A_208 = tpu.memref_slice %arg2[%add3A_203, %dma_start3A_207] : memref<512x12288xf32, #tpu.memory_space<hbm>> -> memref<1x12288xf32, #tpu.memory_space<hbm>>
    %dma_start3A_209 = tpu.memref_squeeze %dma_start3A_208 : memref<1x12288xf32, #tpu.memory_space<hbm>> -> memref<12288xf32, #tpu.memory_space<hbm>>
    tpu.enqueue_dma source(%dma_start3A_209 : memref<12288xf32, #tpu.memory_space<hbm>>) target(%arg5 : memref<12288xf32, #tpu.memory_space<vmem>>) target_semaphore(%arg9 : memref<!tpu.dma_semaphore, #tpu.memory_space<semaphore_mem>>)
    %dma_wait3A_210 = arith.constant 0 : i32
    %dma_wait3A_211 = tpu.memref_slice %arg3[%add3A_154, %dma_wait3A_210] : memref<512x49152xf32, #tpu.memory_space<hbm>> -> memref<1x49152xf32, #tpu.memory_space<hbm>>
    %dma_wait3A_212 = tpu.memref_squeeze %dma_wait3A_211 : memref<1x49152xf32, #tpu.memory_space<hbm>> -> memref<49152xf32, #tpu.memory_space<hbm>>
    %dma_wait3A_213 = arith.constant 0 : i32
    %dma_wait3A_214 = tpu.memref_slice %arg3[%add3A_154, %dma_wait3A_213] : memref<512x49152xf32, #tpu.memory_space<hbm>> -> memref<1x49152xf32, #tpu.memory_space<hbm>>
    %dma_wait3A_215 = tpu.memref_squeeze %dma_wait3A_214 : memref<1x49152xf32, #tpu.memory_space<hbm>> -> memref<49152xf32, #tpu.memory_space<hbm>>
    tpu.wait_dma2 semaphore(%arg10 : memref<!tpu.dma_semaphore, #tpu.memory_space<semaphore_mem>>) src(%arg6 : memref<49152xf32, #tpu.memory_space<vmem>>) dst(%dma_wait3A_215 : memref<49152xf32, #tpu.memory_space<hbm>>)
    %parallel_loop3A_216 = arith.constant 0 : i32
    %parallel_loop3A_217 = arith.constant 3072 : i32
    %parallel_loop3A_218 = arith.constant 4 : i32
    scf.for %parallel_loop3A_526 = %parallel_loop3A_216 to %parallel_loop3A_217 step %parallel_loop3A_218  : i32 {
      %parallel_loop3A_527 = tpu.iota {dimensions = array<i32: 0>} : vector<16xi32>
      %parallel_loop3A_528 = arith.constant 4 : i32
      %parallel_loop3A_529 = vector.broadcast %parallel_loop3A_528 : i32 to vector<16xi32>
      %parallel_loop3A_530 = arith.divsi %parallel_loop3A_527, %parallel_loop3A_529 : vector<16xi32>
      %parallel_loop3A_531 = arith.constant 0 : i32
      %parallel_loop3A_532 = vector.broadcast %parallel_loop3A_531 : i32 to vector<16xi32>
      %parallel_loop3A_533 = arith.cmpi sgt, %parallel_loop3A_527, %parallel_loop3A_532 : vector<16xi32>
      %parallel_loop3A_534 = arith.extui %parallel_loop3A_533 : vector<16xi1> to vector<16xi32>
      %parallel_loop3A_535 = arith.constant 0 : i32
      %parallel_loop3A_536 = vector.broadcast %parallel_loop3A_535 : i32 to vector<16xi32>
      %parallel_loop3A_537 = arith.cmpi slt, %parallel_loop3A_527, %parallel_loop3A_536 : vector<16xi32>
      %parallel_loop3A_538 = arith.extui %parallel_loop3A_537 : vector<16xi1> to vector<16xi32>
      %parallel_loop3A_539 = arith.subi %parallel_loop3A_534, %parallel_loop3A_538 : vector<16xi32>
      %parallel_loop3A_540 = arith.constant 0 : i32
      %parallel_loop3A_541 = arith.cmpi sgt, %parallel_loop3A_528, %parallel_loop3A_540 : i32
      %parallel_loop3A_542 = arith.extui %parallel_loop3A_541 : i1 to i32
      %parallel_loop3A_543 = arith.constant 0 : i32
      %parallel_loop3A_544 = arith.cmpi slt, %parallel_loop3A_528, %parallel_loop3A_543 : i32
      %parallel_loop3A_545 = arith.extui %parallel_loop3A_544 : i1 to i32
      %parallel_loop3A_546 = arith.subi %parallel_loop3A_542, %parallel_loop3A_545 : i32
      %parallel_loop3A_547 = vector.broadcast %parallel_loop3A_546 : i32 to vector<16xi32>
      %parallel_loop3A_548 = arith.cmpi ne, %parallel_loop3A_539, %parallel_loop3A_547 : vector<16xi32>
      %parallel_loop3A_549 = vector.broadcast %parallel_loop3A_528 : i32 to vector<16xi32>
      %parallel_loop3A_550 = arith.remsi %parallel_loop3A_527, %parallel_loop3A_549 : vector<16xi32>
      %parallel_loop3A_551 = arith.constant 0 : i32
      %parallel_loop3A_552 = vector.broadcast %parallel_loop3A_551 : i32 to vector<16xi32>
      %parallel_loop3A_553 = arith.cmpi ne, %parallel_loop3A_550, %parallel_loop3A_552 : vector<16xi32>
      %parallel_loop3A_554 = arith.andi %parallel_loop3A_548, %parallel_loop3A_553 : vector<16xi1>
      %parallel_loop3A_555 = arith.constant 1 : i32
      %parallel_loop3A_556 = vector.broadcast %parallel_loop3A_555 : i32 to vector<16xi32>
      %parallel_loop3A_557 = arith.subi %parallel_loop3A_530, %parallel_loop3A_556 : vector<16xi32>
      %parallel_loop3A_558 = arith.select %parallel_loop3A_554, %parallel_loop3A_557, %parallel_loop3A_530 : vector<16xi1>, vector<16xi32>
      %parallel_loop3A_559 = arith.constant 0 : i32
      %parallel_loop3A_560 = arith.addi %parallel_loop3A_526, %parallel_loop3A_559 : i32
      %parallel_loop3A_561 = arith.constant 4 : i32
      %parallel_loop3A_562 = arith.muli %parallel_loop3A_561, %parallel_loop3A_560 : i32
      %parallel_loop3A_563 = vector.broadcast %parallel_loop3A_562 : i32 to vector<16xi32>
      %parallel_loop3A_564 = arith.addi %parallel_loop3A_558, %parallel_loop3A_563 : vector<16xi32>
      %parallel_loop3A_565 = tpu.vector_load_idx %arg4[%parallel_loop3A_564] : memref<12288xf32, #tpu.memory_space<vmem>>[vector<16xi32>], vector<16xf32>,
      %parallel_loop3A_566 = arith.constant 0 : i32
      %parallel_loop3A_567 = arith.addi %parallel_loop3A_526, %parallel_loop3A_566 : i32
      %parallel_loop3A_568 = arith.constant 16 : i32
      %parallel_loop3A_569 = arith.muli %parallel_loop3A_567, %parallel_loop3A_568 : i32
      %parallel_loop3A_570 = arith.index_cast %parallel_loop3A_569 : i32 to index
      %parallel_loop3A_571 = tpu.vector_load %arg6[%parallel_loop3A_570] {strides = array<i32>} : memref<49152xf32, #tpu.memory_space<vmem>>, vector<16xf32>,
      tpu.vector_store %arg6[%parallel_loop3A_570], %parallel_loop3A_565 {strides = array<i32>} : memref<49152xf32, #tpu.memory_space<vmem>>, vector<16xf32>,
      %parallel_loop3A_572 = arith.constant 1 : i32
      %parallel_loop3A_573 = arith.addi %parallel_loop3A_526, %parallel_loop3A_572 : i32
      %parallel_loop3A_574 = arith.constant 4 : i32
      %parallel_loop3A_575 = arith.muli %parallel_loop3A_574, %parallel_loop3A_573 : i32
      %parallel_loop3A_576 = vector.broadcast %parallel_loop3A_575 : i32 to vector<16xi32>
      %parallel_loop3A_577 = arith.addi %parallel_loop3A_558, %parallel_loop3A_576 : vector<16xi32>
      %parallel_loop3A_578 = tpu.vector_load_idx %arg4[%parallel_loop3A_577] : memref<12288xf32, #tpu.memory_space<vmem>>[vector<16xi32>], vector<16xf32>,
      %parallel_loop3A_579 = arith.constant 1 : i32
      %parallel_loop3A_580 = arith.addi %parallel_loop3A_526, %parallel_loop3A_579 : i32
      %parallel_loop3A_581 = arith.constant 16 : i32
      %parallel_loop3A_582 = arith.muli %parallel_loop3A_580, %parallel_loop3A_581 : i32
      %parallel_loop3A_583 = arith.index_cast %parallel_loop3A_582 : i32 to index
      %parallel_loop3A_584 = tpu.vector_load %arg6[%parallel_loop3A_583] {strides = array<i32>} : memref<49152xf32, #tpu.memory_space<vmem>>, vector<16xf32>,
      tpu.vector_store %arg6[%parallel_loop3A_583], %parallel_loop3A_578 {strides = array<i32>} : memref<49152xf32, #tpu.memory_space<vmem>>, vector<16xf32>,
      %parallel_loop3A_585 = arith.constant 2 : i32
      %parallel_loop3A_586 = arith.addi %parallel_loop3A_526, %parallel_loop3A_585 : i32
      %parallel_loop3A_587 = arith.constant 4 : i32
      %parallel_loop3A_588 = arith.muli %parallel_loop3A_587, %parallel_loop3A_586 : i32
      %parallel_loop3A_589 = vector.broadcast %parallel_loop3A_588 : i32 to vector<16xi32>
      %parallel_loop3A_590 = arith.addi %parallel_loop3A_558, %parallel_loop3A_589 : vector<16xi32>
      %parallel_loop3A_591 = tpu.vector_load_idx %arg4[%parallel_loop3A_590] : memref<12288xf32, #tpu.memory_space<vmem>>[vector<16xi32>], vector<16xf32>,
      %parallel_loop3A_592 = arith.constant 2 : i32
      %parallel_loop3A_593 = arith.addi %parallel_loop3A_526, %parallel_loop3A_592 : i32
      %parallel_loop3A_594 = arith.constant 16 : i32
      %parallel_loop3A_595 = arith.muli %parallel_loop3A_593, %parallel_loop3A_594 : i32
      %parallel_loop3A_596 = arith.index_cast %parallel_loop3A_595 : i32 to index
      %parallel_loop3A_597 = tpu.vector_load %arg6[%parallel_loop3A_596] {strides = array<i32>} : memref<49152xf32, #tpu.memory_space<vmem>>, vector<16xf32>,
      tpu.vector_store %arg6[%parallel_loop3A_596], %parallel_loop3A_591 {strides = array<i32>} : memref<49152xf32, #tpu.memory_space<vmem>>, vector<16xf32>,
      %parallel_loop3A_598 = arith.constant 3 : i32
      %parallel_loop3A_599 = arith.addi %parallel_loop3A_526, %parallel_loop3A_598 : i32
      %parallel_loop3A_600 = arith.constant 4 : i32
      %parallel_loop3A_601 = arith.muli %parallel_loop3A_600, %parallel_loop3A_599 : i32
      %parallel_loop3A_602 = vector.broadcast %parallel_loop3A_601 : i32 to vector<16xi32>
      %parallel_loop3A_603 = arith.addi %parallel_loop3A_558, %parallel_loop3A_602 : vector<16xi32>
      %parallel_loop3A_604 = tpu.vector_load_idx %arg4[%parallel_loop3A_603] : memref<12288xf32, #tpu.memory_space<vmem>>[vector<16xi32>], vector<16xf32>,
      %parallel_loop3A_605 = arith.constant 3 : i32
      %parallel_loop3A_606 = arith.addi %parallel_loop3A_526, %parallel_loop3A_605 : i32
      %parallel_loop3A_607 = arith.constant 16 : i32
      %parallel_loop3A_608 = arith.muli %parallel_loop3A_606, %parallel_loop3A_607 : i32
      %parallel_loop3A_609 = arith.index_cast %parallel_loop3A_608 : i32 to index
      %parallel_loop3A_610 = tpu.vector_load %arg6[%parallel_loop3A_609] {strides = array<i32>} : memref<49152xf32, #tpu.memory_space<vmem>>, vector<16xf32>,
      tpu.vector_store %arg6[%parallel_loop3A_609], %parallel_loop3A_604 {strides = array<i32>} : memref<49152xf32, #tpu.memory_space<vmem>>, vector<16xf32>,
    } {sc.loop_unroll_factor = 4 : i64, sc.parallel_access}
    %add3A_219 = arith.constant 6 : i32
    %add3A_220 = arith.addi %mul3A_2, %add3A_219 : i32
    %dma_start3A_221 = arith.constant 0 : i32
    %dma_start3A_222 = tpu.memref_slice %arg3[%add3A_220, %dma_start3A_221] : memref<512x49152xf32, #tpu.memory_space<hbm>> -> memref<1x49152xf32, #tpu.memory_space<hbm>>
    %dma_start3A_223 = tpu.memref_squeeze %dma_start3A_222 : memref<1x49152xf32, #tpu.memory_space<hbm>> -> memref<49152xf32, #tpu.memory_space<hbm>>
    %dma_start3A_224 = arith.constant 0 : i32
    %dma_start3A_225 = tpu.memref_slice %arg3[%add3A_220, %dma_start3A_224] : memref<512x49152xf32, #tpu.memory_space<hbm>> -> memref<1x49152xf32, #tpu.memory_space<hbm>>
    %dma_start3A_226 = tpu.memref_squeeze %dma_start3A_225 : memref<1x49152xf32, #tpu.memory_space<hbm>> -> memref<49152xf32, #tpu.memory_space<hbm>>
    tpu.enqueue_dma source(%arg6 : memref<49152xf32, #tpu.memory_space<vmem>>) target(%dma_start3A_226 : memref<49152xf32, #tpu.memory_space<hbm>>) target_semaphore(%arg10 : memref<!tpu.dma_semaphore, #tpu.memory_space<semaphore_mem>>)
    %dma_wait3A_227 = arith.constant 0 : i32
    %dma_wait3A_228 = tpu.memref_slice %arg2[%add3A_203, %dma_wait3A_227] : memref<512x12288xf32, #tpu.memory_space<hbm>> -> memref<1x12288xf32, #tpu.memory_space<hbm>>
    %dma_wait3A_229 = tpu.memref_squeeze %dma_wait3A_228 : memref<1x12288xf32, #tpu.memory_space<hbm>> -> memref<12288xf32, #tpu.memory_space<hbm>>
    %dma_wait3A_230 = arith.constant 0 : i32
    %dma_wait3A_231 = tpu.memref_slice %arg2[%add3A_203, %dma_wait3A_230] : memref<512x12288xf32, #tpu.memory_space<hbm>> -> memref<1x12288xf32, #tpu.memory_space<hbm>>
    %dma_wait3A_232 = tpu.memref_squeeze %dma_wait3A_231 : memref<1x12288xf32, #tpu.memory_space<hbm>> -> memref<12288xf32, #tpu.memory_space<hbm>>
    tpu.wait_dma2 semaphore(%arg9 : memref<!tpu.dma_semaphore, #tpu.memory_space<semaphore_mem>>) src(%dma_wait3A_232 : memref<12288xf32, #tpu.memory_space<hbm>>) dst(%arg5 : memref<12288xf32, #tpu.memory_space<vmem>>)
    %add3A_233 = arith.constant 7 : i32
    %add3A_234 = arith.addi %mul3A_2, %add3A_233 : i32
    %add3A_235 = arith.constant 1 : i32
    %add3A_236 = arith.addi %add3A_234, %add3A_235 : i32
    %dma_start3A_237 = arith.constant 0 : i32
    %dma_start3A_238 = tpu.memref_slice %arg2[%add3A_236, %dma_start3A_237] : memref<512x12288xf32, #tpu.memory_space<hbm>> -> memref<1x12288xf32, #tpu.memory_space<hbm>>
    %dma_start3A_239 = tpu.memref_squeeze %dma_start3A_238 : memref<1x12288xf32, #tpu.memory_space<hbm>> -> memref<12288xf32, #tpu.memory_space<hbm>>
    %dma_start3A_240 = arith.constant 0 : i32
    %dma_start3A_241 = tpu.memref_slice %arg2[%add3A_236, %dma_start3A_240] : memref<512x12288xf32, #tpu.memory_space<hbm>> -> memref<1x12288xf32, #tpu.memory_space<hbm>>
    %dma_start3A_242 = tpu.memref_squeeze %dma_start3A_241 : memref<1x12288xf32, #tpu.memory_space<hbm>> -> memref<12288xf32, #tpu.memory_space<hbm>>
    tpu.enqueue_dma source(%dma_start3A_242 : memref<12288xf32, #tpu.memory_space<hbm>>) target(%arg4 : memref<12288xf32, #tpu.memory_space<vmem>>) target_semaphore(%arg8 : memref<!tpu.dma_semaphore, #tpu.memory_space<semaphore_mem>>)
    %dma_wait3A_243 = arith.constant 0 : i32
    %dma_wait3A_244 = tpu.memref_slice %arg3[%add3A_187, %dma_wait3A_243] : memref<512x49152xf32, #tpu.memory_space<hbm>> -> memref<1x49152xf32, #tpu.memory_space<hbm>>
    %dma_wait3A_245 = tpu.memref_squeeze %dma_wait3A_244 : memref<1x49152xf32, #tpu.memory_space<hbm>> -> memref<49152xf32, #tpu.memory_space<hbm>>
    %dma_wait3A_246 = arith.constant 0 : i32
    %dma_wait3A_247 = tpu.memref_slice %arg3[%add3A_187, %dma_wait3A_246] : memref<512x49152xf32, #tpu.memory_space<hbm>> -> memref<1x49152xf32, #tpu.memory_space<hbm>>
    %dma_wait3A_248 = tpu.memref_squeeze %dma_wait3A_247 : memref<1x49152xf32, #tpu.memory_space<hbm>> -> memref<49152xf32, #tpu.memory_space<hbm>>
    tpu.wait_dma2 semaphore(%arg11 : memref<!tpu.dma_semaphore, #tpu.memory_space<semaphore_mem>>) src(%arg7 : memref<49152xf32, #tpu.memory_space<vmem>>) dst(%dma_wait3A_248 : memref<49152xf32, #tpu.memory_space<hbm>>)
    %parallel_loop3A_249 = arith.constant 0 : i32
    %parallel_loop3A_250 = arith.constant 3072 : i32
    %parallel_loop3A_251 = arith.constant 4 : i32
    scf.for %parallel_loop3A_526 = %parallel_loop3A_249 to %parallel_loop3A_250 step %parallel_loop3A_251  : i32 {
      %parallel_loop3A_527 = tpu.iota {dimensions = array<i32: 0>} : vector<16xi32>
      %parallel_loop3A_528 = arith.constant 4 : i32
      %parallel_loop3A_529 = vector.broadcast %parallel_loop3A_528 : i32 to vector<16xi32>
      %parallel_loop3A_530 = arith.divsi %parallel_loop3A_527, %parallel_loop3A_529 : vector<16xi32>
      %parallel_loop3A_531 = arith.constant 0 : i32
      %parallel_loop3A_532 = vector.broadcast %parallel_loop3A_531 : i32 to vector<16xi32>
      %parallel_loop3A_533 = arith.cmpi sgt, %parallel_loop3A_527, %parallel_loop3A_532 : vector<16xi32>
      %parallel_loop3A_534 = arith.extui %parallel_loop3A_533 : vector<16xi1> to vector<16xi32>
      %parallel_loop3A_535 = arith.constant 0 : i32
      %parallel_loop3A_536 = vector.broadcast %parallel_loop3A_535 : i32 to vector<16xi32>
      %parallel_loop3A_537 = arith.cmpi slt, %parallel_loop3A_527, %parallel_loop3A_536 : vector<16xi32>
      %parallel_loop3A_538 = arith.extui %parallel_loop3A_537 : vector<16xi1> to vector<16xi32>
      %parallel_loop3A_539 = arith.subi %parallel_loop3A_534, %parallel_loop3A_538 : vector<16xi32>
      %parallel_loop3A_540 = arith.constant 0 : i32
      %parallel_loop3A_541 = arith.cmpi sgt, %parallel_loop3A_528, %parallel_loop3A_540 : i32
      %parallel_loop3A_542 = arith.extui %parallel_loop3A_541 : i1 to i32
      %parallel_loop3A_543 = arith.constant 0 : i32
      %parallel_loop3A_544 = arith.cmpi slt, %parallel_loop3A_528, %parallel_loop3A_543 : i32
      %parallel_loop3A_545 = arith.extui %parallel_loop3A_544 : i1 to i32
      %parallel_loop3A_546 = arith.subi %parallel_loop3A_542, %parallel_loop3A_545 : i32
      %parallel_loop3A_547 = vector.broadcast %parallel_loop3A_546 : i32 to vector<16xi32>
      %parallel_loop3A_548 = arith.cmpi ne, %parallel_loop3A_539, %parallel_loop3A_547 : vector<16xi32>
      %parallel_loop3A_549 = vector.broadcast %parallel_loop3A_528 : i32 to vector<16xi32>
      %parallel_loop3A_550 = arith.remsi %parallel_loop3A_527, %parallel_loop3A_549 : vector<16xi32>
      %parallel_loop3A_551 = arith.constant 0 : i32
      %parallel_loop3A_552 = vector.broadcast %parallel_loop3A_551 : i32 to vector<16xi32>
      %parallel_loop3A_553 = arith.cmpi ne, %parallel_loop3A_550, %parallel_loop3A_552 : vector<16xi32>
      %parallel_loop3A_554 = arith.andi %parallel_loop3A_548, %parallel_loop3A_553 : vector<16xi1>
      %parallel_loop3A_555 = arith.constant 1 : i32
      %parallel_loop3A_556 = vector.broadcast %parallel_loop3A_555 : i32 to vector<16xi32>
      %parallel_loop3A_557 = arith.subi %parallel_loop3A_530, %parallel_loop3A_556 : vector<16xi32>
      %parallel_loop3A_558 = arith.select %parallel_loop3A_554, %parallel_loop3A_557, %parallel_loop3A_530 : vector<16xi1>, vector<16xi32>
      %parallel_loop3A_559 = arith.constant 0 : i32
      %parallel_loop3A_560 = arith.addi %parallel_loop3A_526, %parallel_loop3A_559 : i32
      %parallel_loop3A_561 = arith.constant 4 : i32
      %parallel_loop3A_562 = arith.muli %parallel_loop3A_561, %parallel_loop3A_560 : i32
      %parallel_loop3A_563 = vector.broadcast %parallel_loop3A_562 : i32 to vector<16xi32>
      %parallel_loop3A_564 = arith.addi %parallel_loop3A_558, %parallel_loop3A_563 : vector<16xi32>
      %parallel_loop3A_565 = tpu.vector_load_idx %arg5[%parallel_loop3A_564] : memref<12288xf32, #tpu.memory_space<vmem>>[vector<16xi32>], vector<16xf32>,
      %parallel_loop3A_566 = arith.constant 0 : i32
      %parallel_loop3A_567 = arith.addi %parallel_loop3A_526, %parallel_loop3A_566 : i32
      %parallel_loop3A_568 = arith.constant 16 : i32
      %parallel_loop3A_569 = arith.muli %parallel_loop3A_567, %parallel_loop3A_568 : i32
      %parallel_loop3A_570 = arith.index_cast %parallel_loop3A_569 : i32 to index
      %parallel_loop3A_571 = tpu.vector_load %arg7[%parallel_loop3A_570] {strides = array<i32>} : memref<49152xf32, #tpu.memory_space<vmem>>, vector<16xf32>,
      tpu.vector_store %arg7[%parallel_loop3A_570], %parallel_loop3A_565 {strides = array<i32>} : memref<49152xf32, #tpu.memory_space<vmem>>, vector<16xf32>,
      %parallel_loop3A_572 = arith.constant 1 : i32
      %parallel_loop3A_573 = arith.addi %parallel_loop3A_526, %parallel_loop3A_572 : i32
      %parallel_loop3A_574 = arith.constant 4 : i32
      %parallel_loop3A_575 = arith.muli %parallel_loop3A_574, %parallel_loop3A_573 : i32
      %parallel_loop3A_576 = vector.broadcast %parallel_loop3A_575 : i32 to vector<16xi32>
      %parallel_loop3A_577 = arith.addi %parallel_loop3A_558, %parallel_loop3A_576 : vector<16xi32>
      %parallel_loop3A_578 = tpu.vector_load_idx %arg5[%parallel_loop3A_577] : memref<12288xf32, #tpu.memory_space<vmem>>[vector<16xi32>], vector<16xf32>,
      %parallel_loop3A_579 = arith.constant 1 : i32
      %parallel_loop3A_580 = arith.addi %parallel_loop3A_526, %parallel_loop3A_579 : i32
      %parallel_loop3A_581 = arith.constant 16 : i32
      %parallel_loop3A_582 = arith.muli %parallel_loop3A_580, %parallel_loop3A_581 : i32
      %parallel_loop3A_583 = arith.index_cast %parallel_loop3A_582 : i32 to index
      %parallel_loop3A_584 = tpu.vector_load %arg7[%parallel_loop3A_583] {strides = array<i32>} : memref<49152xf32, #tpu.memory_space<vmem>>, vector<16xf32>,
      tpu.vector_store %arg7[%parallel_loop3A_583], %parallel_loop3A_578 {strides = array<i32>} : memref<49152xf32, #tpu.memory_space<vmem>>, vector<16xf32>,
      %parallel_loop3A_585 = arith.constant 2 : i32
      %parallel_loop3A_586 = arith.addi %parallel_loop3A_526, %parallel_loop3A_585 : i32
      %parallel_loop3A_587 = arith.constant 4 : i32
      %parallel_loop3A_588 = arith.muli %parallel_loop3A_587, %parallel_loop3A_586 : i32
      %parallel_loop3A_589 = vector.broadcast %parallel_loop3A_588 : i32 to vector<16xi32>
      %parallel_loop3A_590 = arith.addi %parallel_loop3A_558, %parallel_loop3A_589 : vector<16xi32>
      %parallel_loop3A_591 = tpu.vector_load_idx %arg5[%parallel_loop3A_590] : memref<12288xf32, #tpu.memory_space<vmem>>[vector<16xi32>], vector<16xf32>,
      %parallel_loop3A_592 = arith.constant 2 : i32
      %parallel_loop3A_593 = arith.addi %parallel_loop3A_526, %parallel_loop3A_592 : i32
      %parallel_loop3A_594 = arith.constant 16 : i32
      %parallel_loop3A_595 = arith.muli %parallel_loop3A_593, %parallel_loop3A_594 : i32
      %parallel_loop3A_596 = arith.index_cast %parallel_loop3A_595 : i32 to index
      %parallel_loop3A_597 = tpu.vector_load %arg7[%parallel_loop3A_596] {strides = array<i32>} : memref<49152xf32, #tpu.memory_space<vmem>>, vector<16xf32>,
      tpu.vector_store %arg7[%parallel_loop3A_596], %parallel_loop3A_591 {strides = array<i32>} : memref<49152xf32, #tpu.memory_space<vmem>>, vector<16xf32>,
      %parallel_loop3A_598 = arith.constant 3 : i32
      %parallel_loop3A_599 = arith.addi %parallel_loop3A_526, %parallel_loop3A_598 : i32
      %parallel_loop3A_600 = arith.constant 4 : i32
      %parallel_loop3A_601 = arith.muli %parallel_loop3A_600, %parallel_loop3A_599 : i32
      %parallel_loop3A_602 = vector.broadcast %parallel_loop3A_601 : i32 to vector<16xi32>
      %parallel_loop3A_603 = arith.addi %parallel_loop3A_558, %parallel_loop3A_602 : vector<16xi32>
      %parallel_loop3A_604 = tpu.vector_load_idx %arg5[%parallel_loop3A_603] : memref<12288xf32, #tpu.memory_space<vmem>>[vector<16xi32>], vector<16xf32>,
      %parallel_loop3A_605 = arith.constant 3 : i32
      %parallel_loop3A_606 = arith.addi %parallel_loop3A_526, %parallel_loop3A_605 : i32
      %parallel_loop3A_607 = arith.constant 16 : i32
      %parallel_loop3A_608 = arith.muli %parallel_loop3A_606, %parallel_loop3A_607 : i32
      %parallel_loop3A_609 = arith.index_cast %parallel_loop3A_608 : i32 to index
      %parallel_loop3A_610 = tpu.vector_load %arg7[%parallel_loop3A_609] {strides = array<i32>} : memref<49152xf32, #tpu.memory_space<vmem>>, vector<16xf32>,
      tpu.vector_store %arg7[%parallel_loop3A_609], %parallel_loop3A_604 {strides = array<i32>} : memref<49152xf32, #tpu.memory_space<vmem>>, vector<16xf32>,
    } {sc.loop_unroll_factor = 4 : i64, sc.parallel_access}
    %add3A_252 = arith.constant 7 : i32
    %add3A_253 = arith.addi %mul3A_2, %add3A_252 : i32
    %dma_start3A_254 = arith.constant 0 : i32
    %dma_start3A_255 = tpu.memref_slice %arg3[%add3A_253, %dma_start3A_254] : memref<512x49152xf32, #tpu.memory_space<hbm>> -> memref<1x49152xf32, #tpu.memory_space<hbm>>
    %dma_start3A_256 = tpu.memref_squeeze %dma_start3A_255 : memref<1x49152xf32, #tpu.memory_space<hbm>> -> memref<49152xf32, #tpu.memory_space<hbm>>
    %dma_start3A_257 = arith.constant 0 : i32
    %dma_start3A_258 = tpu.memref_slice %arg3[%add3A_253, %dma_start3A_257] : memref<512x49152xf32, #tpu.memory_space<hbm>> -> memref<1x49152xf32, #tpu.memory_space<hbm>>
    %dma_start3A_259 = tpu.memref_squeeze %dma_start3A_258 : memref<1x49152xf32, #tpu.memory_space<hbm>> -> memref<49152xf32, #tpu.memory_space<hbm>>
    tpu.enqueue_dma source(%arg7 : memref<49152xf32, #tpu.memory_space<vmem>>) target(%dma_start3A_259 : memref<49152xf32, #tpu.memory_space<hbm>>) target_semaphore(%arg11 : memref<!tpu.dma_semaphore, #tpu.memory_space<semaphore_mem>>)
    %dma_wait3A_260 = arith.constant 0 : i32
    %dma_wait3A_261 = tpu.memref_slice %arg2[%add3A_236, %dma_wait3A_260] : memref<512x12288xf32, #tpu.memory_space<hbm>> -> memref<1x12288xf32, #tpu.memory_space<hbm>>
    %dma_wait3A_262 = tpu.memref_squeeze %dma_wait3A_261 : memref<1x12288xf32, #tpu.memory_space<hbm>> -> memref<12288xf32, #tpu.memory_space<hbm>>
    %dma_wait3A_263 = arith.constant 0 : i32
    %dma_wait3A_264 = tpu.memref_slice %arg2[%add3A_236, %dma_wait3A_263] : memref<512x12288xf32, #tpu.memory_space<hbm>> -> memref<1x12288xf32, #tpu.memory_space<hbm>>
    %dma_wait3A_265 = tpu.memref_squeeze %dma_wait3A_264 : memref<1x12288xf32, #tpu.memory_space<hbm>> -> memref<12288xf32, #tpu.memory_space<hbm>>
    tpu.wait_dma2 semaphore(%arg8 : memref<!tpu.dma_semaphore, #tpu.memory_space<semaphore_mem>>) src(%dma_wait3A_265 : memref<12288xf32, #tpu.memory_space<hbm>>) dst(%arg4 : memref<12288xf32, #tpu.memory_space<vmem>>)
    %add3A_266 = arith.constant 8 : i32
    %add3A_267 = arith.addi %mul3A_2, %add3A_266 : i32
    %add3A_268 = arith.constant 1 : i32
    %add3A_269 = arith.addi %add3A_267, %add3A_268 : i32
    %dma_start3A_270 = arith.constant 0 : i32
    %dma_start3A_271 = tpu.memref_slice %arg2[%add3A_269, %dma_start3A_270] : memref<512x12288xf32, #tpu.memory_space<hbm>> -> memref<1x12288xf32, #tpu.memory_space<hbm>>
    %dma_start3A_272 = tpu.memref_squeeze %dma_start3A_271 : memref<1x12288xf32, #tpu.memory_space<hbm>> -> memref<12288xf32, #tpu.memory_space<hbm>>
    %dma_start3A_273 = arith.constant 0 : i32
    %dma_start3A_274 = tpu.memref_slice %arg2[%add3A_269, %dma_start3A_273] : memref<512x12288xf32, #tpu.memory_space<hbm>> -> memref<1x12288xf32, #tpu.memory_space<hbm>>
    %dma_start3A_275 = tpu.memref_squeeze %dma_start3A_274 : memref<1x12288xf32, #tpu.memory_space<hbm>> -> memref<12288xf32, #tpu.memory_space<hbm>>
    tpu.enqueue_dma source(%dma_start3A_275 : memref<12288xf32, #tpu.memory_space<hbm>>) target(%arg5 : memref<12288xf32, #tpu.memory_space<vmem>>) target_semaphore(%arg9 : memref<!tpu.dma_semaphore, #tpu.memory_space<semaphore_mem>>)
    %dma_wait3A_276 = arith.constant 0 : i32
    %dma_wait3A_277 = tpu.memref_slice %arg3[%add3A_220, %dma_wait3A_276] : memref<512x49152xf32, #tpu.memory_space<hbm>> -> memref<1x49152xf32, #tpu.memory_space<hbm>>
    %dma_wait3A_278 = tpu.memref_squeeze %dma_wait3A_277 : memref<1x49152xf32, #tpu.memory_space<hbm>> -> memref<49152xf32, #tpu.memory_space<hbm>>
    %dma_wait3A_279 = arith.constant 0 : i32
    %dma_wait3A_280 = tpu.memref_slice %arg3[%add3A_220, %dma_wait3A_279] : memref<512x49152xf32, #tpu.memory_space<hbm>> -> memref<1x49152xf32, #tpu.memory_space<hbm>>
    %dma_wait3A_281 = tpu.memref_squeeze %dma_wait3A_280 : memref<1x49152xf32, #tpu.memory_space<hbm>> -> memref<49152xf32, #tpu.memory_space<hbm>>
    tpu.wait_dma2 semaphore(%arg10 : memref<!tpu.dma_semaphore, #tpu.memory_space<semaphore_mem>>) src(%arg6 : memref<49152xf32, #tpu.memory_space<vmem>>) dst(%dma_wait3A_281 : memref<49152xf32, #tpu.memory_space<hbm>>)
    %parallel_loop3A_282 = arith.constant 0 : i32
    %parallel_loop3A_283 = arith.constant 3072 : i32
    %parallel_loop3A_284 = arith.constant 4 : i32
    scf.for %parallel_loop3A_526 = %parallel_loop3A_282 to %parallel_loop3A_283 step %parallel_loop3A_284  : i32 {
      %parallel_loop3A_527 = tpu.iota {dimensions = array<i32: 0>} : vector<16xi32>
      %parallel_loop3A_528 = arith.constant 4 : i32
      %parallel_loop3A_529 = vector.broadcast %parallel_loop3A_528 : i32 to vector<16xi32>
      %parallel_loop3A_530 = arith.divsi %parallel_loop3A_527, %parallel_loop3A_529 : vector<16xi32>
      %parallel_loop3A_531 = arith.constant 0 : i32
      %parallel_loop3A_532 = vector.broadcast %parallel_loop3A_531 : i32 to vector<16xi32>
      %parallel_loop3A_533 = arith.cmpi sgt, %parallel_loop3A_527, %parallel_loop3A_532 : vector<16xi32>
      %parallel_loop3A_534 = arith.extui %parallel_loop3A_533 : vector<16xi1> to vector<16xi32>
      %parallel_loop3A_535 = arith.constant 0 : i32
      %parallel_loop3A_536 = vector.broadcast %parallel_loop3A_535 : i32 to vector<16xi32>
      %parallel_loop3A_537 = arith.cmpi slt, %parallel_loop3A_527, %parallel_loop3A_536 : vector<16xi32>
      %parallel_loop3A_538 = arith.extui %parallel_loop3A_537 : vector<16xi1> to vector<16xi32>
      %parallel_loop3A_539 = arith.subi %parallel_loop3A_534, %parallel_loop3A_538 : vector<16xi32>
      %parallel_loop3A_540 = arith.constant 0 : i32
      %parallel_loop3A_541 = arith.cmpi sgt, %parallel_loop3A_528, %parallel_loop3A_540 : i32
      %parallel_loop3A_542 = arith.extui %parallel_loop3A_541 : i1 to i32
      %parallel_loop3A_543 = arith.constant 0 : i32
      %parallel_loop3A_544 = arith.cmpi slt, %parallel_loop3A_528, %parallel_loop3A_543 : i32
      %parallel_loop3A_545 = arith.extui %parallel_loop3A_544 : i1 to i32
      %parallel_loop3A_546 = arith.subi %parallel_loop3A_542, %parallel_loop3A_545 : i32
      %parallel_loop3A_547 = vector.broadcast %parallel_loop3A_546 : i32 to vector<16xi32>
      %parallel_loop3A_548 = arith.cmpi ne, %parallel_loop3A_539, %parallel_loop3A_547 : vector<16xi32>
      %parallel_loop3A_549 = vector.broadcast %parallel_loop3A_528 : i32 to vector<16xi32>
      %parallel_loop3A_550 = arith.remsi %parallel_loop3A_527, %parallel_loop3A_549 : vector<16xi32>
      %parallel_loop3A_551 = arith.constant 0 : i32
      %parallel_loop3A_552 = vector.broadcast %parallel_loop3A_551 : i32 to vector<16xi32>
      %parallel_loop3A_553 = arith.cmpi ne, %parallel_loop3A_550, %parallel_loop3A_552 : vector<16xi32>
      %parallel_loop3A_554 = arith.andi %parallel_loop3A_548, %parallel_loop3A_553 : vector<16xi1>
      %parallel_loop3A_555 = arith.constant 1 : i32
      %parallel_loop3A_556 = vector.broadcast %parallel_loop3A_555 : i32 to vector<16xi32>
      %parallel_loop3A_557 = arith.subi %parallel_loop3A_530, %parallel_loop3A_556 : vector<16xi32>
      %parallel_loop3A_558 = arith.select %parallel_loop3A_554, %parallel_loop3A_557, %parallel_loop3A_530 : vector<16xi1>, vector<16xi32>
      %parallel_loop3A_559 = arith.constant 0 : i32
      %parallel_loop3A_560 = arith.addi %parallel_loop3A_526, %parallel_loop3A_559 : i32
      %parallel_loop3A_561 = arith.constant 4 : i32
      %parallel_loop3A_562 = arith.muli %parallel_loop3A_561, %parallel_loop3A_560 : i32
      %parallel_loop3A_563 = vector.broadcast %parallel_loop3A_562 : i32 to vector<16xi32>
      %parallel_loop3A_564 = arith.addi %parallel_loop3A_558, %parallel_loop3A_563 : vector<16xi32>
      %parallel_loop3A_565 = tpu.vector_load_idx %arg4[%parallel_loop3A_564] : memref<12288xf32, #tpu.memory_space<vmem>>[vector<16xi32>], vector<16xf32>,
      %parallel_loop3A_566 = arith.constant 0 : i32
      %parallel_loop3A_567 = arith.addi %parallel_loop3A_526, %parallel_loop3A_566 : i32
      %parallel_loop3A_568 = arith.constant 16 : i32
      %parallel_loop3A_569 = arith.muli %parallel_loop3A_567, %parallel_loop3A_568 : i32
      %parallel_loop3A_570 = arith.index_cast %parallel_loop3A_569 : i32 to index
      %parallel_loop3A_571 = tpu.vector_load %arg6[%parallel_loop3A_570] {strides = array<i32>} : memref<49152xf32, #tpu.memory_space<vmem>>, vector<16xf32>,
      tpu.vector_store %arg6[%parallel_loop3A_570], %parallel_loop3A_565 {strides = array<i32>} : memref<49152xf32, #tpu.memory_space<vmem>>, vector<16xf32>,
      %parallel_loop3A_572 = arith.constant 1 : i32
      %parallel_loop3A_573 = arith.addi %parallel_loop3A_526, %parallel_loop3A_572 : i32
      %parallel_loop3A_574 = arith.constant 4 : i32
      %parallel_loop3A_575 = arith.muli %parallel_loop3A_574, %parallel_loop3A_573 : i32
      %parallel_loop3A_576 = vector.broadcast %parallel_loop3A_575 : i32 to vector<16xi32>
      %parallel_loop3A_577 = arith.addi %parallel_loop3A_558, %parallel_loop3A_576 : vector<16xi32>
      %parallel_loop3A_578 = tpu.vector_load_idx %arg4[%parallel_loop3A_577] : memref<12288xf32, #tpu.memory_space<vmem>>[vector<16xi32>], vector<16xf32>,
      %parallel_loop3A_579 = arith.constant 1 : i32
      %parallel_loop3A_580 = arith.addi %parallel_loop3A_526, %parallel_loop3A_579 : i32
      %parallel_loop3A_581 = arith.constant 16 : i32
      %parallel_loop3A_582 = arith.muli %parallel_loop3A_580, %parallel_loop3A_581 : i32
      %parallel_loop3A_583 = arith.index_cast %parallel_loop3A_582 : i32 to index
      %parallel_loop3A_584 = tpu.vector_load %arg6[%parallel_loop3A_583] {strides = array<i32>} : memref<49152xf32, #tpu.memory_space<vmem>>, vector<16xf32>,
      tpu.vector_store %arg6[%parallel_loop3A_583], %parallel_loop3A_578 {strides = array<i32>} : memref<49152xf32, #tpu.memory_space<vmem>>, vector<16xf32>,
      %parallel_loop3A_585 = arith.constant 2 : i32
      %parallel_loop3A_586 = arith.addi %parallel_loop3A_526, %parallel_loop3A_585 : i32
      %parallel_loop3A_587 = arith.constant 4 : i32
      %parallel_loop3A_588 = arith.muli %parallel_loop3A_587, %parallel_loop3A_586 : i32
      %parallel_loop3A_589 = vector.broadcast %parallel_loop3A_588 : i32 to vector<16xi32>
      %parallel_loop3A_590 = arith.addi %parallel_loop3A_558, %parallel_loop3A_589 : vector<16xi32>
      %parallel_loop3A_591 = tpu.vector_load_idx %arg4[%parallel_loop3A_590] : memref<12288xf32, #tpu.memory_space<vmem>>[vector<16xi32>], vector<16xf32>,
      %parallel_loop3A_592 = arith.constant 2 : i32
      %parallel_loop3A_593 = arith.addi %parallel_loop3A_526, %parallel_loop3A_592 : i32
      %parallel_loop3A_594 = arith.constant 16 : i32
      %parallel_loop3A_595 = arith.muli %parallel_loop3A_593, %parallel_loop3A_594 : i32
      %parallel_loop3A_596 = arith.index_cast %parallel_loop3A_595 : i32 to index
      %parallel_loop3A_597 = tpu.vector_load %arg6[%parallel_loop3A_596] {strides = array<i32>} : memref<49152xf32, #tpu.memory_space<vmem>>, vector<16xf32>,
      tpu.vector_store %arg6[%parallel_loop3A_596], %parallel_loop3A_591 {strides = array<i32>} : memref<49152xf32, #tpu.memory_space<vmem>>, vector<16xf32>,
      %parallel_loop3A_598 = arith.constant 3 : i32
      %parallel_loop3A_599 = arith.addi %parallel_loop3A_526, %parallel_loop3A_598 : i32
      %parallel_loop3A_600 = arith.constant 4 : i32
      %parallel_loop3A_601 = arith.muli %parallel_loop3A_600, %parallel_loop3A_599 : i32
      %parallel_loop3A_602 = vector.broadcast %parallel_loop3A_601 : i32 to vector<16xi32>
      %parallel_loop3A_603 = arith.addi %parallel_loop3A_558, %parallel_loop3A_602 : vector<16xi32>
      %parallel_loop3A_604 = tpu.vector_load_idx %arg4[%parallel_loop3A_603] : memref<12288xf32, #tpu.memory_space<vmem>>[vector<16xi32>], vector<16xf32>,
      %parallel_loop3A_605 = arith.constant 3 : i32
      %parallel_loop3A_606 = arith.addi %parallel_loop3A_526, %parallel_loop3A_605 : i32
      %parallel_loop3A_607 = arith.constant 16 : i32
      %parallel_loop3A_608 = arith.muli %parallel_loop3A_606, %parallel_loop3A_607 : i32
      %parallel_loop3A_609 = arith.index_cast %parallel_loop3A_608 : i32 to index
      %parallel_loop3A_610 = tpu.vector_load %arg6[%parallel_loop3A_609] {strides = array<i32>} : memref<49152xf32, #tpu.memory_space<vmem>>, vector<16xf32>,
      tpu.vector_store %arg6[%parallel_loop3A_609], %parallel_loop3A_604 {strides = array<i32>} : memref<49152xf32, #tpu.memory_space<vmem>>, vector<16xf32>,
    } {sc.loop_unroll_factor = 4 : i64, sc.parallel_access}
    %add3A_285 = arith.constant 8 : i32
    %add3A_286 = arith.addi %mul3A_2, %add3A_285 : i32
    %dma_start3A_287 = arith.constant 0 : i32
    %dma_start3A_288 = tpu.memref_slice %arg3[%add3A_286, %dma_start3A_287] : memref<512x49152xf32, #tpu.memory_space<hbm>> -> memref<1x49152xf32, #tpu.memory_space<hbm>>
    %dma_start3A_289 = tpu.memref_squeeze %dma_start3A_288 : memref<1x49152xf32, #tpu.memory_space<hbm>> -> memref<49152xf32, #tpu.memory_space<hbm>>
    %dma_start3A_290 = arith.constant 0 : i32
    %dma_start3A_291 = tpu.memref_slice %arg3[%add3A_286, %dma_start3A_290] : memref<512x49152xf32, #tpu.memory_space<hbm>> -> memref<1x49152xf32, #tpu.memory_space<hbm>>
    %dma_start3A_292 = tpu.memref_squeeze %dma_start3A_291 : memref<1x49152xf32, #tpu.memory_space<hbm>> -> memref<49152xf32, #tpu.memory_space<hbm>>
    tpu.enqueue_dma source(%arg6 : memref<49152xf32, #tpu.memory_space<vmem>>) target(%dma_start3A_292 : memref<49152xf32, #tpu.memory_space<hbm>>) target_semaphore(%arg10 : memref<!tpu.dma_semaphore, #tpu.memory_space<semaphore_mem>>)
    %dma_wait3A_293 = arith.constant 0 : i32
    %dma_wait3A_294 = tpu.memref_slice %arg2[%add3A_269, %dma_wait3A_293] : memref<512x12288xf32, #tpu.memory_space<hbm>> -> memref<1x12288xf32, #tpu.memory_space<hbm>>
    %dma_wait3A_295 = tpu.memref_squeeze %dma_wait3A_294 : memref<1x12288xf32, #tpu.memory_space<hbm>> -> memref<12288xf32, #tpu.memory_space<hbm>>
    %dma_wait3A_296 = arith.constant 0 : i32
    %dma_wait3A_297 = tpu.memref_slice %arg2[%add3A_269, %dma_wait3A_296] : memref<512x12288xf32, #tpu.memory_space<hbm>> -> memref<1x12288xf32, #tpu.memory_space<hbm>>
    %dma_wait3A_298 = tpu.memref_squeeze %dma_wait3A_297 : memref<1x12288xf32, #tpu.memory_space<hbm>> -> memref<12288xf32, #tpu.memory_space<hbm>>
    tpu.wait_dma2 semaphore(%arg9 : memref<!tpu.dma_semaphore, #tpu.memory_space<semaphore_mem>>) src(%dma_wait3A_298 : memref<12288xf32, #tpu.memory_space<hbm>>) dst(%arg5 : memref<12288xf32, #tpu.memory_space<vmem>>)
    %add3A_299 = arith.constant 9 : i32
    %add3A_300 = arith.addi %mul3A_2, %add3A_299 : i32
    %add3A_301 = arith.constant 1 : i32
    %add3A_302 = arith.addi %add3A_300, %add3A_301 : i32
    %dma_start3A_303 = arith.constant 0 : i32
    %dma_start3A_304 = tpu.memref_slice %arg2[%add3A_302, %dma_start3A_303] : memref<512x12288xf32, #tpu.memory_space<hbm>> -> memref<1x12288xf32, #tpu.memory_space<hbm>>
    %dma_start3A_305 = tpu.memref_squeeze %dma_start3A_304 : memref<1x12288xf32, #tpu.memory_space<hbm>> -> memref<12288xf32, #tpu.memory_space<hbm>>
    %dma_start3A_306 = arith.constant 0 : i32
    %dma_start3A_307 = tpu.memref_slice %arg2[%add3A_302, %dma_start3A_306] : memref<512x12288xf32, #tpu.memory_space<hbm>> -> memref<1x12288xf32, #tpu.memory_space<hbm>>
    %dma_start3A_308 = tpu.memref_squeeze %dma_start3A_307 : memref<1x12288xf32, #tpu.memory_space<hbm>> -> memref<12288xf32, #tpu.memory_space<hbm>>
    tpu.enqueue_dma source(%dma_start3A_308 : memref<12288xf32, #tpu.memory_space<hbm>>) target(%arg4 : memref<12288xf32, #tpu.memory_space<vmem>>) target_semaphore(%arg8 : memref<!tpu.dma_semaphore, #tpu.memory_space<semaphore_mem>>)
    %dma_wait3A_309 = arith.constant 0 : i32
    %dma_wait3A_310 = tpu.memref_slice %arg3[%add3A_253, %dma_wait3A_309] : memref<512x49152xf32, #tpu.memory_space<hbm>> -> memref<1x49152xf32, #tpu.memory_space<hbm>>
    %dma_wait3A_311 = tpu.memref_squeeze %dma_wait3A_310 : memref<1x49152xf32, #tpu.memory_space<hbm>> -> memref<49152xf32, #tpu.memory_space<hbm>>
    %dma_wait3A_312 = arith.constant 0 : i32
    %dma_wait3A_313 = tpu.memref_slice %arg3[%add3A_253, %dma_wait3A_312] : memref<512x49152xf32, #tpu.memory_space<hbm>> -> memref<1x49152xf32, #tpu.memory_space<hbm>>
    %dma_wait3A_314 = tpu.memref_squeeze %dma_wait3A_313 : memref<1x49152xf32, #tpu.memory_space<hbm>> -> memref<49152xf32, #tpu.memory_space<hbm>>
    tpu.wait_dma2 semaphore(%arg11 : memref<!tpu.dma_semaphore, #tpu.memory_space<semaphore_mem>>) src(%arg7 : memref<49152xf32, #tpu.memory_space<vmem>>) dst(%dma_wait3A_314 : memref<49152xf32, #tpu.memory_space<hbm>>)
    %parallel_loop3A_315 = arith.constant 0 : i32
    %parallel_loop3A_316 = arith.constant 3072 : i32
    %parallel_loop3A_317 = arith.constant 4 : i32
    scf.for %parallel_loop3A_526 = %parallel_loop3A_315 to %parallel_loop3A_316 step %parallel_loop3A_317  : i32 {
      %parallel_loop3A_527 = tpu.iota {dimensions = array<i32: 0>} : vector<16xi32>
      %parallel_loop3A_528 = arith.constant 4 : i32
      %parallel_loop3A_529 = vector.broadcast %parallel_loop3A_528 : i32 to vector<16xi32>
      %parallel_loop3A_530 = arith.divsi %parallel_loop3A_527, %parallel_loop3A_529 : vector<16xi32>
      %parallel_loop3A_531 = arith.constant 0 : i32
      %parallel_loop3A_532 = vector.broadcast %parallel_loop3A_531 : i32 to vector<16xi32>
      %parallel_loop3A_533 = arith.cmpi sgt, %parallel_loop3A_527, %parallel_loop3A_532 : vector<16xi32>
      %parallel_loop3A_534 = arith.extui %parallel_loop3A_533 : vector<16xi1> to vector<16xi32>
      %parallel_loop3A_535 = arith.constant 0 : i32
      %parallel_loop3A_536 = vector.broadcast %parallel_loop3A_535 : i32 to vector<16xi32>
      %parallel_loop3A_537 = arith.cmpi slt, %parallel_loop3A_527, %parallel_loop3A_536 : vector<16xi32>
      %parallel_loop3A_538 = arith.extui %parallel_loop3A_537 : vector<16xi1> to vector<16xi32>
      %parallel_loop3A_539 = arith.subi %parallel_loop3A_534, %parallel_loop3A_538 : vector<16xi32>
      %parallel_loop3A_540 = arith.constant 0 : i32
      %parallel_loop3A_541 = arith.cmpi sgt, %parallel_loop3A_528, %parallel_loop3A_540 : i32
      %parallel_loop3A_542 = arith.extui %parallel_loop3A_541 : i1 to i32
      %parallel_loop3A_543 = arith.constant 0 : i32
      %parallel_loop3A_544 = arith.cmpi slt, %parallel_loop3A_528, %parallel_loop3A_543 : i32
      %parallel_loop3A_545 = arith.extui %parallel_loop3A_544 : i1 to i32
      %parallel_loop3A_546 = arith.subi %parallel_loop3A_542, %parallel_loop3A_545 : i32
      %parallel_loop3A_547 = vector.broadcast %parallel_loop3A_546 : i32 to vector<16xi32>
      %parallel_loop3A_548 = arith.cmpi ne, %parallel_loop3A_539, %parallel_loop3A_547 : vector<16xi32>
      %parallel_loop3A_549 = vector.broadcast %parallel_loop3A_528 : i32 to vector<16xi32>
      %parallel_loop3A_550 = arith.remsi %parallel_loop3A_527, %parallel_loop3A_549 : vector<16xi32>
      %parallel_loop3A_551 = arith.constant 0 : i32
      %parallel_loop3A_552 = vector.broadcast %parallel_loop3A_551 : i32 to vector<16xi32>
      %parallel_loop3A_553 = arith.cmpi ne, %parallel_loop3A_550, %parallel_loop3A_552 : vector<16xi32>
      %parallel_loop3A_554 = arith.andi %parallel_loop3A_548, %parallel_loop3A_553 : vector<16xi1>
      %parallel_loop3A_555 = arith.constant 1 : i32
      %parallel_loop3A_556 = vector.broadcast %parallel_loop3A_555 : i32 to vector<16xi32>
      %parallel_loop3A_557 = arith.subi %parallel_loop3A_530, %parallel_loop3A_556 : vector<16xi32>
      %parallel_loop3A_558 = arith.select %parallel_loop3A_554, %parallel_loop3A_557, %parallel_loop3A_530 : vector<16xi1>, vector<16xi32>
      %parallel_loop3A_559 = arith.constant 0 : i32
      %parallel_loop3A_560 = arith.addi %parallel_loop3A_526, %parallel_loop3A_559 : i32
      %parallel_loop3A_561 = arith.constant 4 : i32
      %parallel_loop3A_562 = arith.muli %parallel_loop3A_561, %parallel_loop3A_560 : i32
      %parallel_loop3A_563 = vector.broadcast %parallel_loop3A_562 : i32 to vector<16xi32>
      %parallel_loop3A_564 = arith.addi %parallel_loop3A_558, %parallel_loop3A_563 : vector<16xi32>
      %parallel_loop3A_565 = tpu.vector_load_idx %arg5[%parallel_loop3A_564] : memref<12288xf32, #tpu.memory_space<vmem>>[vector<16xi32>], vector<16xf32>,
      %parallel_loop3A_566 = arith.constant 0 : i32
      %parallel_loop3A_567 = arith.addi %parallel_loop3A_526, %parallel_loop3A_566 : i32
      %parallel_loop3A_568 = arith.constant 16 : i32
      %parallel_loop3A_569 = arith.muli %parallel_loop3A_567, %parallel_loop3A_568 : i32
      %parallel_loop3A_570 = arith.index_cast %parallel_loop3A_569 : i32 to index
      %parallel_loop3A_571 = tpu.vector_load %arg7[%parallel_loop3A_570] {strides = array<i32>} : memref<49152xf32, #tpu.memory_space<vmem>>, vector<16xf32>,
      tpu.vector_store %arg7[%parallel_loop3A_570], %parallel_loop3A_565 {strides = array<i32>} : memref<49152xf32, #tpu.memory_space<vmem>>, vector<16xf32>,
      %parallel_loop3A_572 = arith.constant 1 : i32
      %parallel_loop3A_573 = arith.addi %parallel_loop3A_526, %parallel_loop3A_572 : i32
      %parallel_loop3A_574 = arith.constant 4 : i32
      %parallel_loop3A_575 = arith.muli %parallel_loop3A_574, %parallel_loop3A_573 : i32
      %parallel_loop3A_576 = vector.broadcast %parallel_loop3A_575 : i32 to vector<16xi32>
      %parallel_loop3A_577 = arith.addi %parallel_loop3A_558, %parallel_loop3A_576 : vector<16xi32>
      %parallel_loop3A_578 = tpu.vector_load_idx %arg5[%parallel_loop3A_577] : memref<12288xf32, #tpu.memory_space<vmem>>[vector<16xi32>], vector<16xf32>,
      %parallel_loop3A_579 = arith.constant 1 : i32
      %parallel_loop3A_580 = arith.addi %parallel_loop3A_526, %parallel_loop3A_579 : i32
      %parallel_loop3A_581 = arith.constant 16 : i32
      %parallel_loop3A_582 = arith.muli %parallel_loop3A_580, %parallel_loop3A_581 : i32
      %parallel_loop3A_583 = arith.index_cast %parallel_loop3A_582 : i32 to index
      %parallel_loop3A_584 = tpu.vector_load %arg7[%parallel_loop3A_583] {strides = array<i32>} : memref<49152xf32, #tpu.memory_space<vmem>>, vector<16xf32>,
      tpu.vector_store %arg7[%parallel_loop3A_583], %parallel_loop3A_578 {strides = array<i32>} : memref<49152xf32, #tpu.memory_space<vmem>>, vector<16xf32>,
      %parallel_loop3A_585 = arith.constant 2 : i32
      %parallel_loop3A_586 = arith.addi %parallel_loop3A_526, %parallel_loop3A_585 : i32
      %parallel_loop3A_587 = arith.constant 4 : i32
      %parallel_loop3A_588 = arith.muli %parallel_loop3A_587, %parallel_loop3A_586 : i32
      %parallel_loop3A_589 = vector.broadcast %parallel_loop3A_588 : i32 to vector<16xi32>
      %parallel_loop3A_590 = arith.addi %parallel_loop3A_558, %parallel_loop3A_589 : vector<16xi32>
      %parallel_loop3A_591 = tpu.vector_load_idx %arg5[%parallel_loop3A_590] : memref<12288xf32, #tpu.memory_space<vmem>>[vector<16xi32>], vector<16xf32>,
      %parallel_loop3A_592 = arith.constant 2 : i32
      %parallel_loop3A_593 = arith.addi %parallel_loop3A_526, %parallel_loop3A_592 : i32
      %parallel_loop3A_594 = arith.constant 16 : i32
      %parallel_loop3A_595 = arith.muli %parallel_loop3A_593, %parallel_loop3A_594 : i32
      %parallel_loop3A_596 = arith.index_cast %parallel_loop3A_595 : i32 to index
      %parallel_loop3A_597 = tpu.vector_load %arg7[%parallel_loop3A_596] {strides = array<i32>} : memref<49152xf32, #tpu.memory_space<vmem>>, vector<16xf32>,
      tpu.vector_store %arg7[%parallel_loop3A_596], %parallel_loop3A_591 {strides = array<i32>} : memref<49152xf32, #tpu.memory_space<vmem>>, vector<16xf32>,
      %parallel_loop3A_598 = arith.constant 3 : i32
      %parallel_loop3A_599 = arith.addi %parallel_loop3A_526, %parallel_loop3A_598 : i32
      %parallel_loop3A_600 = arith.constant 4 : i32
      %parallel_loop3A_601 = arith.muli %parallel_loop3A_600, %parallel_loop3A_599 : i32
      %parallel_loop3A_602 = vector.broadcast %parallel_loop3A_601 : i32 to vector<16xi32>
      %parallel_loop3A_603 = arith.addi %parallel_loop3A_558, %parallel_loop3A_602 : vector<16xi32>
      %parallel_loop3A_604 = tpu.vector_load_idx %arg5[%parallel_loop3A_603] : memref<12288xf32, #tpu.memory_space<vmem>>[vector<16xi32>], vector<16xf32>,
      %parallel_loop3A_605 = arith.constant 3 : i32
      %parallel_loop3A_606 = arith.addi %parallel_loop3A_526, %parallel_loop3A_605 : i32
      %parallel_loop3A_607 = arith.constant 16 : i32
      %parallel_loop3A_608 = arith.muli %parallel_loop3A_606, %parallel_loop3A_607 : i32
      %parallel_loop3A_609 = arith.index_cast %parallel_loop3A_608 : i32 to index
      %parallel_loop3A_610 = tpu.vector_load %arg7[%parallel_loop3A_609] {strides = array<i32>} : memref<49152xf32, #tpu.memory_space<vmem>>, vector<16xf32>,
      tpu.vector_store %arg7[%parallel_loop3A_609], %parallel_loop3A_604 {strides = array<i32>} : memref<49152xf32, #tpu.memory_space<vmem>>, vector<16xf32>,
    } {sc.loop_unroll_factor = 4 : i64, sc.parallel_access}
    %add3A_318 = arith.constant 9 : i32
    %add3A_319 = arith.addi %mul3A_2, %add3A_318 : i32
    %dma_start3A_320 = arith.constant 0 : i32
    %dma_start3A_321 = tpu.memref_slice %arg3[%add3A_319, %dma_start3A_320] : memref<512x49152xf32, #tpu.memory_space<hbm>> -> memref<1x49152xf32, #tpu.memory_space<hbm>>
    %dma_start3A_322 = tpu.memref_squeeze %dma_start3A_321 : memref<1x49152xf32, #tpu.memory_space<hbm>> -> memref<49152xf32, #tpu.memory_space<hbm>>
    %dma_start3A_323 = arith.constant 0 : i32
    %dma_start3A_324 = tpu.memref_slice %arg3[%add3A_319, %dma_start3A_323] : memref<512x49152xf32, #tpu.memory_space<hbm>> -> memref<1x49152xf32, #tpu.memory_space<hbm>>
    %dma_start3A_325 = tpu.memref_squeeze %dma_start3A_324 : memref<1x49152xf32, #tpu.memory_space<hbm>> -> memref<49152xf32, #tpu.memory_space<hbm>>
    tpu.enqueue_dma source(%arg7 : memref<49152xf32, #tpu.memory_space<vmem>>) target(%dma_start3A_325 : memref<49152xf32, #tpu.memory_space<hbm>>) target_semaphore(%arg11 : memref<!tpu.dma_semaphore, #tpu.memory_space<semaphore_mem>>)
    %dma_wait3A_326 = arith.constant 0 : i32
    %dma_wait3A_327 = tpu.memref_slice %arg2[%add3A_302, %dma_wait3A_326] : memref<512x12288xf32, #tpu.memory_space<hbm>> -> memref<1x12288xf32, #tpu.memory_space<hbm>>
    %dma_wait3A_328 = tpu.memref_squeeze %dma_wait3A_327 : memref<1x12288xf32, #tpu.memory_space<hbm>> -> memref<12288xf32, #tpu.memory_space<hbm>>
    %dma_wait3A_329 = arith.constant 0 : i32
    %dma_wait3A_330 = tpu.memref_slice %arg2[%add3A_302, %dma_wait3A_329] : memref<512x12288xf32, #tpu.memory_space<hbm>> -> memref<1x12288xf32, #tpu.memory_space<hbm>>
    %dma_wait3A_331 = tpu.memref_squeeze %dma_wait3A_330 : memref<1x12288xf32, #tpu.memory_space<hbm>> -> memref<12288xf32, #tpu.memory_space<hbm>>
    tpu.wait_dma2 semaphore(%arg8 : memref<!tpu.dma_semaphore, #tpu.memory_space<semaphore_mem>>) src(%dma_wait3A_331 : memref<12288xf32, #tpu.memory_space<hbm>>) dst(%arg4 : memref<12288xf32, #tpu.memory_space<vmem>>)
    %add3A_332 = arith.constant 10 : i32
    %add3A_333 = arith.addi %mul3A_2, %add3A_332 : i32
    %add3A_334 = arith.constant 1 : i32
    %add3A_335 = arith.addi %add3A_333, %add3A_334 : i32
    %dma_start3A_336 = arith.constant 0 : i32
    %dma_start3A_337 = tpu.memref_slice %arg2[%add3A_335, %dma_start3A_336] : memref<512x12288xf32, #tpu.memory_space<hbm>> -> memref<1x12288xf32, #tpu.memory_space<hbm>>
    %dma_start3A_338 = tpu.memref_squeeze %dma_start3A_337 : memref<1x12288xf32, #tpu.memory_space<hbm>> -> memref<12288xf32, #tpu.memory_space<hbm>>
    %dma_start3A_339 = arith.constant 0 : i32
    %dma_start3A_340 = tpu.memref_slice %arg2[%add3A_335, %dma_start3A_339] : memref<512x12288xf32, #tpu.memory_space<hbm>> -> memref<1x12288xf32, #tpu.memory_space<hbm>>
    %dma_start3A_341 = tpu.memref_squeeze %dma_start3A_340 : memref<1x12288xf32, #tpu.memory_space<hbm>> -> memref<12288xf32, #tpu.memory_space<hbm>>
    tpu.enqueue_dma source(%dma_start3A_341 : memref<12288xf32, #tpu.memory_space<hbm>>) target(%arg5 : memref<12288xf32, #tpu.memory_space<vmem>>) target_semaphore(%arg9 : memref<!tpu.dma_semaphore, #tpu.memory_space<semaphore_mem>>)
    %dma_wait3A_342 = arith.constant 0 : i32
    %dma_wait3A_343 = tpu.memref_slice %arg3[%add3A_286, %dma_wait3A_342] : memref<512x49152xf32, #tpu.memory_space<hbm>> -> memref<1x49152xf32, #tpu.memory_space<hbm>>
    %dma_wait3A_344 = tpu.memref_squeeze %dma_wait3A_343 : memref<1x49152xf32, #tpu.memory_space<hbm>> -> memref<49152xf32, #tpu.memory_space<hbm>>
    %dma_wait3A_345 = arith.constant 0 : i32
    %dma_wait3A_346 = tpu.memref_slice %arg3[%add3A_286, %dma_wait3A_345] : memref<512x49152xf32, #tpu.memory_space<hbm>> -> memref<1x49152xf32, #tpu.memory_space<hbm>>
    %dma_wait3A_347 = tpu.memref_squeeze %dma_wait3A_346 : memref<1x49152xf32, #tpu.memory_space<hbm>> -> memref<49152xf32, #tpu.memory_space<hbm>>
    tpu.wait_dma2 semaphore(%arg10 : memref<!tpu.dma_semaphore, #tpu.memory_space<semaphore_mem>>) src(%arg6 : memref<49152xf32, #tpu.memory_space<vmem>>) dst(%dma_wait3A_347 : memref<49152xf32, #tpu.memory_space<hbm>>)
    %parallel_loop3A_348 = arith.constant 0 : i32
    %parallel_loop3A_349 = arith.constant 3072 : i32
    %parallel_loop3A_350 = arith.constant 4 : i32
    scf.for %parallel_loop3A_526 = %parallel_loop3A_348 to %parallel_loop3A_349 step %parallel_loop3A_350  : i32 {
      %parallel_loop3A_527 = tpu.iota {dimensions = array<i32: 0>} : vector<16xi32>
      %parallel_loop3A_528 = arith.constant 4 : i32
      %parallel_loop3A_529 = vector.broadcast %parallel_loop3A_528 : i32 to vector<16xi32>
      %parallel_loop3A_530 = arith.divsi %parallel_loop3A_527, %parallel_loop3A_529 : vector<16xi32>
      %parallel_loop3A_531 = arith.constant 0 : i32
      %parallel_loop3A_532 = vector.broadcast %parallel_loop3A_531 : i32 to vector<16xi32>
      %parallel_loop3A_533 = arith.cmpi sgt, %parallel_loop3A_527, %parallel_loop3A_532 : vector<16xi32>
      %parallel_loop3A_534 = arith.extui %parallel_loop3A_533 : vector<16xi1> to vector<16xi32>
      %parallel_loop3A_535 = arith.constant 0 : i32
      %parallel_loop3A_536 = vector.broadcast %parallel_loop3A_535 : i32 to vector<16xi32>
      %parallel_loop3A_537 = arith.cmpi slt, %parallel_loop3A_527, %parallel_loop3A_536 : vector<16xi32>
      %parallel_loop3A_538 = arith.extui %parallel_loop3A_537 : vector<16xi1> to vector<16xi32>
      %parallel_loop3A_539 = arith.subi %parallel_loop3A_534, %parallel_loop3A_538 : vector<16xi32>
      %parallel_loop3A_540 = arith.constant 0 : i32
      %parallel_loop3A_541 = arith.cmpi sgt, %parallel_loop3A_528, %parallel_loop3A_540 : i32
      %parallel_loop3A_542 = arith.extui %parallel_loop3A_541 : i1 to i32
      %parallel_loop3A_543 = arith.constant 0 : i32
      %parallel_loop3A_544 = arith.cmpi slt, %parallel_loop3A_528, %parallel_loop3A_543 : i32
      %parallel_loop3A_545 = arith.extui %parallel_loop3A_544 : i1 to i32
      %parallel_loop3A_546 = arith.subi %parallel_loop3A_542, %parallel_loop3A_545 : i32
      %parallel_loop3A_547 = vector.broadcast %parallel_loop3A_546 : i32 to vector<16xi32>
      %parallel_loop3A_548 = arith.cmpi ne, %parallel_loop3A_539, %parallel_loop3A_547 : vector<16xi32>
      %parallel_loop3A_549 = vector.broadcast %parallel_loop3A_528 : i32 to vector<16xi32>
      %parallel_loop3A_550 = arith.remsi %parallel_loop3A_527, %parallel_loop3A_549 : vector<16xi32>
      %parallel_loop3A_551 = arith.constant 0 : i32
      %parallel_loop3A_552 = vector.broadcast %parallel_loop3A_551 : i32 to vector<16xi32>
      %parallel_loop3A_553 = arith.cmpi ne, %parallel_loop3A_550, %parallel_loop3A_552 : vector<16xi32>
      %parallel_loop3A_554 = arith.andi %parallel_loop3A_548, %parallel_loop3A_553 : vector<16xi1>
      %parallel_loop3A_555 = arith.constant 1 : i32
      %parallel_loop3A_556 = vector.broadcast %parallel_loop3A_555 : i32 to vector<16xi32>
      %parallel_loop3A_557 = arith.subi %parallel_loop3A_530, %parallel_loop3A_556 : vector<16xi32>
      %parallel_loop3A_558 = arith.select %parallel_loop3A_554, %parallel_loop3A_557, %parallel_loop3A_530 : vector<16xi1>, vector<16xi32>
      %parallel_loop3A_559 = arith.constant 0 : i32
      %parallel_loop3A_560 = arith.addi %parallel_loop3A_526, %parallel_loop3A_559 : i32
      %parallel_loop3A_561 = arith.constant 4 : i32
      %parallel_loop3A_562 = arith.muli %parallel_loop3A_561, %parallel_loop3A_560 : i32
      %parallel_loop3A_563 = vector.broadcast %parallel_loop3A_562 : i32 to vector<16xi32>
      %parallel_loop3A_564 = arith.addi %parallel_loop3A_558, %parallel_loop3A_563 : vector<16xi32>
      %parallel_loop3A_565 = tpu.vector_load_idx %arg4[%parallel_loop3A_564] : memref<12288xf32, #tpu.memory_space<vmem>>[vector<16xi32>], vector<16xf32>,
      %parallel_loop3A_566 = arith.constant 0 : i32
      %parallel_loop3A_567 = arith.addi %parallel_loop3A_526, %parallel_loop3A_566 : i32
      %parallel_loop3A_568 = arith.constant 16 : i32
      %parallel_loop3A_569 = arith.muli %parallel_loop3A_567, %parallel_loop3A_568 : i32
      %parallel_loop3A_570 = arith.index_cast %parallel_loop3A_569 : i32 to index
      %parallel_loop3A_571 = tpu.vector_load %arg6[%parallel_loop3A_570] {strides = array<i32>} : memref<49152xf32, #tpu.memory_space<vmem>>, vector<16xf32>,
      tpu.vector_store %arg6[%parallel_loop3A_570], %parallel_loop3A_565 {strides = array<i32>} : memref<49152xf32, #tpu.memory_space<vmem>>, vector<16xf32>,
      %parallel_loop3A_572 = arith.constant 1 : i32
      %parallel_loop3A_573 = arith.addi %parallel_loop3A_526, %parallel_loop3A_572 : i32
      %parallel_loop3A_574 = arith.constant 4 : i32
      %parallel_loop3A_575 = arith.muli %parallel_loop3A_574, %parallel_loop3A_573 : i32
      %parallel_loop3A_576 = vector.broadcast %parallel_loop3A_575 : i32 to vector<16xi32>
      %parallel_loop3A_577 = arith.addi %parallel_loop3A_558, %parallel_loop3A_576 : vector<16xi32>
      %parallel_loop3A_578 = tpu.vector_load_idx %arg4[%parallel_loop3A_577] : memref<12288xf32, #tpu.memory_space<vmem>>[vector<16xi32>], vector<16xf32>,
      %parallel_loop3A_579 = arith.constant 1 : i32
      %parallel_loop3A_580 = arith.addi %parallel_loop3A_526, %parallel_loop3A_579 : i32
      %parallel_loop3A_581 = arith.constant 16 : i32
      %parallel_loop3A_582 = arith.muli %parallel_loop3A_580, %parallel_loop3A_581 : i32
      %parallel_loop3A_583 = arith.index_cast %parallel_loop3A_582 : i32 to index
      %parallel_loop3A_584 = tpu.vector_load %arg6[%parallel_loop3A_583] {strides = array<i32>} : memref<49152xf32, #tpu.memory_space<vmem>>, vector<16xf32>,
      tpu.vector_store %arg6[%parallel_loop3A_583], %parallel_loop3A_578 {strides = array<i32>} : memref<49152xf32, #tpu.memory_space<vmem>>, vector<16xf32>,
      %parallel_loop3A_585 = arith.constant 2 : i32
      %parallel_loop3A_586 = arith.addi %parallel_loop3A_526, %parallel_loop3A_585 : i32
      %parallel_loop3A_587 = arith.constant 4 : i32
      %parallel_loop3A_588 = arith.muli %parallel_loop3A_587, %parallel_loop3A_586 : i32
      %parallel_loop3A_589 = vector.broadcast %parallel_loop3A_588 : i32 to vector<16xi32>
      %parallel_loop3A_590 = arith.addi %parallel_loop3A_558, %parallel_loop3A_589 : vector<16xi32>
      %parallel_loop3A_591 = tpu.vector_load_idx %arg4[%parallel_loop3A_590] : memref<12288xf32, #tpu.memory_space<vmem>>[vector<16xi32>], vector<16xf32>,
      %parallel_loop3A_592 = arith.constant 2 : i32
      %parallel_loop3A_593 = arith.addi %parallel_loop3A_526, %parallel_loop3A_592 : i32
      %parallel_loop3A_594 = arith.constant 16 : i32
      %parallel_loop3A_595 = arith.muli %parallel_loop3A_593, %parallel_loop3A_594 : i32
      %parallel_loop3A_596 = arith.index_cast %parallel_loop3A_595 : i32 to index
      %parallel_loop3A_597 = tpu.vector_load %arg6[%parallel_loop3A_596] {strides = array<i32>} : memref<49152xf32, #tpu.memory_space<vmem>>, vector<16xf32>,
      tpu.vector_store %arg6[%parallel_loop3A_596], %parallel_loop3A_591 {strides = array<i32>} : memref<49152xf32, #tpu.memory_space<vmem>>, vector<16xf32>,
      %parallel_loop3A_598 = arith.constant 3 : i32
      %parallel_loop3A_599 = arith.addi %parallel_loop3A_526, %parallel_loop3A_598 : i32
      %parallel_loop3A_600 = arith.constant 4 : i32
      %parallel_loop3A_601 = arith.muli %parallel_loop3A_600, %parallel_loop3A_599 : i32
      %parallel_loop3A_602 = vector.broadcast %parallel_loop3A_601 : i32 to vector<16xi32>
      %parallel_loop3A_603 = arith.addi %parallel_loop3A_558, %parallel_loop3A_602 : vector<16xi32>
      %parallel_loop3A_604 = tpu.vector_load_idx %arg4[%parallel_loop3A_603] : memref<12288xf32, #tpu.memory_space<vmem>>[vector<16xi32>], vector<16xf32>,
      %parallel_loop3A_605 = arith.constant 3 : i32
      %parallel_loop3A_606 = arith.addi %parallel_loop3A_526, %parallel_loop3A_605 : i32
      %parallel_loop3A_607 = arith.constant 16 : i32
      %parallel_loop3A_608 = arith.muli %parallel_loop3A_606, %parallel_loop3A_607 : i32
      %parallel_loop3A_609 = arith.index_cast %parallel_loop3A_608 : i32 to index
      %parallel_loop3A_610 = tpu.vector_load %arg6[%parallel_loop3A_609] {strides = array<i32>} : memref<49152xf32, #tpu.memory_space<vmem>>, vector<16xf32>,
      tpu.vector_store %arg6[%parallel_loop3A_609], %parallel_loop3A_604 {strides = array<i32>} : memref<49152xf32, #tpu.memory_space<vmem>>, vector<16xf32>,
    } {sc.loop_unroll_factor = 4 : i64, sc.parallel_access}
    %add3A_351 = arith.constant 10 : i32
    %add3A_352 = arith.addi %mul3A_2, %add3A_351 : i32
    %dma_start3A_353 = arith.constant 0 : i32
    %dma_start3A_354 = tpu.memref_slice %arg3[%add3A_352, %dma_start3A_353] : memref<512x49152xf32, #tpu.memory_space<hbm>> -> memref<1x49152xf32, #tpu.memory_space<hbm>>
    %dma_start3A_355 = tpu.memref_squeeze %dma_start3A_354 : memref<1x49152xf32, #tpu.memory_space<hbm>> -> memref<49152xf32, #tpu.memory_space<hbm>>
    %dma_start3A_356 = arith.constant 0 : i32
    %dma_start3A_357 = tpu.memref_slice %arg3[%add3A_352, %dma_start3A_356] : memref<512x49152xf32, #tpu.memory_space<hbm>> -> memref<1x49152xf32, #tpu.memory_space<hbm>>
    %dma_start3A_358 = tpu.memref_squeeze %dma_start3A_357 : memref<1x49152xf32, #tpu.memory_space<hbm>> -> memref<49152xf32, #tpu.memory_space<hbm>>
    tpu.enqueue_dma source(%arg6 : memref<49152xf32, #tpu.memory_space<vmem>>) target(%dma_start3A_358 : memref<49152xf32, #tpu.memory_space<hbm>>) target_semaphore(%arg10 : memref<!tpu.dma_semaphore, #tpu.memory_space<semaphore_mem>>)
    %dma_wait3A_359 = arith.constant 0 : i32
    %dma_wait3A_360 = tpu.memref_slice %arg2[%add3A_335, %dma_wait3A_359] : memref<512x12288xf32, #tpu.memory_space<hbm>> -> memref<1x12288xf32, #tpu.memory_space<hbm>>
    %dma_wait3A_361 = tpu.memref_squeeze %dma_wait3A_360 : memref<1x12288xf32, #tpu.memory_space<hbm>> -> memref<12288xf32, #tpu.memory_space<hbm>>
    %dma_wait3A_362 = arith.constant 0 : i32
    %dma_wait3A_363 = tpu.memref_slice %arg2[%add3A_335, %dma_wait3A_362] : memref<512x12288xf32, #tpu.memory_space<hbm>> -> memref<1x12288xf32, #tpu.memory_space<hbm>>
    %dma_wait3A_364 = tpu.memref_squeeze %dma_wait3A_363 : memref<1x12288xf32, #tpu.memory_space<hbm>> -> memref<12288xf32, #tpu.memory_space<hbm>>
    tpu.wait_dma2 semaphore(%arg9 : memref<!tpu.dma_semaphore, #tpu.memory_space<semaphore_mem>>) src(%dma_wait3A_364 : memref<12288xf32, #tpu.memory_space<hbm>>) dst(%arg5 : memref<12288xf32, #tpu.memory_space<vmem>>)
    %add3A_365 = arith.constant 11 : i32
    %add3A_366 = arith.addi %mul3A_2, %add3A_365 : i32
    %add3A_367 = arith.constant 1 : i32
    %add3A_368 = arith.addi %add3A_366, %add3A_367 : i32
    %dma_start3A_369 = arith.constant 0 : i32
    %dma_start3A_370 = tpu.memref_slice %arg2[%add3A_368, %dma_start3A_369] : memref<512x12288xf32, #tpu.memory_space<hbm>> -> memref<1x12288xf32, #tpu.memory_space<hbm>>
    %dma_start3A_371 = tpu.memref_squeeze %dma_start3A_370 : memref<1x12288xf32, #tpu.memory_space<hbm>> -> memref<12288xf32, #tpu.memory_space<hbm>>
    %dma_start3A_372 = arith.constant 0 : i32
    %dma_start3A_373 = tpu.memref_slice %arg2[%add3A_368, %dma_start3A_372] : memref<512x12288xf32, #tpu.memory_space<hbm>> -> memref<1x12288xf32, #tpu.memory_space<hbm>>
    %dma_start3A_374 = tpu.memref_squeeze %dma_start3A_373 : memref<1x12288xf32, #tpu.memory_space<hbm>> -> memref<12288xf32, #tpu.memory_space<hbm>>
    tpu.enqueue_dma source(%dma_start3A_374 : memref<12288xf32, #tpu.memory_space<hbm>>) target(%arg4 : memref<12288xf32, #tpu.memory_space<vmem>>) target_semaphore(%arg8 : memref<!tpu.dma_semaphore, #tpu.memory_space<semaphore_mem>>)
    %dma_wait3A_375 = arith.constant 0 : i32
    %dma_wait3A_376 = tpu.memref_slice %arg3[%add3A_319, %dma_wait3A_375] : memref<512x49152xf32, #tpu.memory_space<hbm>> -> memref<1x49152xf32, #tpu.memory_space<hbm>>
    %dma_wait3A_377 = tpu.memref_squeeze %dma_wait3A_376 : memref<1x49152xf32, #tpu.memory_space<hbm>> -> memref<49152xf32, #tpu.memory_space<hbm>>
    %dma_wait3A_378 = arith.constant 0 : i32
    %dma_wait3A_379 = tpu.memref_slice %arg3[%add3A_319, %dma_wait3A_378] : memref<512x49152xf32, #tpu.memory_space<hbm>> -> memref<1x49152xf32, #tpu.memory_space<hbm>>
    %dma_wait3A_380 = tpu.memref_squeeze %dma_wait3A_379 : memref<1x49152xf32, #tpu.memory_space<hbm>> -> memref<49152xf32, #tpu.memory_space<hbm>>
    tpu.wait_dma2 semaphore(%arg11 : memref<!tpu.dma_semaphore, #tpu.memory_space<semaphore_mem>>) src(%arg7 : memref<49152xf32, #tpu.memory_space<vmem>>) dst(%dma_wait3A_380 : memref<49152xf32, #tpu.memory_space<hbm>>)
    %parallel_loop3A_381 = arith.constant 0 : i32
    %parallel_loop3A_382 = arith.constant 3072 : i32
    %parallel_loop3A_383 = arith.constant 4 : i32
    scf.for %parallel_loop3A_526 = %parallel_loop3A_381 to %parallel_loop3A_382 step %parallel_loop3A_383  : i32 {
      %parallel_loop3A_527 = tpu.iota {dimensions = array<i32: 0>} : vector<16xi32>
      %parallel_loop3A_528 = arith.constant 4 : i32
      %parallel_loop3A_529 = vector.broadcast %parallel_loop3A_528 : i32 to vector<16xi32>
      %parallel_loop3A_530 = arith.divsi %parallel_loop3A_527, %parallel_loop3A_529 : vector<16xi32>
      %parallel_loop3A_531 = arith.constant 0 : i32
      %parallel_loop3A_532 = vector.broadcast %parallel_loop3A_531 : i32 to vector<16xi32>
      %parallel_loop3A_533 = arith.cmpi sgt, %parallel_loop3A_527, %parallel_loop3A_532 : vector<16xi32>
      %parallel_loop3A_534 = arith.extui %parallel_loop3A_533 : vector<16xi1> to vector<16xi32>
      %parallel_loop3A_535 = arith.constant 0 : i32
      %parallel_loop3A_536 = vector.broadcast %parallel_loop3A_535 : i32 to vector<16xi32>
      %parallel_loop3A_537 = arith.cmpi slt, %parallel_loop3A_527, %parallel_loop3A_536 : vector<16xi32>
      %parallel_loop3A_538 = arith.extui %parallel_loop3A_537 : vector<16xi1> to vector<16xi32>
      %parallel_loop3A_539 = arith.subi %parallel_loop3A_534, %parallel_loop3A_538 : vector<16xi32>
      %parallel_loop3A_540 = arith.constant 0 : i32
      %parallel_loop3A_541 = arith.cmpi sgt, %parallel_loop3A_528, %parallel_loop3A_540 : i32
      %parallel_loop3A_542 = arith.extui %parallel_loop3A_541 : i1 to i32
      %parallel_loop3A_543 = arith.constant 0 : i32
      %parallel_loop3A_544 = arith.cmpi slt, %parallel_loop3A_528, %parallel_loop3A_543 : i32
      %parallel_loop3A_545 = arith.extui %parallel_loop3A_544 : i1 to i32
      %parallel_loop3A_546 = arith.subi %parallel_loop3A_542, %parallel_loop3A_545 : i32
      %parallel_loop3A_547 = vector.broadcast %parallel_loop3A_546 : i32 to vector<16xi32>
      %parallel_loop3A_548 = arith.cmpi ne, %parallel_loop3A_539, %parallel_loop3A_547 : vector<16xi32>
      %parallel_loop3A_549 = vector.broadcast %parallel_loop3A_528 : i32 to vector<16xi32>
      %parallel_loop3A_550 = arith.remsi %parallel_loop3A_527, %parallel_loop3A_549 : vector<16xi32>
      %parallel_loop3A_551 = arith.constant 0 : i32
      %parallel_loop3A_552 = vector.broadcast %parallel_loop3A_551 : i32 to vector<16xi32>
      %parallel_loop3A_553 = arith.cmpi ne, %parallel_loop3A_550, %parallel_loop3A_552 : vector<16xi32>
      %parallel_loop3A_554 = arith.andi %parallel_loop3A_548, %parallel_loop3A_553 : vector<16xi1>
      %parallel_loop3A_555 = arith.constant 1 : i32
      %parallel_loop3A_556 = vector.broadcast %parallel_loop3A_555 : i32 to vector<16xi32>
      %parallel_loop3A_557 = arith.subi %parallel_loop3A_530, %parallel_loop3A_556 : vector<16xi32>
      %parallel_loop3A_558 = arith.select %parallel_loop3A_554, %parallel_loop3A_557, %parallel_loop3A_530 : vector<16xi1>, vector<16xi32>
      %parallel_loop3A_559 = arith.constant 0 : i32
      %parallel_loop3A_560 = arith.addi %parallel_loop3A_526, %parallel_loop3A_559 : i32
      %parallel_loop3A_561 = arith.constant 4 : i32
      %parallel_loop3A_562 = arith.muli %parallel_loop3A_561, %parallel_loop3A_560 : i32
      %parallel_loop3A_563 = vector.broadcast %parallel_loop3A_562 : i32 to vector<16xi32>
      %parallel_loop3A_564 = arith.addi %parallel_loop3A_558, %parallel_loop3A_563 : vector<16xi32>
      %parallel_loop3A_565 = tpu.vector_load_idx %arg5[%parallel_loop3A_564] : memref<12288xf32, #tpu.memory_space<vmem>>[vector<16xi32>], vector<16xf32>,
      %parallel_loop3A_566 = arith.constant 0 : i32
      %parallel_loop3A_567 = arith.addi %parallel_loop3A_526, %parallel_loop3A_566 : i32
      %parallel_loop3A_568 = arith.constant 16 : i32
      %parallel_loop3A_569 = arith.muli %parallel_loop3A_567, %parallel_loop3A_568 : i32
      %parallel_loop3A_570 = arith.index_cast %parallel_loop3A_569 : i32 to index
      %parallel_loop3A_571 = tpu.vector_load %arg7[%parallel_loop3A_570] {strides = array<i32>} : memref<49152xf32, #tpu.memory_space<vmem>>, vector<16xf32>,
      tpu.vector_store %arg7[%parallel_loop3A_570], %parallel_loop3A_565 {strides = array<i32>} : memref<49152xf32, #tpu.memory_space<vmem>>, vector<16xf32>,
      %parallel_loop3A_572 = arith.constant 1 : i32
      %parallel_loop3A_573 = arith.addi %parallel_loop3A_526, %parallel_loop3A_572 : i32
      %parallel_loop3A_574 = arith.constant 4 : i32
      %parallel_loop3A_575 = arith.muli %parallel_loop3A_574, %parallel_loop3A_573 : i32
      %parallel_loop3A_576 = vector.broadcast %parallel_loop3A_575 : i32 to vector<16xi32>
      %parallel_loop3A_577 = arith.addi %parallel_loop3A_558, %parallel_loop3A_576 : vector<16xi32>
      %parallel_loop3A_578 = tpu.vector_load_idx %arg5[%parallel_loop3A_577] : memref<12288xf32, #tpu.memory_space<vmem>>[vector<16xi32>], vector<16xf32>,
      %parallel_loop3A_579 = arith.constant 1 : i32
      %parallel_loop3A_580 = arith.addi %parallel_loop3A_526, %parallel_loop3A_579 : i32
      %parallel_loop3A_581 = arith.constant 16 : i32
      %parallel_loop3A_582 = arith.muli %parallel_loop3A_580, %parallel_loop3A_581 : i32
      %parallel_loop3A_583 = arith.index_cast %parallel_loop3A_582 : i32 to index
      %parallel_loop3A_584 = tpu.vector_load %arg7[%parallel_loop3A_583] {strides = array<i32>} : memref<49152xf32, #tpu.memory_space<vmem>>, vector<16xf32>,
      tpu.vector_store %arg7[%parallel_loop3A_583], %parallel_loop3A_578 {strides = array<i32>} : memref<49152xf32, #tpu.memory_space<vmem>>, vector<16xf32>,
      %parallel_loop3A_585 = arith.constant 2 : i32
      %parallel_loop3A_586 = arith.addi %parallel_loop3A_526, %parallel_loop3A_585 : i32
      %parallel_loop3A_587 = arith.constant 4 : i32
      %parallel_loop3A_588 = arith.muli %parallel_loop3A_587, %parallel_loop3A_586 : i32
      %parallel_loop3A_589 = vector.broadcast %parallel_loop3A_588 : i32 to vector<16xi32>
      %parallel_loop3A_590 = arith.addi %parallel_loop3A_558, %parallel_loop3A_589 : vector<16xi32>
      %parallel_loop3A_591 = tpu.vector_load_idx %arg5[%parallel_loop3A_590] : memref<12288xf32, #tpu.memory_space<vmem>>[vector<16xi32>], vector<16xf32>,
      %parallel_loop3A_592 = arith.constant 2 : i32
      %parallel_loop3A_593 = arith.addi %parallel_loop3A_526, %parallel_loop3A_592 : i32
      %parallel_loop3A_594 = arith.constant 16 : i32
      %parallel_loop3A_595 = arith.muli %parallel_loop3A_593, %parallel_loop3A_594 : i32
      %parallel_loop3A_596 = arith.index_cast %parallel_loop3A_595 : i32 to index
      %parallel_loop3A_597 = tpu.vector_load %arg7[%parallel_loop3A_596] {strides = array<i32>} : memref<49152xf32, #tpu.memory_space<vmem>>, vector<16xf32>,
      tpu.vector_store %arg7[%parallel_loop3A_596], %parallel_loop3A_591 {strides = array<i32>} : memref<49152xf32, #tpu.memory_space<vmem>>, vector<16xf32>,
      %parallel_loop3A_598 = arith.constant 3 : i32
      %parallel_loop3A_599 = arith.addi %parallel_loop3A_526, %parallel_loop3A_598 : i32
      %parallel_loop3A_600 = arith.constant 4 : i32
      %parallel_loop3A_601 = arith.muli %parallel_loop3A_600, %parallel_loop3A_599 : i32
      %parallel_loop3A_602 = vector.broadcast %parallel_loop3A_601 : i32 to vector<16xi32>
      %parallel_loop3A_603 = arith.addi %parallel_loop3A_558, %parallel_loop3A_602 : vector<16xi32>
      %parallel_loop3A_604 = tpu.vector_load_idx %arg5[%parallel_loop3A_603] : memref<12288xf32, #tpu.memory_space<vmem>>[vector<16xi32>], vector<16xf32>,
      %parallel_loop3A_605 = arith.constant 3 : i32
      %parallel_loop3A_606 = arith.addi %parallel_loop3A_526, %parallel_loop3A_605 : i32
      %parallel_loop3A_607 = arith.constant 16 : i32
      %parallel_loop3A_608 = arith.muli %parallel_loop3A_606, %parallel_loop3A_607 : i32
      %parallel_loop3A_609 = arith.index_cast %parallel_loop3A_608 : i32 to index
      %parallel_loop3A_610 = tpu.vector_load %arg7[%parallel_loop3A_609] {strides = array<i32>} : memref<49152xf32, #tpu.memory_space<vmem>>, vector<16xf32>,
      tpu.vector_store %arg7[%parallel_loop3A_609], %parallel_loop3A_604 {strides = array<i32>} : memref<49152xf32, #tpu.memory_space<vmem>>, vector<16xf32>,
    } {sc.loop_unroll_factor = 4 : i64, sc.parallel_access}
    %add3A_384 = arith.constant 11 : i32
    %add3A_385 = arith.addi %mul3A_2, %add3A_384 : i32
    %dma_start3A_386 = arith.constant 0 : i32
    %dma_start3A_387 = tpu.memref_slice %arg3[%add3A_385, %dma_start3A_386] : memref<512x49152xf32, #tpu.memory_space<hbm>> -> memref<1x49152xf32, #tpu.memory_space<hbm>>
    %dma_start3A_388 = tpu.memref_squeeze %dma_start3A_387 : memref<1x49152xf32, #tpu.memory_space<hbm>> -> memref<49152xf32, #tpu.memory_space<hbm>>
    %dma_start3A_389 = arith.constant 0 : i32
    %dma_start3A_390 = tpu.memref_slice %arg3[%add3A_385, %dma_start3A_389] : memref<512x49152xf32, #tpu.memory_space<hbm>> -> memref<1x49152xf32, #tpu.memory_space<hbm>>
    %dma_start3A_391 = tpu.memref_squeeze %dma_start3A_390 : memref<1x49152xf32, #tpu.memory_space<hbm>> -> memref<49152xf32, #tpu.memory_space<hbm>>
    tpu.enqueue_dma source(%arg7 : memref<49152xf32, #tpu.memory_space<vmem>>) target(%dma_start3A_391 : memref<49152xf32, #tpu.memory_space<hbm>>) target_semaphore(%arg11 : memref<!tpu.dma_semaphore, #tpu.memory_space<semaphore_mem>>)
    %dma_wait3A_392 = arith.constant 0 : i32
    %dma_wait3A_393 = tpu.memref_slice %arg2[%add3A_368, %dma_wait3A_392] : memref<512x12288xf32, #tpu.memory_space<hbm>> -> memref<1x12288xf32, #tpu.memory_space<hbm>>
    %dma_wait3A_394 = tpu.memref_squeeze %dma_wait3A_393 : memref<1x12288xf32, #tpu.memory_space<hbm>> -> memref<12288xf32, #tpu.memory_space<hbm>>
    %dma_wait3A_395 = arith.constant 0 : i32
    %dma_wait3A_396 = tpu.memref_slice %arg2[%add3A_368, %dma_wait3A_395] : memref<512x12288xf32, #tpu.memory_space<hbm>> -> memref<1x12288xf32, #tpu.memory_space<hbm>>
    %dma_wait3A_397 = tpu.memref_squeeze %dma_wait3A_396 : memref<1x12288xf32, #tpu.memory_space<hbm>> -> memref<12288xf32, #tpu.memory_space<hbm>>
    tpu.wait_dma2 semaphore(%arg8 : memref<!tpu.dma_semaphore, #tpu.memory_space<semaphore_mem>>) src(%dma_wait3A_397 : memref<12288xf32, #tpu.memory_space<hbm>>) dst(%arg4 : memref<12288xf32, #tpu.memory_space<vmem>>)
    %add3A_398 = arith.constant 12 : i32
    %add3A_399 = arith.addi %mul3A_2, %add3A_398 : i32
    %add3A_400 = arith.constant 1 : i32
    %add3A_401 = arith.addi %add3A_399, %add3A_400 : i32
    %dma_start3A_402 = arith.constant 0 : i32
    %dma_start3A_403 = tpu.memref_slice %arg2[%add3A_401, %dma_start3A_402] : memref<512x12288xf32, #tpu.memory_space<hbm>> -> memref<1x12288xf32, #tpu.memory_space<hbm>>
    %dma_start3A_404 = tpu.memref_squeeze %dma_start3A_403 : memref<1x12288xf32, #tpu.memory_space<hbm>> -> memref<12288xf32, #tpu.memory_space<hbm>>
    %dma_start3A_405 = arith.constant 0 : i32
    %dma_start3A_406 = tpu.memref_slice %arg2[%add3A_401, %dma_start3A_405] : memref<512x12288xf32, #tpu.memory_space<hbm>> -> memref<1x12288xf32, #tpu.memory_space<hbm>>
    %dma_start3A_407 = tpu.memref_squeeze %dma_start3A_406 : memref<1x12288xf32, #tpu.memory_space<hbm>> -> memref<12288xf32, #tpu.memory_space<hbm>>
    tpu.enqueue_dma source(%dma_start3A_407 : memref<12288xf32, #tpu.memory_space<hbm>>) target(%arg5 : memref<12288xf32, #tpu.memory_space<vmem>>) target_semaphore(%arg9 : memref<!tpu.dma_semaphore, #tpu.memory_space<semaphore_mem>>)
    %dma_wait3A_408 = arith.constant 0 : i32
    %dma_wait3A_409 = tpu.memref_slice %arg3[%add3A_352, %dma_wait3A_408] : memref<512x49152xf32, #tpu.memory_space<hbm>> -> memref<1x49152xf32, #tpu.memory_space<hbm>>
    %dma_wait3A_410 = tpu.memref_squeeze %dma_wait3A_409 : memref<1x49152xf32, #tpu.memory_space<hbm>> -> memref<49152xf32, #tpu.memory_space<hbm>>
    %dma_wait3A_411 = arith.constant 0 : i32
    %dma_wait3A_412 = tpu.memref_slice %arg3[%add3A_352, %dma_wait3A_411] : memref<512x49152xf32, #tpu.memory_space<hbm>> -> memref<1x49152xf32, #tpu.memory_space<hbm>>
    %dma_wait3A_413 = tpu.memref_squeeze %dma_wait3A_412 : memref<1x49152xf32, #tpu.memory_space<hbm>> -> memref<49152xf32, #tpu.memory_space<hbm>>
    tpu.wait_dma2 semaphore(%arg10 : memref<!tpu.dma_semaphore, #tpu.memory_space<semaphore_mem>>) src(%arg6 : memref<49152xf32, #tpu.memory_space<vmem>>) dst(%dma_wait3A_413 : memref<49152xf32, #tpu.memory_space<hbm>>)
    %parallel_loop3A_414 = arith.constant 0 : i32
    %parallel_loop3A_415 = arith.constant 3072 : i32
    %parallel_loop3A_416 = arith.constant 4 : i32
    scf.for %parallel_loop3A_526 = %parallel_loop3A_414 to %parallel_loop3A_415 step %parallel_loop3A_416  : i32 {
      %parallel_loop3A_527 = tpu.iota {dimensions = array<i32: 0>} : vector<16xi32>
      %parallel_loop3A_528 = arith.constant 4 : i32
      %parallel_loop3A_529 = vector.broadcast %parallel_loop3A_528 : i32 to vector<16xi32>
      %parallel_loop3A_530 = arith.divsi %parallel_loop3A_527, %parallel_loop3A_529 : vector<16xi32>
      %parallel_loop3A_531 = arith.constant 0 : i32
      %parallel_loop3A_532 = vector.broadcast %parallel_loop3A_531 : i32 to vector<16xi32>
      %parallel_loop3A_533 = arith.cmpi sgt, %parallel_loop3A_527, %parallel_loop3A_532 : vector<16xi32>
      %parallel_loop3A_534 = arith.extui %parallel_loop3A_533 : vector<16xi1> to vector<16xi32>
      %parallel_loop3A_535 = arith.constant 0 : i32
      %parallel_loop3A_536 = vector.broadcast %parallel_loop3A_535 : i32 to vector<16xi32>
      %parallel_loop3A_537 = arith.cmpi slt, %parallel_loop3A_527, %parallel_loop3A_536 : vector<16xi32>
      %parallel_loop3A_538 = arith.extui %parallel_loop3A_537 : vector<16xi1> to vector<16xi32>
      %parallel_loop3A_539 = arith.subi %parallel_loop3A_534, %parallel_loop3A_538 : vector<16xi32>
      %parallel_loop3A_540 = arith.constant 0 : i32
      %parallel_loop3A_541 = arith.cmpi sgt, %parallel_loop3A_528, %parallel_loop3A_540 : i32
      %parallel_loop3A_542 = arith.extui %parallel_loop3A_541 : i1 to i32
      %parallel_loop3A_543 = arith.constant 0 : i32
      %parallel_loop3A_544 = arith.cmpi slt, %parallel_loop3A_528, %parallel_loop3A_543 : i32
      %parallel_loop3A_545 = arith.extui %parallel_loop3A_544 : i1 to i32
      %parallel_loop3A_546 = arith.subi %parallel_loop3A_542, %parallel_loop3A_545 : i32
      %parallel_loop3A_547 = vector.broadcast %parallel_loop3A_546 : i32 to vector<16xi32>
      %parallel_loop3A_548 = arith.cmpi ne, %parallel_loop3A_539, %parallel_loop3A_547 : vector<16xi32>
      %parallel_loop3A_549 = vector.broadcast %parallel_loop3A_528 : i32 to vector<16xi32>
      %parallel_loop3A_550 = arith.remsi %parallel_loop3A_527, %parallel_loop3A_549 : vector<16xi32>
      %parallel_loop3A_551 = arith.constant 0 : i32
      %parallel_loop3A_552 = vector.broadcast %parallel_loop3A_551 : i32 to vector<16xi32>
      %parallel_loop3A_553 = arith.cmpi ne, %parallel_loop3A_550, %parallel_loop3A_552 : vector<16xi32>
      %parallel_loop3A_554 = arith.andi %parallel_loop3A_548, %parallel_loop3A_553 : vector<16xi1>
      %parallel_loop3A_555 = arith.constant 1 : i32
      %parallel_loop3A_556 = vector.broadcast %parallel_loop3A_555 : i32 to vector<16xi32>
      %parallel_loop3A_557 = arith.subi %parallel_loop3A_530, %parallel_loop3A_556 : vector<16xi32>
      %parallel_loop3A_558 = arith.select %parallel_loop3A_554, %parallel_loop3A_557, %parallel_loop3A_530 : vector<16xi1>, vector<16xi32>
      %parallel_loop3A_559 = arith.constant 0 : i32
      %parallel_loop3A_560 = arith.addi %parallel_loop3A_526, %parallel_loop3A_559 : i32
      %parallel_loop3A_561 = arith.constant 4 : i32
      %parallel_loop3A_562 = arith.muli %parallel_loop3A_561, %parallel_loop3A_560 : i32
      %parallel_loop3A_563 = vector.broadcast %parallel_loop3A_562 : i32 to vector<16xi32>
      %parallel_loop3A_564 = arith.addi %parallel_loop3A_558, %parallel_loop3A_563 : vector<16xi32>
      %parallel_loop3A_565 = tpu.vector_load_idx %arg4[%parallel_loop3A_564] : memref<12288xf32, #tpu.memory_space<vmem>>[vector<16xi32>], vector<16xf32>,
      %parallel_loop3A_566 = arith.constant 0 : i32
      %parallel_loop3A_567 = arith.addi %parallel_loop3A_526, %parallel_loop3A_566 : i32
      %parallel_loop3A_568 = arith.constant 16 : i32
      %parallel_loop3A_569 = arith.muli %parallel_loop3A_567, %parallel_loop3A_568 : i32
      %parallel_loop3A_570 = arith.index_cast %parallel_loop3A_569 : i32 to index
      %parallel_loop3A_571 = tpu.vector_load %arg6[%parallel_loop3A_570] {strides = array<i32>} : memref<49152xf32, #tpu.memory_space<vmem>>, vector<16xf32>,
      tpu.vector_store %arg6[%parallel_loop3A_570], %parallel_loop3A_565 {strides = array<i32>} : memref<49152xf32, #tpu.memory_space<vmem>>, vector<16xf32>,
      %parallel_loop3A_572 = arith.constant 1 : i32
      %parallel_loop3A_573 = arith.addi %parallel_loop3A_526, %parallel_loop3A_572 : i32
      %parallel_loop3A_574 = arith.constant 4 : i32
      %parallel_loop3A_575 = arith.muli %parallel_loop3A_574, %parallel_loop3A_573 : i32
      %parallel_loop3A_576 = vector.broadcast %parallel_loop3A_575 : i32 to vector<16xi32>
      %parallel_loop3A_577 = arith.addi %parallel_loop3A_558, %parallel_loop3A_576 : vector<16xi32>
      %parallel_loop3A_578 = tpu.vector_load_idx %arg4[%parallel_loop3A_577] : memref<12288xf32, #tpu.memory_space<vmem>>[vector<16xi32>], vector<16xf32>,
      %parallel_loop3A_579 = arith.constant 1 : i32
      %parallel_loop3A_580 = arith.addi %parallel_loop3A_526, %parallel_loop3A_579 : i32
      %parallel_loop3A_581 = arith.constant 16 : i32
      %parallel_loop3A_582 = arith.muli %parallel_loop3A_580, %parallel_loop3A_581 : i32
      %parallel_loop3A_583 = arith.index_cast %parallel_loop3A_582 : i32 to index
      %parallel_loop3A_584 = tpu.vector_load %arg6[%parallel_loop3A_583] {strides = array<i32>} : memref<49152xf32, #tpu.memory_space<vmem>>, vector<16xf32>,
      tpu.vector_store %arg6[%parallel_loop3A_583], %parallel_loop3A_578 {strides = array<i32>} : memref<49152xf32, #tpu.memory_space<vmem>>, vector<16xf32>,
      %parallel_loop3A_585 = arith.constant 2 : i32
      %parallel_loop3A_586 = arith.addi %parallel_loop3A_526, %parallel_loop3A_585 : i32
      %parallel_loop3A_587 = arith.constant 4 : i32
      %parallel_loop3A_588 = arith.muli %parallel_loop3A_587, %parallel_loop3A_586 : i32
      %parallel_loop3A_589 = vector.broadcast %parallel_loop3A_588 : i32 to vector<16xi32>
      %parallel_loop3A_590 = arith.addi %parallel_loop3A_558, %parallel_loop3A_589 : vector<16xi32>
      %parallel_loop3A_591 = tpu.vector_load_idx %arg4[%parallel_loop3A_590] : memref<12288xf32, #tpu.memory_space<vmem>>[vector<16xi32>], vector<16xf32>,
      %parallel_loop3A_592 = arith.constant 2 : i32
      %parallel_loop3A_593 = arith.addi %parallel_loop3A_526, %parallel_loop3A_592 : i32
      %parallel_loop3A_594 = arith.constant 16 : i32
      %parallel_loop3A_595 = arith.muli %parallel_loop3A_593, %parallel_loop3A_594 : i32
      %parallel_loop3A_596 = arith.index_cast %parallel_loop3A_595 : i32 to index
      %parallel_loop3A_597 = tpu.vector_load %arg6[%parallel_loop3A_596] {strides = array<i32>} : memref<49152xf32, #tpu.memory_space<vmem>>, vector<16xf32>,
      tpu.vector_store %arg6[%parallel_loop3A_596], %parallel_loop3A_591 {strides = array<i32>} : memref<49152xf32, #tpu.memory_space<vmem>>, vector<16xf32>,
      %parallel_loop3A_598 = arith.constant 3 : i32
      %parallel_loop3A_599 = arith.addi %parallel_loop3A_526, %parallel_loop3A_598 : i32
      %parallel_loop3A_600 = arith.constant 4 : i32
      %parallel_loop3A_601 = arith.muli %parallel_loop3A_600, %parallel_loop3A_599 : i32
      %parallel_loop3A_602 = vector.broadcast %parallel_loop3A_601 : i32 to vector<16xi32>
      %parallel_loop3A_603 = arith.addi %parallel_loop3A_558, %parallel_loop3A_602 : vector<16xi32>
      %parallel_loop3A_604 = tpu.vector_load_idx %arg4[%parallel_loop3A_603] : memref<12288xf32, #tpu.memory_space<vmem>>[vector<16xi32>], vector<16xf32>,
      %parallel_loop3A_605 = arith.constant 3 : i32
      %parallel_loop3A_606 = arith.addi %parallel_loop3A_526, %parallel_loop3A_605 : i32
      %parallel_loop3A_607 = arith.constant 16 : i32
      %parallel_loop3A_608 = arith.muli %parallel_loop3A_606, %parallel_loop3A_607 : i32
      %parallel_loop3A_609 = arith.index_cast %parallel_loop3A_608 : i32 to index
      %parallel_loop3A_610 = tpu.vector_load %arg6[%parallel_loop3A_609] {strides = array<i32>} : memref<49152xf32, #tpu.memory_space<vmem>>, vector<16xf32>,
      tpu.vector_store %arg6[%parallel_loop3A_609], %parallel_loop3A_604 {strides = array<i32>} : memref<49152xf32, #tpu.memory_space<vmem>>, vector<16xf32>,
    } {sc.loop_unroll_factor = 4 : i64, sc.parallel_access}
    %add3A_417 = arith.constant 12 : i32
    %add3A_418 = arith.addi %mul3A_2, %add3A_417 : i32
    %dma_start3A_419 = arith.constant 0 : i32
    %dma_start3A_420 = tpu.memref_slice %arg3[%add3A_418, %dma_start3A_419] : memref<512x49152xf32, #tpu.memory_space<hbm>> -> memref<1x49152xf32, #tpu.memory_space<hbm>>
    %dma_start3A_421 = tpu.memref_squeeze %dma_start3A_420 : memref<1x49152xf32, #tpu.memory_space<hbm>> -> memref<49152xf32, #tpu.memory_space<hbm>>
    %dma_start3A_422 = arith.constant 0 : i32
    %dma_start3A_423 = tpu.memref_slice %arg3[%add3A_418, %dma_start3A_422] : memref<512x49152xf32, #tpu.memory_space<hbm>> -> memref<1x49152xf32, #tpu.memory_space<hbm>>
    %dma_start3A_424 = tpu.memref_squeeze %dma_start3A_423 : memref<1x49152xf32, #tpu.memory_space<hbm>> -> memref<49152xf32, #tpu.memory_space<hbm>>
    tpu.enqueue_dma source(%arg6 : memref<49152xf32, #tpu.memory_space<vmem>>) target(%dma_start3A_424 : memref<49152xf32, #tpu.memory_space<hbm>>) target_semaphore(%arg10 : memref<!tpu.dma_semaphore, #tpu.memory_space<semaphore_mem>>)
    %dma_wait3A_425 = arith.constant 0 : i32
    %dma_wait3A_426 = tpu.memref_slice %arg2[%add3A_401, %dma_wait3A_425] : memref<512x12288xf32, #tpu.memory_space<hbm>> -> memref<1x12288xf32, #tpu.memory_space<hbm>>
    %dma_wait3A_427 = tpu.memref_squeeze %dma_wait3A_426 : memref<1x12288xf32, #tpu.memory_space<hbm>> -> memref<12288xf32, #tpu.memory_space<hbm>>
    %dma_wait3A_428 = arith.constant 0 : i32
    %dma_wait3A_429 = tpu.memref_slice %arg2[%add3A_401, %dma_wait3A_428] : memref<512x12288xf32, #tpu.memory_space<hbm>> -> memref<1x12288xf32, #tpu.memory_space<hbm>>
    %dma_wait3A_430 = tpu.memref_squeeze %dma_wait3A_429 : memref<1x12288xf32, #tpu.memory_space<hbm>> -> memref<12288xf32, #tpu.memory_space<hbm>>
    tpu.wait_dma2 semaphore(%arg9 : memref<!tpu.dma_semaphore, #tpu.memory_space<semaphore_mem>>) src(%dma_wait3A_430 : memref<12288xf32, #tpu.memory_space<hbm>>) dst(%arg5 : memref<12288xf32, #tpu.memory_space<vmem>>)
    %add3A_431 = arith.constant 13 : i32
    %add3A_432 = arith.addi %mul3A_2, %add3A_431 : i32
    %add3A_433 = arith.constant 1 : i32
    %add3A_434 = arith.addi %add3A_432, %add3A_433 : i32
    %dma_start3A_435 = arith.constant 0 : i32
    %dma_start3A_436 = tpu.memref_slice %arg2[%add3A_434, %dma_start3A_435] : memref<512x12288xf32, #tpu.memory_space<hbm>> -> memref<1x12288xf32, #tpu.memory_space<hbm>>
    %dma_start3A_437 = tpu.memref_squeeze %dma_start3A_436 : memref<1x12288xf32, #tpu.memory_space<hbm>> -> memref<12288xf32, #tpu.memory_space<hbm>>
    %dma_start3A_438 = arith.constant 0 : i32
    %dma_start3A_439 = tpu.memref_slice %arg2[%add3A_434, %dma_start3A_438] : memref<512x12288xf32, #tpu.memory_space<hbm>> -> memref<1x12288xf32, #tpu.memory_space<hbm>>
    %dma_start3A_440 = tpu.memref_squeeze %dma_start3A_439 : memref<1x12288xf32, #tpu.memory_space<hbm>> -> memref<12288xf32, #tpu.memory_space<hbm>>
    tpu.enqueue_dma source(%dma_start3A_440 : memref<12288xf32, #tpu.memory_space<hbm>>) target(%arg4 : memref<12288xf32, #tpu.memory_space<vmem>>) target_semaphore(%arg8 : memref<!tpu.dma_semaphore, #tpu.memory_space<semaphore_mem>>)
    %dma_wait3A_441 = arith.constant 0 : i32
    %dma_wait3A_442 = tpu.memref_slice %arg3[%add3A_385, %dma_wait3A_441] : memref<512x49152xf32, #tpu.memory_space<hbm>> -> memref<1x49152xf32, #tpu.memory_space<hbm>>
    %dma_wait3A_443 = tpu.memref_squeeze %dma_wait3A_442 : memref<1x49152xf32, #tpu.memory_space<hbm>> -> memref<49152xf32, #tpu.memory_space<hbm>>
    %dma_wait3A_444 = arith.constant 0 : i32
    %dma_wait3A_445 = tpu.memref_slice %arg3[%add3A_385, %dma_wait3A_444] : memref<512x49152xf32, #tpu.memory_space<hbm>> -> memref<1x49152xf32, #tpu.memory_space<hbm>>
    %dma_wait3A_446 = tpu.memref_squeeze %dma_wait3A_445 : memref<1x49152xf32, #tpu.memory_space<hbm>> -> memref<49152xf32, #tpu.memory_space<hbm>>
    tpu.wait_dma2 semaphore(%arg11 : memref<!tpu.dma_semaphore, #tpu.memory_space<semaphore_mem>>) src(%arg7 : memref<49152xf32, #tpu.memory_space<vmem>>) dst(%dma_wait3A_446 : memref<49152xf32, #tpu.memory_space<hbm>>)
    %parallel_loop3A_447 = arith.constant 0 : i32
    %parallel_loop3A_448 = arith.constant 3072 : i32
    %parallel_loop3A_449 = arith.constant 4 : i32
    scf.for %parallel_loop3A_526 = %parallel_loop3A_447 to %parallel_loop3A_448 step %parallel_loop3A_449  : i32 {
      %parallel_loop3A_527 = tpu.iota {dimensions = array<i32: 0>} : vector<16xi32>
      %parallel_loop3A_528 = arith.constant 4 : i32
      %parallel_loop3A_529 = vector.broadcast %parallel_loop3A_528 : i32 to vector<16xi32>
      %parallel_loop3A_530 = arith.divsi %parallel_loop3A_527, %parallel_loop3A_529 : vector<16xi32>
      %parallel_loop3A_531 = arith.constant 0 : i32
      %parallel_loop3A_532 = vector.broadcast %parallel_loop3A_531 : i32 to vector<16xi32>
      %parallel_loop3A_533 = arith.cmpi sgt, %parallel_loop3A_527, %parallel_loop3A_532 : vector<16xi32>
      %parallel_loop3A_534 = arith.extui %parallel_loop3A_533 : vector<16xi1> to vector<16xi32>
      %parallel_loop3A_535 = arith.constant 0 : i32
      %parallel_loop3A_536 = vector.broadcast %parallel_loop3A_535 : i32 to vector<16xi32>
      %parallel_loop3A_537 = arith.cmpi slt, %parallel_loop3A_527, %parallel_loop3A_536 : vector<16xi32>
      %parallel_loop3A_538 = arith.extui %parallel_loop3A_537 : vector<16xi1> to vector<16xi32>
      %parallel_loop3A_539 = arith.subi %parallel_loop3A_534, %parallel_loop3A_538 : vector<16xi32>
      %parallel_loop3A_540 = arith.constant 0 : i32
      %parallel_loop3A_541 = arith.cmpi sgt, %parallel_loop3A_528, %parallel_loop3A_540 : i32
      %parallel_loop3A_542 = arith.extui %parallel_loop3A_541 : i1 to i32
      %parallel_loop3A_543 = arith.constant 0 : i32
      %parallel_loop3A_544 = arith.cmpi slt, %parallel_loop3A_528, %parallel_loop3A_543 : i32
      %parallel_loop3A_545 = arith.extui %parallel_loop3A_544 : i1 to i32
      %parallel_loop3A_546 = arith.subi %parallel_loop3A_542, %parallel_loop3A_545 : i32
      %parallel_loop3A_547 = vector.broadcast %parallel_loop3A_546 : i32 to vector<16xi32>
      %parallel_loop3A_548 = arith.cmpi ne, %parallel_loop3A_539, %parallel_loop3A_547 : vector<16xi32>
      %parallel_loop3A_549 = vector.broadcast %parallel_loop3A_528 : i32 to vector<16xi32>
      %parallel_loop3A_550 = arith.remsi %parallel_loop3A_527, %parallel_loop3A_549 : vector<16xi32>
      %parallel_loop3A_551 = arith.constant 0 : i32
      %parallel_loop3A_552 = vector.broadcast %parallel_loop3A_551 : i32 to vector<16xi32>
      %parallel_loop3A_553 = arith.cmpi ne, %parallel_loop3A_550, %parallel_loop3A_552 : vector<16xi32>
      %parallel_loop3A_554 = arith.andi %parallel_loop3A_548, %parallel_loop3A_553 : vector<16xi1>
      %parallel_loop3A_555 = arith.constant 1 : i32
      %parallel_loop3A_556 = vector.broadcast %parallel_loop3A_555 : i32 to vector<16xi32>
      %parallel_loop3A_557 = arith.subi %parallel_loop3A_530, %parallel_loop3A_556 : vector<16xi32>
      %parallel_loop3A_558 = arith.select %parallel_loop3A_554, %parallel_loop3A_557, %parallel_loop3A_530 : vector<16xi1>, vector<16xi32>
      %parallel_loop3A_559 = arith.constant 0 : i32
      %parallel_loop3A_560 = arith.addi %parallel_loop3A_526, %parallel_loop3A_559 : i32
      %parallel_loop3A_561 = arith.constant 4 : i32
      %parallel_loop3A_562 = arith.muli %parallel_loop3A_561, %parallel_loop3A_560 : i32
      %parallel_loop3A_563 = vector.broadcast %parallel_loop3A_562 : i32 to vector<16xi32>
      %parallel_loop3A_564 = arith.addi %parallel_loop3A_558, %parallel_loop3A_563 : vector<16xi32>
      %parallel_loop3A_565 = tpu.vector_load_idx %arg5[%parallel_loop3A_564] : memref<12288xf32, #tpu.memory_space<vmem>>[vector<16xi32>], vector<16xf32>,
      %parallel_loop3A_566 = arith.constant 0 : i32
      %parallel_loop3A_567 = arith.addi %parallel_loop3A_526, %parallel_loop3A_566 : i32
      %parallel_loop3A_568 = arith.constant 16 : i32
      %parallel_loop3A_569 = arith.muli %parallel_loop3A_567, %parallel_loop3A_568 : i32
      %parallel_loop3A_570 = arith.index_cast %parallel_loop3A_569 : i32 to index
      %parallel_loop3A_571 = tpu.vector_load %arg7[%parallel_loop3A_570] {strides = array<i32>} : memref<49152xf32, #tpu.memory_space<vmem>>, vector<16xf32>,
      tpu.vector_store %arg7[%parallel_loop3A_570], %parallel_loop3A_565 {strides = array<i32>} : memref<49152xf32, #tpu.memory_space<vmem>>, vector<16xf32>,
      %parallel_loop3A_572 = arith.constant 1 : i32
      %parallel_loop3A_573 = arith.addi %parallel_loop3A_526, %parallel_loop3A_572 : i32
      %parallel_loop3A_574 = arith.constant 4 : i32
      %parallel_loop3A_575 = arith.muli %parallel_loop3A_574, %parallel_loop3A_573 : i32
      %parallel_loop3A_576 = vector.broadcast %parallel_loop3A_575 : i32 to vector<16xi32>
      %parallel_loop3A_577 = arith.addi %parallel_loop3A_558, %parallel_loop3A_576 : vector<16xi32>
      %parallel_loop3A_578 = tpu.vector_load_idx %arg5[%parallel_loop3A_577] : memref<12288xf32, #tpu.memory_space<vmem>>[vector<16xi32>], vector<16xf32>,
      %parallel_loop3A_579 = arith.constant 1 : i32
      %parallel_loop3A_580 = arith.addi %parallel_loop3A_526, %parallel_loop3A_579 : i32
      %parallel_loop3A_581 = arith.constant 16 : i32
      %parallel_loop3A_582 = arith.muli %parallel_loop3A_580, %parallel_loop3A_581 : i32
      %parallel_loop3A_583 = arith.index_cast %parallel_loop3A_582 : i32 to index
      %parallel_loop3A_584 = tpu.vector_load %arg7[%parallel_loop3A_583] {strides = array<i32>} : memref<49152xf32, #tpu.memory_space<vmem>>, vector<16xf32>,
      tpu.vector_store %arg7[%parallel_loop3A_583], %parallel_loop3A_578 {strides = array<i32>} : memref<49152xf32, #tpu.memory_space<vmem>>, vector<16xf32>,
      %parallel_loop3A_585 = arith.constant 2 : i32
      %parallel_loop3A_586 = arith.addi %parallel_loop3A_526, %parallel_loop3A_585 : i32
      %parallel_loop3A_587 = arith.constant 4 : i32
      %parallel_loop3A_588 = arith.muli %parallel_loop3A_587, %parallel_loop3A_586 : i32
      %parallel_loop3A_589 = vector.broadcast %parallel_loop3A_588 : i32 to vector<16xi32>
      %parallel_loop3A_590 = arith.addi %parallel_loop3A_558, %parallel_loop3A_589 : vector<16xi32>
      %parallel_loop3A_591 = tpu.vector_load_idx %arg5[%parallel_loop3A_590] : memref<12288xf32, #tpu.memory_space<vmem>>[vector<16xi32>], vector<16xf32>,
      %parallel_loop3A_592 = arith.constant 2 : i32
      %parallel_loop3A_593 = arith.addi %parallel_loop3A_526, %parallel_loop3A_592 : i32
      %parallel_loop3A_594 = arith.constant 16 : i32
      %parallel_loop3A_595 = arith.muli %parallel_loop3A_593, %parallel_loop3A_594 : i32
      %parallel_loop3A_596 = arith.index_cast %parallel_loop3A_595 : i32 to index
      %parallel_loop3A_597 = tpu.vector_load %arg7[%parallel_loop3A_596] {strides = array<i32>} : memref<49152xf32, #tpu.memory_space<vmem>>, vector<16xf32>,
      tpu.vector_store %arg7[%parallel_loop3A_596], %parallel_loop3A_591 {strides = array<i32>} : memref<49152xf32, #tpu.memory_space<vmem>>, vector<16xf32>,
      %parallel_loop3A_598 = arith.constant 3 : i32
      %parallel_loop3A_599 = arith.addi %parallel_loop3A_526, %parallel_loop3A_598 : i32
      %parallel_loop3A_600 = arith.constant 4 : i32
      %parallel_loop3A_601 = arith.muli %parallel_loop3A_600, %parallel_loop3A_599 : i32
      %parallel_loop3A_602 = vector.broadcast %parallel_loop3A_601 : i32 to vector<16xi32>
      %parallel_loop3A_603 = arith.addi %parallel_loop3A_558, %parallel_loop3A_602 : vector<16xi32>
      %parallel_loop3A_604 = tpu.vector_load_idx %arg5[%parallel_loop3A_603] : memref<12288xf32, #tpu.memory_space<vmem>>[vector<16xi32>], vector<16xf32>,
      %parallel_loop3A_605 = arith.constant 3 : i32
      %parallel_loop3A_606 = arith.addi %parallel_loop3A_526, %parallel_loop3A_605 : i32
      %parallel_loop3A_607 = arith.constant 16 : i32
      %parallel_loop3A_608 = arith.muli %parallel_loop3A_606, %parallel_loop3A_607 : i32
      %parallel_loop3A_609 = arith.index_cast %parallel_loop3A_608 : i32 to index
      %parallel_loop3A_610 = tpu.vector_load %arg7[%parallel_loop3A_609] {strides = array<i32>} : memref<49152xf32, #tpu.memory_space<vmem>>, vector<16xf32>,
      tpu.vector_store %arg7[%parallel_loop3A_609], %parallel_loop3A_604 {strides = array<i32>} : memref<49152xf32, #tpu.memory_space<vmem>>, vector<16xf32>,
    } {sc.loop_unroll_factor = 4 : i64, sc.parallel_access}
    %add3A_450 = arith.constant 13 : i32
    %add3A_451 = arith.addi %mul3A_2, %add3A_450 : i32
    %dma_start3A_452 = arith.constant 0 : i32
    %dma_start3A_453 = tpu.memref_slice %arg3[%add3A_451, %dma_start3A_452] : memref<512x49152xf32, #tpu.memory_space<hbm>> -> memref<1x49152xf32, #tpu.memory_space<hbm>>
    %dma_start3A_454 = tpu.memref_squeeze %dma_start3A_453 : memref<1x49152xf32, #tpu.memory_space<hbm>> -> memref<49152xf32, #tpu.memory_space<hbm>>
    %dma_start3A_455 = arith.constant 0 : i32
    %dma_start3A_456 = tpu.memref_slice %arg3[%add3A_451, %dma_start3A_455] : memref<512x49152xf32, #tpu.memory_space<hbm>> -> memref<1x49152xf32, #tpu.memory_space<hbm>>
    %dma_start3A_457 = tpu.memref_squeeze %dma_start3A_456 : memref<1x49152xf32, #tpu.memory_space<hbm>> -> memref<49152xf32, #tpu.memory_space<hbm>>
    tpu.enqueue_dma source(%arg7 : memref<49152xf32, #tpu.memory_space<vmem>>) target(%dma_start3A_457 : memref<49152xf32, #tpu.memory_space<hbm>>) target_semaphore(%arg11 : memref<!tpu.dma_semaphore, #tpu.memory_space<semaphore_mem>>)
    %dma_wait3A_458 = arith.constant 0 : i32
    %dma_wait3A_459 = tpu.memref_slice %arg2[%add3A_434, %dma_wait3A_458] : memref<512x12288xf32, #tpu.memory_space<hbm>> -> memref<1x12288xf32, #tpu.memory_space<hbm>>
    %dma_wait3A_460 = tpu.memref_squeeze %dma_wait3A_459 : memref<1x12288xf32, #tpu.memory_space<hbm>> -> memref<12288xf32, #tpu.memory_space<hbm>>
    %dma_wait3A_461 = arith.constant 0 : i32
    %dma_wait3A_462 = tpu.memref_slice %arg2[%add3A_434, %dma_wait3A_461] : memref<512x12288xf32, #tpu.memory_space<hbm>> -> memref<1x12288xf32, #tpu.memory_space<hbm>>
    %dma_wait3A_463 = tpu.memref_squeeze %dma_wait3A_462 : memref<1x12288xf32, #tpu.memory_space<hbm>> -> memref<12288xf32, #tpu.memory_space<hbm>>
    tpu.wait_dma2 semaphore(%arg8 : memref<!tpu.dma_semaphore, #tpu.memory_space<semaphore_mem>>) src(%dma_wait3A_463 : memref<12288xf32, #tpu.memory_space<hbm>>) dst(%arg4 : memref<12288xf32, #tpu.memory_space<vmem>>)
    %add3A_464 = arith.constant 14 : i32
    %add3A_465 = arith.addi %mul3A_2, %add3A_464 : i32
    %add3A_466 = arith.constant 1 : i32
    %add3A_467 = arith.addi %add3A_465, %add3A_466 : i32
    %dma_start3A_468 = arith.constant 0 : i32
    %dma_start3A_469 = tpu.memref_slice %arg2[%add3A_467, %dma_start3A_468] : memref<512x12288xf32, #tpu.memory_space<hbm>> -> memref<1x12288xf32, #tpu.memory_space<hbm>>
    %dma_start3A_470 = tpu.memref_squeeze %dma_start3A_469 : memref<1x12288xf32, #tpu.memory_space<hbm>> -> memref<12288xf32, #tpu.memory_space<hbm>>
    %dma_start3A_471 = arith.constant 0 : i32
    %dma_start3A_472 = tpu.memref_slice %arg2[%add3A_467, %dma_start3A_471] : memref<512x12288xf32, #tpu.memory_space<hbm>> -> memref<1x12288xf32, #tpu.memory_space<hbm>>
    %dma_start3A_473 = tpu.memref_squeeze %dma_start3A_472 : memref<1x12288xf32, #tpu.memory_space<hbm>> -> memref<12288xf32, #tpu.memory_space<hbm>>
    tpu.enqueue_dma source(%dma_start3A_473 : memref<12288xf32, #tpu.memory_space<hbm>>) target(%arg5 : memref<12288xf32, #tpu.memory_space<vmem>>) target_semaphore(%arg9 : memref<!tpu.dma_semaphore, #tpu.memory_space<semaphore_mem>>)
    %dma_wait3A_474 = arith.constant 0 : i32
    %dma_wait3A_475 = tpu.memref_slice %arg3[%add3A_418, %dma_wait3A_474] : memref<512x49152xf32, #tpu.memory_space<hbm>> -> memref<1x49152xf32, #tpu.memory_space<hbm>>
    %dma_wait3A_476 = tpu.memref_squeeze %dma_wait3A_475 : memref<1x49152xf32, #tpu.memory_space<hbm>> -> memref<49152xf32, #tpu.memory_space<hbm>>
    %dma_wait3A_477 = arith.constant 0 : i32
    %dma_wait3A_478 = tpu.memref_slice %arg3[%add3A_418, %dma_wait3A_477] : memref<512x49152xf32, #tpu.memory_space<hbm>> -> memref<1x49152xf32, #tpu.memory_space<hbm>>
    %dma_wait3A_479 = tpu.memref_squeeze %dma_wait3A_478 : memref<1x49152xf32, #tpu.memory_space<hbm>> -> memref<49152xf32, #tpu.memory_space<hbm>>
    tpu.wait_dma2 semaphore(%arg10 : memref<!tpu.dma_semaphore, #tpu.memory_space<semaphore_mem>>) src(%arg6 : memref<49152xf32, #tpu.memory_space<vmem>>) dst(%dma_wait3A_479 : memref<49152xf32, #tpu.memory_space<hbm>>)
    %parallel_loop3A_480 = arith.constant 0 : i32
    %parallel_loop3A_481 = arith.constant 3072 : i32
    %parallel_loop3A_482 = arith.constant 4 : i32
    scf.for %parallel_loop3A_526 = %parallel_loop3A_480 to %parallel_loop3A_481 step %parallel_loop3A_482  : i32 {
      %parallel_loop3A_527 = tpu.iota {dimensions = array<i32: 0>} : vector<16xi32>
      %parallel_loop3A_528 = arith.constant 4 : i32
      %parallel_loop3A_529 = vector.broadcast %parallel_loop3A_528 : i32 to vector<16xi32>
      %parallel_loop3A_530 = arith.divsi %parallel_loop3A_527, %parallel_loop3A_529 : vector<16xi32>
      %parallel_loop3A_531 = arith.constant 0 : i32
      %parallel_loop3A_532 = vector.broadcast %parallel_loop3A_531 : i32 to vector<16xi32>
      %parallel_loop3A_533 = arith.cmpi sgt, %parallel_loop3A_527, %parallel_loop3A_532 : vector<16xi32>
      %parallel_loop3A_534 = arith.extui %parallel_loop3A_533 : vector<16xi1> to vector<16xi32>
      %parallel_loop3A_535 = arith.constant 0 : i32
      %parallel_loop3A_536 = vector.broadcast %parallel_loop3A_535 : i32 to vector<16xi32>
      %parallel_loop3A_537 = arith.cmpi slt, %parallel_loop3A_527, %parallel_loop3A_536 : vector<16xi32>
      %parallel_loop3A_538 = arith.extui %parallel_loop3A_537 : vector<16xi1> to vector<16xi32>
      %parallel_loop3A_539 = arith.subi %parallel_loop3A_534, %parallel_loop3A_538 : vector<16xi32>
      %parallel_loop3A_540 = arith.constant 0 : i32
      %parallel_loop3A_541 = arith.cmpi sgt, %parallel_loop3A_528, %parallel_loop3A_540 : i32
      %parallel_loop3A_542 = arith.extui %parallel_loop3A_541 : i1 to i32
      %parallel_loop3A_543 = arith.constant 0 : i32
      %parallel_loop3A_544 = arith.cmpi slt, %parallel_loop3A_528, %parallel_loop3A_543 : i32
      %parallel_loop3A_545 = arith.extui %parallel_loop3A_544 : i1 to i32
      %parallel_loop3A_546 = arith.subi %parallel_loop3A_542, %parallel_loop3A_545 : i32
      %parallel_loop3A_547 = vector.broadcast %parallel_loop3A_546 : i32 to vector<16xi32>
      %parallel_loop3A_548 = arith.cmpi ne, %parallel_loop3A_539, %parallel_loop3A_547 : vector<16xi32>
      %parallel_loop3A_549 = vector.broadcast %parallel_loop3A_528 : i32 to vector<16xi32>
      %parallel_loop3A_550 = arith.remsi %parallel_loop3A_527, %parallel_loop3A_549 : vector<16xi32>
      %parallel_loop3A_551 = arith.constant 0 : i32
      %parallel_loop3A_552 = vector.broadcast %parallel_loop3A_551 : i32 to vector<16xi32>
      %parallel_loop3A_553 = arith.cmpi ne, %parallel_loop3A_550, %parallel_loop3A_552 : vector<16xi32>
      %parallel_loop3A_554 = arith.andi %parallel_loop3A_548, %parallel_loop3A_553 : vector<16xi1>
      %parallel_loop3A_555 = arith.constant 1 : i32
      %parallel_loop3A_556 = vector.broadcast %parallel_loop3A_555 : i32 to vector<16xi32>
      %parallel_loop3A_557 = arith.subi %parallel_loop3A_530, %parallel_loop3A_556 : vector<16xi32>
      %parallel_loop3A_558 = arith.select %parallel_loop3A_554, %parallel_loop3A_557, %parallel_loop3A_530 : vector<16xi1>, vector<16xi32>
      %parallel_loop3A_559 = arith.constant 0 : i32
      %parallel_loop3A_560 = arith.addi %parallel_loop3A_526, %parallel_loop3A_559 : i32
      %parallel_loop3A_561 = arith.constant 4 : i32
      %parallel_loop3A_562 = arith.muli %parallel_loop3A_561, %parallel_loop3A_560 : i32
      %parallel_loop3A_563 = vector.broadcast %parallel_loop3A_562 : i32 to vector<16xi32>
      %parallel_loop3A_564 = arith.addi %parallel_loop3A_558, %parallel_loop3A_563 : vector<16xi32>
      %parallel_loop3A_565 = tpu.vector_load_idx %arg4[%parallel_loop3A_564] : memref<12288xf32, #tpu.memory_space<vmem>>[vector<16xi32>], vector<16xf32>,
      %parallel_loop3A_566 = arith.constant 0 : i32
      %parallel_loop3A_567 = arith.addi %parallel_loop3A_526, %parallel_loop3A_566 : i32
      %parallel_loop3A_568 = arith.constant 16 : i32
      %parallel_loop3A_569 = arith.muli %parallel_loop3A_567, %parallel_loop3A_568 : i32
      %parallel_loop3A_570 = arith.index_cast %parallel_loop3A_569 : i32 to index
      %parallel_loop3A_571 = tpu.vector_load %arg6[%parallel_loop3A_570] {strides = array<i32>} : memref<49152xf32, #tpu.memory_space<vmem>>, vector<16xf32>,
      tpu.vector_store %arg6[%parallel_loop3A_570], %parallel_loop3A_565 {strides = array<i32>} : memref<49152xf32, #tpu.memory_space<vmem>>, vector<16xf32>,
      %parallel_loop3A_572 = arith.constant 1 : i32
      %parallel_loop3A_573 = arith.addi %parallel_loop3A_526, %parallel_loop3A_572 : i32
      %parallel_loop3A_574 = arith.constant 4 : i32
      %parallel_loop3A_575 = arith.muli %parallel_loop3A_574, %parallel_loop3A_573 : i32
      %parallel_loop3A_576 = vector.broadcast %parallel_loop3A_575 : i32 to vector<16xi32>
      %parallel_loop3A_577 = arith.addi %parallel_loop3A_558, %parallel_loop3A_576 : vector<16xi32>
      %parallel_loop3A_578 = tpu.vector_load_idx %arg4[%parallel_loop3A_577] : memref<12288xf32, #tpu.memory_space<vmem>>[vector<16xi32>], vector<16xf32>,
      %parallel_loop3A_579 = arith.constant 1 : i32
      %parallel_loop3A_580 = arith.addi %parallel_loop3A_526, %parallel_loop3A_579 : i32
      %parallel_loop3A_581 = arith.constant 16 : i32
      %parallel_loop3A_582 = arith.muli %parallel_loop3A_580, %parallel_loop3A_581 : i32
      %parallel_loop3A_583 = arith.index_cast %parallel_loop3A_582 : i32 to index
      %parallel_loop3A_584 = tpu.vector_load %arg6[%parallel_loop3A_583] {strides = array<i32>} : memref<49152xf32, #tpu.memory_space<vmem>>, vector<16xf32>,
      tpu.vector_store %arg6[%parallel_loop3A_583], %parallel_loop3A_578 {strides = array<i32>} : memref<49152xf32, #tpu.memory_space<vmem>>, vector<16xf32>,
      %parallel_loop3A_585 = arith.constant 2 : i32
      %parallel_loop3A_586 = arith.addi %parallel_loop3A_526, %parallel_loop3A_585 : i32
      %parallel_loop3A_587 = arith.constant 4 : i32
      %parallel_loop3A_588 = arith.muli %parallel_loop3A_587, %parallel_loop3A_586 : i32
      %parallel_loop3A_589 = vector.broadcast %parallel_loop3A_588 : i32 to vector<16xi32>
      %parallel_loop3A_590 = arith.addi %parallel_loop3A_558, %parallel_loop3A_589 : vector<16xi32>
      %parallel_loop3A_591 = tpu.vector_load_idx %arg4[%parallel_loop3A_590] : memref<12288xf32, #tpu.memory_space<vmem>>[vector<16xi32>], vector<16xf32>,
      %parallel_loop3A_592 = arith.constant 2 : i32
      %parallel_loop3A_593 = arith.addi %parallel_loop3A_526, %parallel_loop3A_592 : i32
      %parallel_loop3A_594 = arith.constant 16 : i32
      %parallel_loop3A_595 = arith.muli %parallel_loop3A_593, %parallel_loop3A_594 : i32
      %parallel_loop3A_596 = arith.index_cast %parallel_loop3A_595 : i32 to index
      %parallel_loop3A_597 = tpu.vector_load %arg6[%parallel_loop3A_596] {strides = array<i32>} : memref<49152xf32, #tpu.memory_space<vmem>>, vector<16xf32>,
      tpu.vector_store %arg6[%parallel_loop3A_596], %parallel_loop3A_591 {strides = array<i32>} : memref<49152xf32, #tpu.memory_space<vmem>>, vector<16xf32>,
      %parallel_loop3A_598 = arith.constant 3 : i32
      %parallel_loop3A_599 = arith.addi %parallel_loop3A_526, %parallel_loop3A_598 : i32
      %parallel_loop3A_600 = arith.constant 4 : i32
      %parallel_loop3A_601 = arith.muli %parallel_loop3A_600, %parallel_loop3A_599 : i32
      %parallel_loop3A_602 = vector.broadcast %parallel_loop3A_601 : i32 to vector<16xi32>
      %parallel_loop3A_603 = arith.addi %parallel_loop3A_558, %parallel_loop3A_602 : vector<16xi32>
      %parallel_loop3A_604 = tpu.vector_load_idx %arg4[%parallel_loop3A_603] : memref<12288xf32, #tpu.memory_space<vmem>>[vector<16xi32>], vector<16xf32>,
      %parallel_loop3A_605 = arith.constant 3 : i32
      %parallel_loop3A_606 = arith.addi %parallel_loop3A_526, %parallel_loop3A_605 : i32
      %parallel_loop3A_607 = arith.constant 16 : i32
      %parallel_loop3A_608 = arith.muli %parallel_loop3A_606, %parallel_loop3A_607 : i32
      %parallel_loop3A_609 = arith.index_cast %parallel_loop3A_608 : i32 to index
      %parallel_loop3A_610 = tpu.vector_load %arg6[%parallel_loop3A_609] {strides = array<i32>} : memref<49152xf32, #tpu.memory_space<vmem>>, vector<16xf32>,
      tpu.vector_store %arg6[%parallel_loop3A_609], %parallel_loop3A_604 {strides = array<i32>} : memref<49152xf32, #tpu.memory_space<vmem>>, vector<16xf32>,
    } {sc.loop_unroll_factor = 4 : i64, sc.parallel_access}
    %add3A_483 = arith.constant 14 : i32
    %add3A_484 = arith.addi %mul3A_2, %add3A_483 : i32
    %dma_start3A_485 = arith.constant 0 : i32
    %dma_start3A_486 = tpu.memref_slice %arg3[%add3A_484, %dma_start3A_485] : memref<512x49152xf32, #tpu.memory_space<hbm>> -> memref<1x49152xf32, #tpu.memory_space<hbm>>
    %dma_start3A_487 = tpu.memref_squeeze %dma_start3A_486 : memref<1x49152xf32, #tpu.memory_space<hbm>> -> memref<49152xf32, #tpu.memory_space<hbm>>
    %dma_start3A_488 = arith.constant 0 : i32
    %dma_start3A_489 = tpu.memref_slice %arg3[%add3A_484, %dma_start3A_488] : memref<512x49152xf32, #tpu.memory_space<hbm>> -> memref<1x49152xf32, #tpu.memory_space<hbm>>
    %dma_start3A_490 = tpu.memref_squeeze %dma_start3A_489 : memref<1x49152xf32, #tpu.memory_space<hbm>> -> memref<49152xf32, #tpu.memory_space<hbm>>
    tpu.enqueue_dma source(%arg6 : memref<49152xf32, #tpu.memory_space<vmem>>) target(%dma_start3A_490 : memref<49152xf32, #tpu.memory_space<hbm>>) target_semaphore(%arg10 : memref<!tpu.dma_semaphore, #tpu.memory_space<semaphore_mem>>)
    %dma_wait3A_491 = arith.constant 0 : i32
    %dma_wait3A_492 = tpu.memref_slice %arg2[%add3A_467, %dma_wait3A_491] : memref<512x12288xf32, #tpu.memory_space<hbm>> -> memref<1x12288xf32, #tpu.memory_space<hbm>>
    %dma_wait3A_493 = tpu.memref_squeeze %dma_wait3A_492 : memref<1x12288xf32, #tpu.memory_space<hbm>> -> memref<12288xf32, #tpu.memory_space<hbm>>
    %dma_wait3A_494 = arith.constant 0 : i32
    %dma_wait3A_495 = tpu.memref_slice %arg2[%add3A_467, %dma_wait3A_494] : memref<512x12288xf32, #tpu.memory_space<hbm>> -> memref<1x12288xf32, #tpu.memory_space<hbm>>
    %dma_wait3A_496 = tpu.memref_squeeze %dma_wait3A_495 : memref<1x12288xf32, #tpu.memory_space<hbm>> -> memref<12288xf32, #tpu.memory_space<hbm>>
    tpu.wait_dma2 semaphore(%arg9 : memref<!tpu.dma_semaphore, #tpu.memory_space<semaphore_mem>>) src(%dma_wait3A_496 : memref<12288xf32, #tpu.memory_space<hbm>>) dst(%arg5 : memref<12288xf32, #tpu.memory_space<vmem>>)
    %dma_wait3A_497 = arith.constant 0 : i32
    %dma_wait3A_498 = tpu.memref_slice %arg3[%add3A_451, %dma_wait3A_497] : memref<512x49152xf32, #tpu.memory_space<hbm>> -> memref<1x49152xf32, #tpu.memory_space<hbm>>
    %dma_wait3A_499 = tpu.memref_squeeze %dma_wait3A_498 : memref<1x49152xf32, #tpu.memory_space<hbm>> -> memref<49152xf32, #tpu.memory_space<hbm>>
    %dma_wait3A_500 = arith.constant 0 : i32
    %dma_wait3A_501 = tpu.memref_slice %arg3[%add3A_451, %dma_wait3A_500] : memref<512x49152xf32, #tpu.memory_space<hbm>> -> memref<1x49152xf32, #tpu.memory_space<hbm>>
    %dma_wait3A_502 = tpu.memref_squeeze %dma_wait3A_501 : memref<1x49152xf32, #tpu.memory_space<hbm>> -> memref<49152xf32, #tpu.memory_space<hbm>>
    tpu.wait_dma2 semaphore(%arg11 : memref<!tpu.dma_semaphore, #tpu.memory_space<semaphore_mem>>) src(%arg7 : memref<49152xf32, #tpu.memory_space<vmem>>) dst(%dma_wait3A_502 : memref<49152xf32, #tpu.memory_space<hbm>>)
    %parallel_loop3A_503 = arith.constant 0 : i32
    %parallel_loop3A_504 = arith.constant 3072 : i32
    %parallel_loop3A_505 = arith.constant 4 : i32
    scf.for %parallel_loop3A_526 = %parallel_loop3A_503 to %parallel_loop3A_504 step %parallel_loop3A_505  : i32 {
      %parallel_loop3A_527 = tpu.iota {dimensions = array<i32: 0>} : vector<16xi32>
      %parallel_loop3A_528 = arith.constant 4 : i32
      %parallel_loop3A_529 = vector.broadcast %parallel_loop3A_528 : i32 to vector<16xi32>
      %parallel_loop3A_530 = arith.divsi %parallel_loop3A_527, %parallel_loop3A_529 : vector<16xi32>
      %parallel_loop3A_531 = arith.constant 0 : i32
      %parallel_loop3A_532 = vector.broadcast %parallel_loop3A_531 : i32 to vector<16xi32>
      %parallel_loop3A_533 = arith.cmpi sgt, %parallel_loop3A_527, %parallel_loop3A_532 : vector<16xi32>
      %parallel_loop3A_534 = arith.extui %parallel_loop3A_533 : vector<16xi1> to vector<16xi32>
      %parallel_loop3A_535 = arith.constant 0 : i32
      %parallel_loop3A_536 = vector.broadcast %parallel_loop3A_535 : i32 to vector<16xi32>
      %parallel_loop3A_537 = arith.cmpi slt, %parallel_loop3A_527, %parallel_loop3A_536 : vector<16xi32>
      %parallel_loop3A_538 = arith.extui %parallel_loop3A_537 : vector<16xi1> to vector<16xi32>
      %parallel_loop3A_539 = arith.subi %parallel_loop3A_534, %parallel_loop3A_538 : vector<16xi32>
      %parallel_loop3A_540 = arith.constant 0 : i32
      %parallel_loop3A_541 = arith.cmpi sgt, %parallel_loop3A_528, %parallel_loop3A_540 : i32
      %parallel_loop3A_542 = arith.extui %parallel_loop3A_541 : i1 to i32
      %parallel_loop3A_543 = arith.constant 0 : i32
      %parallel_loop3A_544 = arith.cmpi slt, %parallel_loop3A_528, %parallel_loop3A_543 : i32
      %parallel_loop3A_545 = arith.extui %parallel_loop3A_544 : i1 to i32
      %parallel_loop3A_546 = arith.subi %parallel_loop3A_542, %parallel_loop3A_545 : i32
      %parallel_loop3A_547 = vector.broadcast %parallel_loop3A_546 : i32 to vector<16xi32>
      %parallel_loop3A_548 = arith.cmpi ne, %parallel_loop3A_539, %parallel_loop3A_547 : vector<16xi32>
      %parallel_loop3A_549 = vector.broadcast %parallel_loop3A_528 : i32 to vector<16xi32>
      %parallel_loop3A_550 = arith.remsi %parallel_loop3A_527, %parallel_loop3A_549 : vector<16xi32>
      %parallel_loop3A_551 = arith.constant 0 : i32
      %parallel_loop3A_552 = vector.broadcast %parallel_loop3A_551 : i32 to vector<16xi32>
      %parallel_loop3A_553 = arith.cmpi ne, %parallel_loop3A_550, %parallel_loop3A_552 : vector<16xi32>
      %parallel_loop3A_554 = arith.andi %parallel_loop3A_548, %parallel_loop3A_553 : vector<16xi1>
      %parallel_loop3A_555 = arith.constant 1 : i32
      %parallel_loop3A_556 = vector.broadcast %parallel_loop3A_555 : i32 to vector<16xi32>
      %parallel_loop3A_557 = arith.subi %parallel_loop3A_530, %parallel_loop3A_556 : vector<16xi32>
      %parallel_loop3A_558 = arith.select %parallel_loop3A_554, %parallel_loop3A_557, %parallel_loop3A_530 : vector<16xi1>, vector<16xi32>
      %parallel_loop3A_559 = arith.constant 0 : i32
      %parallel_loop3A_560 = arith.addi %parallel_loop3A_526, %parallel_loop3A_559 : i32
      %parallel_loop3A_561 = arith.constant 4 : i32
      %parallel_loop3A_562 = arith.muli %parallel_loop3A_561, %parallel_loop3A_560 : i32
      %parallel_loop3A_563 = vector.broadcast %parallel_loop3A_562 : i32 to vector<16xi32>
      %parallel_loop3A_564 = arith.addi %parallel_loop3A_558, %parallel_loop3A_563 : vector<16xi32>
      %parallel_loop3A_565 = tpu.vector_load_idx %arg5[%parallel_loop3A_564] : memref<12288xf32, #tpu.memory_space<vmem>>[vector<16xi32>], vector<16xf32>,
      %parallel_loop3A_566 = arith.constant 0 : i32
      %parallel_loop3A_567 = arith.addi %parallel_loop3A_526, %parallel_loop3A_566 : i32
      %parallel_loop3A_568 = arith.constant 16 : i32
      %parallel_loop3A_569 = arith.muli %parallel_loop3A_567, %parallel_loop3A_568 : i32
      %parallel_loop3A_570 = arith.index_cast %parallel_loop3A_569 : i32 to index
      %parallel_loop3A_571 = tpu.vector_load %arg7[%parallel_loop3A_570] {strides = array<i32>} : memref<49152xf32, #tpu.memory_space<vmem>>, vector<16xf32>,
      tpu.vector_store %arg7[%parallel_loop3A_570], %parallel_loop3A_565 {strides = array<i32>} : memref<49152xf32, #tpu.memory_space<vmem>>, vector<16xf32>,
      %parallel_loop3A_572 = arith.constant 1 : i32
      %parallel_loop3A_573 = arith.addi %parallel_loop3A_526, %parallel_loop3A_572 : i32
      %parallel_loop3A_574 = arith.constant 4 : i32
      %parallel_loop3A_575 = arith.muli %parallel_loop3A_574, %parallel_loop3A_573 : i32
      %parallel_loop3A_576 = vector.broadcast %parallel_loop3A_575 : i32 to vector<16xi32>
      %parallel_loop3A_577 = arith.addi %parallel_loop3A_558, %parallel_loop3A_576 : vector<16xi32>
      %parallel_loop3A_578 = tpu.vector_load_idx %arg5[%parallel_loop3A_577] : memref<12288xf32, #tpu.memory_space<vmem>>[vector<16xi32>], vector<16xf32>,
      %parallel_loop3A_579 = arith.constant 1 : i32
      %parallel_loop3A_580 = arith.addi %parallel_loop3A_526, %parallel_loop3A_579 : i32
      %parallel_loop3A_581 = arith.constant 16 : i32
      %parallel_loop3A_582 = arith.muli %parallel_loop3A_580, %parallel_loop3A_581 : i32
      %parallel_loop3A_583 = arith.index_cast %parallel_loop3A_582 : i32 to index
      %parallel_loop3A_584 = tpu.vector_load %arg7[%parallel_loop3A_583] {strides = array<i32>} : memref<49152xf32, #tpu.memory_space<vmem>>, vector<16xf32>,
      tpu.vector_store %arg7[%parallel_loop3A_583], %parallel_loop3A_578 {strides = array<i32>} : memref<49152xf32, #tpu.memory_space<vmem>>, vector<16xf32>,
      %parallel_loop3A_585 = arith.constant 2 : i32
      %parallel_loop3A_586 = arith.addi %parallel_loop3A_526, %parallel_loop3A_585 : i32
      %parallel_loop3A_587 = arith.constant 4 : i32
      %parallel_loop3A_588 = arith.muli %parallel_loop3A_587, %parallel_loop3A_586 : i32
      %parallel_loop3A_589 = vector.broadcast %parallel_loop3A_588 : i32 to vector<16xi32>
      %parallel_loop3A_590 = arith.addi %parallel_loop3A_558, %parallel_loop3A_589 : vector<16xi32>
      %parallel_loop3A_591 = tpu.vector_load_idx %arg5[%parallel_loop3A_590] : memref<12288xf32, #tpu.memory_space<vmem>>[vector<16xi32>], vector<16xf32>,
      %parallel_loop3A_592 = arith.constant 2 : i32
      %parallel_loop3A_593 = arith.addi %parallel_loop3A_526, %parallel_loop3A_592 : i32
      %parallel_loop3A_594 = arith.constant 16 : i32
      %parallel_loop3A_595 = arith.muli %parallel_loop3A_593, %parallel_loop3A_594 : i32
      %parallel_loop3A_596 = arith.index_cast %parallel_loop3A_595 : i32 to index
      %parallel_loop3A_597 = tpu.vector_load %arg7[%parallel_loop3A_596] {strides = array<i32>} : memref<49152xf32, #tpu.memory_space<vmem>>, vector<16xf32>,
      tpu.vector_store %arg7[%parallel_loop3A_596], %parallel_loop3A_591 {strides = array<i32>} : memref<49152xf32, #tpu.memory_space<vmem>>, vector<16xf32>,
      %parallel_loop3A_598 = arith.constant 3 : i32
      %parallel_loop3A_599 = arith.addi %parallel_loop3A_526, %parallel_loop3A_598 : i32
      %parallel_loop3A_600 = arith.constant 4 : i32
      %parallel_loop3A_601 = arith.muli %parallel_loop3A_600, %parallel_loop3A_599 : i32
      %parallel_loop3A_602 = vector.broadcast %parallel_loop3A_601 : i32 to vector<16xi32>
      %parallel_loop3A_603 = arith.addi %parallel_loop3A_558, %parallel_loop3A_602 : vector<16xi32>
      %parallel_loop3A_604 = tpu.vector_load_idx %arg5[%parallel_loop3A_603] : memref<12288xf32, #tpu.memory_space<vmem>>[vector<16xi32>], vector<16xf32>,
      %parallel_loop3A_605 = arith.constant 3 : i32
      %parallel_loop3A_606 = arith.addi %parallel_loop3A_526, %parallel_loop3A_605 : i32
      %parallel_loop3A_607 = arith.constant 16 : i32
      %parallel_loop3A_608 = arith.muli %parallel_loop3A_606, %parallel_loop3A_607 : i32
      %parallel_loop3A_609 = arith.index_cast %parallel_loop3A_608 : i32 to index
      %parallel_loop3A_610 = tpu.vector_load %arg7[%parallel_loop3A_609] {strides = array<i32>} : memref<49152xf32, #tpu.memory_space<vmem>>, vector<16xf32>,
      tpu.vector_store %arg7[%parallel_loop3A_609], %parallel_loop3A_604 {strides = array<i32>} : memref<49152xf32, #tpu.memory_space<vmem>>, vector<16xf32>,
    } {sc.loop_unroll_factor = 4 : i64, sc.parallel_access}
    %add3A_506 = arith.constant 15 : i32
    %add3A_507 = arith.addi %mul3A_2, %add3A_506 : i32
    %dma_start3A_508 = arith.constant 0 : i32
    %dma_start3A_509 = tpu.memref_slice %arg3[%add3A_507, %dma_start3A_508] : memref<512x49152xf32, #tpu.memory_space<hbm>> -> memref<1x49152xf32, #tpu.memory_space<hbm>>
    %dma_start3A_510 = tpu.memref_squeeze %dma_start3A_509 : memref<1x49152xf32, #tpu.memory_space<hbm>> -> memref<49152xf32, #tpu.memory_space<hbm>>
    %dma_start3A_511 = arith.constant 0 : i32
    %dma_start3A_512 = tpu.memref_slice %arg3[%add3A_507, %dma_start3A_511] : memref<512x49152xf32, #tpu.memory_space<hbm>> -> memref<1x49152xf32, #tpu.memory_space<hbm>>
    %dma_start3A_513 = tpu.memref_squeeze %dma_start3A_512 : memref<1x49152xf32, #tpu.memory_space<hbm>> -> memref<49152xf32, #tpu.memory_space<hbm>>
    tpu.enqueue_dma source(%arg7 : memref<49152xf32, #tpu.memory_space<vmem>>) target(%dma_start3A_513 : memref<49152xf32, #tpu.memory_space<hbm>>) target_semaphore(%arg11 : memref<!tpu.dma_semaphore, #tpu.memory_space<semaphore_mem>>)
    %dma_wait3A_514 = arith.constant 0 : i32
    %dma_wait3A_515 = tpu.memref_slice %arg3[%add3A_484, %dma_wait3A_514] : memref<512x49152xf32, #tpu.memory_space<hbm>> -> memref<1x49152xf32, #tpu.memory_space<hbm>>
    %dma_wait3A_516 = tpu.memref_squeeze %dma_wait3A_515 : memref<1x49152xf32, #tpu.memory_space<hbm>> -> memref<49152xf32, #tpu.memory_space<hbm>>
    %dma_wait3A_517 = arith.constant 0 : i32
    %dma_wait3A_518 = tpu.memref_slice %arg3[%add3A_484, %dma_wait3A_517] : memref<512x49152xf32, #tpu.memory_space<hbm>> -> memref<1x49152xf32, #tpu.memory_space<hbm>>
    %dma_wait3A_519 = tpu.memref_squeeze %dma_wait3A_518 : memref<1x49152xf32, #tpu.memory_space<hbm>> -> memref<49152xf32, #tpu.memory_space<hbm>>
    tpu.wait_dma2 semaphore(%arg10 : memref<!tpu.dma_semaphore, #tpu.memory_space<semaphore_mem>>) src(%arg6 : memref<49152xf32, #tpu.memory_space<vmem>>) dst(%dma_wait3A_519 : memref<49152xf32, #tpu.memory_space<hbm>>)
    %dma_wait3A_520 = arith.constant 0 : i32
    %dma_wait3A_521 = tpu.memref_slice %arg3[%add3A_507, %dma_wait3A_520] : memref<512x49152xf32, #tpu.memory_space<hbm>> -> memref<1x49152xf32, #tpu.memory_space<hbm>>
    %dma_wait3A_522 = tpu.memref_squeeze %dma_wait3A_521 : memref<1x49152xf32, #tpu.memory_space<hbm>> -> memref<49152xf32, #tpu.memory_space<hbm>>
    %dma_wait3A_523 = arith.constant 0 : i32
    %dma_wait3A_524 = tpu.memref_slice %arg3[%add3A_507, %dma_wait3A_523] : memref<512x49152xf32, #tpu.memory_space<hbm>> -> memref<1x49152xf32, #tpu.memory_space<hbm>>
    %dma_wait3A_525 = tpu.memref_squeeze %dma_wait3A_524 : memref<1x49152xf32, #tpu.memory_space<hbm>> -> memref<49152xf32, #tpu.memory_space<hbm>>
    tpu.wait_dma2 semaphore(%arg11 : memref<!tpu.dma_semaphore, #tpu.memory_space<semaphore_mem>>) src(%arg7 : memref<49152xf32, #tpu.memory_space<vmem>>) dst(%dma_wait3A_525 : memref<49152xf32, #tpu.memory_space<hbm>>)
    return
  }
}

</mosaic_0001>

<sc_bundles>
// kernel: kernel.3.cloned.1.call-start
scs
__scs_entry_jumppad:
0x0: {  	(pc) =	sbr.rel $0x88, $3  }
0x1: {  	(tag) =	ssettag $0x0;
	lr =	simm.s32 $0x1  }
0x2: {  	[smem:$0x3FA0] =	sst lr;
	_ =	strace $0xD0000000  }
0x3: {  	_ = 	snop  }
0x4: {  	_ = 	snop  }
0x5: {  	_ = 	snop  }
0x6: {  	_ = 	snop  }
0x7: {  	_ = 	snop  }
__scs_overlays_trampoline_lowered:
0x8: {  	[smem:$0x3FAF] =	sst s0  }
0x9: {  	[smem:$0x3FB0] =	sst s1  }
0xa: {  	[smem:$0x3FB1] =	sst s2  }
0xb: {  	[smem:$0x3FB2] =	sst s3  }
0xc: {  	[smem:$0x3FB3] =	sst s4  }
0xd: {  	[smem:$0x3FB4] =	sst s5  }
0xe: {  	[smem:$0x3FB5] =	sst s6  }
0xf: {  	[smem:$0x3FB6] =	sst s7  }
0x10: {  	[smem:$0x3FB7] =	sst s8  }
0x11: {  	[smem:$0x3FB8] =	sst s9;
	s0 =	simm.s32 @!p0 $0x0  }
0x12: {  	s1 =	sld [smem:$0x3F9E];
	s0 =	simm.s32 @p0 $0x1  }
0x13: {  	[smem:$0x3FB9] =	sst s0;
	s0 =	simm.s32 @!p1 $0x0  }
0x14: {  	s2 =	sld [smem:$0x3F9D];
	s0 =	simm.s32 @p1 $0x1  }
0x15: {  	[smem:$0x3FBA] =	sst s0;
	s0 =	simm.s32 @!p2 $0x0  }
0x16: {  	s3 =	sld [smem:$0x3FDB];
	s0 =	simm.s32 @p2 $0x1  }
0x17: {  	s4 =	simm.s32 $0x1BF5;
	[smem:$0x3FBC] =	sst s0  }
0x18: {  	s0 =	sld [smem:$0x3F9F];
	_ =	swait.ge [sflag:s4], $0x0  }
0x19: {  	s7 =	sld [smem:$0x3FA0]  }
0x1a: {  	s8 =	sadd.s32 $0xFFFFE003, lr  }
0x1b: {  	s9 =	sadd.s32 $0xFFFFFEF7, lr;
	s5 =	simm.s32 $0xFFFFFFFF;
	p2 =	slt.u32 s8, $0xFFFFF086  }
0x1c: {  	p1 =	slt.u32 s9, $0xF7A;
	s5 =	simm.s32 @!p2 $0x0  }
0x1d: {  	s5 =	simm.s32 @p1 $0x1;
	p0 =	seq.s32 s7, s2  }
0x1e: {  	s7 =	smul.u32 @!p0 $0xF7A, s2;
	p2 =	seq.s32 @!p0 s5, $0x0  }
0x1f: {  	s9 =	smul.u32 $0xF7A, s1;
	s8 =	simm.s32 @!p0 $0x1BF5;
	p2 =	por !p2, p0  }
0x20: {  	[sflag:s8] =	ssyncset.s32 @!p0 $0xFFFFF086;
	s6 =	sadd.s32 @!p0 s3, s7;
	s7 =	simm.s32 @!p0 $0x108  }
0x21: {  	s3 =	sadd.s32 s3, s9;
	s6 =	sadd.s32 @!p0 $0x88, s6;
	s7 =	simm.s32 @p2 $0x1082  }
0x22: {  	[simem:s7], [sflag:s8] =	dma.local @!p0 [hbm:s6], $0xF7A  }
0x23: {  	s9 =	sor.u32 $0xD0000000, s2;
	s6 =	simm.s32 $0x108;
	_ =	swait.ge @!p0 [sflag:s8], $0x0  }
0x24: {  	s3 =	sadd.s32 $0x88, s3;
	s6 =	simm.s32 @!p1 $0x1082;
	[sflag:s4] =	ssyncset.s32 $0xFFFFF086  }
0x25: {  	[simem:s6], [sflag:s4] =	dma.local [hbm:s3], $0xF7A  }
0x26: {  	[smem:$0x3FA0] =	sst s1;
	(tag) =	ssettag s2;
	_ =	strace s9  }
0x27: {  	s1 =	sld [smem:$0x3FB0]  }
0x28: {  	s2 =	sld [smem:$0x3FB1]  }
0x29: {  	s4 =	sld [smem:$0x3FB3]  }
0x2a: {  	p0 =	seq.s32 s5, $0x0;
	s5 =	sld [smem:$0x3FB4]  }
0x2b: {  	s6 =	sld [smem:$0x3FB5]  }
0x2c: {  	s7 =	sld [smem:$0x3FB6]  }
0x2d: {  	s3 =	simm.s32 $0x108;
	s8 =	sld [smem:$0x3FB7]  }
0x2e: {  	s3 =	simm.s32 @!p0 $0x1082;
	s9 =	sld [smem:$0x3FB8]  }
0x2f: {  	lr =	sadd.s32 s0, s3;
	s0 =	sld [smem:$0x3FAF]  }
0x30: {  	s3 =	sld [smem:$0x3FB2]  }
0x31: {  	[smem:$0x3FBB] =	sst s10  }
0x32: {  	s10 =	sld [smem:$0x3FB9];
	_ =	sdelay $0x3  }
0x33: {  	p0 =	seq.s32 s10, $0x1;
	s10 =	sld [smem:$0x3FBB];
	_ =	sdelay $0x3  }
0x34: {  	[smem:$0x3FBB] =	sst s10  }
0x35: {  	s10 =	sld [smem:$0x3FBA];
	_ =	sdelay $0x3  }
0x36: {  	p1 =	seq.s32 s10, $0x1;
	s10 =	sld [smem:$0x3FBB];
	_ =	sdelay $0x3  }
0x37: {  	[smem:$0x3FBB] =	sst s10  }
0x38: {  	s10 =	sld [smem:$0x3FBC]  }
0x39: {  	_ = 	snop;
	(pc) =	sbr.ind lr, $3  }
0x3a: {  	_ = 	snop  }
0x3b: {  	_ = 	snop  }
0x3c: {  	p2 =	seq.s32 s10, $0x1;
	s10 =	sld [smem:$0x3FBB]  }
0x3d: {  	_ =	shalt  }
0x3e: {  	_ =	shalt  }
0x3f: {  	_ =	shalt  }
0x40: {  	_ =	shalt  }
0x41: {  	_ =	shalt  }
0x42: {  	_ =	shalt  }
0x43: {  	_ =	shalt  }
0x44: {  	_ =	shalt  }
0x45: {  	_ =	shalt  }
0x46: {  	_ =	shalt  }
0x47: {  	_ =	shalt  }
0x48: {  	_ =	shalt  }
0x49: {  	_ =	shalt  }
0x4a: {  	_ =	shalt  }
0x4b: {  	_ =	shalt  }
0x4c: {  	_ =	shalt  }
0x4d: {  	_ =	shalt  }
0x4e: {  	_ =	shalt  }
0x4f: {  	_ =	shalt  }
0x50: {  	_ =	shalt  }
0x51: {  	_ =	shalt  }
0x52: {  	_ =	shalt  }
0x53: {  	_ =	shalt  }
0x54: {  	_ =	shalt  }
0x55: {  	_ =	shalt  }
0x56: {  	_ =	shalt  }
0x57: {  	_ =	shalt  }
0x58: {  	_ =	shalt  }
0x59: {  	_ =	shalt  }
0x5a: {  	_ =	shalt  }
0x5b: {  	_ =	shalt  }
0x5c: {  	_ =	shalt  }
0x5d: {  	_ =	shalt  }
0x5e: {  	_ =	shalt  }
0x5f: {  	_ =	shalt  }
0x60: {  	_ =	shalt  }
0x61: {  	_ =	shalt  }
0x62: {  	_ =	shalt  }
0x63: {  	_ =	shalt  }
0x64: {  	_ =	shalt  }
0x65: {  	_ =	shalt  }
0x66: {  	_ =	shalt  }
0x67: {  	_ =	shalt  }
0x68: {  	_ =	shalt  }
0x69: {  	_ =	shalt  }
0x6a: {  	_ =	shalt  }
0x6b: {  	_ =	shalt  }
0x6c: {  	_ =	shalt  }
0x6d: {  	_ =	shalt  }
0x6e: {  	_ =	shalt  }
0x6f: {  	_ =	shalt  }
0x70: {  	_ =	shalt  }
0x71: {  	_ =	shalt  }
0x72: {  	_ =	shalt  }
0x73: {  	_ =	shalt  }
0x74: {  	_ =	shalt  }
0x75: {  	_ =	shalt  }
0x76: {  	_ =	shalt  }
0x77: {  	_ =	shalt  }
0x78: {  	_ =	shalt  }
0x79: {  	_ =	shalt  }
0x7a: {  	_ =	shalt  }
0x7b: {  	_ =	shalt  }
0x7c: {  	_ =	shalt  }
0x7d: {  	_ =	shalt  }
0x7e: {  	_ =	shalt  }
0x7f: {  	_ =	shalt  }
0x80: {  	_ =	shalt  }
0x81: {  	_ =	shalt  }
0x82: {  	_ =	shalt  }
0x83: {  	_ =	shalt  }
0x84: {  	_ =	shalt  }
0x85: {  	_ =	shalt  }
0x86: {  	_ =	shalt  }
0x87: {  	_ =	shalt  }
.Lfunc_end0:
.L_simem_size_0:
called_computation_lowered:
.L_overlay_start_0:
0x88: {  	s2 =	sld [smem:$0x3FD9]  }
0x89: {  	s3 =	sld [smem:$0x3FFE];
	_ =	sdelay $0x1  }
0x8a: {  	s1 =	srdreg.scid  }
0x8b: {  	s0 =	sand.u32 $0x1, s1  }
0x8c: {  	s18 =	sshll.u32 s0, $0xA;
	s2 =	sadd.s32 s3, s2  }
0x8d: {  	s2 =	sadd.s32 s2, s18  }
0x8e: {  	[smem:$0x3FC7] =	sst s2  }
0x8f: {  	_ = 	snop  }
0x90: {  	s2 =	sld [smem:$0x3FC9]  }
0x91: {  	s19 =	sld [smem:$0x3FD0];
	(tm) =	ssettm $0x1  }
0x92: {  	s4 =	sld [smem:$0x3FFB];
	_ =	sdelay $0x3  }
0x93: {  	_ =	strace s4  }
0x94: {  	s4 =	sld [smem:$0x3FFC];
	_ =	sdelay $0x3  }
0x95: {  	_ =	strace s4  }
0x96: {  	s4 =	sld [smem:$0x3FFD];
	_ =	sdelay $0x3  }
0x97: {  	_ =	strace s4  }
0x98: {  	_ =	strace $0x8FFFFFFF  }
0x99: {  	s20 =	sld [smem:$0x3FDB];
	_ =	sdelay $0x1  }
0x9a: {  	s5 =	simm.s32 $_scs_section_size  }
0x9b: {  	s6 =	simm.s32 $_size__tile_overlayer_lowered;
	s7 =	simm.s32 $_tile_overlayer_lowered  }
0x9c: {  	s23 =	simm.s32 $0x1BFF;
	s22 =	sshll.u32 s7, $0x1;
	s4 =	sadd.s32 s5, s20  }
0x9d: {  	s8 =	simm.s32 $0x0;
	s21 =	sshll.u32 s6, $0x1;
	s6 =	sadd.s32 s22, s4  }
0x9e: {  	[timem:s8], [sflag:s23] =	dma.local [hbm:s6], s21  }
0x9f: {  	_ =	swait.ge [sflag:s23], s21  }
0xa0: {  	s5 =	ssub.s32 $0x0, s21;
	[sflag:s23] =	ssyncset.done $0x0  }
0xa1: {  	[sflag:s23] =	ssyncadd.s32 s5;
	_ =	sdelay $0x1  }
0xa2: {  	s24 =	simm.s32 $0x1B8B  }
0xa3: {  	_ =	swait.ge [sflag:s24], $0x1  }
0xa4: {  	[sflag:s24] =	ssyncset.done $0x0  }
0xa5: {  	s25 =	simm.s32 $0x1B8E;
	[sflag:s24] =	ssyncadd.s32 $0xFFFFFFFF  }
0xa6: {  	s26 =	simm.s32 $execute0_lowered;
	[smem:$0x3FD2] =	sst s25  }
0xa7: {  	s5 =	sshll.u32 s26, $0x1;
	_ =	strace $0x80000046;
	[dreg:$0x1] =	wrdreg $0xFFFFFFFF  }
0xa8: {  	s28 =	simm.s32 $_size_execute0_lowered;
	s4 =	sadd.s32 s4, s5;
	[dreg:$0x0] =	wrdreg $0x0  }
0xa9: {  	s5 =	sshll.u32 s28, $0x1;
	[dreg:$0x2] =	wrdreg s4  }
0xaa: {  	[dreg:$0x3] =	wrdreg s5  }
0xab: {  	[dreg:$0x4] =	wrdreg $0xC0  }
0xac: {  	_ =	task [dreg:s8], $0x5FFFF  }
0xad: {  	[dreg:$0x1] =	wrdreg $0xFFFFFFFF  }
0xae: {  	[dreg:$0x0] =	wrdreg $0x60  }
0xaf: {  	[dreg:$0x2] =	wrdreg s2  }
0xb0: {  	[dreg:$0x3] =	wrdreg s19  }
0xb1: {  	[dreg:$0x4] =	wrdreg $0x9  }
0xb2: {  	_ =	task.clear_ibuf [dreg:s8], $0x5FFFF;
	_ =	strace $0x90000046  }
0xb3: {  	s29 =	simm.s32 $0x9;
	_ =	strace $0x80000048  }
0xb4: {  	_ =	swait.ge [sflag:s29], $0x1  }
0xb5: {  	[sflag:s29] =	ssyncadd.s32 $0xFFFFFFFF  }
0xb6: {  	_ =	strace $0x90000048  }
0xb7: {  	_ =	sfence  }
0xb8: {  	s30 =	sld [smem:$0x0];
	_ =	sdelay $0x2  }
0xb9: {  	s31 =	sshll.u32 s1, $0xD;
	s1 =	sshrl.u32 s1, $0x2  }
0xba: {  	s3 =	sand.u32 $0x4000, s31;
	s1 =	sadd.s32 s1, s30  }
0xbb: {  	s0 =	sor.u32 s3, s0;
	s1 =	sshll.u32 s1, $0x11  }
0xbc: {  	s0 =	sor.u32 s1, s0  }
0xbd: {  	s0 =	sadd.s32 $0x8F2B, s0  }
0xbe: {  	[sflag:s0] =	ssyncadd.remote.s32 $0x1  }
0xbf: {  	_ =	sfence.sel $0xFFFF  }
0xc0: {  	[dreg:$0x0] =	wrdreg $0xFFFFFFFF;
	(pc) =	sbr.abs _section_cstart, $3  }
0xc1: {  	[dreg:$0x1] =	wrdreg $0xFFFFFFFF  }
0xc2: {  	_ =	task.clear_ibuf [dreg:s8], $0x2FFFF;
	_ =	strace $0x9FFFFFFF  }
0xc3: {  	(tm) =	ssettm $0x7FFFFFFF  }
tec
execute0_lowered:
.L_overlay_start_1:
0x0: {  	(tag) =	ssettag $0x1  }
0x1: {  	s0 =	srdreg.scid  }
0x2: {  	s1 =	stileid.u32;
	s0 =	sand.u32 $0x1, s0  }
0x3: {  	s1 =	sshll.u32 s1, $0x5;
	s2 =	sshll.u32 s0, $0x4  }
0x4: {  	s2 =	sor.u32 s2, s1  }
0x5: {  	s3 =	smul.u32 $0x600, s2  }
0x6: {  	s1 =	sor.u32 $0x1, s2;
	s5 =	smul.u32 $0x1800, s2  }
0x7: {  	s6 =	sor.u32 $0x2, s2;
	s4 =	smul.u32 $0x600, s1  }
0x8: {  	s7 =	smul.u32 $0x600, s6  }
0x9: {  	s26 =	sor.u32 $0x3, s2;
	s8 =	smul.u32 $0x1800, s1  }
0xa: {  	s9 =	smul.u32 $0x600, s26  }
0xb: {  	s10 =	sor.u32 $0x4, s2;
	s6 =	smul.u32 $0x1800, s6  }
0xc: {  	s11 =	smul.u32 $0x600, s10  }
0xd: {  	s13 =	sor.u32 $0x5, s2;
	s12 =	smul.u32 $0x1800, s26  }
0xe: {  	s14 =	smul.u32 $0x600, s13  }
0xf: {  	s15 =	sor.u32 $0x6, s2;
	s10 =	smul.u32 $0x1800, s10  }
0x10: {  	s17 =	smul.u32 $0x600, s15  }
0x11: {  	s0 =	ssub.s32 $0x2, s0;
	s18 =	sor.u32 $0x7, s2;
	s13 =	smul.u32 $0x1800, s13  }
0x12: {  	s16 =	rddreg [dreg:$0x0];
	s20 =	sshrl.u32 s0, $0x1;
	s19 =	smul.u32 $0x600, s18  }
0x13: {  	s21 =	sor.u32 $0x8, s2;
	s20 =	ssub.s32 s0, s20;
	s15 =	smul.u32 $0x1800, s15  }
0x14: {  	s29 =	sor.u32 $0xE, s2;
	s1 =	simm.s32 $0x0;
	s0 =	smul.u32 $0x600, s21  }
0x15: {  	s26 =	sor.u32 $0xD, s2;
	[smem:$0x7FF] =	sst s1;
	s3 =	sadd.s32 s16, s3  }
0x16: {  	[dreg:$0x3] =	wrdreg s3;
	s4 =	sadd.s32 s16, s4;
	s3 =	smul.u32 $0x1800, s18  }
0x17: {  	s7 =	sadd.s32 s16, s7;
	s22 =	sadd.s32 s16, s9;
	[dreg:$0x4] =	wrdreg s4  }
0x18: {  	s23 =	sadd.s32 s16, s11;
	s9 =	smul.u32 $0x1800, s21;
	[dreg:$0x5] =	wrdreg s7  }
0x19: {  	s11 =	sor.u32 $0xA, s2;
	s14 =	sadd.s32 s16, s14;
	[dreg:$0x6] =	wrdreg s22  }
0x1a: {  	s18 =	sor.u32 $0xB, s2;
	s17 =	sadd.s32 s16, s17;
	[dreg:$0x7] =	wrdreg s23  }
0x1b: {  	s21 =	sor.u32 $0xC, s2;
	[dreg:$0x8] =	wrdreg s14;
	s24 =	smul.u32 $0x600, s11  }
0x1c: {  	s19 =	sadd.s32 s16, s19;
	[dreg:$0x9] =	wrdreg s17;
	s25 =	smul.u32 $0x600, s18  }
0x1d: {  	s0 =	sadd.s32 s16, s0;
	[dreg:$0xa] =	wrdreg s19;
	s22 =	smul.u32 $0x600, s21  }
0x1e: {  	s4 =	sor.u32 $0x9, s2;
	[dreg:$0xb] =	wrdreg s0;
	s0 =	smul.u32 $0x600, s26  }
0x1f: {  	s2 =	sor.u32 $0xF, s2;
	s23 =	smul.u32 $0x600, s29;
	s14 =	sadd.s32 s16, s24  }
0x20: {  	s17 =	smul.u32 $0x1800, s18;
	s24 =	sadd.s32 s16, s25;
	[dreg:$0xd] =	wrdreg s14  }
0x21: {  	s21 =	smul.u32 $0x1800, s21;
	s22 =	sadd.s32 s16, s22;
	[dreg:$0xe] =	wrdreg s24  }
0x22: {  	s7 =	smul.u32 $0x600, s4;
	s0 =	sadd.s32 s16, s0;
	[dreg:$0xf] =	wrdreg s22  }
0x23: {  	s25 =	smul.u32 $0x600, s2;
	s23 =	sadd.s32 s16, s23;
	[dreg:$0x10] =	wrdreg s0  }
0x24: {  	s7 =	sadd.s32 s16, s7;
	[dreg:$0x11] =	wrdreg s23;
	s14 =	smul.u32 $0x1800, s11  }
0x25: {  	s23 =	smul.u32 $0x1800, s26;
	s11 =	simm.s32 $0x4;
	[dreg:$0xc] =	wrdreg s7  }
0x26: {  	s24 =	sadd.s32 s16, s25;
	s25 =	smul.u32 $0x1800, s4;
	s4 =	rddreg [dreg:$0x1]  }
0x27: {  	s7 =	simm.s32 $0x6000;
	[dreg:$0x12] =	wrdreg s24;
	s5 =	sadd.s32 s4, s5  }
0x28: {  	s8 =	sadd.s32 s4, s8;
	s6 =	sadd.s32 s4, s6;
	[dreg:$0x13] =	wrdreg s5  }
0x29: {  	s16 =	sadd.s32 s4, s12;
	s18 =	sadd.s32 s4, s10;
	[dreg:$0x14] =	wrdreg s8  }
0x2a: {  	s19 =	sadd.s32 s4, s13;
	s22 =	sadd.s32 s4, s15;
	[dreg:$0x15] =	wrdreg s6  }
0x2b: {  	s3 =	sadd.s32 s4, s3;
	s26 =	sadd.s32 s4, s9;
	[dreg:$0x16] =	wrdreg s16  }
0x2c: {  	s24 =	smul.u32 $0x1800, s29;
	s30 =	sadd.s32 s4, s14;
	[dreg:$0x17] =	wrdreg s18  }
0x2d: {  	s31 =	sadd.s32 s4, s17;
	s29 =	sadd.s32 s4, s21;
	[dreg:$0x18] =	wrdreg s19  }
0x2e: {  	s0 =	sadd.s32 s4, s23;
	s9 =	simm.s32 $0x12000;
	[dreg:$0x19] =	wrdreg s22  }
0x2f: {  	s10 =	simm.s32 $0x3;
	s12 =	simm.s32 $0x0;
	[dreg:$0x1a] =	wrdreg s3  }
0x30: {  	v0 =	vlaneseq.u32;
	s28 =	sadd.s32 s4, s25;
	s25 =	smul.u32 $0x1800, s2;
	s5 =	simm.s32 $0x1  }
0x31: {  	v1 =	vimm.s32 $0x0;
	vm0 =	vcmask $0x300;
	v0 =	vshrl.u32 v0, $0x2;
	s6 =	simm.s32 $0x3000;
	s8 =	simm.s32 $0x2;
	s2 =	sadd.s32 s4, s24  }
0x32: {  	v1 =	vsel vm0, $0x3, v1;
	v2 =	vor.u32 $0x4, v0;
	_ =	strace $0x80000047;
	s3 =	sadd.s32 s4, s25;
	s4 =	smax.u32 s20, $0x1  }
.LBB2_1:
0x33: {  	s13 =	simm.s32 $0x10;
	s14 =	simm.s32 $0x30;
	s15 =	simm.s32 $0x0  }
0x34: {  	s16 =	simm.s32 $0x20;
	s17 =	simm.s32 $0x4;
	s18 =	simm.s32 $0x14;
	v3 =	vmov s13;
	v4 =	vmov s14;
	v5 =	vmov s15  }
0x35: {  	s19 =	simm.s32 $0x24;
	s20 =	simm.s32 $0x34;
	s21 =	simm.s32 $0x8;
	v6 =	vmov s16;
	v7 =	vmov s17;
	v8 =	vmov s18  }
0x36: {  	s22 =	simm.s32 $0x18;
	s23 =	simm.s32 $0x28;
	s24 =	simm.s32 $0x38;
	v9 =	vmov s20;
	v10 =	vmov s19;
	v11 =	vmov s21  }
0x37: {  	v12 =	vmov s22;
	v13 =	vmov s23;
	v14 =	vmov s24  }
0x38: {  	v4 =	vshrl.u32 v4, $0x3;
	v5 =	vshrl.u32 v5, $0x3;
	v3 =	vshrl.u32 v3, $0x3  }
0x39: {  	s25 =	rddreg [dreg:$0x3];
	v6 =	vshrl.u32 v6, $0x3;
	v7 =	vshrl.u32 v7, $0x3;
	v9 =	vshrl.u32 v9, $0x3  }
0x3a: {  	[tilespmem:s1], [sflag:$0x1] =	stream.linear.gather [hbm4b:s25+s1], $0x3000, $0x38;
	v8 =	vshrl.u32 v8, $0x3;
	v10 =	vshrl.u32 v10, $0x3;
	v11 =	vshrl.u32 v11, $0x3;
	[tilespmem:$0x1E000] =	vst v63  }
0x3b: {  	s16 =	simm.s32 $0xC;
	s17 =	simm.s32 $0x1C;
	s20 =	simm.s32 $0x2C;
	v12 =	vshrl.u32 v12, $0x3;
	v14 =	vshrl.u32 v14, $0x3;
	v13 =	vshrl.u32 v13, $0x3  }
0x3c: {  	s19 =	simm.s32 $0x3C;
	s21 =	simm.s32 $0x50;
	s22 =	simm.s32 $0x70;
	v15 =	vmov s16;
	v16 =	vmov s17;
	v17 =	vmov s20  }
0x3d: {  	s23 =	simm.s32 $0x60;
	s24 =	simm.s32 $0x44;
	s25 =	simm.s32 $0x54;
	v18 =	vmov s19;
	v50 =	vmov s21;
	v19 =	vmov s22  }
0x3e: {  	v20 =	vmov s23;
	v52 =	vmov s24;
	v53 =	vmov s25  }
0x3f: {  	v4 =	vshll.u32 v4, v1;
	v5 =	vshll.u32 v5, v1;
	v3 =	vshll.u32 v3, v1  }
0x40: {  	v6 =	vshll.u32 v6, v1;
	v9 =	vshll.u32 v9, v1;
	v4 =	vbroadcast v4, $0x0  }
0x41: {  	v7 =	vshll.u32 v7, v1;
	v8 =	vshll.u32 v8, v1;
	v5 =	vbroadcast v5, $0x0  }
0x42: {  	v10 =	vshll.u32 v10, v1;
	v3 =	vbroadcast v3, $0x0;
	v4 =	vor.u32 v0, v4  }
0x43: {  	_ =	swait.ge [sflag:s5], $0x3000;
	v11 =	vshll.u32 v11, v1;
	v6 =	vbroadcast v6, $0x0;
	v5 =	vor.u32 v0, v5  }
0x44: {  	[sflag:s5] =	ssyncset.done $0x0;
	v14 =	vshll.u32 v14, v1;
	v12 =	vshll.u32 v12, v1;
	v3 =	vor.u32 v0, v3  }
0x45: {  	v13 =	vshll.u32 v13, v1;
	s18 =	rddreg [dreg:$0x4];
	v15 =	vshrl.u32 v15, $0x3;
	[sflag:s5] =	ssyncadd.s32 $0xFFFFD000;
	v6 =	vor.u32 v0, v6  }
0x46: {  	v16 =	vshrl.u32 v16, $0x3;
	v18 =	vshrl.u32 v18, $0x3;
	v9 =	vbroadcast v9, $0x0;
	[tilespmem:s6], [sflag:$0x2] =	stream.linear.gather [hbm4b:s18+s1], $0x3000, $0x38;
	[tilespmem:$0x1E000] =	vst v63  }
0x47: {  	s17 =	simm.s32 $0x64;
	v17 =	vshrl.u32 v17, $0x3;
	v19 =	vshrl.u32 v19, $0x3;
	v7 =	vbroadcast v7, $0x0;
	v4 =	vld.idx.msk [tilespmem:v4+s1+$0x0], $0xffff  }
0x48: {  	s20 =	simm.s32 $0x68;
	v54 =	vmov s17;
	v8 =	vbroadcast v8, $0x0;
	v9 =	vor.u32 v2, v9;
	v5 =	vld.idx.msk [tilespmem:v5+s1+$0x0], $0xffff  }
0x49: {  	s21 =	simm.s32 $0x78;
	v57 =	vmov s20;
	v10 =	vbroadcast v10, $0x0;
	v7 =	vor.u32 v2, v7;
	v3 =	vld.idx.msk [tilespmem:v3+s1+$0x0], $0xffff  }
0x4a: {  	v58 =	vmov s21;
	v14 =	vbroadcast v14, $0x0;
	v8 =	vor.u32 v2, v8;
	v6 =	vld.idx.msk [tilespmem:v6+s1+$0x0], $0xffff  }
0x4b: {  	s13 =	simm.s32 $0x6080;
	v11 =	vbroadcast v11, $0x0;
	v12 =	vbroadcast v12, $0x0;
	v10 =	vor.u32 v2, v10  }
0x4c: {  	s16 =	simm.s32 $0x40;
	v13 =	vbroadcast v13, $0x0;
	v15 =	vshll.u32 v15, v1;
	v18 =	vshll.u32 v18, v1;
	[tilespmem:s13+$0x40] =	vst v4  }
0x4d: {  	v16 =	vshll.u32 v16, v1;
	v51 =	vshll.u32 v19, v1;
	[tilespmem:s13+$0xFFFFFF80] =	vst v5;
	v5 =	vmov s16;
	v9 =	vld.idx.msk [tilespmem:v9+s1+$0x0], $0xffff  }
0x4e: {  	v18 =	vbroadcast v18, $0x0;
	v14 =	vor.u32 v0, v14;
	[tilespmem:s13+$0xFFFFFFC0] =	vst v3;
	v3 =	vld.idx.msk [tilespmem:v7+s1+$0x0], $0xffff;
	v5 =	vshrl.u32 v5, $0x3  }
0x4f: {  	v11 =	vor.u32 v0, v11;
	[tilespmem:s13+$0x0] =	vst v6;
	v7 =	vshrl.u32 v50, $0x3;
	v8 =	vld.idx.msk [tilespmem:v8+s1+$0x0], $0xffff;
	v5 =	vshll.u32 v5, v1  }
0x50: {  	v12 =	vor.u32 v0, v12;
	v10 =	vld.idx.msk [tilespmem:v10+s1+$0x0], $0xffff;
	v7 =	vshll.u32 v7, v1;
	v5 =	vbroadcast v5, $0x0  }
0x51: {  	v59 =	vshrl.u32 v58, $0x3;
	v13 =	vor.u32 v0, v13;
	v7 =	vbroadcast v7, $0x0  }
0x52: {  	v49 =	vor.u32 v2, v18;
	v18 =	vbroadcast v51, $0x0;
	v5 =	vor.u32 v0, v5;
	[tilespmem:s13+$0x50] =	vst v9  }
0x53: {  	v15 =	vbroadcast v15, $0x0;
	v6 =	vshrl.u32 v20, $0x3;
	[tilespmem:s13+$0xFFFFFF90] =	vst v3;
	v3 =	vor.u32 v0, v7;
	v9 =	vld.idx.msk [tilespmem:v14+s1+$0x0], $0xffff  }
0x54: {  	v16 =	vbroadcast v16, $0x0;
	v6 =	vshll.u32 v6, v1;
	[tilespmem:s13+$0xFFFFFFD0] =	vst v8;
	v14 =	vor.u32 v0, v18;
	v11 =	vld.idx.msk [tilespmem:v11+s1+$0x0], $0xffff  }
0x55: {  	s18 =	simm.s32 $0x48;
	v60 =	vshll.u32 v59, v1;
	s16 =	simm.s32 $0x74;
	v6 =	vbroadcast v6, $0x0;
	v8 =	vshrl.u32 v52, $0x3;
	[tilespmem:s13+$0x10] =	vst v10;
	v12 =	vld.idx.msk [tilespmem:v12+s1+$0x0], $0xffff  }
0x56: {  	v56 =	vmov s18;
	v7 =	vmov s16;
	v13 =	vld.idx.msk [tilespmem:v13+s1+$0x0], $0xffff;
	v8 =	vshll.u32 v8, v1  }
0x57: {  	v6 =	vor.u32 v0, v6;
	v7 =	vshrl.u32 v7, $0x3;
	v8 =	vbroadcast v8, $0x0;
	v5 =	vld.idx.msk [tilespmem:v5+s1+$0x0], $0xffff  }
0x58: {  	v61 =	vbroadcast v60, $0x0;
	v15 =	vor.u32 v2, v15;
	v7 =	vshll.u32 v7, v1;
	v3 =	vld.idx.msk [tilespmem:v3+s1+$0x0], $0xffff;
	[tilespmem:s13+$0x60] =	vst v9  }
0x59: {  	v10 =	vshrl.u32 v53, $0x3;
	v7 =	vbroadcast v7, $0x0;
	v8 =	vor.u32 v2, v8;
	v14 =	vld.idx.msk [tilespmem:v14+s1+$0x0], $0xffff;
	[tilespmem:s13+$0xFFFFFFA0] =	vst v11  }
0x5a: {  	v16 =	vor.u32 v2, v16;
	v18 =	vshrl.u32 v54, $0x3;
	v9 =	vshll.u32 v10, v1;
	[tilespmem:s13+$0xFFFFFFE0] =	vst v12;
	v10 =	vld.idx.msk [tilespmem:v49+s1+$0x0], $0xffff  }
0x5b: {  	s14 =	simm.s32 $0x6180;
	s19 =	simm.s32 $0x58;
	v55 =	vshll.u32 v18, v1;
	v7 =	vor.u32 v2, v7;
	[tilespmem:s13+$0x20] =	vst v13;
	v9 =	vbroadcast v9, $0x0  }
0x5c: {  	v4 =	vshll.u32 v17, v1;
	v17 =	vbroadcast v55, $0x0;
	v6 =	vld.idx.msk [tilespmem:v6+s1+$0x0], $0xffff;
	v11 =	vmov s19;
	[tilespmem:s14+$0xFFFFFF80] =	vst v5  }
0x5d: {  	v4 =	vbroadcast v4, $0x0;
	v13 =	vld.idx.msk [tilespmem:v15+s1+$0x0], $0xffff;
	v11 =	vshrl.u32 v11, $0x3;
	v9 =	vor.u32 v2, v9;
	[tilespmem:s14+$0xFFFFFFC0] =	vst v3  }
0x5e: {  	s23 =	simm.s32 $0x5C;
	v12 =	vor.u32 v2, v17;
	v15 =	vshrl.u32 v56, $0x3;
	v11 =	vshll.u32 v11, v1;
	v62 =	vld.idx.msk [tilespmem:v8+s1+$0x0], $0xffff;
	[tilespmem:s14+$0x40] =	vst v14  }
0x5f: {  	v11 =	vbroadcast v11, $0x0;
	v3 =	vmov s23;
	v14 =	vld.idx.msk [tilespmem:v16+s1+$0x0], $0xffff;
	[tilespmem:s13+$0x70] =	vst v10;
	v10 =	vshll.u32 v15, v1  }
0x60: {  	s25 =	simm.s32 $0x7C;
	v16 =	vor.u32 v0, v61;
	v15 =	vshrl.u32 v57, $0x3;
	v5 =	vld.idx.msk [tilespmem:v7+s1+$0x0], $0xffff;
	v7 =	vbroadcast v10, $0x0  }
0x61: {  	[tilespmem:s14+$0x0] =	vst v6;
	v8 =	vor.u32 v0, v11;
	v11 =	vmov s25;
	v15 =	vshll.u32 v15, v1  }
0x62: {  	s22 =	simm.s32 $0x4C;
	v3 =	vshrl.u32 v3, $0x3;
	[tilespmem:s13+$0xFFFFFFB0] =	vst v13;
	v15 =	vbroadcast v15, $0x0;
	v13 =	vld.idx.msk [tilespmem:v9+s1+$0x0], $0xffff;
	v63 =	vor.u32 v0, v7  }
0x63: {  	s24 =	simm.s32 $0x6C;
	v11 =	vshrl.u32 v11, $0x3;
	v3 =	vshll.u32 v3, v1;
	v10 =	vmov s22;
	v9 =	vld.idx.msk [tilespmem:v12+s1+$0x0], $0xffff  }
0x64: {  	v10 =	vshrl.u32 v10, $0x3;
	v7 =	vmov s24;
	[tilespmem:s14+$0xFFFFFF90] =	vst v62;
	v6 =	vor.u32 v0, v15  }
0x65: {  	v10 =	vshll.u32 v10, v1;
	v7 =	vshrl.u32 v7, $0x3;
	[tilespmem:s14+$0x50] =	vst v5;
	v5 =	vshll.u32 v11, v1  }
0x66: {  	[tilespmem:s13+$0xFFFFFFF0] =	vst v14;
	v10 =	vbroadcast v10, $0x0;
	v14 =	vshll.u32 v7, v1;
	v7 =	vld.idx.msk [tilespmem:v16+s1+$0x0], $0xffff;
	v12 =	vbroadcast v5, $0x0  }
0x67: {  	s15 =	simm.s32 $0x10;
	v4 =	vor.u32 v2, v4;
	s16 =	simm.s32 $0xBC;
	v11 =	vbroadcast v3, $0x0;
	v3 =	vbroadcast v14, $0x0;
	[tilespmem:s14+$0xFFFFFFD0] =	vst v13;
	v5 =	vld.idx.msk [tilespmem:v63+s1+$0x0], $0xffff  }
.LBB2_2:
0x68: {  	s17 =	sadd.s32 $0xFFFFFFD4, s16;
	s18 =	sadd.s32 $0xFFFFFFF4, s16;
	s15 =	sadd.s32 $0x10, s15;
	v10 =	vor.u32 v2, v10;
	v8 =	vld.idx.msk [tilespmem:v8+s1+$0x0], $0xffff;
	[tilespmem:s14+$0x10] =	vst v9;
	v9 =	vor.u32 v2, v12  }
0x69: {  	s19 =	sadd.s32 $0xFFFFFFC4, s16;
	v12 =	vmov s17;
	s17 =	sadd.s32 $0xFFFFFFE4, s16;
	v13 =	vmov s18;
	p0 =	slt.u32 s15, $0xBF0;
	v11 =	vor.u32 v2, v11;
	v6 =	vld.idx.msk [tilespmem:v6+s1+$0x0], $0xffff  }
0x6a: {  	s22 =	sadd.s32 $0xFFFFFFC8, s16;
	s23 =	sadd.s32 $0xFFFFFFD8, s16;
	s24 =	sadd.s32 $0xFFFFFFE8, s16;
	v14 =	vmov s19;
	v15 =	vmov s17;
	v13 =	vshrl.u32 v13, $0x3  }
0x6b: {  	s25 =	sadd.s32 $0xFFFFFFCC, s16;
	s21 =	sadd.s32 $0xFFFFFFDC, s16;
	s20 =	sadd.s32 $0xFFFFFFEC, s16;
	v14 =	vshrl.u32 v14, $0x3;
	v12 =	vshrl.u32 v12, $0x3;
	v13 =	vshll.u32 v13, v1  }
0x6c: {  	s19 =	sadd.s32 $0xFFFFFFD0, s16;
	s18 =	sadd.s32 $0xFFFFFFE0, s16;
	s17 =	sadd.s32 $0xFFFFFFF0, s16;
	v14 =	vshll.u32 v14, v1;
	v15 =	vshrl.u32 v15, $0x3;
	v13 =	vbroadcast v13, $0x0;
	[tilespmem:s14+$0x60] =	vst v7;
	v4 =	vld.idx.msk [tilespmem:v4+s1+$0x0], $0xffff  }
0x6d: {  	v12 =	vshll.u32 v12, v1;
	v7 =	vbroadcast v14, $0x0;
	v14 =	vshll.u32 v15, v1;
	[tilespmem:s14+$0xFFFFFFA0] =	vst v5;
	v5 =	vld.idx.msk [tilespmem:v9+s1+$0x0], $0xffff  }
0x6e: {  	v9 =	vbroadcast v12, $0x0;
	v12 =	vbroadcast v14, $0x0;
	v13 =	vor.u32 v0, v13;
	v10 =	vld.idx.msk [tilespmem:v10+s1+$0x0], $0xffff;
	[tilespmem:s14+$0xFFFFFFE0] =	vst v8  }
0x6f: {  	v14 =	vmov s23;
	v7 =	vor.u32 v0, v7;
	v8 =	vmov s22;
	s22 =	sadd.s32 $0xFFFFFFF8, s16;
	v11 =	vld.idx.msk [tilespmem:v11+s1+$0x0], $0xffff;
	[tilespmem:s14+$0x20] =	vst v6  }
0x70: {  	v6 =	vor.u32 v0, v9;
	v9 =	vor.u32 v0, v12;
	v12 =	vmov s22  }
0x71: {  	v15 =	vmov s24;
	v8 =	vshrl.u32 v8, $0x3;
	v12 =	vshrl.u32 v12, $0x3  }
0x72: {  	v15 =	vshrl.u32 v15, $0x3;
	v14 =	vshrl.u32 v14, $0x3;
	v12 =	vshll.u32 v12, v1;
	[tilespmem:s13+$0x30] =	vst v4;
	s13 =	smov.u32 s14  }
0x73: {  	v4 =	vshll.u32 v8, v1;
	v8 =	vshll.u32 v14, v1;
	v12 =	vbroadcast v12, $0x0;
	v13 =	vld.idx.msk [tilespmem:v13+s1+$0x0], $0xffff;
	[tilespmem:s14+$0x70] =	vst v5  }
0x74: {  	v4 =	vbroadcast v4, $0x0;
	v5 =	vld.idx.msk [tilespmem:v7+s1+$0x0], $0xffff;
	v7 =	vbroadcast v8, $0x0;
	v8 =	vshll.u32 v15, v1;
	[tilespmem:s14+$0xFFFFFFB0] =	vst v10  }
0x75: {  	v10 =	vmov s25;
	v12 =	vor.u32 v2, v12;
	v6 =	vld.idx.msk [tilespmem:v6+s1+$0x0], $0xffff;
	v8 =	vbroadcast v8, $0x0;
	[tilespmem:s14+$0xFFFFFFF0] =	vst v11  }
0x76: {  	v4 =	vor.u32 v2, v4;
	v11 =	vmov s21;
	s21 =	sadd.s32 $0xFFFFFFFC, s16;
	v7 =	vor.u32 v2, v7;
	v9 =	vld.idx.msk [tilespmem:v9+s1+$0x0], $0xffff  }
0x77: {  	v15 =	vmov s21;
	v14 =	vor.u32 v2, v8;
	v8 =	vmov s20  }
0x78: {  	v10 =	vshrl.u32 v10, $0x3;
	s14 =	sadd.s32 $0x100, s14;
	v11 =	vshrl.u32 v11, $0x3;
	v15 =	vshrl.u32 v15, $0x3  }
0x79: {  	v10 =	vshll.u32 v10, v1;
	v8 =	vshrl.u32 v8, $0x3;
	[tilespmem:s14+$0x40] =	vst v13;
	v13 =	vshll.u32 v15, v1  }
0x7a: {  	v8 =	vshll.u32 v8, v1;
	[tilespmem:s14+$0xFFFFFF80] =	vst v5;
	v5 =	vshll.u32 v11, v1;
	v11 =	vld.idx.msk [tilespmem:v12+s1+$0x0], $0xffff;
	v12 =	vbroadcast v13, $0x0  }
0x7b: {  	v10 =	vbroadcast v10, $0x0;
	v13 =	vmov s19;
	v4 =	vld.idx.msk [tilespmem:v4+s1+$0x0], $0xffff;
	[tilespmem:s14+$0xFFFFFFC0] =	vst v6;
	v5 =	vbroadcast v5, $0x0  }
0x7c: {  	v6 =	vbroadcast v8, $0x0;
	v15 =	vld.idx.msk [tilespmem:v7+s1+$0x0], $0xffff;
	v7 =	vmov s18;
	[tilespmem:s14+$0x0] =	vst v9;
	v12 =	vor.u32 v0, v12  }
0x7d: {  	v16 =	vor.u32 v0, v10;
	v8 =	vor.u32 v0, v5;
	v9 =	vld.idx.msk [tilespmem:v14+s1+$0x0], $0xffff;
	v5 =	vmov s17  }
.Ltmp0:
0x7e: {  	v10 =	vshrl.u32 v13, $0x3;
	v13 =	vmov s16;
	v6 =	vor.u32 v0, v6;
	(pc) =	sbr.rel @p0 .LBB2_2-.Ltmp0, $4  }
0x7f: {  	v13 =	vshrl.u32 v13, $0x3;
	v7 =	vshrl.u32 v7, $0x3;
	v5 =	vshrl.u32 v5, $0x3  }
0x80: {  	v10 =	vshll.u32 v10, v1;
	v14 =	vshll.u32 v7, v1;
	[tilespmem:s14+$0x50] =	vst v11;
	v11 =	vshll.u32 v13, v1  }
0x81: {  	v10 =	vbroadcast v10, $0x0;
	v13 =	vshll.u32 v5, v1;
	[tilespmem:s14+$0xFFFFFF90] =	vst v4;
	v7 =	vld.idx.msk [tilespmem:v12+s1+$0x0], $0xffff;
	v12 =	vbroadcast v11, $0x0  }
0x82: {  	s16 =	sadd.s32 $0x40, s16;
	v11 =	vbroadcast v14, $0x0;
	v4 =	vor.u32 v2, v3;
	v3 =	vbroadcast v13, $0x0;
	v5 =	vld.idx.msk [tilespmem:v16+s1+$0x0], $0xffff;
	[tilespmem:s14+$0xFFFFFFD0] =	vst v15  }
0x83: {  	_ = 	snop  }
0x84: {  	v10 =	vor.u32 v2, v10  }
0x85: {  	v12 =	vor.u32 v2, v12;
	s15 =	simm.s32 $0x10;
	s16 =	simm.s32 $0x30;
	s17 =	simm.s32 $0x0;
	v11 =	vor.u32 v2, v11;
	v3 =	vor.u32 v2, v3  }
0x86: {  	s25 =	simm.s32 $0x20;
	v13 =	vmov s15;
	v14 =	vmov s16;
	v15 =	vmov s17  }
0x87: {  	v8 =	vld.idx.msk [tilespmem:v8+s1+$0x0], $0xffff;
	[tilespmem:s14+$0x10] =	vst v9;
	v16 =	vmov s25;
	s16 =	simm.s32 $0x1C;
	v9 =	vshrl.u32 v14, $0x3;
	v14 =	vshrl.u32 v15, $0x3  }
0x88: {  	v6 =	vld.idx.msk [tilespmem:v6+s1+$0x0], $0xffff;
	v13 =	vshrl.u32 v13, $0x3;
	v15 =	vshrl.u32 v16, $0x3;
	v51 =	vmov s16  }
0x89: {  	s19 =	simm.s32 $0x24;
	v9 =	vshll.u32 v9, v1;
	v14 =	vshll.u32 v14, v1;
	v13 =	vshll.u32 v13, v1  }
0x8a: {  	v4 =	vld.idx.msk [tilespmem:v4+s1+$0x0], $0xffff;
	[tilespmem:s14+$0x60] =	vst v7;
	v7 =	vshll.u32 v15, v1;
	v15 =	vmov s19;
	v9 =	vbroadcast v9, $0x0  }
0x8b: {  	s19 =	simm.s32 $0x2C;
	v16 =	vshrl.u32 v51, $0x3;
	v14 =	vbroadcast v14, $0x0;
	v13 =	vbroadcast v13, $0x0;
	[tilespmem:s14+$0xFFFFFFA0] =	vst v5;
	v5 =	vld.idx.msk [tilespmem:v12+s1+$0x0], $0xffff  }
0x8c: {  	s17 =	simm.s32 $0x4;
	v7 =	vbroadcast v7, $0x0;
	v15 =	vshrl.u32 v15, $0x3;
	v17 =	vmov s19;
	v10 =	vld.idx.msk [tilespmem:v10+s1+$0x0], $0xffff;
	[tilespmem:s14+$0xFFFFFFE0] =	vst v8  }
0x8d: {  	v16 =	vshll.u32 v16, v1;
	v8 =	vmov s17;
	v17 =	vshrl.u32 v17, $0x3;
	v11 =	vld.idx.msk [tilespmem:v11+s1+$0x0], $0xffff;
	[tilespmem:s14+$0x20] =	vst v6  }
0x8e: {  	s18 =	simm.s32 $0x14;
	s20 =	simm.s32 $0x34;
	v16 =	vbroadcast v16, $0x0;
	v9 =	vor.u32 v0, v9;
	v12 =	vor.u32 v0, v14;
	v3 =	vld.idx.msk [tilespmem:v3+s1+$0x0], $0xffff  }
0x8f: {  	[tilespmem:s13+$0x30] =	vst v4;
	v14 =	vmov s18;
	v13 =	vor.u32 v0, v13;
	v6 =	vmov s20  }
0x90: {  	v8 =	vshrl.u32 v8, $0x3;
	v7 =	vor.u32 v0, v7;
	s18 =	simm.s32 $0x3C;
	s20 =	simm.s32 $0x50;
	v6 =	vshrl.u32 v6, $0x3;
	[tilespmem:s14+$0x70] =	vst v5  }
0x91: {  	v14 =	vshrl.u32 v14, $0x3;
	v18 =	vmov s18;
	v53 =	vmov s20;
	[tilespmem:s14+$0xFFFFFFB0] =	vst v10  }
0x92: {  	s24 =	simm.s32 $0x38;
	v16 =	vor.u32 v2, v16;
	v4 =	vshll.u32 v6, v1;
	v6 =	vshll.u32 v8, v1;
	[tilespmem:s14+$0xFFFFFFF0] =	vst v11  }
0x93: {  	v8 =	vshll.u32 v14, v1;
	v14 =	vmov s24;
	v18 =	vshrl.u32 v18, $0x3;
	[tilespmem:s14+$0x30] =	vst v3  }
0x94: {  	s21 =	simm.s32 $0x8;
	v4 =	vbroadcast v4, $0x0;
	v8 =	vbroadcast v8, $0x0;
	v14 =	vshrl.u32 v14, $0x3;
	s25 =	rddreg [dreg:$0x13]  }
0x95: {  	v18 =	vshll.u32 v18, v1;
	v5 =	vbroadcast v6, $0x0;
	v6 =	vshll.u32 v15, v1;
	[hbm4b:s25+s1] =	stream.linear.scatter [tilespmem:s7], [sflag:$0x3], $0xC000, $0x38;
	[tilespmem:$0x1E000] =	vst v63  }
0x96: {  	s23 =	simm.s32 $0x28;
	v10 =	vmov s21;
	v14 =	vshll.u32 v14, v1;
	v18 =	vbroadcast v18, $0x0;
	_ =	swait.ge [sflag:s8], $0x3000  }
0x97: {  	s22 =	simm.s32 $0x18;
	s21 =	simm.s32 $0x70;
	v6 =	vbroadcast v6, $0x0;
	v4 =	vor.u32 v2, v4;
	v11 =	vmov s23;
	[sflag:s8] =	ssyncset.done $0x0  }
0x98: {  	v10 =	vshrl.u32 v10, $0x3;
	v14 =	vbroadcast v14, $0x0;
	s23 =	simm.s32 $0x60;
	v19 =	vmov s21;
	s17 =	rddreg [dreg:$0x5];
	[sflag:s8] =	ssyncadd.s32 $0xFFFFD000  }
0x99: {  	v5 =	vor.u32 v2, v5;
	v3 =	vor.u32 v2, v8;
	v8 =	vmov s22;
	[tilespmem:s1], [sflag:$0x1] =	stream.linear.gather [hbm4b:s17+s1], $0x3000, $0x38;
	[tilespmem:$0x1E000] =	vst v63  }
0x9a: {  	v10 =	vshll.u32 v10, v1;
	v11 =	vshrl.u32 v11, $0x3;
	v20 =	vmov s23;
	v9 =	vld.idx.msk [tilespmem:v9+s6+$0x0], $0xffff  }
0x9b: {  	v19 =	vshrl.u32 v19, $0x3;
	v6 =	vor.u32 v2, v6;
	v8 =	vshrl.u32 v8, $0x3;
	v12 =	vld.idx.msk [tilespmem:v12+s6+$0x0], $0xffff  }
0x9c: {  	s14 =	simm.s32 $0xC;
	v11 =	vshll.u32 v11, v1;
	v10 =	vbroadcast v10, $0x0;
	v8 =	vshll.u32 v8, v1;
	v13 =	vld.idx.msk [tilespmem:v13+s6+$0x0], $0xffff  }
0x9d: {  	v15 =	vmov s14;
	v14 =	vor.u32 v0, v14;
	v8 =	vbroadcast v8, $0x0;
	v7 =	vld.idx.msk [tilespmem:v7+s6+$0x0], $0xffff  }
0x9e: {  	s13 =	simm.s32 $0x12080;
	v54 =	vshll.u32 v19, v1;
	v11 =	vbroadcast v11, $0x0;
	v15 =	vshrl.u32 v15, $0x3  }
0x9f: {  	v10 =	vor.u32 v0, v10;
	v15 =	vshll.u32 v15, v1;
	v8 =	vor.u32 v0, v8;
	[tilespmem:s13+$0x40] =	vst v9  }
0xa0: {  	s22 =	simm.s32 $0x40;
	v15 =	vbroadcast v15, $0x0;
	v9 =	vor.u32 v0, v11;
	v11 =	vshll.u32 v17, v1;
	[tilespmem:s13+$0xFFFFFF80] =	vst v12;
	v52 =	vld.idx.msk [tilespmem:v4+s6+$0x0], $0xffff  }
0xa1: {  	v12 =	vmov s22;
	[tilespmem:s13+$0xFFFFFFC0] =	vst v13;
	v13 =	vshrl.u32 v53, $0x3;
	v4 =	vbroadcast v11, $0x0;
	v5 =	vld.idx.msk [tilespmem:v5+s6+$0x0], $0xffff  }
0xa2: {  	[tilespmem:s13+$0x0] =	vst v7;
	v11 =	vor.u32 v2, v15;
	v15 =	vor.u32 v2, v18;
	v12 =	vshrl.u32 v12, $0x3;
	v3 =	vld.idx.msk [tilespmem:v3+s6+$0x0], $0xffff  }
0xa3: {  	v18 =	vbroadcast v54, $0x0;
	v6 =	vld.idx.msk [tilespmem:v6+s6+$0x0], $0xffff;
	v7 =	vshll.u32 v12, v1;
	v12 =	vshrl.u32 v20, $0x3  }
0xa4: {  	v13 =	vshll.u32 v13, v1;
	v7 =	vbroadcast v7, $0x0;
	v12 =	vshll.u32 v12, v1  }
0xa5: {  	s18 =	simm.s32 $0x48;
	s24 =	simm.s32 $0x44;
	v13 =	vbroadcast v13, $0x0;
	v55 =	vor.u32 v0, v18;
	v12 =	vbroadcast v12, $0x0;
	[tilespmem:s13+$0x50] =	vst v52  }
0xa6: {  	v59 =	vmov s18;
	v56 =	vmov s24;
	s25 =	simm.s32 $0x54;
	v7 =	vor.u32 v0, v7;
	[tilespmem:s13+$0xFFFFFF90] =	vst v5;
	v14 =	vld.idx.msk [tilespmem:v14+s6+$0x0], $0xffff  }
0xa7: {  	s16 =	simm.s32 $0x74;
	v57 =	vmov s25;
	v5 =	vor.u32 v0, v13;
	v12 =	vor.u32 v0, v12;
	[tilespmem:s13+$0xFFFFFFD0] =	vst v3;
	v10 =	vld.idx.msk [tilespmem:v10+s6+$0x0], $0xffff  }
0xa8: {  	v13 =	vmov s16;
	v3 =	vshrl.u32 v56, $0x3;
	[tilespmem:s13+$0x10] =	vst v6;
	v6 =	vshrl.u32 v57, $0x3;
	v8 =	vld.idx.msk [tilespmem:v8+s6+$0x0], $0xffff  }
0xa9: {  	v13 =	vshrl.u32 v13, $0x3;
	v9 =	vld.idx.msk [tilespmem:v9+s6+$0x0], $0xffff;
	v3 =	vshll.u32 v3, v1;
	v6 =	vshll.u32 v6, v1  }
0xaa: {  	s21 =	simm.s32 $0x78;
	s17 =	simm.s32 $0x64;
	v13 =	vshll.u32 v13, v1;
	v3 =	vbroadcast v3, $0x0;
	v6 =	vbroadcast v6, $0x0;
	v17 =	vld.idx.msk [tilespmem:v55+s6+$0x0], $0xffff  }
0xab: {  	v60 =	vmov s21;
	v58 =	vmov s17;
	v13 =	vbroadcast v13, $0x0;
	v7 =	vld.idx.msk [tilespmem:v7+s6+$0x0], $0xffff;
	[tilespmem:s13+$0x60] =	vst v14  }
0xac: {  	s19 =	simm.s32 $0x58;
	v18 =	vshrl.u32 v58, $0x3;
	v3 =	vor.u32 v2, v3;
	v6 =	vor.u32 v2, v6;
	[tilespmem:s13+$0xFFFFFFA0] =	vst v10;
	v14 =	vld.idx.msk [tilespmem:v15+s6+$0x0], $0xffff  }
0xad: {  	v13 =	vor.u32 v2, v13;
	v5 =	vld.idx.msk [tilespmem:v5+s6+$0x0], $0xffff;
	v10 =	vmov s19;
	[tilespmem:s13+$0xFFFFFFE0] =	vst v8;
	v15 =	vshll.u32 v18, v1  }
0xae: {  	s14 =	simm.s32 $0x12180;
	[tilespmem:s13+$0x20] =	vst v9;
	v9 =	vld.idx.msk [tilespmem:v11+s6+$0x0], $0xffff;
	v11 =	vshrl.u32 v59, $0x3;
	v10 =	vshrl.u32 v10, $0x3;
	v15 =	vbroadcast v15, $0x0  }
0xaf: {  	s20 =	simm.s32 $0x68;
	v61 =	vshrl.u32 v60, $0x3;
	v12 =	vld.idx.msk [tilespmem:v12+s6+$0x0], $0xffff;
	[tilespmem:s14+$0x40] =	vst v17;
	v11 =	vshll.u32 v11, v1;
	v10 =	vshll.u32 v10, v1  }
0xb0: {  	s22 =	simm.s32 $0x4C;
	[tilespmem:s14+$0xFFFFFF80] =	vst v7;
	v7 =	vbroadcast v11, $0x0;
	v8 =	vor.u32 v2, v15;
	v15 =	vmov s20  }
0xb1: {  	s23 =	simm.s32 $0x5C;
	v16 =	vld.idx.msk [tilespmem:v16+s6+$0x0], $0xffff;
	v11 =	vmov s22;
	[tilespmem:s13+$0x70] =	vst v14;
	v14 =	vshrl.u32 v15, $0x3;
	v15 =	vshll.u32 v61, v1  }
0xb2: {  	v10 =	vbroadcast v10, $0x0;
	v3 =	vld.idx.msk [tilespmem:v3+s6+$0x0], $0xffff;
	[tilespmem:s14+$0xFFFFFFC0] =	vst v5;
	v5 =	vmov s23;
	v15 =	vbroadcast v15, $0x0  }
0xb3: {  	s25 =	simm.s32 $0x7C;
	v13 =	vld.idx.msk [tilespmem:v13+s6+$0x0], $0xffff;
	v11 =	vshrl.u32 v11, $0x3;
	v63 =	vor.u32 v0, v7;
	v14 =	vshll.u32 v14, v1  }
0xb4: {  	s24 =	simm.s32 $0x6C;
	[tilespmem:s14+$0x0] =	vst v12;
	v12 =	vmov s25;
	v62 =	vld.idx.msk [tilespmem:v6+s6+$0x0], $0xffff;
	v14 =	vbroadcast v14, $0x0;
	v15 =	vor.u32 v0, v15  }
0xb5: {  	v7 =	vor.u32 v0, v10;
	v10 =	vmov s24;
	v5 =	vshrl.u32 v5, $0x3;
	[tilespmem:s13+$0xFFFFFFB0] =	vst v9;
	v9 =	vld.idx.msk [tilespmem:v8+s6+$0x0], $0xffff  }
0xb6: {  	[tilespmem:s13+$0xFFFFFFF0] =	vst v16;
	v8 =	vshrl.u32 v10, $0x3;
	v10 =	vshrl.u32 v12, $0x3;
	v6 =	vor.u32 v0, v14  }
0xb7: {  	v11 =	vshll.u32 v11, v1;
	[tilespmem:s14+$0xFFFFFF90] =	vst v3;
	v14 =	vshll.u32 v5, v1;
	v5 =	vshll.u32 v10, v1  }
0xb8: {  	[tilespmem:s14+$0x50] =	vst v13;
	v10 =	vbroadcast v11, $0x0;
	v3 =	vshll.u32 v8, v1;
	v12 =	vbroadcast v5, $0x0;
	v5 =	vld.idx.msk [tilespmem:v63+s6+$0x0], $0xffff  }
0xb9: {  	s15 =	simm.s32 $0x10;
	v4 =	vor.u32 v2, v4;
	s16 =	simm.s32 $0xBC;
	[tilespmem:s14+$0xFFFFFFD0] =	vst v62;
	v11 =	vbroadcast v14, $0x0;
	v3 =	vbroadcast v3, $0x0;
	v8 =	vld.idx.msk [tilespmem:v15+s6+$0x0], $0xffff  }
.LBB2_4:
0xba: {  	s17 =	sadd.s32 $0xFFFFFFD4, s16;
	s18 =	sadd.s32 $0xFFFFFFF4, s16;
	s15 =	sadd.s32 $0x10, s15;
	v10 =	vor.u32 v2, v10;
	v7 =	vld.idx.msk [tilespmem:v7+s6+$0x0], $0xffff;
	[tilespmem:s14+$0x10] =	vst v9;
	v9 =	vor.u32 v2, v12  }
0xbb: {  	s19 =	sadd.s32 $0xFFFFFFC4, s16;
	v12 =	vmov s17;
	s17 =	sadd.s32 $0xFFFFFFE4, s16;
	v13 =	vmov s18;
	p0 =	slt.u32 s15, $0xBF0;
	v11 =	vor.u32 v2, v11;
	v6 =	vld.idx.msk [tilespmem:v6+s6+$0x0], $0xffff  }
0xbc: {  	s22 =	sadd.s32 $0xFFFFFFC8, s16;
	s23 =	sadd.s32 $0xFFFFFFD8, s16;
	s24 =	sadd.s32 $0xFFFFFFE8, s16;
	v14 =	vmov s19;
	v15 =	vmov s17;
	v13 =	vshrl.u32 v13, $0x3  }
0xbd: {  	s25 =	sadd.s32 $0xFFFFFFCC, s16;
	s21 =	sadd.s32 $0xFFFFFFDC, s16;
	s20 =	sadd.s32 $0xFFFFFFEC, s16;
	v14 =	vshrl.u32 v14, $0x3;
	v12 =	vshrl.u32 v12, $0x3;
	v13 =	vshll.u32 v13, v1  }
0xbe: {  	s19 =	sadd.s32 $0xFFFFFFD0, s16;
	s18 =	sadd.s32 $0xFFFFFFE0, s16;
	s17 =	sadd.s32 $0xFFFFFFF0, s16;
	v14 =	vshll.u32 v14, v1;
	v15 =	vshrl.u32 v15, $0x3;
	v13 =	vbroadcast v13, $0x0;
	[tilespmem:s14+$0x60] =	vst v8;
	v4 =	vld.idx.msk [tilespmem:v4+s6+$0x0], $0xffff  }
0xbf: {  	v12 =	vshll.u32 v12, v1;
	v8 =	vbroadcast v14, $0x0;
	v14 =	vshll.u32 v15, v1;
	[tilespmem:s14+$0xFFFFFFA0] =	vst v5;
	v5 =	vld.idx.msk [tilespmem:v9+s6+$0x0], $0xffff  }
0xc0: {  	v9 =	vbroadcast v12, $0x0;
	v12 =	vbroadcast v14, $0x0;
	v13 =	vor.u32 v0, v13;
	v10 =	vld.idx.msk [tilespmem:v10+s6+$0x0], $0xffff;
	[tilespmem:s14+$0xFFFFFFE0] =	vst v7  }
0xc1: {  	v14 =	vmov s23;
	v7 =	vor.u32 v0, v8;
	v8 =	vmov s22;
	s22 =	sadd.s32 $0xFFFFFFF8, s16;
	v11 =	vld.idx.msk [tilespmem:v11+s6+$0x0], $0xffff;
	[tilespmem:s14+$0x20] =	vst v6  }
0xc2: {  	v6 =	vor.u32 v0, v9;
	v9 =	vor.u32 v0, v12;
	v12 =	vmov s22  }
0xc3: {  	v15 =	vmov s24;
	v8 =	vshrl.u32 v8, $0x3;
	v12 =	vshrl.u32 v12, $0x3  }
0xc4: {  	v15 =	vshrl.u32 v15, $0x3;
	v14 =	vshrl.u32 v14, $0x3;
	v12 =	vshll.u32 v12, v1;
	[tilespmem:s13+$0x30] =	vst v4;
	s13 =	smov.u32 s14  }
0xc5: {  	v4 =	vshll.u32 v8, v1;
	v8 =	vshll.u32 v14, v1;
	v12 =	vbroadcast v12, $0x0;
	v13 =	vld.idx.msk [tilespmem:v13+s6+$0x0], $0xffff;
	[tilespmem:s14+$0x70] =	vst v5  }
0xc6: {  	v4 =	vbroadcast v4, $0x0;
	v5 =	vld.idx.msk [tilespmem:v7+s6+$0x0], $0xffff;
	v7 =	vbroadcast v8, $0x0;
	v8 =	vshll.u32 v15, v1;
	[tilespmem:s14+$0xFFFFFFB0] =	vst v10  }
0xc7: {  	v10 =	vmov s25;
	v12 =	vor.u32 v2, v12;
	v6 =	vld.idx.msk [tilespmem:v6+s6+$0x0], $0xffff;
	v8 =	vbroadcast v8, $0x0;
	[tilespmem:s14+$0xFFFFFFF0] =	vst v11  }
0xc8: {  	v4 =	vor.u32 v2, v4;
	v11 =	vmov s21;
	s21 =	sadd.s32 $0xFFFFFFFC, s16;
	v7 =	vor.u32 v2, v7;
	v9 =	vld.idx.msk [tilespmem:v9+s6+$0x0], $0xffff  }
0xc9: {  	v14 =	vmov s20;
	v15 =	vmov s21;
	v8 =	vor.u32 v2, v8  }
0xca: {  	v10 =	vshrl.u32 v10, $0x3;
	s14 =	sadd.s32 $0x100, s14;
	v11 =	vshrl.u32 v11, $0x3;
	v15 =	vshrl.u32 v15, $0x3  }
0xcb: {  	v14 =	vshrl.u32 v14, $0x3;
	v10 =	vshll.u32 v10, v1;
	[tilespmem:s14+$0x40] =	vst v13;
	v13 =	vshll.u32 v15, v1  }
0xcc: {  	[tilespmem:s14+$0xFFFFFF80] =	vst v5;
	v5 =	vshll.u32 v11, v1;
	v11 =	vshll.u32 v14, v1;
	v12 =	vld.idx.msk [tilespmem:v12+s6+$0x0], $0xffff;
	v13 =	vbroadcast v13, $0x0  }
0xcd: {  	v10 =	vbroadcast v10, $0x0;
	v14 =	vmov s19;
	v4 =	vld.idx.msk [tilespmem:v4+s6+$0x0], $0xffff;
	[tilespmem:s14+$0xFFFFFFC0] =	vst v6;
	v5 =	vbroadcast v5, $0x0  }
0xce: {  	v16 =	vmov s18;
	v6 =	vbroadcast v11, $0x0;
	v15 =	vld.idx.msk [tilespmem:v7+s6+$0x0], $0xffff;
	[tilespmem:s14+$0x0] =	vst v9;
	v11 =	vor.u32 v0, v13  }
0xcf: {  	v13 =	vor.u32 v0, v10;
	v7 =	vor.u32 v0, v5;
	v9 =	vld.idx.msk [tilespmem:v8+s6+$0x0], $0xffff;
	v5 =	vmov s17  }
.Ltmp1:
0xd0: {  	v10 =	vmov s16;
	v8 =	vshrl.u32 v14, $0x3;
	v6 =	vor.u32 v0, v6;
	(pc) =	sbr.rel @p0 .LBB2_4-.Ltmp1, $4  }
0xd1: {  	v14 =	vshrl.u32 v16, $0x3;
	v10 =	vshrl.u32 v10, $0x3;
	v5 =	vshrl.u32 v5, $0x3  }
0xd2: {  	v8 =	vshll.u32 v8, v1;
	v14 =	vshll.u32 v14, v1;
	[tilespmem:s14+$0x50] =	vst v12;
	v12 =	vshll.u32 v10, v1  }
0xd3: {  	v16 =	vshll.u32 v5, v1;
	v10 =	vbroadcast v8, $0x0;
	[tilespmem:s14+$0xFFFFFF90] =	vst v4;
	v8 =	vld.idx.msk [tilespmem:v11+s6+$0x0], $0xffff;
	v12 =	vbroadcast v12, $0x0  }
0xd4: {  	s16 =	sadd.s32 $0x40, s16;
	v11 =	vbroadcast v14, $0x0;
	v4 =	vor.u32 v2, v3;
	v3 =	vbroadcast v16, $0x0;
	v5 =	vld.idx.msk [tilespmem:v13+s6+$0x0], $0xffff;
	[tilespmem:s14+$0xFFFFFFD0] =	vst v15  }
0xd5: {  	_ =	sdelay $0x2  }
0xd6: {  	v12 =	vor.u32 v2, v12  }
0xd7: {  	v10 =	vor.u32 v2, v10;
	v7 =	vld.idx.msk [tilespmem:v7+s6+$0x0], $0xffff;
	[tilespmem:s14+$0x10] =	vst v9  }
0xd8: {  	v9 =	vor.u32 v2, v11;
	v6 =	vld.idx.msk [tilespmem:v6+s6+$0x0], $0xffff  }
0xd9: {  	s16 =	simm.s32 $0x30;
	v3 =	vor.u32 v2, v3  }
0xda: {  	s17 =	simm.s32 $0x0;
	v4 =	vld.idx.msk [tilespmem:v4+s6+$0x0], $0xffff;
	v11 =	vmov s16;
	s16 =	simm.s32 $0xC;
	[tilespmem:s14+$0x60] =	vst v8  }
0xdb: {  	s15 =	simm.s32 $0x10;
	s25 =	simm.s32 $0x20;
	v13 =	vmov s17;
	v15 =	vmov s16;
	[tilespmem:s14+$0xFFFFFFA0] =	vst v5;
	v5 =	vld.idx.msk [tilespmem:v12+s6+$0x0], $0xffff  }
0xdc: {  	v14 =	vmov s25;
	v8 =	vmov s15;
	v15 =	vshrl.u32 v15, $0x3;
	v10 =	vld.idx.msk [tilespmem:v10+s6+$0x0], $0xffff;
	[tilespmem:s14+$0xFFFFFFE0] =	vst v7  }
0xdd: {  	v11 =	vshrl.u32 v11, $0x3;
	v8 =	vshrl.u32 v8, $0x3;
	v15 =	vshll.u32 v15, v1;
	v9 =	vld.idx.msk [tilespmem:v9+s6+$0x0], $0xffff;
	[tilespmem:s14+$0x20] =	vst v6  }
0xde: {  	s24 =	simm.s32 $0x28;
	v12 =	vshrl.u32 v13, $0x3;
	v7 =	vshll.u32 v11, v1;
	v8 =	vshll.u32 v8, v1;
	v3 =	vld.idx.msk [tilespmem:v3+s6+$0x0], $0xffff  }
0xdf: {  	[tilespmem:s13+$0x30] =	vst v4;
	v13 =	vmov s24;
	v15 =	vbroadcast v15, $0x0;
	v11 =	vshll.u32 v12, v1  }
0xe0: {  	s25 =	simm.s32 $0x38;
	s24 =	simm.s32 $0x44;
	v12 =	vshrl.u32 v14, $0x3;
	v6 =	vbroadcast v7, $0x0;
	v8 =	vbroadcast v8, $0x0;
	[tilespmem:s14+$0x70] =	vst v5  }
0xe1: {  	s19 =	simm.s32 $0x24;
	v14 =	vmov s25;
	v13 =	vshrl.u32 v13, $0x3;
	v52 =	vmov s24;
	[tilespmem:s14+$0xFFFFFFB0] =	vst v10  }
0xe2: {  	v7 =	vbroadcast v11, $0x0;
	v11 =	vshll.u32 v12, v1;
	v12 =	vmov s19;
	[tilespmem:s14+$0xFFFFFFF0] =	vst v9  }
0xe3: {  	s25 =	simm.s32 $0x54;
	v14 =	vshrl.u32 v14, $0x3;
	v13 =	vshll.u32 v13, v1;
	v15 =	vor.u32 v2, v15;
	[tilespmem:s14+$0x30] =	vst v3  }
0xe4: {  	s18 =	simm.s32 $0x14;
	s19 =	simm.s32 $0x2C;
	v53 =	vmov s25;
	v4 =	vbroadcast v11, $0x0;
	v6 =	vor.u32 v0, v6;
	s21 =	rddreg [dreg:$0x14]  }
0xe5: {  	v11 =	vmov s18;
	v8 =	vor.u32 v0, v8;
	v14 =	vshll.u32 v14, v1;
	[hbm4b:s21+s1] =	stream.linear.scatter [tilespmem:s9], [sflag:$0x4], $0xC000, $0x38;
	[tilespmem:$0x1E000] =	vst v63  }
0xe6: {  	s18 =	simm.s32 $0x3C;
	v13 =	vbroadcast v13, $0x0;
	v17 =	vmov s19;
	v7 =	vor.u32 v0, v7;
	_ =	swait.ge [sflag:s5], $0x3000  }
0xe7: {  	s20 =	simm.s32 $0x34;
	s17 =	simm.s32 $0x4;
	v14 =	vbroadcast v14, $0x0;
	v18 =	vmov s18;
	v17 =	vshrl.u32 v17, $0x3;
	[sflag:s5] =	ssyncset.done $0x0  }
0xe8: {  	s18 =	simm.s32 $0x48;
	v5 =	vmov s17;
	v10 =	vmov s20;
	v4 =	vor.u32 v0, v4;
	s15 =	rddreg [dreg:$0x6];
	[sflag:s5] =	ssyncadd.s32 $0xFFFFD000  }
0xe9: {  	v18 =	vshrl.u32 v18, $0x3;
	v56 =	vmov s18;
	v5 =	vshrl.u32 v5, $0x3;
	[tilespmem:s6], [sflag:$0x2] =	stream.linear.gather [hbm4b:s15+s1], $0x3000, $0x38;
	[tilespmem:$0x1E000] =	vst v63  }
0xea: {  	s23 =	simm.s32 $0x18;
	s17 =	simm.s32 $0x1C;
	v9 =	vshrl.u32 v10, $0x3;
	v10 =	vshrl.u32 v11, $0x3;
	v11 =	vshrl.u32 v12, $0x3;
	_ =	swait.ge [sflag:s10], $0xC000  }
0xeb: {  	v12 =	vmov s23;
	v16 =	vmov s17;
	v3 =	vshll.u32 v9, v1;
	[sflag:s10] =	ssyncset.done $0x0  }
0xec: {  	s20 =	simm.s32 $0x50;
	v14 =	vor.u32 v0, v14;
	v18 =	vshll.u32 v18, v1;
	v3 =	vbroadcast v3, $0x0;
	[sflag:s10] =	ssyncadd.s32 $0xFFFF4000  }
0xed: {  	s22 =	simm.s32 $0x8;
	v48 =	vmov s20;
	v5 =	vshll.u32 v5, v1;
	v9 =	vshll.u32 v10, v1;
	v6 =	vld.idx.msk [tilespmem:v6+s1+$0x0], $0xffff  }
0xee: {  	v10 =	vshll.u32 v11, v1;
	v11 =	vmov s22;
	v3 =	vor.u32 v2, v3  }
0xef: {  	s23 =	simm.s32 $0x60;
	s17 =	simm.s32 $0x64;
	v12 =	vshrl.u32 v12, $0x3;
	v16 =	vshrl.u32 v16, $0x3;
	v18 =	vbroadcast v18, $0x0  }
0xf0: {  	s20 =	simm.s32 $0x68;
	v20 =	vmov s23;
	v54 =	vmov s17;
	v5 =	vbroadcast v5, $0x0  }
0xf1: {  	s13 =	simm.s32 $0x6080;
	v57 =	vmov s20;
	v9 =	vbroadcast v9, $0x0;
	v10 =	vbroadcast v10, $0x0;
	v7 =	vld.idx.msk [tilespmem:v7+s1+$0x0], $0xffff  }
0xf2: {  	v11 =	vshrl.u32 v11, $0x3;
	v12 =	vshll.u32 v12, v1;
	v5 =	vor.u32 v2, v5;
	v8 =	vld.idx.msk [tilespmem:v8+s1+$0x0], $0xffff;
	[tilespmem:s13+$0x40] =	vst v6  }
0xf3: {  	v16 =	vshll.u32 v16, v1;
	v51 =	vshrl.u32 v20, $0x3;
	v9 =	vor.u32 v2, v9;
	v3 =	vld.idx.msk [tilespmem:v3+s1+$0x0], $0xffff  }
0xf4: {  	v11 =	vshll.u32 v11, v1;
	v12 =	vbroadcast v12, $0x0;
	s21 =	simm.s32 $0x70;
	v47 =	vor.u32 v2, v18;
	v19 =	vld.idx.msk [tilespmem:v4+s1+$0x0], $0xffff  }
0xf5: {  	v10 =	vor.u32 v2, v10;
	v11 =	vbroadcast v11, $0x0;
	v49 =	vmov s21;
	s21 =	simm.s32 $0x78  }
0xf6: {  	s22 =	simm.s32 $0x40;
	v12 =	vor.u32 v0, v12;
	v18 =	vshrl.u32 v49, $0x3;
	v58 =	vmov s21;
	[tilespmem:s13+$0xFFFFFF80] =	vst v7  }
0xf7: {  	v11 =	vor.u32 v0, v11;
	v50 =	vshll.u32 v18, v1;
	v7 =	vmov s22;
	[tilespmem:s13+$0xFFFFFFC0] =	vst v8;
	v5 =	vld.idx.msk [tilespmem:v5+s1+$0x0], $0xffff  }
0xf8: {  	v18 =	vshrl.u32 v54, $0x3;
	v4 =	vshll.u32 v17, v1;
	v7 =	vshrl.u32 v7, $0x3;
	v9 =	vld.idx.msk [tilespmem:v9+s1+$0x0], $0xffff;
	[tilespmem:s13+$0x50] =	vst v3  }
0xf9: {  	v17 =	vbroadcast v50, $0x0;
	v8 =	vshrl.u32 v48, $0x3;
	[tilespmem:s13+$0x0] =	vst v19;
	v7 =	vshll.u32 v7, v1;
	v14 =	vld.idx.msk [tilespmem:v14+s1+$0x0], $0xffff  }
0xfa: {  	v10 =	vld.idx.msk [tilespmem:v10+s1+$0x0], $0xffff;
	v3 =	vbroadcast v7, $0x0;
	v7 =	vshll.u32 v8, v1;
	v8 =	vshll.u32 v51, v1  }
0xfb: {  	v6 =	vor.u32 v0, v13;
	v7 =	vbroadcast v7, $0x0;
	v8 =	vbroadcast v8, $0x0  }
0xfc: {  	s16 =	simm.s32 $0x74;
	v59 =	vshrl.u32 v58, $0x3;
	v17 =	vor.u32 v0, v17;
	[tilespmem:s13+$0xFFFFFF90] =	vst v5;
	v3 =	vor.u32 v0, v3  }
0xfd: {  	[tilespmem:s13+$0xFFFFFFD0] =	vst v9;
	v11 =	vld.idx.msk [tilespmem:v11+s1+$0x0], $0xffff;
	v5 =	vor.u32 v0, v7;
	v7 =	vor.u32 v0, v8;
	v8 =	vmov s16  }
0xfe: {  	v55 =	vshll.u32 v18, v1;
	v60 =	vshll.u32 v59, v1;
	v12 =	vld.idx.msk [tilespmem:v12+s1+$0x0], $0xffff;
	v8 =	vshrl.u32 v8, $0x3;
	[tilespmem:s13+$0x60] =	vst v14  }
0xff: {  	v13 =	vbroadcast v16, $0x0;
	v9 =	vshrl.u32 v52, $0x3;
	[tilespmem:s13+$0x10] =	vst v10;
	v8 =	vshll.u32 v8, v1;
	v14 =	vld.idx.msk [tilespmem:v47+s1+$0x0], $0xffff  }
0x100: {  	v10 =	vshrl.u32 v53, $0x3;
	v6 =	vld.idx.msk [tilespmem:v6+s1+$0x0], $0xffff;
	v9 =	vshll.u32 v9, v1;
	v8 =	vbroadcast v8, $0x0  }
0x101: {  	v13 =	vor.u32 v2, v13;
	v17 =	vld.idx.msk [tilespmem:v17+s1+$0x0], $0xffff;
	v10 =	vshll.u32 v10, v1;
	v9 =	vbroadcast v9, $0x0  }
0x102: {  	s19 =	simm.s32 $0x58;
	v16 =	vbroadcast v55, $0x0;
	v10 =	vbroadcast v10, $0x0;
	[tilespmem:s13+$0xFFFFFFA0] =	vst v11;
	v3 =	vld.idx.msk [tilespmem:v3+s1+$0x0], $0xffff;
	v8 =	vor.u32 v2, v8  }
0x103: {  	v4 =	vbroadcast v4, $0x0;
	v9 =	vor.u32 v2, v9;
	v11 =	vmov s19;
	[tilespmem:s13+$0xFFFFFFE0] =	vst v12;
	v5 =	vld.idx.msk [tilespmem:v5+s1+$0x0], $0xffff  }
0x104: {  	v10 =	vor.u32 v2, v10;
	v12 =	vor.u32 v2, v16;
	v11 =	vshrl.u32 v11, $0x3;
	[tilespmem:s13+$0x70] =	vst v14;
	v14 =	vld.idx.msk [tilespmem:v7+s1+$0x0], $0xffff  }
0x105: {  	s14 =	simm.s32 $0x6180;
	[tilespmem:s13+$0x20] =	vst v6;
	v16 =	vbroadcast v60, $0x0;
	v6 =	vld.idx.msk [tilespmem:v15+s1+$0x0], $0xffff;
	v15 =	vshrl.u32 v56, $0x3;
	v11 =	vshll.u32 v11, v1  }
0x106: {  	s22 =	simm.s32 $0x4C;
	[tilespmem:s14+$0x40] =	vst v17;
	v13 =	vld.idx.msk [tilespmem:v13+s1+$0x0], $0xffff;
	v11 =	vbroadcast v11, $0x0;
	v7 =	vshll.u32 v15, v1;
	v15 =	vshrl.u32 v57, $0x3  }
0x107: {  	s23 =	simm.s32 $0x5C;
	[tilespmem:s14+$0xFFFFFF80] =	vst v3;
	v15 =	vshll.u32 v15, v1;
	v3 =	vld.idx.msk [tilespmem:v8+s1+$0x0], $0xffff;
	v7 =	vbroadcast v7, $0x0;
	v8 =	vmov s22  }
0x108: {  	s24 =	simm.s32 $0x6C;
	v61 =	vld.idx.msk [tilespmem:v9+s1+$0x0], $0xffff;
	[tilespmem:s14+$0xFFFFFFC0] =	vst v5;
	v5 =	vmov s23;
	v9 =	vbroadcast v15, $0x0;
	v15 =	vor.u32 v0, v16  }
0x109: {  	s25 =	simm.s32 $0x7C;
	v62 =	vld.idx.msk [tilespmem:v10+s1+$0x0], $0xffff;
	v10 =	vmov s24;
	v8 =	vshrl.u32 v8, $0x3;
	v63 =	vor.u32 v0, v7;
	[tilespmem:s14+$0x0] =	vst v14  }
0x10a: {  	[tilespmem:s13+$0xFFFFFFB0] =	vst v6;
	v7 =	vor.u32 v0, v11;
	v11 =	vmov s25;
	v6 =	vor.u32 v0, v9;
	v9 =	vld.idx.msk [tilespmem:v12+s1+$0x0], $0xffff  }
0x10b: {  	[tilespmem:s13+$0xFFFFFFF0] =	vst v13;
	v5 =	vshrl.u32 v5, $0x3;
	v12 =	vshrl.u32 v10, $0x3;
	v10 =	vshrl.u32 v11, $0x3  }
0x10c: {  	v8 =	vshll.u32 v8, v1;
	v11 =	vshll.u32 v5, v1;
	[tilespmem:s14+$0x50] =	vst v3;
	v3 =	vshll.u32 v10, v1  }
0x10d: {  	[tilespmem:s14+$0xFFFFFF90] =	vst v61;
	v10 =	vbroadcast v8, $0x0;
	v13 =	vshll.u32 v12, v1;
	v8 =	vld.idx.msk [tilespmem:v15+s1+$0x0], $0xffff;
	v12 =	vbroadcast v3, $0x0  }
0x10e: {  	s15 =	simm.s32 $0x10;
	v4 =	vor.u32 v2, v4;
	s16 =	simm.s32 $0xBC;
	[tilespmem:s14+$0xFFFFFFD0] =	vst v62;
	v11 =	vbroadcast v11, $0x0;
	v5 =	vld.idx.msk [tilespmem:v63+s1+$0x0], $0xffff;
	v3 =	vbroadcast v13, $0x0  }
.LBB2_6:
0x10f: {  	s17 =	sadd.s32 $0xFFFFFFD4, s16;
	s18 =	sadd.s32 $0xFFFFFFF4, s16;
	s15 =	sadd.s32 $0x10, s15;
	v10 =	vor.u32 v2, v10;
	v7 =	vld.idx.msk [tilespmem:v7+s1+$0x0], $0xffff;
	[tilespmem:s14+$0x10] =	vst v9;
	v9 =	vor.u32 v2, v12  }
0x110: {  	s19 =	sadd.s32 $0xFFFFFFC4, s16;
	v12 =	vmov s17;
	s17 =	sadd.s32 $0xFFFFFFE4, s16;
	v13 =	vmov s18;
	p0 =	slt.u32 s15, $0xBF0;
	v11 =	vor.u32 v2, v11;
	v6 =	vld.idx.msk [tilespmem:v6+s1+$0x0], $0xffff  }
0x111: {  	s22 =	sadd.s32 $0xFFFFFFC8, s16;
	s23 =	sadd.s32 $0xFFFFFFD8, s16;
	s24 =	sadd.s32 $0xFFFFFFE8, s16;
	v14 =	vmov s19;
	v15 =	vmov s17;
	v13 =	vshrl.u32 v13, $0x3  }
0x112: {  	s25 =	sadd.s32 $0xFFFFFFCC, s16;
	s21 =	sadd.s32 $0xFFFFFFDC, s16;
	s20 =	sadd.s32 $0xFFFFFFEC, s16;
	v14 =	vshrl.u32 v14, $0x3;
	v12 =	vshrl.u32 v12, $0x3;
	v13 =	vshll.u32 v13, v1  }
0x113: {  	s19 =	sadd.s32 $0xFFFFFFD0, s16;
	s18 =	sadd.s32 $0xFFFFFFE0, s16;
	s17 =	sadd.s32 $0xFFFFFFF0, s16;
	v14 =	vshll.u32 v14, v1;
	v15 =	vshrl.u32 v15, $0x3;
	v13 =	vbroadcast v13, $0x0;
	[tilespmem:s14+$0x60] =	vst v8;
	v4 =	vld.idx.msk [tilespmem:v4+s1+$0x0], $0xffff  }
0x114: {  	v12 =	vshll.u32 v12, v1;
	v8 =	vbroadcast v14, $0x0;
	v14 =	vshll.u32 v15, v1;
	[tilespmem:s14+$0xFFFFFFA0] =	vst v5;
	v5 =	vld.idx.msk [tilespmem:v9+s1+$0x0], $0xffff  }
0x115: {  	v9 =	vbroadcast v12, $0x0;
	v12 =	vbroadcast v14, $0x0;
	v13 =	vor.u32 v0, v13;
	v10 =	vld.idx.msk [tilespmem:v10+s1+$0x0], $0xffff;
	[tilespmem:s14+$0xFFFFFFE0] =	vst v7  }
0x116: {  	v14 =	vmov s23;
	v7 =	vor.u32 v0, v8;
	v8 =	vmov s22;
	s22 =	sadd.s32 $0xFFFFFFF8, s16;
	v11 =	vld.idx.msk [tilespmem:v11+s1+$0x0], $0xffff;
	[tilespmem:s14+$0x20] =	vst v6  }
0x117: {  	v6 =	vor.u32 v0, v9;
	v9 =	vor.u32 v0, v12;
	v12 =	vmov s22  }
0x118: {  	v15 =	vmov s24;
	v8 =	vshrl.u32 v8, $0x3;
	v12 =	vshrl.u32 v12, $0x3  }
0x119: {  	v15 =	vshrl.u32 v15, $0x3;
	v14 =	vshrl.u32 v14, $0x3;
	v12 =	vshll.u32 v12, v1;
	[tilespmem:s13+$0x30] =	vst v4;
	s13 =	smov.u32 s14  }
0x11a: {  	v4 =	vshll.u32 v8, v1;
	v8 =	vshll.u32 v14, v1;
	v12 =	vbroadcast v12, $0x0;
	v13 =	vld.idx.msk [tilespmem:v13+s1+$0x0], $0xffff;
	[tilespmem:s14+$0x70] =	vst v5  }
0x11b: {  	v4 =	vbroadcast v4, $0x0;
	v5 =	vld.idx.msk [tilespmem:v7+s1+$0x0], $0xffff;
	v7 =	vbroadcast v8, $0x0;
	v8 =	vshll.u32 v15, v1;
	[tilespmem:s14+$0xFFFFFFB0] =	vst v10  }
0x11c: {  	v10 =	vmov s25;
	v12 =	vor.u32 v2, v12;
	v6 =	vld.idx.msk [tilespmem:v6+s1+$0x0], $0xffff;
	v8 =	vbroadcast v8, $0x0;
	[tilespmem:s14+$0xFFFFFFF0] =	vst v11  }
0x11d: {  	v4 =	vor.u32 v2, v4;
	v11 =	vmov s21;
	s21 =	sadd.s32 $0xFFFFFFFC, s16;
	v7 =	vor.u32 v2, v7;
	v9 =	vld.idx.msk [tilespmem:v9+s1+$0x0], $0xffff  }
0x11e: {  	v14 =	vmov s20;
	v15 =	vmov s21;
	v8 =	vor.u32 v2, v8  }
0x11f: {  	v10 =	vshrl.u32 v10, $0x3;
	s14 =	sadd.s32 $0x100, s14;
	v11 =	vshrl.u32 v11, $0x3;
	v15 =	vshrl.u32 v15, $0x3  }
0x120: {  	v14 =	vshrl.u32 v14, $0x3;
	v10 =	vshll.u32 v10, v1;
	[tilespmem:s14+$0x40] =	vst v13;
	v13 =	vshll.u32 v15, v1  }
0x121: {  	[tilespmem:s14+$0xFFFFFF80] =	vst v5;
	v5 =	vshll.u32 v11, v1;
	v11 =	vshll.u32 v14, v1;
	v12 =	vld.idx.msk [tilespmem:v12+s1+$0x0], $0xffff;
	v13 =	vbroadcast v13, $0x0  }
0x122: {  	v10 =	vbroadcast v10, $0x0;
	v14 =	vmov s19;
	v4 =	vld.idx.msk [tilespmem:v4+s1+$0x0], $0xffff;
	[tilespmem:s14+$0xFFFFFFC0] =	vst v6;
	v5 =	vbroadcast v5, $0x0  }
0x123: {  	v16 =	vmov s18;
	v6 =	vbroadcast v11, $0x0;
	v15 =	vld.idx.msk [tilespmem:v7+s1+$0x0], $0xffff;
	[tilespmem:s14+$0x0] =	vst v9;
	v11 =	vor.u32 v0, v13  }
0x124: {  	v13 =	vor.u32 v0, v10;
	v7 =	vor.u32 v0, v5;
	v9 =	vld.idx.msk [tilespmem:v8+s1+$0x0], $0xffff;
	v5 =	vmov s17  }
.Ltmp2:
0x125: {  	v10 =	vmov s16;
	v8 =	vshrl.u32 v14, $0x3;
	v6 =	vor.u32 v0, v6;
	(pc) =	sbr.rel @p0 .LBB2_6-.Ltmp2, $4  }
0x126: {  	v14 =	vshrl.u32 v16, $0x3;
	v10 =	vshrl.u32 v10, $0x3;
	v5 =	vshrl.u32 v5, $0x3  }
0x127: {  	v8 =	vshll.u32 v8, v1;
	v14 =	vshll.u32 v14, v1;
	[tilespmem:s14+$0x50] =	vst v12;
	v12 =	vshll.u32 v10, v1  }
0x128: {  	v16 =	vshll.u32 v5, v1;
	v10 =	vbroadcast v8, $0x0;
	[tilespmem:s14+$0xFFFFFF90] =	vst v4;
	v8 =	vld.idx.msk [tilespmem:v11+s1+$0x0], $0xffff;
	v12 =	vbroadcast v12, $0x0  }
0x129: {  	s16 =	sadd.s32 $0x40, s16;
	v11 =	vbroadcast v14, $0x0;
	v4 =	vor.u32 v2, v3;
	v3 =	vbroadcast v16, $0x0;
	v5 =	vld.idx.msk [tilespmem:v13+s1+$0x0], $0xffff;
	[tilespmem:s14+$0xFFFFFFD0] =	vst v15  }
0x12a: {  	_ =	sdelay $0x2  }
0x12b: {  	v12 =	vor.u32 v2, v12  }
0x12c: {  	v10 =	vor.u32 v2, v10;
	v7 =	vld.idx.msk [tilespmem:v7+s1+$0x0], $0xffff;
	[tilespmem:s14+$0x10] =	vst v9  }
0x12d: {  	v9 =	vor.u32 v2, v11;
	v6 =	vld.idx.msk [tilespmem:v6+s1+$0x0], $0xffff  }
0x12e: {  	s16 =	simm.s32 $0x30;
	v3 =	vor.u32 v2, v3  }
0x12f: {  	s17 =	simm.s32 $0x0;
	v4 =	vld.idx.msk [tilespmem:v4+s1+$0x0], $0xffff;
	v11 =	vmov s16;
	s16 =	simm.s32 $0xC;
	[tilespmem:s14+$0x60] =	vst v8  }
0x130: {  	s15 =	simm.s32 $0x10;
	s25 =	simm.s32 $0x20;
	v13 =	vmov s17;
	v15 =	vmov s16;
	[tilespmem:s14+$0xFFFFFFA0] =	vst v5;
	v5 =	vld.idx.msk [tilespmem:v12+s1+$0x0], $0xffff  }
0x131: {  	v14 =	vmov s25;
	v8 =	vmov s15;
	v15 =	vshrl.u32 v15, $0x3;
	v10 =	vld.idx.msk [tilespmem:v10+s1+$0x0], $0xffff;
	[tilespmem:s14+$0xFFFFFFE0] =	vst v7  }
0x132: {  	v11 =	vshrl.u32 v11, $0x3;
	v8 =	vshrl.u32 v8, $0x3;
	v15 =	vshll.u32 v15, v1;
	v9 =	vld.idx.msk [tilespmem:v9+s1+$0x0], $0xffff;
	[tilespmem:s14+$0x20] =	vst v6  }
0x133: {  	s24 =	simm.s32 $0x28;
	v12 =	vshrl.u32 v13, $0x3;
	v7 =	vshll.u32 v11, v1;
	v8 =	vshll.u32 v8, v1;
	v3 =	vld.idx.msk [tilespmem:v3+s1+$0x0], $0xffff  }
0x134: {  	[tilespmem:s13+$0x30] =	vst v4;
	v13 =	vmov s24;
	v15 =	vbroadcast v15, $0x0;
	v11 =	vshll.u32 v12, v1  }
0x135: {  	s25 =	simm.s32 $0x38;
	s24 =	simm.s32 $0x44;
	v12 =	vshrl.u32 v14, $0x3;
	v6 =	vbroadcast v7, $0x0;
	v8 =	vbroadcast v8, $0x0;
	[tilespmem:s14+$0x70] =	vst v5  }
0x136: {  	s19 =	simm.s32 $0x24;
	v14 =	vmov s25;
	v13 =	vshrl.u32 v13, $0x3;
	v52 =	vmov s24;
	[tilespmem:s14+$0xFFFFFFB0] =	vst v10  }
0x137: {  	v7 =	vbroadcast v11, $0x0;
	v11 =	vshll.u32 v12, v1;
	v12 =	vmov s19;
	[tilespmem:s14+$0xFFFFFFF0] =	vst v9  }
0x138: {  	s25 =	simm.s32 $0x54;
	v14 =	vshrl.u32 v14, $0x3;
	v13 =	vshll.u32 v13, v1;
	v15 =	vor.u32 v2, v15;
	[tilespmem:s14+$0x30] =	vst v3  }
0x139: {  	s18 =	simm.s32 $0x14;
	s19 =	simm.s32 $0x2C;
	v53 =	vmov s25;
	v4 =	vbroadcast v11, $0x0;
	v6 =	vor.u32 v0, v6;
	s21 =	rddreg [dreg:$0x15]  }
0x13a: {  	v11 =	vmov s18;
	v8 =	vor.u32 v0, v8;
	v14 =	vshll.u32 v14, v1;
	[hbm4b:s21+s1] =	stream.linear.scatter [tilespmem:s7], [sflag:$0x3], $0xC000, $0x38;
	[tilespmem:$0x1E000] =	vst v63  }
0x13b: {  	s18 =	simm.s32 $0x3C;
	v13 =	vbroadcast v13, $0x0;
	v17 =	vmov s19;
	v7 =	vor.u32 v0, v7;
	_ =	swait.ge [sflag:s8], $0x3000  }
0x13c: {  	s20 =	simm.s32 $0x34;
	s17 =	simm.s32 $0x4;
	v14 =	vbroadcast v14, $0x0;
	v18 =	vmov s18;
	v17 =	vshrl.u32 v17, $0x3;
	[sflag:s8] =	ssyncset.done $0x0  }
0x13d: {  	s18 =	simm.s32 $0x48;
	v5 =	vmov s17;
	v10 =	vmov s20;
	v4 =	vor.u32 v0, v4;
	s15 =	rddreg [dreg:$0x7];
	[sflag:s8] =	ssyncadd.s32 $0xFFFFD000  }
0x13e: {  	v18 =	vshrl.u32 v18, $0x3;
	v56 =	vmov s18;
	v5 =	vshrl.u32 v5, $0x3;
	[tilespmem:s1], [sflag:$0x1] =	stream.linear.gather [hbm4b:s15+s1], $0x3000, $0x38;
	[tilespmem:$0x1E000] =	vst v63  }
0x13f: {  	s23 =	simm.s32 $0x18;
	s17 =	simm.s32 $0x1C;
	v9 =	vshrl.u32 v10, $0x3;
	v10 =	vshrl.u32 v11, $0x3;
	v11 =	vshrl.u32 v12, $0x3;
	_ =	swait.ge [sflag:s11], $0xC000  }
0x140: {  	v12 =	vmov s23;
	v16 =	vmov s17;
	v3 =	vshll.u32 v9, v1;
	[sflag:s11] =	ssyncset.done $0x0  }
0x141: {  	s20 =	simm.s32 $0x50;
	v14 =	vor.u32 v0, v14;
	v18 =	vshll.u32 v18, v1;
	v3 =	vbroadcast v3, $0x0;
	[sflag:s11] =	ssyncadd.s32 $0xFFFF4000  }
0x142: {  	s22 =	simm.s32 $0x8;
	v48 =	vmov s20;
	v5 =	vshll.u32 v5, v1;
	v9 =	vshll.u32 v10, v1;
	v6 =	vld.idx.msk [tilespmem:v6+s6+$0x0], $0xffff  }
0x143: {  	v10 =	vshll.u32 v11, v1;
	v11 =	vmov s22;
	v3 =	vor.u32 v2, v3  }
0x144: {  	s23 =	simm.s32 $0x60;
	s17 =	simm.s32 $0x64;
	v12 =	vshrl.u32 v12, $0x3;
	v16 =	vshrl.u32 v16, $0x3;
	v18 =	vbroadcast v18, $0x0  }
0x145: {  	s20 =	simm.s32 $0x68;
	v20 =	vmov s23;
	v54 =	vmov s17;
	v5 =	vbroadcast v5, $0x0  }
0x146: {  	s13 =	simm.s32 $0x12080;
	v57 =	vmov s20;
	v9 =	vbroadcast v9, $0x0;
	v10 =	vbroadcast v10, $0x0;
	v7 =	vld.idx.msk [tilespmem:v7+s6+$0x0], $0xffff  }
0x147: {  	v11 =	vshrl.u32 v11, $0x3;
	v12 =	vshll.u32 v12, v1;
	v5 =	vor.u32 v2, v5;
	v8 =	vld.idx.msk [tilespmem:v8+s6+$0x0], $0xffff;
	[tilespmem:s13+$0x40] =	vst v6  }
0x148: {  	v16 =	vshll.u32 v16, v1;
	v51 =	vshrl.u32 v20, $0x3;
	v9 =	vor.u32 v2, v9;
	v3 =	vld.idx.msk [tilespmem:v3+s6+$0x0], $0xffff  }
0x149: {  	v11 =	vshll.u32 v11, v1;
	v12 =	vbroadcast v12, $0x0;
	s21 =	simm.s32 $0x70;
	v47 =	vor.u32 v2, v18;
	v19 =	vld.idx.msk [tilespmem:v4+s6+$0x0], $0xffff  }
0x14a: {  	v10 =	vor.u32 v2, v10;
	v11 =	vbroadcast v11, $0x0;
	v49 =	vmov s21;
	s21 =	simm.s32 $0x78  }
0x14b: {  	s22 =	simm.s32 $0x40;
	v12 =	vor.u32 v0, v12;
	v18 =	vshrl.u32 v49, $0x3;
	v58 =	vmov s21;
	[tilespmem:s13+$0xFFFFFF80] =	vst v7  }
0x14c: {  	v11 =	vor.u32 v0, v11;
	v50 =	vshll.u32 v18, v1;
	v7 =	vmov s22;
	[tilespmem:s13+$0xFFFFFFC0] =	vst v8;
	v5 =	vld.idx.msk [tilespmem:v5+s6+$0x0], $0xffff  }
0x14d: {  	v18 =	vshrl.u32 v54, $0x3;
	v4 =	vshll.u32 v17, v1;
	v7 =	vshrl.u32 v7, $0x3;
	v9 =	vld.idx.msk [tilespmem:v9+s6+$0x0], $0xffff;
	[tilespmem:s13+$0x50] =	vst v3  }
0x14e: {  	v17 =	vbroadcast v50, $0x0;
	v8 =	vshrl.u32 v48, $0x3;
	[tilespmem:s13+$0x0] =	vst v19;
	v7 =	vshll.u32 v7, v1;
	v14 =	vld.idx.msk [tilespmem:v14+s6+$0x0], $0xffff  }
0x14f: {  	v10 =	vld.idx.msk [tilespmem:v10+s6+$0x0], $0xffff;
	v3 =	vbroadcast v7, $0x0;
	v7 =	vshll.u32 v8, v1;
	v8 =	vshll.u32 v51, v1  }
0x150: {  	v6 =	vor.u32 v0, v13;
	v7 =	vbroadcast v7, $0x0;
	v8 =	vbroadcast v8, $0x0  }
0x151: {  	s16 =	simm.s32 $0x74;
	v59 =	vshrl.u32 v58, $0x3;
	v17 =	vor.u32 v0, v17;
	[tilespmem:s13+$0xFFFFFF90] =	vst v5;
	v3 =	vor.u32 v0, v3  }
0x152: {  	[tilespmem:s13+$0xFFFFFFD0] =	vst v9;
	v11 =	vld.idx.msk [tilespmem:v11+s6+$0x0], $0xffff;
	v5 =	vor.u32 v0, v7;
	v7 =	vor.u32 v0, v8;
	v8 =	vmov s16  }
0x153: {  	v55 =	vshll.u32 v18, v1;
	v60 =	vshll.u32 v59, v1;
	v12 =	vld.idx.msk [tilespmem:v12+s6+$0x0], $0xffff;
	v8 =	vshrl.u32 v8, $0x3;
	[tilespmem:s13+$0x60] =	vst v14  }
0x154: {  	v13 =	vbroadcast v16, $0x0;
	v9 =	vshrl.u32 v52, $0x3;
	[tilespmem:s13+$0x10] =	vst v10;
	v8 =	vshll.u32 v8, v1;
	v14 =	vld.idx.msk [tilespmem:v47+s6+$0x0], $0xffff  }
0x155: {  	v10 =	vshrl.u32 v53, $0x3;
	v6 =	vld.idx.msk [tilespmem:v6+s6+$0x0], $0xffff;
	v9 =	vshll.u32 v9, v1;
	v8 =	vbroadcast v8, $0x0  }
0x156: {  	v13 =	vor.u32 v2, v13;
	v17 =	vld.idx.msk [tilespmem:v17+s6+$0x0], $0xffff;
	v10 =	vshll.u32 v10, v1;
	v9 =	vbroadcast v9, $0x0  }
0x157: {  	s19 =	simm.s32 $0x58;
	v16 =	vbroadcast v55, $0x0;
	v10 =	vbroadcast v10, $0x0;
	[tilespmem:s13+$0xFFFFFFA0] =	vst v11;
	v3 =	vld.idx.msk [tilespmem:v3+s6+$0x0], $0xffff;
	v8 =	vor.u32 v2, v8  }
0x158: {  	v4 =	vbroadcast v4, $0x0;
	v9 =	vor.u32 v2, v9;
	v11 =	vmov s19;
	[tilespmem:s13+$0xFFFFFFE0] =	vst v12;
	v5 =	vld.idx.msk [tilespmem:v5+s6+$0x0], $0xffff  }
0x159: {  	v10 =	vor.u32 v2, v10;
	v12 =	vor.u32 v2, v16;
	v11 =	vshrl.u32 v11, $0x3;
	[tilespmem:s13+$0x70] =	vst v14;
	v14 =	vld.idx.msk [tilespmem:v7+s6+$0x0], $0xffff  }
0x15a: {  	s14 =	simm.s32 $0x12180;
	[tilespmem:s13+$0x20] =	vst v6;
	v16 =	vbroadcast v60, $0x0;
	v6 =	vld.idx.msk [tilespmem:v15+s6+$0x0], $0xffff;
	v15 =	vshrl.u32 v56, $0x3;
	v11 =	vshll.u32 v11, v1  }
0x15b: {  	s22 =	simm.s32 $0x4C;
	[tilespmem:s14+$0x40] =	vst v17;
	v13 =	vld.idx.msk [tilespmem:v13+s6+$0x0], $0xffff;
	v11 =	vbroadcast v11, $0x0;
	v7 =	vshll.u32 v15, v1;
	v15 =	vshrl.u32 v57, $0x3  }
0x15c: {  	s23 =	simm.s32 $0x5C;
	[tilespmem:s14+$0xFFFFFF80] =	vst v3;
	v15 =	vshll.u32 v15, v1;
	v3 =	vld.idx.msk [tilespmem:v8+s6+$0x0], $0xffff;
	v7 =	vbroadcast v7, $0x0;
	v8 =	vmov s22  }
0x15d: {  	s24 =	simm.s32 $0x6C;
	v61 =	vld.idx.msk [tilespmem:v9+s6+$0x0], $0xffff;
	[tilespmem:s14+$0xFFFFFFC0] =	vst v5;
	v5 =	vmov s23;
	v9 =	vbroadcast v15, $0x0;
	v15 =	vor.u32 v0, v16  }
0x15e: {  	s25 =	simm.s32 $0x7C;
	v62 =	vld.idx.msk [tilespmem:v10+s6+$0x0], $0xffff;
	v10 =	vmov s24;
	v8 =	vshrl.u32 v8, $0x3;
	v63 =	vor.u32 v0, v7;
	[tilespmem:s14+$0x0] =	vst v14  }
0x15f: {  	[tilespmem:s13+$0xFFFFFFB0] =	vst v6;
	v7 =	vor.u32 v0, v11;
	v11 =	vmov s25;
	v6 =	vor.u32 v0, v9;
	v9 =	vld.idx.msk [tilespmem:v12+s6+$0x0], $0xffff  }
0x160: {  	[tilespmem:s13+$0xFFFFFFF0] =	vst v13;
	v5 =	vshrl.u32 v5, $0x3;
	v12 =	vshrl.u32 v10, $0x3;
	v10 =	vshrl.u32 v11, $0x3  }
0x161: {  	v8 =	vshll.u32 v8, v1;
	v11 =	vshll.u32 v5, v1;
	[tilespmem:s14+$0x50] =	vst v3;
	v3 =	vshll.u32 v10, v1  }
0x162: {  	[tilespmem:s14+$0xFFFFFF90] =	vst v61;
	v10 =	vbroadcast v8, $0x0;
	v13 =	vshll.u32 v12, v1;
	v8 =	vld.idx.msk [tilespmem:v15+s6+$0x0], $0xffff;
	v12 =	vbroadcast v3, $0x0  }
0x163: {  	s15 =	simm.s32 $0x10;
	v4 =	vor.u32 v2, v4;
	s16 =	simm.s32 $0xBC;
	[tilespmem:s14+$0xFFFFFFD0] =	vst v62;
	v11 =	vbroadcast v11, $0x0;
	v5 =	vld.idx.msk [tilespmem:v63+s6+$0x0], $0xffff;
	v3 =	vbroadcast v13, $0x0  }
.LBB2_8:
0x164: {  	s17 =	sadd.s32 $0xFFFFFFD4, s16;
	s18 =	sadd.s32 $0xFFFFFFF4, s16;
	s15 =	sadd.s32 $0x10, s15;
	v10 =	vor.u32 v2, v10;
	v7 =	vld.idx.msk [tilespmem:v7+s6+$0x0], $0xffff;
	[tilespmem:s14+$0x10] =	vst v9;
	v9 =	vor.u32 v2, v12  }
0x165: {  	s19 =	sadd.s32 $0xFFFFFFC4, s16;
	v12 =	vmov s17;
	s17 =	sadd.s32 $0xFFFFFFE4, s16;
	v13 =	vmov s18;
	p0 =	slt.u32 s15, $0xBF0;
	v11 =	vor.u32 v2, v11;
	v6 =	vld.idx.msk [tilespmem:v6+s6+$0x0], $0xffff  }
0x166: {  	s22 =	sadd.s32 $0xFFFFFFC8, s16;
	s23 =	sadd.s32 $0xFFFFFFD8, s16;
	s24 =	sadd.s32 $0xFFFFFFE8, s16;
	v14 =	vmov s19;
	v15 =	vmov s17;
	v13 =	vshrl.u32 v13, $0x3  }
0x167: {  	s25 =	sadd.s32 $0xFFFFFFCC, s16;
	s21 =	sadd.s32 $0xFFFFFFDC, s16;
	s20 =	sadd.s32 $0xFFFFFFEC, s16;
	v14 =	vshrl.u32 v14, $0x3;
	v12 =	vshrl.u32 v12, $0x3;
	v13 =	vshll.u32 v13, v1  }
0x168: {  	s19 =	sadd.s32 $0xFFFFFFD0, s16;
	s18 =	sadd.s32 $0xFFFFFFE0, s16;
	s17 =	sadd.s32 $0xFFFFFFF0, s16;
	v14 =	vshll.u32 v14, v1;
	v15 =	vshrl.u32 v15, $0x3;
	v13 =	vbroadcast v13, $0x0;
	[tilespmem:s14+$0x60] =	vst v8;
	v4 =	vld.idx.msk [tilespmem:v4+s6+$0x0], $0xffff  }
0x169: {  	v12 =	vshll.u32 v12, v1;
	v8 =	vbroadcast v14, $0x0;
	v14 =	vshll.u32 v15, v1;
	[tilespmem:s14+$0xFFFFFFA0] =	vst v5;
	v5 =	vld.idx.msk [tilespmem:v9+s6+$0x0], $0xffff  }
0x16a: {  	v9 =	vbroadcast v12, $0x0;
	v12 =	vbroadcast v14, $0x0;
	v13 =	vor.u32 v0, v13;
	v10 =	vld.idx.msk [tilespmem:v10+s6+$0x0], $0xffff;
	[tilespmem:s14+$0xFFFFFFE0] =	vst v7  }
0x16b: {  	v14 =	vmov s23;
	v7 =	vor.u32 v0, v8;
	v8 =	vmov s22;
	s22 =	sadd.s32 $0xFFFFFFF8, s16;
	v11 =	vld.idx.msk [tilespmem:v11+s6+$0x0], $0xffff;
	[tilespmem:s14+$0x20] =	vst v6  }
0x16c: {  	v6 =	vor.u32 v0, v9;
	v9 =	vor.u32 v0, v12;
	v12 =	vmov s22  }
0x16d: {  	v15 =	vmov s24;
	v8 =	vshrl.u32 v8, $0x3;
	v12 =	vshrl.u32 v12, $0x3  }
0x16e: {  	v15 =	vshrl.u32 v15, $0x3;
	v14 =	vshrl.u32 v14, $0x3;
	v12 =	vshll.u32 v12, v1;
	[tilespmem:s13+$0x30] =	vst v4;
	s13 =	smov.u32 s14  }
0x16f: {  	v4 =	vshll.u32 v8, v1;
	v8 =	vshll.u32 v14, v1;
	v12 =	vbroadcast v12, $0x0;
	v13 =	vld.idx.msk [tilespmem:v13+s6+$0x0], $0xffff;
	[tilespmem:s14+$0x70] =	vst v5  }
0x170: {  	v4 =	vbroadcast v4, $0x0;
	v5 =	vld.idx.msk [tilespmem:v7+s6+$0x0], $0xffff;
	v7 =	vbroadcast v8, $0x0;
	v8 =	vshll.u32 v15, v1;
	[tilespmem:s14+$0xFFFFFFB0] =	vst v10  }
0x171: {  	v10 =	vmov s25;
	v12 =	vor.u32 v2, v12;
	v6 =	vld.idx.msk [tilespmem:v6+s6+$0x0], $0xffff;
	v8 =	vbroadcast v8, $0x0;
	[tilespmem:s14+$0xFFFFFFF0] =	vst v11  }
0x172: {  	v4 =	vor.u32 v2, v4;
	v11 =	vmov s21;
	s21 =	sadd.s32 $0xFFFFFFFC, s16;
	v7 =	vor.u32 v2, v7;
	v9 =	vld.idx.msk [tilespmem:v9+s6+$0x0], $0xffff  }
0x173: {  	v14 =	vmov s20;
	v15 =	vmov s21;
	v8 =	vor.u32 v2, v8  }
0x174: {  	v10 =	vshrl.u32 v10, $0x3;
	s14 =	sadd.s32 $0x100, s14;
	v11 =	vshrl.u32 v11, $0x3;
	v15 =	vshrl.u32 v15, $0x3  }
0x175: {  	v14 =	vshrl.u32 v14, $0x3;
	v10 =	vshll.u32 v10, v1;
	[tilespmem:s14+$0x40] =	vst v13;
	v13 =	vshll.u32 v15, v1  }
0x176: {  	[tilespmem:s14+$0xFFFFFF80] =	vst v5;
	v5 =	vshll.u32 v11, v1;
	v11 =	vshll.u32 v14, v1;
	v12 =	vld.idx.msk [tilespmem:v12+s6+$0x0], $0xffff;
	v13 =	vbroadcast v13, $0x0  }
0x177: {  	v10 =	vbroadcast v10, $0x0;
	v14 =	vmov s19;
	v4 =	vld.idx.msk [tilespmem:v4+s6+$0x0], $0xffff;
	[tilespmem:s14+$0xFFFFFFC0] =	vst v6;
	v5 =	vbroadcast v5, $0x0  }
0x178: {  	v16 =	vmov s18;
	v6 =	vbroadcast v11, $0x0;
	v15 =	vld.idx.msk [tilespmem:v7+s6+$0x0], $0xffff;
	[tilespmem:s14+$0x0] =	vst v9;
	v11 =	vor.u32 v0, v13  }
0x179: {  	v13 =	vor.u32 v0, v10;
	v7 =	vor.u32 v0, v5;
	v9 =	vld.idx.msk [tilespmem:v8+s6+$0x0], $0xffff;
	v5 =	vmov s17  }
.Ltmp3:
0x17a: {  	v10 =	vmov s16;
	v8 =	vshrl.u32 v14, $0x3;
	v6 =	vor.u32 v0, v6;
	(pc) =	sbr.rel @p0 .LBB2_8-.Ltmp3, $4  }
0x17b: {  	v14 =	vshrl.u32 v16, $0x3;
	v10 =	vshrl.u32 v10, $0x3;
	v5 =	vshrl.u32 v5, $0x3  }
0x17c: {  	v8 =	vshll.u32 v8, v1;
	v14 =	vshll.u32 v14, v1;
	[tilespmem:s14+$0x50] =	vst v12;
	v12 =	vshll.u32 v10, v1  }
0x17d: {  	v16 =	vshll.u32 v5, v1;
	v10 =	vbroadcast v8, $0x0;
	[tilespmem:s14+$0xFFFFFF90] =	vst v4;
	v8 =	vld.idx.msk [tilespmem:v11+s6+$0x0], $0xffff;
	v12 =	vbroadcast v12, $0x0  }
0x17e: {  	s16 =	sadd.s32 $0x40, s16;
	v11 =	vbroadcast v14, $0x0;
	v4 =	vor.u32 v2, v3;
	v3 =	vbroadcast v16, $0x0;
	v5 =	vld.idx.msk [tilespmem:v13+s6+$0x0], $0xffff;
	[tilespmem:s14+$0xFFFFFFD0] =	vst v15  }
0x17f: {  	_ =	sdelay $0x2  }
0x180: {  	v12 =	vor.u32 v2, v12  }
0x181: {  	v10 =	vor.u32 v2, v10;
	v7 =	vld.idx.msk [tilespmem:v7+s6+$0x0], $0xffff;
	[tilespmem:s14+$0x10] =	vst v9  }
0x182: {  	v9 =	vor.u32 v2, v11;
	v6 =	vld.idx.msk [tilespmem:v6+s6+$0x0], $0xffff  }
0x183: {  	s16 =	simm.s32 $0x30;
	v3 =	vor.u32 v2, v3  }
0x184: {  	s17 =	simm.s32 $0x0;
	v4 =	vld.idx.msk [tilespmem:v4+s6+$0x0], $0xffff;
	v11 =	vmov s16;
	s16 =	simm.s32 $0xC;
	[tilespmem:s14+$0x60] =	vst v8  }
0x185: {  	s15 =	simm.s32 $0x10;
	s25 =	simm.s32 $0x20;
	v13 =	vmov s17;
	v15 =	vmov s16;
	[tilespmem:s14+$0xFFFFFFA0] =	vst v5;
	v5 =	vld.idx.msk [tilespmem:v12+s6+$0x0], $0xffff  }
0x186: {  	v14 =	vmov s25;
	v8 =	vmov s15;
	v15 =	vshrl.u32 v15, $0x3;
	v10 =	vld.idx.msk [tilespmem:v10+s6+$0x0], $0xffff;
	[tilespmem:s14+$0xFFFFFFE0] =	vst v7  }
0x187: {  	v11 =	vshrl.u32 v11, $0x3;
	v8 =	vshrl.u32 v8, $0x3;
	v15 =	vshll.u32 v15, v1;
	v9 =	vld.idx.msk [tilespmem:v9+s6+$0x0], $0xffff;
	[tilespmem:s14+$0x20] =	vst v6  }
0x188: {  	s24 =	simm.s32 $0x28;
	v12 =	vshrl.u32 v13, $0x3;
	v7 =	vshll.u32 v11, v1;
	v8 =	vshll.u32 v8, v1;
	v3 =	vld.idx.msk [tilespmem:v3+s6+$0x0], $0xffff  }
0x189: {  	[tilespmem:s13+$0x30] =	vst v4;
	v13 =	vmov s24;
	v15 =	vbroadcast v15, $0x0;
	v11 =	vshll.u32 v12, v1  }
0x18a: {  	s25 =	simm.s32 $0x38;
	s24 =	simm.s32 $0x44;
	v12 =	vshrl.u32 v14, $0x3;
	v6 =	vbroadcast v7, $0x0;
	v8 =	vbroadcast v8, $0x0;
	[tilespmem:s14+$0x70] =	vst v5  }
0x18b: {  	s19 =	simm.s32 $0x24;
	v14 =	vmov s25;
	v13 =	vshrl.u32 v13, $0x3;
	v52 =	vmov s24;
	[tilespmem:s14+$0xFFFFFFB0] =	vst v10  }
0x18c: {  	v7 =	vbroadcast v11, $0x0;
	v11 =	vshll.u32 v12, v1;
	v12 =	vmov s19;
	[tilespmem:s14+$0xFFFFFFF0] =	vst v9  }
0x18d: {  	s25 =	simm.s32 $0x54;
	v14 =	vshrl.u32 v14, $0x3;
	v13 =	vshll.u32 v13, v1;
	v15 =	vor.u32 v2, v15;
	[tilespmem:s14+$0x30] =	vst v3  }
0x18e: {  	s18 =	simm.s32 $0x14;
	s19 =	simm.s32 $0x2C;
	v53 =	vmov s25;
	v4 =	vbroadcast v11, $0x0;
	v6 =	vor.u32 v0, v6;
	s21 =	rddreg [dreg:$0x16]  }
0x18f: {  	v11 =	vmov s18;
	v8 =	vor.u32 v0, v8;
	v14 =	vshll.u32 v14, v1;
	[hbm4b:s21+s1] =	stream.linear.scatter [tilespmem:s9], [sflag:$0x4], $0xC000, $0x38;
	[tilespmem:$0x1E000] =	vst v63  }
0x190: {  	s18 =	simm.s32 $0x3C;
	v13 =	vbroadcast v13, $0x0;
	v17 =	vmov s19;
	v7 =	vor.u32 v0, v7;
	_ =	swait.ge [sflag:s5], $0x3000  }
0x191: {  	s20 =	simm.s32 $0x34;
	s17 =	simm.s32 $0x4;
	v14 =	vbroadcast v14, $0x0;
	v18 =	vmov s18;
	v17 =	vshrl.u32 v17, $0x3;
	[sflag:s5] =	ssyncset.done $0x0  }
0x192: {  	s18 =	simm.s32 $0x48;
	v5 =	vmov s17;
	v10 =	vmov s20;
	v4 =	vor.u32 v0, v4;
	s15 =	rddreg [dreg:$0x8];
	[sflag:s5] =	ssyncadd.s32 $0xFFFFD000  }
0x193: {  	v18 =	vshrl.u32 v18, $0x3;
	v56 =	vmov s18;
	v5 =	vshrl.u32 v5, $0x3;
	[tilespmem:s6], [sflag:$0x2] =	stream.linear.gather [hbm4b:s15+s1], $0x3000, $0x38;
	[tilespmem:$0x1E000] =	vst v63  }
0x194: {  	s23 =	simm.s32 $0x18;
	s17 =	simm.s32 $0x1C;
	v9 =	vshrl.u32 v10, $0x3;
	v10 =	vshrl.u32 v11, $0x3;
	v11 =	vshrl.u32 v12, $0x3;
	_ =	swait.ge [sflag:s10], $0xC000  }
0x195: {  	v12 =	vmov s23;
	v16 =	vmov s17;
	v3 =	vshll.u32 v9, v1;
	[sflag:s10] =	ssyncset.done $0x0  }
0x196: {  	s20 =	simm.s32 $0x50;
	v14 =	vor.u32 v0, v14;
	v18 =	vshll.u32 v18, v1;
	v3 =	vbroadcast v3, $0x0;
	[sflag:s10] =	ssyncadd.s32 $0xFFFF4000  }
0x197: {  	s22 =	simm.s32 $0x8;
	v48 =	vmov s20;
	v5 =	vshll.u32 v5, v1;
	v9 =	vshll.u32 v10, v1;
	v6 =	vld.idx.msk [tilespmem:v6+s1+$0x0], $0xffff  }
0x198: {  	v10 =	vshll.u32 v11, v1;
	v11 =	vmov s22;
	v3 =	vor.u32 v2, v3  }
0x199: {  	s23 =	simm.s32 $0x60;
	s17 =	simm.s32 $0x64;
	v12 =	vshrl.u32 v12, $0x3;
	v16 =	vshrl.u32 v16, $0x3;
	v18 =	vbroadcast v18, $0x0  }
0x19a: {  	s20 =	simm.s32 $0x68;
	v20 =	vmov s23;
	v54 =	vmov s17;
	v5 =	vbroadcast v5, $0x0  }
0x19b: {  	s13 =	simm.s32 $0x6080;
	v57 =	vmov s20;
	v9 =	vbroadcast v9, $0x0;
	v10 =	vbroadcast v10, $0x0;
	v7 =	vld.idx.msk [tilespmem:v7+s1+$0x0], $0xffff  }
0x19c: {  	v11 =	vshrl.u32 v11, $0x3;
	v12 =	vshll.u32 v12, v1;
	v5 =	vor.u32 v2, v5;
	v8 =	vld.idx.msk [tilespmem:v8+s1+$0x0], $0xffff;
	[tilespmem:s13+$0x40] =	vst v6  }
0x19d: {  	v16 =	vshll.u32 v16, v1;
	v51 =	vshrl.u32 v20, $0x3;
	v9 =	vor.u32 v2, v9;
	v3 =	vld.idx.msk [tilespmem:v3+s1+$0x0], $0xffff  }
0x19e: {  	v11 =	vshll.u32 v11, v1;
	v12 =	vbroadcast v12, $0x0;
	s21 =	simm.s32 $0x70;
	v47 =	vor.u32 v2, v18;
	v19 =	vld.idx.msk [tilespmem:v4+s1+$0x0], $0xffff  }
0x19f: {  	v10 =	vor.u32 v2, v10;
	v11 =	vbroadcast v11, $0x0;
	v49 =	vmov s21;
	s21 =	simm.s32 $0x78  }
0x1a0: {  	s22 =	simm.s32 $0x40;
	v12 =	vor.u32 v0, v12;
	v18 =	vshrl.u32 v49, $0x3;
	v58 =	vmov s21;
	[tilespmem:s13+$0xFFFFFF80] =	vst v7  }
0x1a1: {  	v11 =	vor.u32 v0, v11;
	v50 =	vshll.u32 v18, v1;
	v7 =	vmov s22;
	[tilespmem:s13+$0xFFFFFFC0] =	vst v8;
	v5 =	vld.idx.msk [tilespmem:v5+s1+$0x0], $0xffff  }
0x1a2: {  	v18 =	vshrl.u32 v54, $0x3;
	v4 =	vshll.u32 v17, v1;
	v7 =	vshrl.u32 v7, $0x3;
	v9 =	vld.idx.msk [tilespmem:v9+s1+$0x0], $0xffff;
	[tilespmem:s13+$0x50] =	vst v3  }
0x1a3: {  	v17 =	vbroadcast v50, $0x0;
	v8 =	vshrl.u32 v48, $0x3;
	[tilespmem:s13+$0x0] =	vst v19;
	v7 =	vshll.u32 v7, v1;
	v14 =	vld.idx.msk [tilespmem:v14+s1+$0x0], $0xffff  }
0x1a4: {  	v10 =	vld.idx.msk [tilespmem:v10+s1+$0x0], $0xffff;
	v3 =	vbroadcast v7, $0x0;
	v7 =	vshll.u32 v8, v1;
	v8 =	vshll.u32 v51, v1  }
0x1a5: {  	v6 =	vor.u32 v0, v13;
	v7 =	vbroadcast v7, $0x0;
	v8 =	vbroadcast v8, $0x0  }
0x1a6: {  	s16 =	simm.s32 $0x74;
	v59 =	vshrl.u32 v58, $0x3;
	v17 =	vor.u32 v0, v17;
	[tilespmem:s13+$0xFFFFFF90] =	vst v5;
	v3 =	vor.u32 v0, v3  }
0x1a7: {  	[tilespmem:s13+$0xFFFFFFD0] =	vst v9;
	v11 =	vld.idx.msk [tilespmem:v11+s1+$0x0], $0xffff;
	v5 =	vor.u32 v0, v7;
	v7 =	vor.u32 v0, v8;
	v8 =	vmov s16  }
0x1a8: {  	v55 =	vshll.u32 v18, v1;
	v60 =	vshll.u32 v59, v1;
	v12 =	vld.idx.msk [tilespmem:v12+s1+$0x0], $0xffff;
	v8 =	vshrl.u32 v8, $0x3;
	[tilespmem:s13+$0x60] =	vst v14  }
0x1a9: {  	v13 =	vbroadcast v16, $0x0;
	v9 =	vshrl.u32 v52, $0x3;
	[tilespmem:s13+$0x10] =	vst v10;
	v8 =	vshll.u32 v8, v1;
	v14 =	vld.idx.msk [tilespmem:v47+s1+$0x0], $0xffff  }
0x1aa: {  	v10 =	vshrl.u32 v53, $0x3;
	v6 =	vld.idx.msk [tilespmem:v6+s1+$0x0], $0xffff;
	v9 =	vshll.u32 v9, v1;
	v8 =	vbroadcast v8, $0x0  }
0x1ab: {  	v13 =	vor.u32 v2, v13;
	v17 =	vld.idx.msk [tilespmem:v17+s1+$0x0], $0xffff;
	v10 =	vshll.u32 v10, v1;
	v9 =	vbroadcast v9, $0x0  }
0x1ac: {  	s19 =	simm.s32 $0x58;
	v16 =	vbroadcast v55, $0x0;
	v10 =	vbroadcast v10, $0x0;
	[tilespmem:s13+$0xFFFFFFA0] =	vst v11;
	v3 =	vld.idx.msk [tilespmem:v3+s1+$0x0], $0xffff;
	v8 =	vor.u32 v2, v8  }
0x1ad: {  	v4 =	vbroadcast v4, $0x0;
	v9 =	vor.u32 v2, v9;
	v11 =	vmov s19;
	[tilespmem:s13+$0xFFFFFFE0] =	vst v12;
	v5 =	vld.idx.msk [tilespmem:v5+s1+$0x0], $0xffff  }
0x1ae: {  	v10 =	vor.u32 v2, v10;
	v12 =	vor.u32 v2, v16;
	v11 =	vshrl.u32 v11, $0x3;
	[tilespmem:s13+$0x70] =	vst v14;
	v14 =	vld.idx.msk [tilespmem:v7+s1+$0x0], $0xffff  }
0x1af: {  	s14 =	simm.s32 $0x6180;
	[tilespmem:s13+$0x20] =	vst v6;
	v16 =	vbroadcast v60, $0x0;
	v6 =	vld.idx.msk [tilespmem:v15+s1+$0x0], $0xffff;
	v15 =	vshrl.u32 v56, $0x3;
	v11 =	vshll.u32 v11, v1  }
0x1b0: {  	s22 =	simm.s32 $0x4C;
	[tilespmem:s14+$0x40] =	vst v17;
	v13 =	vld.idx.msk [tilespmem:v13+s1+$0x0], $0xffff;
	v11 =	vbroadcast v11, $0x0;
	v7 =	vshll.u32 v15, v1;
	v15 =	vshrl.u32 v57, $0x3  }
0x1b1: {  	s23 =	simm.s32 $0x5C;
	[tilespmem:s14+$0xFFFFFF80] =	vst v3;
	v15 =	vshll.u32 v15, v1;
	v3 =	vld.idx.msk [tilespmem:v8+s1+$0x0], $0xffff;
	v7 =	vbroadcast v7, $0x0;
	v8 =	vmov s22  }
0x1b2: {  	s24 =	simm.s32 $0x6C;
	v61 =	vld.idx.msk [tilespmem:v9+s1+$0x0], $0xffff;
	[tilespmem:s14+$0xFFFFFFC0] =	vst v5;
	v5 =	vmov s23;
	v9 =	vbroadcast v15, $0x0;
	v15 =	vor.u32 v0, v16  }
0x1b3: {  	s25 =	simm.s32 $0x7C;
	v62 =	vld.idx.msk [tilespmem:v10+s1+$0x0], $0xffff;
	v10 =	vmov s24;
	v8 =	vshrl.u32 v8, $0x3;
	v63 =	vor.u32 v0, v7;
	[tilespmem:s14+$0x0] =	vst v14  }
0x1b4: {  	[tilespmem:s13+$0xFFFFFFB0] =	vst v6;
	v7 =	vor.u32 v0, v11;
	v11 =	vmov s25;
	v6 =	vor.u32 v0, v9;
	v9 =	vld.idx.msk [tilespmem:v12+s1+$0x0], $0xffff  }
0x1b5: {  	[tilespmem:s13+$0xFFFFFFF0] =	vst v13;
	v5 =	vshrl.u32 v5, $0x3;
	v12 =	vshrl.u32 v10, $0x3;
	v10 =	vshrl.u32 v11, $0x3  }
0x1b6: {  	v8 =	vshll.u32 v8, v1;
	v11 =	vshll.u32 v5, v1;
	[tilespmem:s14+$0x50] =	vst v3;
	v3 =	vshll.u32 v10, v1  }
0x1b7: {  	[tilespmem:s14+$0xFFFFFF90] =	vst v61;
	v10 =	vbroadcast v8, $0x0;
	v13 =	vshll.u32 v12, v1;
	v8 =	vld.idx.msk [tilespmem:v15+s1+$0x0], $0xffff;
	v12 =	vbroadcast v3, $0x0  }
0x1b8: {  	s15 =	simm.s32 $0x10;
	v4 =	vor.u32 v2, v4;
	s16 =	simm.s32 $0xBC;
	[tilespmem:s14+$0xFFFFFFD0] =	vst v62;
	v11 =	vbroadcast v11, $0x0;
	v5 =	vld.idx.msk [tilespmem:v63+s1+$0x0], $0xffff;
	v3 =	vbroadcast v13, $0x0  }
.LBB2_10:
0x1b9: {  	s17 =	sadd.s32 $0xFFFFFFD4, s16;
	s18 =	sadd.s32 $0xFFFFFFF4, s16;
	s15 =	sadd.s32 $0x10, s15;
	v10 =	vor.u32 v2, v10;
	v7 =	vld.idx.msk [tilespmem:v7+s1+$0x0], $0xffff;
	[tilespmem:s14+$0x10] =	vst v9;
	v9 =	vor.u32 v2, v12  }
0x1ba: {  	s19 =	sadd.s32 $0xFFFFFFC4, s16;
	v12 =	vmov s17;
	s17 =	sadd.s32 $0xFFFFFFE4, s16;
	v13 =	vmov s18;
	p0 =	slt.u32 s15, $0xBF0;
	v11 =	vor.u32 v2, v11;
	v6 =	vld.idx.msk [tilespmem:v6+s1+$0x0], $0xffff  }
0x1bb: {  	s22 =	sadd.s32 $0xFFFFFFC8, s16;
	s23 =	sadd.s32 $0xFFFFFFD8, s16;
	s24 =	sadd.s32 $0xFFFFFFE8, s16;
	v14 =	vmov s19;
	v15 =	vmov s17;
	v13 =	vshrl.u32 v13, $0x3  }
0x1bc: {  	s25 =	sadd.s32 $0xFFFFFFCC, s16;
	s21 =	sadd.s32 $0xFFFFFFDC, s16;
	s20 =	sadd.s32 $0xFFFFFFEC, s16;
	v14 =	vshrl.u32 v14, $0x3;
	v12 =	vshrl.u32 v12, $0x3;
	v13 =	vshll.u32 v13, v1  }
0x1bd: {  	s19 =	sadd.s32 $0xFFFFFFD0, s16;
	s18 =	sadd.s32 $0xFFFFFFE0, s16;
	s17 =	sadd.s32 $0xFFFFFFF0, s16;
	v14 =	vshll.u32 v14, v1;
	v15 =	vshrl.u32 v15, $0x3;
	v13 =	vbroadcast v13, $0x0;
	[tilespmem:s14+$0x60] =	vst v8;
	v4 =	vld.idx.msk [tilespmem:v4+s1+$0x0], $0xffff  }
0x1be: {  	v12 =	vshll.u32 v12, v1;
	v8 =	vbroadcast v14, $0x0;
	v14 =	vshll.u32 v15, v1;
	[tilespmem:s14+$0xFFFFFFA0] =	vst v5;
	v5 =	vld.idx.msk [tilespmem:v9+s1+$0x0], $0xffff  }
0x1bf: {  	v9 =	vbroadcast v12, $0x0;
	v12 =	vbroadcast v14, $0x0;
	v13 =	vor.u32 v0, v13;
	v10 =	vld.idx.msk [tilespmem:v10+s1+$0x0], $0xffff;
	[tilespmem:s14+$0xFFFFFFE0] =	vst v7  }
0x1c0: {  	v14 =	vmov s23;
	v7 =	vor.u32 v0, v8;
	v8 =	vmov s22;
	s22 =	sadd.s32 $0xFFFFFFF8, s16;
	v11 =	vld.idx.msk [tilespmem:v11+s1+$0x0], $0xffff;
	[tilespmem:s14+$0x20] =	vst v6  }
0x1c1: {  	v6 =	vor.u32 v0, v9;
	v9 =	vor.u32 v0, v12;
	v12 =	vmov s22  }
0x1c2: {  	v15 =	vmov s24;
	v8 =	vshrl.u32 v8, $0x3;
	v12 =	vshrl.u32 v12, $0x3  }
0x1c3: {  	v15 =	vshrl.u32 v15, $0x3;
	v14 =	vshrl.u32 v14, $0x3;
	v12 =	vshll.u32 v12, v1;
	[tilespmem:s13+$0x30] =	vst v4;
	s13 =	smov.u32 s14  }
0x1c4: {  	v4 =	vshll.u32 v8, v1;
	v8 =	vshll.u32 v14, v1;
	v12 =	vbroadcast v12, $0x0;
	v13 =	vld.idx.msk [tilespmem:v13+s1+$0x0], $0xffff;
	[tilespmem:s14+$0x70] =	vst v5  }
0x1c5: {  	v4 =	vbroadcast v4, $0x0;
	v5 =	vld.idx.msk [tilespmem:v7+s1+$0x0], $0xffff;
	v7 =	vbroadcast v8, $0x0;
	v8 =	vshll.u32 v15, v1;
	[tilespmem:s14+$0xFFFFFFB0] =	vst v10  }
0x1c6: {  	v10 =	vmov s25;
	v12 =	vor.u32 v2, v12;
	v6 =	vld.idx.msk [tilespmem:v6+s1+$0x0], $0xffff;
	v8 =	vbroadcast v8, $0x0;
	[tilespmem:s14+$0xFFFFFFF0] =	vst v11  }
0x1c7: {  	v4 =	vor.u32 v2, v4;
	v11 =	vmov s21;
	s21 =	sadd.s32 $0xFFFFFFFC, s16;
	v7 =	vor.u32 v2, v7;
	v9 =	vld.idx.msk [tilespmem:v9+s1+$0x0], $0xffff  }
0x1c8: {  	v14 =	vmov s20;
	v15 =	vmov s21;
	v8 =	vor.u32 v2, v8  }
0x1c9: {  	v10 =	vshrl.u32 v10, $0x3;
	s14 =	sadd.s32 $0x100, s14;
	v11 =	vshrl.u32 v11, $0x3;
	v15 =	vshrl.u32 v15, $0x3  }
0x1ca: {  	v14 =	vshrl.u32 v14, $0x3;
	v10 =	vshll.u32 v10, v1;
	[tilespmem:s14+$0x40] =	vst v13;
	v13 =	vshll.u32 v15, v1  }
0x1cb: {  	[tilespmem:s14+$0xFFFFFF80] =	vst v5;
	v5 =	vshll.u32 v11, v1;
	v11 =	vshll.u32 v14, v1;
	v12 =	vld.idx.msk [tilespmem:v12+s1+$0x0], $0xffff;
	v13 =	vbroadcast v13, $0x0  }
0x1cc: {  	v10 =	vbroadcast v10, $0x0;
	v14 =	vmov s19;
	v4 =	vld.idx.msk [tilespmem:v4+s1+$0x0], $0xffff;
	[tilespmem:s14+$0xFFFFFFC0] =	vst v6;
	v5 =	vbroadcast v5, $0x0  }
0x1cd: {  	v16 =	vmov s18;
	v6 =	vbroadcast v11, $0x0;
	v15 =	vld.idx.msk [tilespmem:v7+s1+$0x0], $0xffff;
	[tilespmem:s14+$0x0] =	vst v9;
	v11 =	vor.u32 v0, v13  }
0x1ce: {  	v13 =	vor.u32 v0, v10;
	v7 =	vor.u32 v0, v5;
	v9 =	vld.idx.msk [tilespmem:v8+s1+$0x0], $0xffff;
	v5 =	vmov s17  }
.Ltmp4:
0x1cf: {  	v10 =	vmov s16;
	v8 =	vshrl.u32 v14, $0x3;
	v6 =	vor.u32 v0, v6;
	(pc) =	sbr.rel @p0 .LBB2_10-.Ltmp4, $4  }
0x1d0: {  	v14 =	vshrl.u32 v16, $0x3;
	v10 =	vshrl.u32 v10, $0x3;
	v5 =	vshrl.u32 v5, $0x3  }
0x1d1: {  	v8 =	vshll.u32 v8, v1;
	v14 =	vshll.u32 v14, v1;
	[tilespmem:s14+$0x50] =	vst v12;
	v12 =	vshll.u32 v10, v1  }
0x1d2: {  	v16 =	vshll.u32 v5, v1;
	v10 =	vbroadcast v8, $0x0;
	[tilespmem:s14+$0xFFFFFF90] =	vst v4;
	v8 =	vld.idx.msk [tilespmem:v11+s1+$0x0], $0xffff;
	v12 =	vbroadcast v12, $0x0  }
0x1d3: {  	s16 =	sadd.s32 $0x40, s16;
	v11 =	vbroadcast v14, $0x0;
	v4 =	vor.u32 v2, v3;
	v3 =	vbroadcast v16, $0x0;
	v5 =	vld.idx.msk [tilespmem:v13+s1+$0x0], $0xffff;
	[tilespmem:s14+$0xFFFFFFD0] =	vst v15  }
0x1d4: {  	_ =	sdelay $0x2  }
0x1d5: {  	v12 =	vor.u32 v2, v12  }
0x1d6: {  	v10 =	vor.u32 v2, v10;
	v7 =	vld.idx.msk [tilespmem:v7+s1+$0x0], $0xffff;
	[tilespmem:s14+$0x10] =	vst v9  }
0x1d7: {  	v9 =	vor.u32 v2, v11;
	v6 =	vld.idx.msk [tilespmem:v6+s1+$0x0], $0xffff  }
0x1d8: {  	s16 =	simm.s32 $0x30;
	v3 =	vor.u32 v2, v3  }
0x1d9: {  	s17 =	simm.s32 $0x0;
	v4 =	vld.idx.msk [tilespmem:v4+s1+$0x0], $0xffff;
	v11 =	vmov s16;
	s16 =	simm.s32 $0xC;
	[tilespmem:s14+$0x60] =	vst v8  }
0x1da: {  	s15 =	simm.s32 $0x10;
	s25 =	simm.s32 $0x20;
	v13 =	vmov s17;
	v15 =	vmov s16;
	[tilespmem:s14+$0xFFFFFFA0] =	vst v5;
	v5 =	vld.idx.msk [tilespmem:v12+s1+$0x0], $0xffff  }
0x1db: {  	v14 =	vmov s25;
	v8 =	vmov s15;
	v15 =	vshrl.u32 v15, $0x3;
	v10 =	vld.idx.msk [tilespmem:v10+s1+$0x0], $0xffff;
	[tilespmem:s14+$0xFFFFFFE0] =	vst v7  }
0x1dc: {  	v11 =	vshrl.u32 v11, $0x3;
	v8 =	vshrl.u32 v8, $0x3;
	v15 =	vshll.u32 v15, v1;
	v9 =	vld.idx.msk [tilespmem:v9+s1+$0x0], $0xffff;
	[tilespmem:s14+$0x20] =	vst v6  }
0x1dd: {  	s24 =	simm.s32 $0x28;
	v12 =	vshrl.u32 v13, $0x3;
	v7 =	vshll.u32 v11, v1;
	v8 =	vshll.u32 v8, v1;
	v3 =	vld.idx.msk [tilespmem:v3+s1+$0x0], $0xffff  }
0x1de: {  	[tilespmem:s13+$0x30] =	vst v4;
	v13 =	vmov s24;
	v15 =	vbroadcast v15, $0x0;
	v11 =	vshll.u32 v12, v1  }
0x1df: {  	s25 =	simm.s32 $0x38;
	s24 =	simm.s32 $0x44;
	v12 =	vshrl.u32 v14, $0x3;
	v6 =	vbroadcast v7, $0x0;
	v8 =	vbroadcast v8, $0x0;
	[tilespmem:s14+$0x70] =	vst v5  }
0x1e0: {  	s19 =	simm.s32 $0x24;
	v14 =	vmov s25;
	v13 =	vshrl.u32 v13, $0x3;
	v52 =	vmov s24;
	[tilespmem:s14+$0xFFFFFFB0] =	vst v10  }
0x1e1: {  	v7 =	vbroadcast v11, $0x0;
	v11 =	vshll.u32 v12, v1;
	v12 =	vmov s19;
	[tilespmem:s14+$0xFFFFFFF0] =	vst v9  }
0x1e2: {  	s25 =	simm.s32 $0x54;
	v14 =	vshrl.u32 v14, $0x3;
	v13 =	vshll.u32 v13, v1;
	v15 =	vor.u32 v2, v15;
	[tilespmem:s14+$0x30] =	vst v3  }
0x1e3: {  	s18 =	simm.s32 $0x14;
	s19 =	simm.s32 $0x2C;
	v53 =	vmov s25;
	v4 =	vbroadcast v11, $0x0;
	v6 =	vor.u32 v0, v6;
	s21 =	rddreg [dreg:$0x17]  }
0x1e4: {  	v11 =	vmov s18;
	v8 =	vor.u32 v0, v8;
	v14 =	vshll.u32 v14, v1;
	[hbm4b:s21+s1] =	stream.linear.scatter [tilespmem:s7], [sflag:$0x3], $0xC000, $0x38;
	[tilespmem:$0x1E000] =	vst v63  }
0x1e5: {  	s18 =	simm.s32 $0x3C;
	v13 =	vbroadcast v13, $0x0;
	v17 =	vmov s19;
	v7 =	vor.u32 v0, v7;
	_ =	swait.ge [sflag:s8], $0x3000  }
0x1e6: {  	s20 =	simm.s32 $0x34;
	s17 =	simm.s32 $0x4;
	v14 =	vbroadcast v14, $0x0;
	v18 =	vmov s18;
	v17 =	vshrl.u32 v17, $0x3;
	[sflag:s8] =	ssyncset.done $0x0  }
0x1e7: {  	s18 =	simm.s32 $0x48;
	v5 =	vmov s17;
	v10 =	vmov s20;
	v4 =	vor.u32 v0, v4;
	s15 =	rddreg [dreg:$0x9];
	[sflag:s8] =	ssyncadd.s32 $0xFFFFD000  }
0x1e8: {  	v18 =	vshrl.u32 v18, $0x3;
	v56 =	vmov s18;
	v5 =	vshrl.u32 v5, $0x3;
	[tilespmem:s1], [sflag:$0x1] =	stream.linear.gather [hbm4b:s15+s1], $0x3000, $0x38;
	[tilespmem:$0x1E000] =	vst v63  }
0x1e9: {  	s23 =	simm.s32 $0x18;
	s17 =	simm.s32 $0x1C;
	v9 =	vshrl.u32 v10, $0x3;
	v10 =	vshrl.u32 v11, $0x3;
	v11 =	vshrl.u32 v12, $0x3;
	_ =	swait.ge [sflag:s11], $0xC000  }
0x1ea: {  	v12 =	vmov s23;
	v16 =	vmov s17;
	v3 =	vshll.u32 v9, v1;
	[sflag:s11] =	ssyncset.done $0x0  }
0x1eb: {  	s20 =	simm.s32 $0x50;
	v14 =	vor.u32 v0, v14;
	v18 =	vshll.u32 v18, v1;
	v3 =	vbroadcast v3, $0x0;
	[sflag:s11] =	ssyncadd.s32 $0xFFFF4000  }
0x1ec: {  	s22 =	simm.s32 $0x8;
	v48 =	vmov s20;
	v5 =	vshll.u32 v5, v1;
	v9 =	vshll.u32 v10, v1;
	v6 =	vld.idx.msk [tilespmem:v6+s6+$0x0], $0xffff  }
0x1ed: {  	v10 =	vshll.u32 v11, v1;
	v11 =	vmov s22;
	v3 =	vor.u32 v2, v3  }
0x1ee: {  	s23 =	simm.s32 $0x60;
	s17 =	simm.s32 $0x64;
	v12 =	vshrl.u32 v12, $0x3;
	v16 =	vshrl.u32 v16, $0x3;
	v18 =	vbroadcast v18, $0x0  }
0x1ef: {  	s20 =	simm.s32 $0x68;
	v20 =	vmov s23;
	v54 =	vmov s17;
	v5 =	vbroadcast v5, $0x0  }
0x1f0: {  	s13 =	simm.s32 $0x12080;
	v57 =	vmov s20;
	v9 =	vbroadcast v9, $0x0;
	v10 =	vbroadcast v10, $0x0;
	v7 =	vld.idx.msk [tilespmem:v7+s6+$0x0], $0xffff  }
0x1f1: {  	v11 =	vshrl.u32 v11, $0x3;
	v12 =	vshll.u32 v12, v1;
	v5 =	vor.u32 v2, v5;
	v8 =	vld.idx.msk [tilespmem:v8+s6+$0x0], $0xffff;
	[tilespmem:s13+$0x40] =	vst v6  }
0x1f2: {  	v16 =	vshll.u32 v16, v1;
	v51 =	vshrl.u32 v20, $0x3;
	v9 =	vor.u32 v2, v9;
	v3 =	vld.idx.msk [tilespmem:v3+s6+$0x0], $0xffff  }
0x1f3: {  	v11 =	vshll.u32 v11, v1;
	v12 =	vbroadcast v12, $0x0;
	s21 =	simm.s32 $0x70;
	v47 =	vor.u32 v2, v18;
	v19 =	vld.idx.msk [tilespmem:v4+s6+$0x0], $0xffff  }
0x1f4: {  	v10 =	vor.u32 v2, v10;
	v11 =	vbroadcast v11, $0x0;
	v49 =	vmov s21;
	s21 =	simm.s32 $0x78  }
0x1f5: {  	s22 =	simm.s32 $0x40;
	v12 =	vor.u32 v0, v12;
	v18 =	vshrl.u32 v49, $0x3;
	v58 =	vmov s21;
	[tilespmem:s13+$0xFFFFFF80] =	vst v7  }
0x1f6: {  	v11 =	vor.u32 v0, v11;
	v50 =	vshll.u32 v18, v1;
	v7 =	vmov s22;
	[tilespmem:s13+$0xFFFFFFC0] =	vst v8;
	v5 =	vld.idx.msk [tilespmem:v5+s6+$0x0], $0xffff  }
0x1f7: {  	v18 =	vshrl.u32 v54, $0x3;
	v4 =	vshll.u32 v17, v1;
	v7 =	vshrl.u32 v7, $0x3;
	v9 =	vld.idx.msk [tilespmem:v9+s6+$0x0], $0xffff;
	[tilespmem:s13+$0x50] =	vst v3  }
0x1f8: {  	v17 =	vbroadcast v50, $0x0;
	v8 =	vshrl.u32 v48, $0x3;
	[tilespmem:s13+$0x0] =	vst v19;
	v7 =	vshll.u32 v7, v1;
	v14 =	vld.idx.msk [tilespmem:v14+s6+$0x0], $0xffff  }
0x1f9: {  	v10 =	vld.idx.msk [tilespmem:v10+s6+$0x0], $0xffff;
	v3 =	vbroadcast v7, $0x0;
	v7 =	vshll.u32 v8, v1;
	v8 =	vshll.u32 v51, v1  }
0x1fa: {  	v6 =	vor.u32 v0, v13;
	v7 =	vbroadcast v7, $0x0;
	v8 =	vbroadcast v8, $0x0  }
0x1fb: {  	s16 =	simm.s32 $0x74;
	v59 =	vshrl.u32 v58, $0x3;
	v17 =	vor.u32 v0, v17;
	[tilespmem:s13+$0xFFFFFF90] =	vst v5;
	v3 =	vor.u32 v0, v3  }
0x1fc: {  	[tilespmem:s13+$0xFFFFFFD0] =	vst v9;
	v11 =	vld.idx.msk [tilespmem:v11+s6+$0x0], $0xffff;
	v5 =	vor.u32 v0, v7;
	v7 =	vor.u32 v0, v8;
	v8 =	vmov s16  }
0x1fd: {  	v55 =	vshll.u32 v18, v1;
	v60 =	vshll.u32 v59, v1;
	v12 =	vld.idx.msk [tilespmem:v12+s6+$0x0], $0xffff;
	v8 =	vshrl.u32 v8, $0x3;
	[tilespmem:s13+$0x60] =	vst v14  }
0x1fe: {  	v13 =	vbroadcast v16, $0x0;
	v9 =	vshrl.u32 v52, $0x3;
	[tilespmem:s13+$0x10] =	vst v10;
	v8 =	vshll.u32 v8, v1;
	v14 =	vld.idx.msk [tilespmem:v47+s6+$0x0], $0xffff  }
0x1ff: {  	v10 =	vshrl.u32 v53, $0x3;
	v6 =	vld.idx.msk [tilespmem:v6+s6+$0x0], $0xffff;
	v9 =	vshll.u32 v9, v1;
	v8 =	vbroadcast v8, $0x0  }
0x200: {  	v13 =	vor.u32 v2, v13;
	v17 =	vld.idx.msk [tilespmem:v17+s6+$0x0], $0xffff;
	v10 =	vshll.u32 v10, v1;
	v9 =	vbroadcast v9, $0x0  }
0x201: {  	s19 =	simm.s32 $0x58;
	v16 =	vbroadcast v55, $0x0;
	v10 =	vbroadcast v10, $0x0;
	[tilespmem:s13+$0xFFFFFFA0] =	vst v11;
	v3 =	vld.idx.msk [tilespmem:v3+s6+$0x0], $0xffff;
	v8 =	vor.u32 v2, v8  }
0x202: {  	v4 =	vbroadcast v4, $0x0;
	v9 =	vor.u32 v2, v9;
	v11 =	vmov s19;
	[tilespmem:s13+$0xFFFFFFE0] =	vst v12;
	v5 =	vld.idx.msk [tilespmem:v5+s6+$0x0], $0xffff  }
0x203: {  	v10 =	vor.u32 v2, v10;
	v12 =	vor.u32 v2, v16;
	v11 =	vshrl.u32 v11, $0x3;
	[tilespmem:s13+$0x70] =	vst v14;
	v14 =	vld.idx.msk [tilespmem:v7+s6+$0x0], $0xffff  }
0x204: {  	s14 =	simm.s32 $0x12180;
	[tilespmem:s13+$0x20] =	vst v6;
	v16 =	vbroadcast v60, $0x0;
	v6 =	vld.idx.msk [tilespmem:v15+s6+$0x0], $0xffff;
	v15 =	vshrl.u32 v56, $0x3;
	v11 =	vshll.u32 v11, v1  }
0x205: {  	s22 =	simm.s32 $0x4C;
	[tilespmem:s14+$0x40] =	vst v17;
	v13 =	vld.idx.msk [tilespmem:v13+s6+$0x0], $0xffff;
	v11 =	vbroadcast v11, $0x0;
	v7 =	vshll.u32 v15, v1;
	v15 =	vshrl.u32 v57, $0x3  }
0x206: {  	s23 =	simm.s32 $0x5C;
	[tilespmem:s14+$0xFFFFFF80] =	vst v3;
	v15 =	vshll.u32 v15, v1;
	v3 =	vld.idx.msk [tilespmem:v8+s6+$0x0], $0xffff;
	v7 =	vbroadcast v7, $0x0;
	v8 =	vmov s22  }
0x207: {  	s24 =	simm.s32 $0x6C;
	v61 =	vld.idx.msk [tilespmem:v9+s6+$0x0], $0xffff;
	[tilespmem:s14+$0xFFFFFFC0] =	vst v5;
	v5 =	vmov s23;
	v9 =	vbroadcast v15, $0x0;
	v15 =	vor.u32 v0, v16  }
0x208: {  	s25 =	simm.s32 $0x7C;
	v62 =	vld.idx.msk [tilespmem:v10+s6+$0x0], $0xffff;
	v10 =	vmov s24;
	v8 =	vshrl.u32 v8, $0x3;
	v63 =	vor.u32 v0, v7;
	[tilespmem:s14+$0x0] =	vst v14  }
0x209: {  	[tilespmem:s13+$0xFFFFFFB0] =	vst v6;
	v7 =	vor.u32 v0, v11;
	v11 =	vmov s25;
	v6 =	vor.u32 v0, v9;
	v9 =	vld.idx.msk [tilespmem:v12+s6+$0x0], $0xffff  }
0x20a: {  	[tilespmem:s13+$0xFFFFFFF0] =	vst v13;
	v5 =	vshrl.u32 v5, $0x3;
	v12 =	vshrl.u32 v10, $0x3;
	v10 =	vshrl.u32 v11, $0x3  }
0x20b: {  	v8 =	vshll.u32 v8, v1;
	v11 =	vshll.u32 v5, v1;
	[tilespmem:s14+$0x50] =	vst v3;
	v3 =	vshll.u32 v10, v1  }
0x20c: {  	[tilespmem:s14+$0xFFFFFF90] =	vst v61;
	v10 =	vbroadcast v8, $0x0;
	v13 =	vshll.u32 v12, v1;
	v8 =	vld.idx.msk [tilespmem:v15+s6+$0x0], $0xffff;
	v12 =	vbroadcast v3, $0x0  }
0x20d: {  	s15 =	simm.s32 $0x10;
	v4 =	vor.u32 v2, v4;
	s16 =	simm.s32 $0xBC;
	[tilespmem:s14+$0xFFFFFFD0] =	vst v62;
	v11 =	vbroadcast v11, $0x0;
	v5 =	vld.idx.msk [tilespmem:v63+s6+$0x0], $0xffff;
	v3 =	vbroadcast v13, $0x0  }
.LBB2_12:
0x20e: {  	s17 =	sadd.s32 $0xFFFFFFD4, s16;
	s18 =	sadd.s32 $0xFFFFFFF4, s16;
	s15 =	sadd.s32 $0x10, s15;
	v10 =	vor.u32 v2, v10;
	v7 =	vld.idx.msk [tilespmem:v7+s6+$0x0], $0xffff;
	[tilespmem:s14+$0x10] =	vst v9;
	v9 =	vor.u32 v2, v12  }
0x20f: {  	s19 =	sadd.s32 $0xFFFFFFC4, s16;
	v12 =	vmov s17;
	s17 =	sadd.s32 $0xFFFFFFE4, s16;
	v13 =	vmov s18;
	p0 =	slt.u32 s15, $0xBF0;
	v11 =	vor.u32 v2, v11;
	v6 =	vld.idx.msk [tilespmem:v6+s6+$0x0], $0xffff  }
0x210: {  	s22 =	sadd.s32 $0xFFFFFFC8, s16;
	s23 =	sadd.s32 $0xFFFFFFD8, s16;
	s24 =	sadd.s32 $0xFFFFFFE8, s16;
	v14 =	vmov s19;
	v15 =	vmov s17;
	v13 =	vshrl.u32 v13, $0x3  }
0x211: {  	s25 =	sadd.s32 $0xFFFFFFCC, s16;
	s21 =	sadd.s32 $0xFFFFFFDC, s16;
	s20 =	sadd.s32 $0xFFFFFFEC, s16;
	v14 =	vshrl.u32 v14, $0x3;
	v12 =	vshrl.u32 v12, $0x3;
	v13 =	vshll.u32 v13, v1  }
0x212: {  	s19 =	sadd.s32 $0xFFFFFFD0, s16;
	s18 =	sadd.s32 $0xFFFFFFE0, s16;
	s17 =	sadd.s32 $0xFFFFFFF0, s16;
	v14 =	vshll.u32 v14, v1;
	v15 =	vshrl.u32 v15, $0x3;
	v13 =	vbroadcast v13, $0x0;
	[tilespmem:s14+$0x60] =	vst v8;
	v4 =	vld.idx.msk [tilespmem:v4+s6+$0x0], $0xffff  }
0x213: {  	v12 =	vshll.u32 v12, v1;
	v8 =	vbroadcast v14, $0x0;
	v14 =	vshll.u32 v15, v1;
	[tilespmem:s14+$0xFFFFFFA0] =	vst v5;
	v5 =	vld.idx.msk [tilespmem:v9+s6+$0x0], $0xffff  }
0x214: {  	v9 =	vbroadcast v12, $0x0;
	v12 =	vbroadcast v14, $0x0;
	v13 =	vor.u32 v0, v13;
	v10 =	vld.idx.msk [tilespmem:v10+s6+$0x0], $0xffff;
	[tilespmem:s14+$0xFFFFFFE0] =	vst v7  }
0x215: {  	v14 =	vmov s23;
	v7 =	vor.u32 v0, v8;
	v8 =	vmov s22;
	s22 =	sadd.s32 $0xFFFFFFF8, s16;
	v11 =	vld.idx.msk [tilespmem:v11+s6+$0x0], $0xffff;
	[tilespmem:s14+$0x20] =	vst v6  }
0x216: {  	v6 =	vor.u32 v0, v9;
	v9 =	vor.u32 v0, v12;
	v12 =	vmov s22  }
0x217: {  	v15 =	vmov s24;
	v8 =	vshrl.u32 v8, $0x3;
	v12 =	vshrl.u32 v12, $0x3  }
0x218: {  	v15 =	vshrl.u32 v15, $0x3;
	v14 =	vshrl.u32 v14, $0x3;
	v12 =	vshll.u32 v12, v1;
	[tilespmem:s13+$0x30] =	vst v4;
	s13 =	smov.u32 s14  }
0x219: {  	v4 =	vshll.u32 v8, v1;
	v8 =	vshll.u32 v14, v1;
	v12 =	vbroadcast v12, $0x0;
	v13 =	vld.idx.msk [tilespmem:v13+s6+$0x0], $0xffff;
	[tilespmem:s14+$0x70] =	vst v5  }
0x21a: {  	v4 =	vbroadcast v4, $0x0;
	v5 =	vld.idx.msk [tilespmem:v7+s6+$0x0], $0xffff;
	v7 =	vbroadcast v8, $0x0;
	v8 =	vshll.u32 v15, v1;
	[tilespmem:s14+$0xFFFFFFB0] =	vst v10  }
0x21b: {  	v10 =	vmov s25;
	v12 =	vor.u32 v2, v12;
	v6 =	vld.idx.msk [tilespmem:v6+s6+$0x0], $0xffff;
	v8 =	vbroadcast v8, $0x0;
	[tilespmem:s14+$0xFFFFFFF0] =	vst v11  }
0x21c: {  	v4 =	vor.u32 v2, v4;
	v11 =	vmov s21;
	s21 =	sadd.s32 $0xFFFFFFFC, s16;
	v7 =	vor.u32 v2, v7;
	v9 =	vld.idx.msk [tilespmem:v9+s6+$0x0], $0xffff  }
0x21d: {  	v14 =	vmov s20;
	v15 =	vmov s21;
	v8 =	vor.u32 v2, v8  }
0x21e: {  	v10 =	vshrl.u32 v10, $0x3;
	s14 =	sadd.s32 $0x100, s14;
	v11 =	vshrl.u32 v11, $0x3;
	v15 =	vshrl.u32 v15, $0x3  }
0x21f: {  	v14 =	vshrl.u32 v14, $0x3;
	v10 =	vshll.u32 v10, v1;
	[tilespmem:s14+$0x40] =	vst v13;
	v13 =	vshll.u32 v15, v1  }
0x220: {  	[tilespmem:s14+$0xFFFFFF80] =	vst v5;
	v5 =	vshll.u32 v11, v1;
	v11 =	vshll.u32 v14, v1;
	v12 =	vld.idx.msk [tilespmem:v12+s6+$0x0], $0xffff;
	v13 =	vbroadcast v13, $0x0  }
0x221: {  	v10 =	vbroadcast v10, $0x0;
	v14 =	vmov s19;
	v4 =	vld.idx.msk [tilespmem:v4+s6+$0x0], $0xffff;
	[tilespmem:s14+$0xFFFFFFC0] =	vst v6;
	v5 =	vbroadcast v5, $0x0  }
0x222: {  	v16 =	vmov s18;
	v6 =	vbroadcast v11, $0x0;
	v15 =	vld.idx.msk [tilespmem:v7+s6+$0x0], $0xffff;
	[tilespmem:s14+$0x0] =	vst v9;
	v11 =	vor.u32 v0, v13  }
0x223: {  	v13 =	vor.u32 v0, v10;
	v7 =	vor.u32 v0, v5;
	v9 =	vld.idx.msk [tilespmem:v8+s6+$0x0], $0xffff;
	v5 =	vmov s17  }
.Ltmp5:
0x224: {  	v10 =	vmov s16;
	v8 =	vshrl.u32 v14, $0x3;
	v6 =	vor.u32 v0, v6;
	(pc) =	sbr.rel @p0 .LBB2_12-.Ltmp5, $4  }
0x225: {  	v14 =	vshrl.u32 v16, $0x3;
	v10 =	vshrl.u32 v10, $0x3;
	v5 =	vshrl.u32 v5, $0x3  }
0x226: {  	v8 =	vshll.u32 v8, v1;
	v14 =	vshll.u32 v14, v1;
	[tilespmem:s14+$0x50] =	vst v12;
	v12 =	vshll.u32 v10, v1  }
0x227: {  	v16 =	vshll.u32 v5, v1;
	v10 =	vbroadcast v8, $0x0;
	[tilespmem:s14+$0xFFFFFF90] =	vst v4;
	v8 =	vld.idx.msk [tilespmem:v11+s6+$0x0], $0xffff;
	v12 =	vbroadcast v12, $0x0  }
0x228: {  	s16 =	sadd.s32 $0x40, s16;
	v11 =	vbroadcast v14, $0x0;
	v4 =	vor.u32 v2, v3;
	v3 =	vbroadcast v16, $0x0;
	v5 =	vld.idx.msk [tilespmem:v13+s6+$0x0], $0xffff;
	[tilespmem:s14+$0xFFFFFFD0] =	vst v15  }
0x229: {  	_ =	sdelay $0x2  }
0x22a: {  	v12 =	vor.u32 v2, v12  }
0x22b: {  	v10 =	vor.u32 v2, v10;
	v7 =	vld.idx.msk [tilespmem:v7+s6+$0x0], $0xffff;
	[tilespmem:s14+$0x10] =	vst v9  }
0x22c: {  	v9 =	vor.u32 v2, v11;
	v6 =	vld.idx.msk [tilespmem:v6+s6+$0x0], $0xffff  }
0x22d: {  	s16 =	simm.s32 $0x30;
	v3 =	vor.u32 v2, v3  }
0x22e: {  	s17 =	simm.s32 $0x0;
	v4 =	vld.idx.msk [tilespmem:v4+s6+$0x0], $0xffff;
	v11 =	vmov s16;
	s16 =	simm.s32 $0xC;
	[tilespmem:s14+$0x60] =	vst v8  }
0x22f: {  	s15 =	simm.s32 $0x10;
	s25 =	simm.s32 $0x20;
	v13 =	vmov s17;
	v15 =	vmov s16;
	[tilespmem:s14+$0xFFFFFFA0] =	vst v5;
	v5 =	vld.idx.msk [tilespmem:v12+s6+$0x0], $0xffff  }
0x230: {  	v14 =	vmov s25;
	v8 =	vmov s15;
	v15 =	vshrl.u32 v15, $0x3;
	v10 =	vld.idx.msk [tilespmem:v10+s6+$0x0], $0xffff;
	[tilespmem:s14+$0xFFFFFFE0] =	vst v7  }
0x231: {  	v11 =	vshrl.u32 v11, $0x3;
	v8 =	vshrl.u32 v8, $0x3;
	v15 =	vshll.u32 v15, v1;
	v9 =	vld.idx.msk [tilespmem:v9+s6+$0x0], $0xffff;
	[tilespmem:s14+$0x20] =	vst v6  }
0x232: {  	s24 =	simm.s32 $0x28;
	v12 =	vshrl.u32 v13, $0x3;
	v7 =	vshll.u32 v11, v1;
	v8 =	vshll.u32 v8, v1;
	v3 =	vld.idx.msk [tilespmem:v3+s6+$0x0], $0xffff  }
0x233: {  	[tilespmem:s13+$0x30] =	vst v4;
	v13 =	vmov s24;
	v15 =	vbroadcast v15, $0x0;
	v11 =	vshll.u32 v12, v1  }
0x234: {  	s25 =	simm.s32 $0x38;
	s24 =	simm.s32 $0x44;
	v12 =	vshrl.u32 v14, $0x3;
	v6 =	vbroadcast v7, $0x0;
	v8 =	vbroadcast v8, $0x0;
	[tilespmem:s14+$0x70] =	vst v5  }
0x235: {  	s19 =	simm.s32 $0x24;
	v14 =	vmov s25;
	v13 =	vshrl.u32 v13, $0x3;
	v52 =	vmov s24;
	[tilespmem:s14+$0xFFFFFFB0] =	vst v10  }
0x236: {  	v7 =	vbroadcast v11, $0x0;
	v11 =	vshll.u32 v12, v1;
	v12 =	vmov s19;
	[tilespmem:s14+$0xFFFFFFF0] =	vst v9  }
0x237: {  	s25 =	simm.s32 $0x54;
	v14 =	vshrl.u32 v14, $0x3;
	v13 =	vshll.u32 v13, v1;
	v15 =	vor.u32 v2, v15;
	[tilespmem:s14+$0x30] =	vst v3  }
0x238: {  	s18 =	simm.s32 $0x14;
	s19 =	simm.s32 $0x2C;
	v53 =	vmov s25;
	v4 =	vbroadcast v11, $0x0;
	v6 =	vor.u32 v0, v6;
	s21 =	rddreg [dreg:$0x18]  }
0x239: {  	v11 =	vmov s18;
	v8 =	vor.u32 v0, v8;
	v14 =	vshll.u32 v14, v1;
	[hbm4b:s21+s1] =	stream.linear.scatter [tilespmem:s9], [sflag:$0x4], $0xC000, $0x38;
	[tilespmem:$0x1E000] =	vst v63  }
0x23a: {  	s18 =	simm.s32 $0x3C;
	v13 =	vbroadcast v13, $0x0;
	v17 =	vmov s19;
	v7 =	vor.u32 v0, v7;
	_ =	swait.ge [sflag:s5], $0x3000  }
0x23b: {  	s20 =	simm.s32 $0x34;
	s17 =	simm.s32 $0x4;
	v14 =	vbroadcast v14, $0x0;
	v18 =	vmov s18;
	v17 =	vshrl.u32 v17, $0x3;
	[sflag:s5] =	ssyncset.done $0x0  }
0x23c: {  	s18 =	simm.s32 $0x48;
	v5 =	vmov s17;
	v10 =	vmov s20;
	v4 =	vor.u32 v0, v4;
	s15 =	rddreg [dreg:$0xa];
	[sflag:s5] =	ssyncadd.s32 $0xFFFFD000  }
0x23d: {  	v18 =	vshrl.u32 v18, $0x3;
	v56 =	vmov s18;
	v5 =	vshrl.u32 v5, $0x3;
	[tilespmem:s6], [sflag:$0x2] =	stream.linear.gather [hbm4b:s15+s1], $0x3000, $0x38;
	[tilespmem:$0x1E000] =	vst v63  }
0x23e: {  	s23 =	simm.s32 $0x18;
	s17 =	simm.s32 $0x1C;
	v9 =	vshrl.u32 v10, $0x3;
	v10 =	vshrl.u32 v11, $0x3;
	v11 =	vshrl.u32 v12, $0x3;
	_ =	swait.ge [sflag:s10], $0xC000  }
0x23f: {  	v12 =	vmov s23;
	v16 =	vmov s17;
	v3 =	vshll.u32 v9, v1;
	[sflag:s10] =	ssyncset.done $0x0  }
0x240: {  	s20 =	simm.s32 $0x50;
	v14 =	vor.u32 v0, v14;
	v18 =	vshll.u32 v18, v1;
	v3 =	vbroadcast v3, $0x0;
	[sflag:s10] =	ssyncadd.s32 $0xFFFF4000  }
0x241: {  	s22 =	simm.s32 $0x8;
	v48 =	vmov s20;
	v5 =	vshll.u32 v5, v1;
	v9 =	vshll.u32 v10, v1;
	v6 =	vld.idx.msk [tilespmem:v6+s1+$0x0], $0xffff  }
0x242: {  	v10 =	vshll.u32 v11, v1;
	v11 =	vmov s22;
	v3 =	vor.u32 v2, v3  }
0x243: {  	s23 =	simm.s32 $0x60;
	s17 =	simm.s32 $0x64;
	v12 =	vshrl.u32 v12, $0x3;
	v16 =	vshrl.u32 v16, $0x3;
	v18 =	vbroadcast v18, $0x0  }
0x244: {  	s20 =	simm.s32 $0x68;
	v20 =	vmov s23;
	v54 =	vmov s17;
	v5 =	vbroadcast v5, $0x0  }
0x245: {  	s13 =	simm.s32 $0x6080;
	v57 =	vmov s20;
	v9 =	vbroadcast v9, $0x0;
	v10 =	vbroadcast v10, $0x0;
	v7 =	vld.idx.msk [tilespmem:v7+s1+$0x0], $0xffff  }
0x246: {  	v11 =	vshrl.u32 v11, $0x3;
	v12 =	vshll.u32 v12, v1;
	v5 =	vor.u32 v2, v5;
	v8 =	vld.idx.msk [tilespmem:v8+s1+$0x0], $0xffff;
	[tilespmem:s13+$0x40] =	vst v6  }
0x247: {  	v16 =	vshll.u32 v16, v1;
	v51 =	vshrl.u32 v20, $0x3;
	v9 =	vor.u32 v2, v9;
	v3 =	vld.idx.msk [tilespmem:v3+s1+$0x0], $0xffff  }
0x248: {  	v11 =	vshll.u32 v11, v1;
	v12 =	vbroadcast v12, $0x0;
	s21 =	simm.s32 $0x70;
	v47 =	vor.u32 v2, v18;
	v19 =	vld.idx.msk [tilespmem:v4+s1+$0x0], $0xffff  }
0x249: {  	v10 =	vor.u32 v2, v10;
	v11 =	vbroadcast v11, $0x0;
	v49 =	vmov s21;
	s21 =	simm.s32 $0x78  }
0x24a: {  	s22 =	simm.s32 $0x40;
	v12 =	vor.u32 v0, v12;
	v18 =	vshrl.u32 v49, $0x3;
	v58 =	vmov s21;
	[tilespmem:s13+$0xFFFFFF80] =	vst v7  }
0x24b: {  	v11 =	vor.u32 v0, v11;
	v50 =	vshll.u32 v18, v1;
	v7 =	vmov s22;
	[tilespmem:s13+$0xFFFFFFC0] =	vst v8;
	v5 =	vld.idx.msk [tilespmem:v5+s1+$0x0], $0xffff  }
0x24c: {  	v18 =	vshrl.u32 v54, $0x3;
	v4 =	vshll.u32 v17, v1;
	v7 =	vshrl.u32 v7, $0x3;
	v9 =	vld.idx.msk [tilespmem:v9+s1+$0x0], $0xffff;
	[tilespmem:s13+$0x50] =	vst v3  }
0x24d: {  	v17 =	vbroadcast v50, $0x0;
	v8 =	vshrl.u32 v48, $0x3;
	[tilespmem:s13+$0x0] =	vst v19;
	v7 =	vshll.u32 v7, v1;
	v14 =	vld.idx.msk [tilespmem:v14+s1+$0x0], $0xffff  }
0x24e: {  	v10 =	vld.idx.msk [tilespmem:v10+s1+$0x0], $0xffff;
	v3 =	vbroadcast v7, $0x0;
	v7 =	vshll.u32 v8, v1;
	v8 =	vshll.u32 v51, v1  }
0x24f: {  	v6 =	vor.u32 v0, v13;
	v7 =	vbroadcast v7, $0x0;
	v8 =	vbroadcast v8, $0x0  }
0x250: {  	s16 =	simm.s32 $0x74;
	v59 =	vshrl.u32 v58, $0x3;
	v17 =	vor.u32 v0, v17;
	[tilespmem:s13+$0xFFFFFF90] =	vst v5;
	v3 =	vor.u32 v0, v3  }
0x251: {  	[tilespmem:s13+$0xFFFFFFD0] =	vst v9;
	v11 =	vld.idx.msk [tilespmem:v11+s1+$0x0], $0xffff;
	v5 =	vor.u32 v0, v7;
	v7 =	vor.u32 v0, v8;
	v8 =	vmov s16  }
0x252: {  	v55 =	vshll.u32 v18, v1;
	v60 =	vshll.u32 v59, v1;
	v12 =	vld.idx.msk [tilespmem:v12+s1+$0x0], $0xffff;
	v8 =	vshrl.u32 v8, $0x3;
	[tilespmem:s13+$0x60] =	vst v14  }
0x253: {  	v13 =	vbroadcast v16, $0x0;
	v9 =	vshrl.u32 v52, $0x3;
	[tilespmem:s13+$0x10] =	vst v10;
	v8 =	vshll.u32 v8, v1;
	v14 =	vld.idx.msk [tilespmem:v47+s1+$0x0], $0xffff  }
0x254: {  	v10 =	vshrl.u32 v53, $0x3;
	v6 =	vld.idx.msk [tilespmem:v6+s1+$0x0], $0xffff;
	v9 =	vshll.u32 v9, v1;
	v8 =	vbroadcast v8, $0x0  }
0x255: {  	v13 =	vor.u32 v2, v13;
	v17 =	vld.idx.msk [tilespmem:v17+s1+$0x0], $0xffff;
	v10 =	vshll.u32 v10, v1;
	v9 =	vbroadcast v9, $0x0  }
0x256: {  	s19 =	simm.s32 $0x58;
	v16 =	vbroadcast v55, $0x0;
	v10 =	vbroadcast v10, $0x0;
	[tilespmem:s13+$0xFFFFFFA0] =	vst v11;
	v3 =	vld.idx.msk [tilespmem:v3+s1+$0x0], $0xffff;
	v8 =	vor.u32 v2, v8  }
0x257: {  	v4 =	vbroadcast v4, $0x0;
	v9 =	vor.u32 v2, v9;
	v11 =	vmov s19;
	[tilespmem:s13+$0xFFFFFFE0] =	vst v12;
	v5 =	vld.idx.msk [tilespmem:v5+s1+$0x0], $0xffff  }
0x258: {  	v10 =	vor.u32 v2, v10;
	v12 =	vor.u32 v2, v16;
	v11 =	vshrl.u32 v11, $0x3;
	[tilespmem:s13+$0x70] =	vst v14;
	v14 =	vld.idx.msk [tilespmem:v7+s1+$0x0], $0xffff  }
0x259: {  	s14 =	simm.s32 $0x6180;
	[tilespmem:s13+$0x20] =	vst v6;
	v16 =	vbroadcast v60, $0x0;
	v6 =	vld.idx.msk [tilespmem:v15+s1+$0x0], $0xffff;
	v15 =	vshrl.u32 v56, $0x3;
	v11 =	vshll.u32 v11, v1  }
0x25a: {  	s22 =	simm.s32 $0x4C;
	[tilespmem:s14+$0x40] =	vst v17;
	v13 =	vld.idx.msk [tilespmem:v13+s1+$0x0], $0xffff;
	v11 =	vbroadcast v11, $0x0;
	v7 =	vshll.u32 v15, v1;
	v15 =	vshrl.u32 v57, $0x3  }
0x25b: {  	s23 =	simm.s32 $0x5C;
	[tilespmem:s14+$0xFFFFFF80] =	vst v3;
	v15 =	vshll.u32 v15, v1;
	v3 =	vld.idx.msk [tilespmem:v8+s1+$0x0], $0xffff;
	v7 =	vbroadcast v7, $0x0;
	v8 =	vmov s22  }
0x25c: {  	s24 =	simm.s32 $0x6C;
	v61 =	vld.idx.msk [tilespmem:v9+s1+$0x0], $0xffff;
	[tilespmem:s14+$0xFFFFFFC0] =	vst v5;
	v5 =	vmov s23;
	v9 =	vbroadcast v15, $0x0;
	v15 =	vor.u32 v0, v16  }
0x25d: {  	s25 =	simm.s32 $0x7C;
	v62 =	vld.idx.msk [tilespmem:v10+s1+$0x0], $0xffff;
	v10 =	vmov s24;
	v8 =	vshrl.u32 v8, $0x3;
	v63 =	vor.u32 v0, v7;
	[tilespmem:s14+$0x0] =	vst v14  }
0x25e: {  	[tilespmem:s13+$0xFFFFFFB0] =	vst v6;
	v7 =	vor.u32 v0, v11;
	v11 =	vmov s25;
	v6 =	vor.u32 v0, v9;
	v9 =	vld.idx.msk [tilespmem:v12+s1+$0x0], $0xffff  }
0x25f: {  	[tilespmem:s13+$0xFFFFFFF0] =	vst v13;
	v5 =	vshrl.u32 v5, $0x3;
	v12 =	vshrl.u32 v10, $0x3;
	v10 =	vshrl.u32 v11, $0x3  }
0x260: {  	v8 =	vshll.u32 v8, v1;
	v11 =	vshll.u32 v5, v1;
	[tilespmem:s14+$0x50] =	vst v3;
	v3 =	vshll.u32 v10, v1  }
0x261: {  	[tilespmem:s14+$0xFFFFFF90] =	vst v61;
	v10 =	vbroadcast v8, $0x0;
	v13 =	vshll.u32 v12, v1;
	v8 =	vld.idx.msk [tilespmem:v15+s1+$0x0], $0xffff;
	v12 =	vbroadcast v3, $0x0  }
0x262: {  	s15 =	simm.s32 $0x10;
	v4 =	vor.u32 v2, v4;
	s16 =	simm.s32 $0xBC;
	[tilespmem:s14+$0xFFFFFFD0] =	vst v62;
	v11 =	vbroadcast v11, $0x0;
	v5 =	vld.idx.msk [tilespmem:v63+s1+$0x0], $0xffff;
	v3 =	vbroadcast v13, $0x0  }
.LBB2_14:
0x263: {  	s17 =	sadd.s32 $0xFFFFFFD4, s16;
	s18 =	sadd.s32 $0xFFFFFFF4, s16;
	s15 =	sadd.s32 $0x10, s15;
	v10 =	vor.u32 v2, v10;
	v7 =	vld.idx.msk [tilespmem:v7+s1+$0x0], $0xffff;
	[tilespmem:s14+$0x10] =	vst v9;
	v9 =	vor.u32 v2, v12  }
0x264: {  	s19 =	sadd.s32 $0xFFFFFFC4, s16;
	v12 =	vmov s17;
	s17 =	sadd.s32 $0xFFFFFFE4, s16;
	v13 =	vmov s18;
	p0 =	slt.u32 s15, $0xBF0;
	v11 =	vor.u32 v2, v11;
	v6 =	vld.idx.msk [tilespmem:v6+s1+$0x0], $0xffff  }
0x265: {  	s22 =	sadd.s32 $0xFFFFFFC8, s16;
	s23 =	sadd.s32 $0xFFFFFFD8, s16;
	s24 =	sadd.s32 $0xFFFFFFE8, s16;
	v14 =	vmov s19;
	v15 =	vmov s17;
	v13 =	vshrl.u32 v13, $0x3  }
0x266: {  	s25 =	sadd.s32 $0xFFFFFFCC, s16;
	s21 =	sadd.s32 $0xFFFFFFDC, s16;
	s20 =	sadd.s32 $0xFFFFFFEC, s16;
	v14 =	vshrl.u32 v14, $0x3;
	v12 =	vshrl.u32 v12, $0x3;
	v13 =	vshll.u32 v13, v1  }
0x267: {  	s19 =	sadd.s32 $0xFFFFFFD0, s16;
	s18 =	sadd.s32 $0xFFFFFFE0, s16;
	s17 =	sadd.s32 $0xFFFFFFF0, s16;
	v14 =	vshll.u32 v14, v1;
	v15 =	vshrl.u32 v15, $0x3;
	v13 =	vbroadcast v13, $0x0;
	[tilespmem:s14+$0x60] =	vst v8;
	v4 =	vld.idx.msk [tilespmem:v4+s1+$0x0], $0xffff  }
0x268: {  	v12 =	vshll.u32 v12, v1;
	v8 =	vbroadcast v14, $0x0;
	v14 =	vshll.u32 v15, v1;
	[tilespmem:s14+$0xFFFFFFA0] =	vst v5;
	v5 =	vld.idx.msk [tilespmem:v9+s1+$0x0], $0xffff  }
0x269: {  	v9 =	vbroadcast v12, $0x0;
	v12 =	vbroadcast v14, $0x0;
	v13 =	vor.u32 v0, v13;
	v10 =	vld.idx.msk [tilespmem:v10+s1+$0x0], $0xffff;
	[tilespmem:s14+$0xFFFFFFE0] =	vst v7  }
0x26a: {  	v14 =	vmov s23;
	v7 =	vor.u32 v0, v8;
	v8 =	vmov s22;
	s22 =	sadd.s32 $0xFFFFFFF8, s16;
	v11 =	vld.idx.msk [tilespmem:v11+s1+$0x0], $0xffff;
	[tilespmem:s14+$0x20] =	vst v6  }
0x26b: {  	v6 =	vor.u32 v0, v9;
	v9 =	vor.u32 v0, v12;
	v12 =	vmov s22  }
0x26c: {  	v15 =	vmov s24;
	v8 =	vshrl.u32 v8, $0x3;
	v12 =	vshrl.u32 v12, $0x3  }
0x26d: {  	v15 =	vshrl.u32 v15, $0x3;
	v14 =	vshrl.u32 v14, $0x3;
	v12 =	vshll.u32 v12, v1;
	[tilespmem:s13+$0x30] =	vst v4;
	s13 =	smov.u32 s14  }
0x26e: {  	v4 =	vshll.u32 v8, v1;
	v8 =	vshll.u32 v14, v1;
	v12 =	vbroadcast v12, $0x0;
	v13 =	vld.idx.msk [tilespmem:v13+s1+$0x0], $0xffff;
	[tilespmem:s14+$0x70] =	vst v5  }
0x26f: {  	v4 =	vbroadcast v4, $0x0;
	v5 =	vld.idx.msk [tilespmem:v7+s1+$0x0], $0xffff;
	v7 =	vbroadcast v8, $0x0;
	v8 =	vshll.u32 v15, v1;
	[tilespmem:s14+$0xFFFFFFB0] =	vst v10  }
0x270: {  	v10 =	vmov s25;
	v12 =	vor.u32 v2, v12;
	v6 =	vld.idx.msk [tilespmem:v6+s1+$0x0], $0xffff;
	v8 =	vbroadcast v8, $0x0;
	[tilespmem:s14+$0xFFFFFFF0] =	vst v11  }
0x271: {  	v4 =	vor.u32 v2, v4;
	v11 =	vmov s21;
	s21 =	sadd.s32 $0xFFFFFFFC, s16;
	v7 =	vor.u32 v2, v7;
	v9 =	vld.idx.msk [tilespmem:v9+s1+$0x0], $0xffff  }
0x272: {  	v14 =	vmov s20;
	v15 =	vmov s21;
	v8 =	vor.u32 v2, v8  }
0x273: {  	v10 =	vshrl.u32 v10, $0x3;
	s14 =	sadd.s32 $0x100, s14;
	v11 =	vshrl.u32 v11, $0x3;
	v15 =	vshrl.u32 v15, $0x3  }
0x274: {  	v14 =	vshrl.u32 v14, $0x3;
	v10 =	vshll.u32 v10, v1;
	[tilespmem:s14+$0x40] =	vst v13;
	v13 =	vshll.u32 v15, v1  }
0x275: {  	[tilespmem:s14+$0xFFFFFF80] =	vst v5;
	v5 =	vshll.u32 v11, v1;
	v11 =	vshll.u32 v14, v1;
	v12 =	vld.idx.msk [tilespmem:v12+s1+$0x0], $0xffff;
	v13 =	vbroadcast v13, $0x0  }
0x276: {  	v10 =	vbroadcast v10, $0x0;
	v14 =	vmov s19;
	v4 =	vld.idx.msk [tilespmem:v4+s1+$0x0], $0xffff;
	[tilespmem:s14+$0xFFFFFFC0] =	vst v6;
	v5 =	vbroadcast v5, $0x0  }
0x277: {  	v16 =	vmov s18;
	v6 =	vbroadcast v11, $0x0;
	v15 =	vld.idx.msk [tilespmem:v7+s1+$0x0], $0xffff;
	[tilespmem:s14+$0x0] =	vst v9;
	v11 =	vor.u32 v0, v13  }
0x278: {  	v13 =	vor.u32 v0, v10;
	v7 =	vor.u32 v0, v5;
	v9 =	vld.idx.msk [tilespmem:v8+s1+$0x0], $0xffff;
	v5 =	vmov s17  }
.Ltmp6:
0x279: {  	v10 =	vmov s16;
	v8 =	vshrl.u32 v14, $0x3;
	v6 =	vor.u32 v0, v6;
	(pc) =	sbr.rel @p0 .LBB2_14-.Ltmp6, $4  }
0x27a: {  	v14 =	vshrl.u32 v16, $0x3;
	v10 =	vshrl.u32 v10, $0x3;
	v5 =	vshrl.u32 v5, $0x3  }
0x27b: {  	v8 =	vshll.u32 v8, v1;
	v14 =	vshll.u32 v14, v1;
	[tilespmem:s14+$0x50] =	vst v12;
	v12 =	vshll.u32 v10, v1  }
0x27c: {  	v16 =	vshll.u32 v5, v1;
	v10 =	vbroadcast v8, $0x0;
	[tilespmem:s14+$0xFFFFFF90] =	vst v4;
	v8 =	vld.idx.msk [tilespmem:v11+s1+$0x0], $0xffff;
	v12 =	vbroadcast v12, $0x0  }
0x27d: {  	s16 =	sadd.s32 $0x40, s16;
	v11 =	vbroadcast v14, $0x0;
	v4 =	vor.u32 v2, v3;
	v3 =	vbroadcast v16, $0x0;
	v5 =	vld.idx.msk [tilespmem:v13+s1+$0x0], $0xffff;
	[tilespmem:s14+$0xFFFFFFD0] =	vst v15  }
0x27e: {  	_ =	sdelay $0x2  }
0x27f: {  	v12 =	vor.u32 v2, v12  }
0x280: {  	v10 =	vor.u32 v2, v10;
	v7 =	vld.idx.msk [tilespmem:v7+s1+$0x0], $0xffff;
	[tilespmem:s14+$0x10] =	vst v9  }
0x281: {  	v9 =	vor.u32 v2, v11;
	v6 =	vld.idx.msk [tilespmem:v6+s1+$0x0], $0xffff  }
0x282: {  	s16 =	simm.s32 $0x30;
	v3 =	vor.u32 v2, v3  }
0x283: {  	s17 =	simm.s32 $0x0;
	v4 =	vld.idx.msk [tilespmem:v4+s1+$0x0], $0xffff;
	v11 =	vmov s16;
	s16 =	simm.s32 $0xC;
	[tilespmem:s14+$0x60] =	vst v8  }
0x284: {  	s15 =	simm.s32 $0x10;
	s25 =	simm.s32 $0x20;
	v13 =	vmov s17;
	v15 =	vmov s16;
	[tilespmem:s14+$0xFFFFFFA0] =	vst v5;
	v5 =	vld.idx.msk [tilespmem:v12+s1+$0x0], $0xffff  }
0x285: {  	v14 =	vmov s25;
	v8 =	vmov s15;
	v15 =	vshrl.u32 v15, $0x3;
	v10 =	vld.idx.msk [tilespmem:v10+s1+$0x0], $0xffff;
	[tilespmem:s14+$0xFFFFFFE0] =	vst v7  }
0x286: {  	v11 =	vshrl.u32 v11, $0x3;
	v8 =	vshrl.u32 v8, $0x3;
	v15 =	vshll.u32 v15, v1;
	v9 =	vld.idx.msk [tilespmem:v9+s1+$0x0], $0xffff;
	[tilespmem:s14+$0x20] =	vst v6  }
0x287: {  	s24 =	simm.s32 $0x28;
	v12 =	vshrl.u32 v13, $0x3;
	v7 =	vshll.u32 v11, v1;
	v8 =	vshll.u32 v8, v1;
	v3 =	vld.idx.msk [tilespmem:v3+s1+$0x0], $0xffff  }
0x288: {  	[tilespmem:s13+$0x30] =	vst v4;
	v13 =	vmov s24;
	v15 =	vbroadcast v15, $0x0;
	v11 =	vshll.u32 v12, v1  }
0x289: {  	s25 =	simm.s32 $0x38;
	s24 =	simm.s32 $0x44;
	v12 =	vshrl.u32 v14, $0x3;
	v6 =	vbroadcast v7, $0x0;
	v8 =	vbroadcast v8, $0x0;
	[tilespmem:s14+$0x70] =	vst v5  }
0x28a: {  	s19 =	simm.s32 $0x24;
	v14 =	vmov s25;
	v13 =	vshrl.u32 v13, $0x3;
	v52 =	vmov s24;
	[tilespmem:s14+$0xFFFFFFB0] =	vst v10  }
0x28b: {  	v7 =	vbroadcast v11, $0x0;
	v11 =	vshll.u32 v12, v1;
	v12 =	vmov s19;
	[tilespmem:s14+$0xFFFFFFF0] =	vst v9  }
0x28c: {  	s25 =	simm.s32 $0x54;
	v14 =	vshrl.u32 v14, $0x3;
	v13 =	vshll.u32 v13, v1;
	v15 =	vor.u32 v2, v15;
	[tilespmem:s14+$0x30] =	vst v3  }
0x28d: {  	s18 =	simm.s32 $0x14;
	s19 =	simm.s32 $0x2C;
	v53 =	vmov s25;
	v4 =	vbroadcast v11, $0x0;
	v6 =	vor.u32 v0, v6;
	s21 =	rddreg [dreg:$0x19]  }
0x28e: {  	v11 =	vmov s18;
	v8 =	vor.u32 v0, v8;
	v14 =	vshll.u32 v14, v1;
	[hbm4b:s21+s1] =	stream.linear.scatter [tilespmem:s7], [sflag:$0x3], $0xC000, $0x38;
	[tilespmem:$0x1E000] =	vst v63  }
0x28f: {  	s18 =	simm.s32 $0x3C;
	v13 =	vbroadcast v13, $0x0;
	v17 =	vmov s19;
	v7 =	vor.u32 v0, v7;
	_ =	swait.ge [sflag:s8], $0x3000  }
0x290: {  	s20 =	simm.s32 $0x34;
	s17 =	simm.s32 $0x4;
	v14 =	vbroadcast v14, $0x0;
	v18 =	vmov s18;
	v17 =	vshrl.u32 v17, $0x3;
	[sflag:s8] =	ssyncset.done $0x0  }
0x291: {  	s18 =	simm.s32 $0x48;
	v5 =	vmov s17;
	v10 =	vmov s20;
	v4 =	vor.u32 v0, v4;
	s15 =	rddreg [dreg:$0xb];
	[sflag:s8] =	ssyncadd.s32 $0xFFFFD000  }
0x292: {  	v18 =	vshrl.u32 v18, $0x3;
	v56 =	vmov s18;
	v5 =	vshrl.u32 v5, $0x3;
	[tilespmem:s1], [sflag:$0x1] =	stream.linear.gather [hbm4b:s15+s1], $0x3000, $0x38;
	[tilespmem:$0x1E000] =	vst v63  }
0x293: {  	s23 =	simm.s32 $0x18;
	s17 =	simm.s32 $0x1C;
	v9 =	vshrl.u32 v10, $0x3;
	v10 =	vshrl.u32 v11, $0x3;
	v11 =	vshrl.u32 v12, $0x3;
	_ =	swait.ge [sflag:s11], $0xC000  }
0x294: {  	v12 =	vmov s23;
	v16 =	vmov s17;
	v3 =	vshll.u32 v9, v1;
	[sflag:s11] =	ssyncset.done $0x0  }
0x295: {  	s20 =	simm.s32 $0x50;
	v14 =	vor.u32 v0, v14;
	v18 =	vshll.u32 v18, v1;
	v3 =	vbroadcast v3, $0x0;
	[sflag:s11] =	ssyncadd.s32 $0xFFFF4000  }
0x296: {  	s22 =	simm.s32 $0x8;
	v48 =	vmov s20;
	v5 =	vshll.u32 v5, v1;
	v9 =	vshll.u32 v10, v1;
	v6 =	vld.idx.msk [tilespmem:v6+s6+$0x0], $0xffff  }
0x297: {  	v10 =	vshll.u32 v11, v1;
	v11 =	vmov s22;
	v3 =	vor.u32 v2, v3  }
0x298: {  	s23 =	simm.s32 $0x60;
	s17 =	simm.s32 $0x64;
	v12 =	vshrl.u32 v12, $0x3;
	v16 =	vshrl.u32 v16, $0x3;
	v18 =	vbroadcast v18, $0x0  }
0x299: {  	s20 =	simm.s32 $0x68;
	v20 =	vmov s23;
	v54 =	vmov s17;
	v5 =	vbroadcast v5, $0x0  }
0x29a: {  	s13 =	simm.s32 $0x12080;
	v57 =	vmov s20;
	v9 =	vbroadcast v9, $0x0;
	v10 =	vbroadcast v10, $0x0;
	v7 =	vld.idx.msk [tilespmem:v7+s6+$0x0], $0xffff  }
0x29b: {  	v11 =	vshrl.u32 v11, $0x3;
	v12 =	vshll.u32 v12, v1;
	v5 =	vor.u32 v2, v5;
	v8 =	vld.idx.msk [tilespmem:v8+s6+$0x0], $0xffff;
	[tilespmem:s13+$0x40] =	vst v6  }
0x29c: {  	v16 =	vshll.u32 v16, v1;
	v51 =	vshrl.u32 v20, $0x3;
	v9 =	vor.u32 v2, v9;
	v3 =	vld.idx.msk [tilespmem:v3+s6+$0x0], $0xffff  }
0x29d: {  	v11 =	vshll.u32 v11, v1;
	v12 =	vbroadcast v12, $0x0;
	s21 =	simm.s32 $0x70;
	v47 =	vor.u32 v2, v18;
	v19 =	vld.idx.msk [tilespmem:v4+s6+$0x0], $0xffff  }
0x29e: {  	v10 =	vor.u32 v2, v10;
	v11 =	vbroadcast v11, $0x0;
	v49 =	vmov s21;
	s21 =	simm.s32 $0x78  }
0x29f: {  	s22 =	simm.s32 $0x40;
	v12 =	vor.u32 v0, v12;
	v18 =	vshrl.u32 v49, $0x3;
	v58 =	vmov s21;
	[tilespmem:s13+$0xFFFFFF80] =	vst v7  }
0x2a0: {  	v11 =	vor.u32 v0, v11;
	v50 =	vshll.u32 v18, v1;
	v7 =	vmov s22;
	[tilespmem:s13+$0xFFFFFFC0] =	vst v8;
	v5 =	vld.idx.msk [tilespmem:v5+s6+$0x0], $0xffff  }
0x2a1: {  	v18 =	vshrl.u32 v54, $0x3;
	v4 =	vshll.u32 v17, v1;
	v7 =	vshrl.u32 v7, $0x3;
	v9 =	vld.idx.msk [tilespmem:v9+s6+$0x0], $0xffff;
	[tilespmem:s13+$0x50] =	vst v3  }
0x2a2: {  	v17 =	vbroadcast v50, $0x0;
	v8 =	vshrl.u32 v48, $0x3;
	[tilespmem:s13+$0x0] =	vst v19;
	v7 =	vshll.u32 v7, v1;
	v14 =	vld.idx.msk [tilespmem:v14+s6+$0x0], $0xffff  }
0x2a3: {  	v10 =	vld.idx.msk [tilespmem:v10+s6+$0x0], $0xffff;
	v3 =	vbroadcast v7, $0x0;
	v7 =	vshll.u32 v8, v1;
	v8 =	vshll.u32 v51, v1  }
0x2a4: {  	v6 =	vor.u32 v0, v13;
	v7 =	vbroadcast v7, $0x0;
	v8 =	vbroadcast v8, $0x0  }
0x2a5: {  	s16 =	simm.s32 $0x74;
	v59 =	vshrl.u32 v58, $0x3;
	v17 =	vor.u32 v0, v17;
	[tilespmem:s13+$0xFFFFFF90] =	vst v5;
	v3 =	vor.u32 v0, v3  }
0x2a6: {  	[tilespmem:s13+$0xFFFFFFD0] =	vst v9;
	v11 =	vld.idx.msk [tilespmem:v11+s6+$0x0], $0xffff;
	v5 =	vor.u32 v0, v7;
	v7 =	vor.u32 v0, v8;
	v8 =	vmov s16  }
0x2a7: {  	v55 =	vshll.u32 v18, v1;
	v60 =	vshll.u32 v59, v1;
	v12 =	vld.idx.msk [tilespmem:v12+s6+$0x0], $0xffff;
	v8 =	vshrl.u32 v8, $0x3;
	[tilespmem:s13+$0x60] =	vst v14  }
0x2a8: {  	v13 =	vbroadcast v16, $0x0;
	v9 =	vshrl.u32 v52, $0x3;
	[tilespmem:s13+$0x10] =	vst v10;
	v8 =	vshll.u32 v8, v1;
	v14 =	vld.idx.msk [tilespmem:v47+s6+$0x0], $0xffff  }
0x2a9: {  	v10 =	vshrl.u32 v53, $0x3;
	v6 =	vld.idx.msk [tilespmem:v6+s6+$0x0], $0xffff;
	v9 =	vshll.u32 v9, v1;
	v8 =	vbroadcast v8, $0x0  }
0x2aa: {  	v13 =	vor.u32 v2, v13;
	v17 =	vld.idx.msk [tilespmem:v17+s6+$0x0], $0xffff;
	v10 =	vshll.u32 v10, v1;
	v9 =	vbroadcast v9, $0x0  }
0x2ab: {  	s19 =	simm.s32 $0x58;
	v16 =	vbroadcast v55, $0x0;
	v10 =	vbroadcast v10, $0x0;
	[tilespmem:s13+$0xFFFFFFA0] =	vst v11;
	v3 =	vld.idx.msk [tilespmem:v3+s6+$0x0], $0xffff;
	v8 =	vor.u32 v2, v8  }
0x2ac: {  	v4 =	vbroadcast v4, $0x0;
	v9 =	vor.u32 v2, v9;
	v11 =	vmov s19;
	[tilespmem:s13+$0xFFFFFFE0] =	vst v12;
	v5 =	vld.idx.msk [tilespmem:v5+s6+$0x0], $0xffff  }
0x2ad: {  	v10 =	vor.u32 v2, v10;
	v12 =	vor.u32 v2, v16;
	v11 =	vshrl.u32 v11, $0x3;
	[tilespmem:s13+$0x70] =	vst v14;
	v14 =	vld.idx.msk [tilespmem:v7+s6+$0x0], $0xffff  }
0x2ae: {  	s14 =	simm.s32 $0x12180;
	[tilespmem:s13+$0x20] =	vst v6;
	v16 =	vbroadcast v60, $0x0;
	v6 =	vld.idx.msk [tilespmem:v15+s6+$0x0], $0xffff;
	v15 =	vshrl.u32 v56, $0x3;
	v11 =	vshll.u32 v11, v1  }
0x2af: {  	s22 =	simm.s32 $0x4C;
	[tilespmem:s14+$0x40] =	vst v17;
	v13 =	vld.idx.msk [tilespmem:v13+s6+$0x0], $0xffff;
	v11 =	vbroadcast v11, $0x0;
	v7 =	vshll.u32 v15, v1;
	v15 =	vshrl.u32 v57, $0x3  }
0x2b0: {  	s23 =	simm.s32 $0x5C;
	[tilespmem:s14+$0xFFFFFF80] =	vst v3;
	v15 =	vshll.u32 v15, v1;
	v3 =	vld.idx.msk [tilespmem:v8+s6+$0x0], $0xffff;
	v7 =	vbroadcast v7, $0x0;
	v8 =	vmov s22  }
0x2b1: {  	s24 =	simm.s32 $0x6C;
	v61 =	vld.idx.msk [tilespmem:v9+s6+$0x0], $0xffff;
	[tilespmem:s14+$0xFFFFFFC0] =	vst v5;
	v5 =	vmov s23;
	v9 =	vbroadcast v15, $0x0;
	v15 =	vor.u32 v0, v16  }
0x2b2: {  	s25 =	simm.s32 $0x7C;
	v62 =	vld.idx.msk [tilespmem:v10+s6+$0x0], $0xffff;
	v10 =	vmov s24;
	v8 =	vshrl.u32 v8, $0x3;
	v63 =	vor.u32 v0, v7;
	[tilespmem:s14+$0x0] =	vst v14  }
0x2b3: {  	[tilespmem:s13+$0xFFFFFFB0] =	vst v6;
	v7 =	vor.u32 v0, v11;
	v11 =	vmov s25;
	v6 =	vor.u32 v0, v9;
	v9 =	vld.idx.msk [tilespmem:v12+s6+$0x0], $0xffff  }
0x2b4: {  	[tilespmem:s13+$0xFFFFFFF0] =	vst v13;
	v5 =	vshrl.u32 v5, $0x3;
	v12 =	vshrl.u32 v10, $0x3;
	v10 =	vshrl.u32 v11, $0x3  }
0x2b5: {  	v8 =	vshll.u32 v8, v1;
	v11 =	vshll.u32 v5, v1;
	[tilespmem:s14+$0x50] =	vst v3;
	v3 =	vshll.u32 v10, v1  }
0x2b6: {  	[tilespmem:s14+$0xFFFFFF90] =	vst v61;
	v10 =	vbroadcast v8, $0x0;
	v13 =	vshll.u32 v12, v1;
	v8 =	vld.idx.msk [tilespmem:v15+s6+$0x0], $0xffff;
	v12 =	vbroadcast v3, $0x0  }
0x2b7: {  	s15 =	simm.s32 $0x10;
	v4 =	vor.u32 v2, v4;
	s16 =	simm.s32 $0xBC;
	[tilespmem:s14+$0xFFFFFFD0] =	vst v62;
	v11 =	vbroadcast v11, $0x0;
	v5 =	vld.idx.msk [tilespmem:v63+s6+$0x0], $0xffff;
	v3 =	vbroadcast v13, $0x0  }
.LBB2_16:
0x2b8: {  	s17 =	sadd.s32 $0xFFFFFFD4, s16;
	s18 =	sadd.s32 $0xFFFFFFF4, s16;
	s15 =	sadd.s32 $0x10, s15;
	v10 =	vor.u32 v2, v10;
	v7 =	vld.idx.msk [tilespmem:v7+s6+$0x0], $0xffff;
	[tilespmem:s14+$0x10] =	vst v9;
	v9 =	vor.u32 v2, v12  }
0x2b9: {  	s19 =	sadd.s32 $0xFFFFFFC4, s16;
	v12 =	vmov s17;
	s17 =	sadd.s32 $0xFFFFFFE4, s16;
	v13 =	vmov s18;
	p0 =	slt.u32 s15, $0xBF0;
	v11 =	vor.u32 v2, v11;
	v6 =	vld.idx.msk [tilespmem:v6+s6+$0x0], $0xffff  }
0x2ba: {  	s22 =	sadd.s32 $0xFFFFFFC8, s16;
	s23 =	sadd.s32 $0xFFFFFFD8, s16;
	s24 =	sadd.s32 $0xFFFFFFE8, s16;
	v14 =	vmov s19;
	v15 =	vmov s17;
	v13 =	vshrl.u32 v13, $0x3  }
0x2bb: {  	s25 =	sadd.s32 $0xFFFFFFCC, s16;
	s21 =	sadd.s32 $0xFFFFFFDC, s16;
	s20 =	sadd.s32 $0xFFFFFFEC, s16;
	v14 =	vshrl.u32 v14, $0x3;
	v12 =	vshrl.u32 v12, $0x3;
	v13 =	vshll.u32 v13, v1  }
0x2bc: {  	s19 =	sadd.s32 $0xFFFFFFD0, s16;
	s18 =	sadd.s32 $0xFFFFFFE0, s16;
	s17 =	sadd.s32 $0xFFFFFFF0, s16;
	v14 =	vshll.u32 v14, v1;
	v15 =	vshrl.u32 v15, $0x3;
	v13 =	vbroadcast v13, $0x0;
	[tilespmem:s14+$0x60] =	vst v8;
	v4 =	vld.idx.msk [tilespmem:v4+s6+$0x0], $0xffff  }
0x2bd: {  	v12 =	vshll.u32 v12, v1;
	v8 =	vbroadcast v14, $0x0;
	v14 =	vshll.u32 v15, v1;
	[tilespmem:s14+$0xFFFFFFA0] =	vst v5;
	v5 =	vld.idx.msk [tilespmem:v9+s6+$0x0], $0xffff  }
0x2be: {  	v9 =	vbroadcast v12, $0x0;
	v12 =	vbroadcast v14, $0x0;
	v13 =	vor.u32 v0, v13;
	v10 =	vld.idx.msk [tilespmem:v10+s6+$0x0], $0xffff;
	[tilespmem:s14+$0xFFFFFFE0] =	vst v7  }
0x2bf: {  	v14 =	vmov s23;
	v7 =	vor.u32 v0, v8;
	v8 =	vmov s22;
	s22 =	sadd.s32 $0xFFFFFFF8, s16;
	v11 =	vld.idx.msk [tilespmem:v11+s6+$0x0], $0xffff;
	[tilespmem:s14+$0x20] =	vst v6  }
0x2c0: {  	v6 =	vor.u32 v0, v9;
	v9 =	vor.u32 v0, v12;
	v12 =	vmov s22  }
0x2c1: {  	v15 =	vmov s24;
	v8 =	vshrl.u32 v8, $0x3;
	v12 =	vshrl.u32 v12, $0x3  }
0x2c2: {  	v15 =	vshrl.u32 v15, $0x3;
	v14 =	vshrl.u32 v14, $0x3;
	v12 =	vshll.u32 v12, v1;
	[tilespmem:s13+$0x30] =	vst v4;
	s13 =	smov.u32 s14  }
0x2c3: {  	v4 =	vshll.u32 v8, v1;
	v8 =	vshll.u32 v14, v1;
	v12 =	vbroadcast v12, $0x0;
	v13 =	vld.idx.msk [tilespmem:v13+s6+$0x0], $0xffff;
	[tilespmem:s14+$0x70] =	vst v5  }
0x2c4: {  	v4 =	vbroadcast v4, $0x0;
	v5 =	vld.idx.msk [tilespmem:v7+s6+$0x0], $0xffff;
	v7 =	vbroadcast v8, $0x0;
	v8 =	vshll.u32 v15, v1;
	[tilespmem:s14+$0xFFFFFFB0] =	vst v10  }
0x2c5: {  	v10 =	vmov s25;
	v12 =	vor.u32 v2, v12;
	v6 =	vld.idx.msk [tilespmem:v6+s6+$0x0], $0xffff;
	v8 =	vbroadcast v8, $0x0;
	[tilespmem:s14+$0xFFFFFFF0] =	vst v11  }
0x2c6: {  	v4 =	vor.u32 v2, v4;
	v11 =	vmov s21;
	s21 =	sadd.s32 $0xFFFFFFFC, s16;
	v7 =	vor.u32 v2, v7;
	v9 =	vld.idx.msk [tilespmem:v9+s6+$0x0], $0xffff  }
0x2c7: {  	v14 =	vmov s20;
	v15 =	vmov s21;
	v8 =	vor.u32 v2, v8  }
0x2c8: {  	v10 =	vshrl.u32 v10, $0x3;
	s14 =	sadd.s32 $0x100, s14;
	v11 =	vshrl.u32 v11, $0x3;
	v15 =	vshrl.u32 v15, $0x3  }
0x2c9: {  	v14 =	vshrl.u32 v14, $0x3;
	v10 =	vshll.u32 v10, v1;
	[tilespmem:s14+$0x40] =	vst v13;
	v13 =	vshll.u32 v15, v1  }
0x2ca: {  	[tilespmem:s14+$0xFFFFFF80] =	vst v5;
	v5 =	vshll.u32 v11, v1;
	v11 =	vshll.u32 v14, v1;
	v12 =	vld.idx.msk [tilespmem:v12+s6+$0x0], $0xffff;
	v13 =	vbroadcast v13, $0x0  }
0x2cb: {  	v10 =	vbroadcast v10, $0x0;
	v14 =	vmov s19;
	v4 =	vld.idx.msk [tilespmem:v4+s6+$0x0], $0xffff;
	[tilespmem:s14+$0xFFFFFFC0] =	vst v6;
	v5 =	vbroadcast v5, $0x0  }
0x2cc: {  	v16 =	vmov s18;
	v6 =	vbroadcast v11, $0x0;
	v15 =	vld.idx.msk [tilespmem:v7+s6+$0x0], $0xffff;
	[tilespmem:s14+$0x0] =	vst v9;
	v11 =	vor.u32 v0, v13  }
0x2cd: {  	v13 =	vor.u32 v0, v10;
	v7 =	vor.u32 v0, v5;
	v9 =	vld.idx.msk [tilespmem:v8+s6+$0x0], $0xffff;
	v5 =	vmov s17  }
.Ltmp7:
0x2ce: {  	v10 =	vmov s16;
	v8 =	vshrl.u32 v14, $0x3;
	v6 =	vor.u32 v0, v6;
	(pc) =	sbr.rel @p0 .LBB2_16-.Ltmp7, $4  }
0x2cf: {  	v14 =	vshrl.u32 v16, $0x3;
	v10 =	vshrl.u32 v10, $0x3;
	v5 =	vshrl.u32 v5, $0x3  }
0x2d0: {  	v8 =	vshll.u32 v8, v1;
	v14 =	vshll.u32 v14, v1;
	[tilespmem:s14+$0x50] =	vst v12;
	v12 =	vshll.u32 v10, v1  }
0x2d1: {  	v16 =	vshll.u32 v5, v1;
	v10 =	vbroadcast v8, $0x0;
	[tilespmem:s14+$0xFFFFFF90] =	vst v4;
	v8 =	vld.idx.msk [tilespmem:v11+s6+$0x0], $0xffff;
	v12 =	vbroadcast v12, $0x0  }
0x2d2: {  	s16 =	sadd.s32 $0x40, s16;
	v11 =	vbroadcast v14, $0x0;
	v4 =	vor.u32 v2, v3;
	v3 =	vbroadcast v16, $0x0;
	v5 =	vld.idx.msk [tilespmem:v13+s6+$0x0], $0xffff;
	[tilespmem:s14+$0xFFFFFFD0] =	vst v15  }
0x2d3: {  	_ =	sdelay $0x2  }
0x2d4: {  	v12 =	vor.u32 v2, v12  }
0x2d5: {  	v10 =	vor.u32 v2, v10;
	v7 =	vld.idx.msk [tilespmem:v7+s6+$0x0], $0xffff;
	[tilespmem:s14+$0x10] =	vst v9  }
0x2d6: {  	v9 =	vor.u32 v2, v11;
	v6 =	vld.idx.msk [tilespmem:v6+s6+$0x0], $0xffff  }
0x2d7: {  	s16 =	simm.s32 $0x30;
	v3 =	vor.u32 v2, v3  }
0x2d8: {  	s17 =	simm.s32 $0x0;
	v4 =	vld.idx.msk [tilespmem:v4+s6+$0x0], $0xffff;
	v11 =	vmov s16;
	s16 =	simm.s32 $0xC;
	[tilespmem:s14+$0x60] =	vst v8  }
0x2d9: {  	s15 =	simm.s32 $0x10;
	s25 =	simm.s32 $0x20;
	v13 =	vmov s17;
	v15 =	vmov s16;
	[tilespmem:s14+$0xFFFFFFA0] =	vst v5;
	v5 =	vld.idx.msk [tilespmem:v12+s6+$0x0], $0xffff  }
0x2da: {  	v14 =	vmov s25;
	v8 =	vmov s15;
	v15 =	vshrl.u32 v15, $0x3;
	v10 =	vld.idx.msk [tilespmem:v10+s6+$0x0], $0xffff;
	[tilespmem:s14+$0xFFFFFFE0] =	vst v7  }
0x2db: {  	v11 =	vshrl.u32 v11, $0x3;
	v8 =	vshrl.u32 v8, $0x3;
	v15 =	vshll.u32 v15, v1;
	v9 =	vld.idx.msk [tilespmem:v9+s6+$0x0], $0xffff;
	[tilespmem:s14+$0x20] =	vst v6  }
0x2dc: {  	s24 =	simm.s32 $0x28;
	v12 =	vshrl.u32 v13, $0x3;
	v7 =	vshll.u32 v11, v1;
	v8 =	vshll.u32 v8, v1;
	v3 =	vld.idx.msk [tilespmem:v3+s6+$0x0], $0xffff  }
0x2dd: {  	[tilespmem:s13+$0x30] =	vst v4;
	v13 =	vmov s24;
	v15 =	vbroadcast v15, $0x0;
	v11 =	vshll.u32 v12, v1  }
0x2de: {  	s25 =	simm.s32 $0x38;
	s24 =	simm.s32 $0x44;
	v12 =	vshrl.u32 v14, $0x3;
	v6 =	vbroadcast v7, $0x0;
	v8 =	vbroadcast v8, $0x0;
	[tilespmem:s14+$0x70] =	vst v5  }
0x2df: {  	s19 =	simm.s32 $0x24;
	v14 =	vmov s25;
	v13 =	vshrl.u32 v13, $0x3;
	v52 =	vmov s24;
	[tilespmem:s14+$0xFFFFFFB0] =	vst v10  }
0x2e0: {  	v7 =	vbroadcast v11, $0x0;
	v11 =	vshll.u32 v12, v1;
	v12 =	vmov s19;
	[tilespmem:s14+$0xFFFFFFF0] =	vst v9  }
0x2e1: {  	s25 =	simm.s32 $0x54;
	v14 =	vshrl.u32 v14, $0x3;
	v13 =	vshll.u32 v13, v1;
	v15 =	vor.u32 v2, v15;
	[tilespmem:s14+$0x30] =	vst v3  }
0x2e2: {  	s18 =	simm.s32 $0x14;
	s19 =	simm.s32 $0x2C;
	v53 =	vmov s25;
	v4 =	vbroadcast v11, $0x0;
	v6 =	vor.u32 v0, v6;
	s21 =	rddreg [dreg:$0x1a]  }
0x2e3: {  	v11 =	vmov s18;
	v8 =	vor.u32 v0, v8;
	v14 =	vshll.u32 v14, v1;
	[hbm4b:s21+s1] =	stream.linear.scatter [tilespmem:s9], [sflag:$0x4], $0xC000, $0x38;
	[tilespmem:$0x1E000] =	vst v63  }
0x2e4: {  	s18 =	simm.s32 $0x3C;
	v13 =	vbroadcast v13, $0x0;
	v17 =	vmov s19;
	v7 =	vor.u32 v0, v7;
	_ =	swait.ge [sflag:s5], $0x3000  }
0x2e5: {  	s20 =	simm.s32 $0x34;
	s17 =	simm.s32 $0x4;
	v14 =	vbroadcast v14, $0x0;
	v18 =	vmov s18;
	v17 =	vshrl.u32 v17, $0x3;
	[sflag:s5] =	ssyncset.done $0x0  }
0x2e6: {  	s18 =	simm.s32 $0x48;
	v5 =	vmov s17;
	v10 =	vmov s20;
	v4 =	vor.u32 v0, v4;
	s15 =	rddreg [dreg:$0xc];
	[sflag:s5] =	ssyncadd.s32 $0xFFFFD000  }
0x2e7: {  	v18 =	vshrl.u32 v18, $0x3;
	v56 =	vmov s18;
	v5 =	vshrl.u32 v5, $0x3;
	[tilespmem:s6], [sflag:$0x2] =	stream.linear.gather [hbm4b:s15+s1], $0x3000, $0x38;
	[tilespmem:$0x1E000] =	vst v63  }
0x2e8: {  	s23 =	simm.s32 $0x18;
	s17 =	simm.s32 $0x1C;
	v9 =	vshrl.u32 v10, $0x3;
	v10 =	vshrl.u32 v11, $0x3;
	v11 =	vshrl.u32 v12, $0x3;
	_ =	swait.ge [sflag:s10], $0xC000  }
0x2e9: {  	v12 =	vmov s23;
	v16 =	vmov s17;
	v3 =	vshll.u32 v9, v1;
	[sflag:s10] =	ssyncset.done $0x0  }
0x2ea: {  	s20 =	simm.s32 $0x50;
	v14 =	vor.u32 v0, v14;
	v18 =	vshll.u32 v18, v1;
	v3 =	vbroadcast v3, $0x0;
	[sflag:s10] =	ssyncadd.s32 $0xFFFF4000  }
0x2eb: {  	s22 =	simm.s32 $0x8;
	v48 =	vmov s20;
	v5 =	vshll.u32 v5, v1;
	v9 =	vshll.u32 v10, v1;
	v6 =	vld.idx.msk [tilespmem:v6+s1+$0x0], $0xffff  }
0x2ec: {  	v10 =	vshll.u32 v11, v1;
	v11 =	vmov s22;
	v3 =	vor.u32 v2, v3  }
0x2ed: {  	s23 =	simm.s32 $0x60;
	s17 =	simm.s32 $0x64;
	v12 =	vshrl.u32 v12, $0x3;
	v16 =	vshrl.u32 v16, $0x3;
	v18 =	vbroadcast v18, $0x0  }
0x2ee: {  	s20 =	simm.s32 $0x68;
	v20 =	vmov s23;
	v54 =	vmov s17;
	v5 =	vbroadcast v5, $0x0  }
0x2ef: {  	s13 =	simm.s32 $0x6080;
	v57 =	vmov s20;
	v9 =	vbroadcast v9, $0x0;
	v10 =	vbroadcast v10, $0x0;
	v7 =	vld.idx.msk [tilespmem:v7+s1+$0x0], $0xffff  }
0x2f0: {  	v11 =	vshrl.u32 v11, $0x3;
	v12 =	vshll.u32 v12, v1;
	v5 =	vor.u32 v2, v5;
	v8 =	vld.idx.msk [tilespmem:v8+s1+$0x0], $0xffff;
	[tilespmem:s13+$0x40] =	vst v6  }
0x2f1: {  	v16 =	vshll.u32 v16, v1;
	v51 =	vshrl.u32 v20, $0x3;
	v9 =	vor.u32 v2, v9;
	v3 =	vld.idx.msk [tilespmem:v3+s1+$0x0], $0xffff  }
0x2f2: {  	v11 =	vshll.u32 v11, v1;
	v12 =	vbroadcast v12, $0x0;
	s21 =	simm.s32 $0x70;
	v47 =	vor.u32 v2, v18;
	v19 =	vld.idx.msk [tilespmem:v4+s1+$0x0], $0xffff  }
0x2f3: {  	v10 =	vor.u32 v2, v10;
	v11 =	vbroadcast v11, $0x0;
	v49 =	vmov s21;
	s21 =	simm.s32 $0x78  }
0x2f4: {  	s22 =	simm.s32 $0x40;
	v12 =	vor.u32 v0, v12;
	v18 =	vshrl.u32 v49, $0x3;
	v58 =	vmov s21;
	[tilespmem:s13+$0xFFFFFF80] =	vst v7  }
0x2f5: {  	v11 =	vor.u32 v0, v11;
	v50 =	vshll.u32 v18, v1;
	v7 =	vmov s22;
	[tilespmem:s13+$0xFFFFFFC0] =	vst v8;
	v5 =	vld.idx.msk [tilespmem:v5+s1+$0x0], $0xffff  }
0x2f6: {  	v18 =	vshrl.u32 v54, $0x3;
	v4 =	vshll.u32 v17, v1;
	v7 =	vshrl.u32 v7, $0x3;
	v9 =	vld.idx.msk [tilespmem:v9+s1+$0x0], $0xffff;
	[tilespmem:s13+$0x50] =	vst v3  }
0x2f7: {  	v17 =	vbroadcast v50, $0x0;
	v8 =	vshrl.u32 v48, $0x3;
	[tilespmem:s13+$0x0] =	vst v19;
	v7 =	vshll.u32 v7, v1;
	v14 =	vld.idx.msk [tilespmem:v14+s1+$0x0], $0xffff  }
0x2f8: {  	v10 =	vld.idx.msk [tilespmem:v10+s1+$0x0], $0xffff;
	v3 =	vbroadcast v7, $0x0;
	v7 =	vshll.u32 v8, v1;
	v8 =	vshll.u32 v51, v1  }
0x2f9: {  	v6 =	vor.u32 v0, v13;
	v7 =	vbroadcast v7, $0x0;
	v8 =	vbroadcast v8, $0x0  }
0x2fa: {  	s16 =	simm.s32 $0x74;
	v59 =	vshrl.u32 v58, $0x3;
	v17 =	vor.u32 v0, v17;
	[tilespmem:s13+$0xFFFFFF90] =	vst v5;
	v3 =	vor.u32 v0, v3  }
0x2fb: {  	[tilespmem:s13+$0xFFFFFFD0] =	vst v9;
	v11 =	vld.idx.msk [tilespmem:v11+s1+$0x0], $0xffff;
	v5 =	vor.u32 v0, v7;
	v7 =	vor.u32 v0, v8;
	v8 =	vmov s16  }
0x2fc: {  	v55 =	vshll.u32 v18, v1;
	v60 =	vshll.u32 v59, v1;
	v12 =	vld.idx.msk [tilespmem:v12+s1+$0x0], $0xffff;
	v8 =	vshrl.u32 v8, $0x3;
	[tilespmem:s13+$0x60] =	vst v14  }
0x2fd: {  	v13 =	vbroadcast v16, $0x0;
	v9 =	vshrl.u32 v52, $0x3;
	[tilespmem:s13+$0x10] =	vst v10;
	v8 =	vshll.u32 v8, v1;
	v14 =	vld.idx.msk [tilespmem:v47+s1+$0x0], $0xffff  }
0x2fe: {  	v10 =	vshrl.u32 v53, $0x3;
	v6 =	vld.idx.msk [tilespmem:v6+s1+$0x0], $0xffff;
	v9 =	vshll.u32 v9, v1;
	v8 =	vbroadcast v8, $0x0  }
0x2ff: {  	v13 =	vor.u32 v2, v13;
	v17 =	vld.idx.msk [tilespmem:v17+s1+$0x0], $0xffff;
	v10 =	vshll.u32 v10, v1;
	v9 =	vbroadcast v9, $0x0  }
0x300: {  	s19 =	simm.s32 $0x58;
	v16 =	vbroadcast v55, $0x0;
	v10 =	vbroadcast v10, $0x0;
	[tilespmem:s13+$0xFFFFFFA0] =	vst v11;
	v3 =	vld.idx.msk [tilespmem:v3+s1+$0x0], $0xffff;
	v8 =	vor.u32 v2, v8  }
0x301: {  	v4 =	vbroadcast v4, $0x0;
	v9 =	vor.u32 v2, v9;
	v11 =	vmov s19;
	[tilespmem:s13+$0xFFFFFFE0] =	vst v12;
	v5 =	vld.idx.msk [tilespmem:v5+s1+$0x0], $0xffff  }
0x302: {  	v10 =	vor.u32 v2, v10;
	v12 =	vor.u32 v2, v16;
	v11 =	vshrl.u32 v11, $0x3;
	[tilespmem:s13+$0x70] =	vst v14;
	v14 =	vld.idx.msk [tilespmem:v7+s1+$0x0], $0xffff  }
0x303: {  	s14 =	simm.s32 $0x6180;
	[tilespmem:s13+$0x20] =	vst v6;
	v16 =	vbroadcast v60, $0x0;
	v6 =	vld.idx.msk [tilespmem:v15+s1+$0x0], $0xffff;
	v15 =	vshrl.u32 v56, $0x3;
	v11 =	vshll.u32 v11, v1  }
0x304: {  	s22 =	simm.s32 $0x4C;
	[tilespmem:s14+$0x40] =	vst v17;
	v13 =	vld.idx.msk [tilespmem:v13+s1+$0x0], $0xffff;
	v11 =	vbroadcast v11, $0x0;
	v7 =	vshll.u32 v15, v1;
	v15 =	vshrl.u32 v57, $0x3  }
0x305: {  	s23 =	simm.s32 $0x5C;
	[tilespmem:s14+$0xFFFFFF80] =	vst v3;
	v15 =	vshll.u32 v15, v1;
	v3 =	vld.idx.msk [tilespmem:v8+s1+$0x0], $0xffff;
	v7 =	vbroadcast v7, $0x0;
	v8 =	vmov s22  }
0x306: {  	s24 =	simm.s32 $0x6C;
	v61 =	vld.idx.msk [tilespmem:v9+s1+$0x0], $0xffff;
	[tilespmem:s14+$0xFFFFFFC0] =	vst v5;
	v5 =	vmov s23;
	v9 =	vbroadcast v15, $0x0;
	v15 =	vor.u32 v0, v16  }
0x307: {  	s25 =	simm.s32 $0x7C;
	v62 =	vld.idx.msk [tilespmem:v10+s1+$0x0], $0xffff;
	v10 =	vmov s24;
	v8 =	vshrl.u32 v8, $0x3;
	v63 =	vor.u32 v0, v7;
	[tilespmem:s14+$0x0] =	vst v14  }
0x308: {  	[tilespmem:s13+$0xFFFFFFB0] =	vst v6;
	v7 =	vor.u32 v0, v11;
	v11 =	vmov s25;
	v6 =	vor.u32 v0, v9;
	v9 =	vld.idx.msk [tilespmem:v12+s1+$0x0], $0xffff  }
0x309: {  	[tilespmem:s13+$0xFFFFFFF0] =	vst v13;
	v5 =	vshrl.u32 v5, $0x3;
	v12 =	vshrl.u32 v10, $0x3;
	v10 =	vshrl.u32 v11, $0x3  }
0x30a: {  	v8 =	vshll.u32 v8, v1;
	v11 =	vshll.u32 v5, v1;
	[tilespmem:s14+$0x50] =	vst v3;
	v3 =	vshll.u32 v10, v1  }
0x30b: {  	[tilespmem:s14+$0xFFFFFF90] =	vst v61;
	v10 =	vbroadcast v8, $0x0;
	v13 =	vshll.u32 v12, v1;
	v8 =	vld.idx.msk [tilespmem:v15+s1+$0x0], $0xffff;
	v12 =	vbroadcast v3, $0x0  }
0x30c: {  	s15 =	simm.s32 $0x10;
	v4 =	vor.u32 v2, v4;
	s16 =	simm.s32 $0xBC;
	[tilespmem:s14+$0xFFFFFFD0] =	vst v62;
	v11 =	vbroadcast v11, $0x0;
	v5 =	vld.idx.msk [tilespmem:v63+s1+$0x0], $0xffff;
	v3 =	vbroadcast v13, $0x0  }
.LBB2_18:
0x30d: {  	s17 =	sadd.s32 $0xFFFFFFD4, s16;
	s18 =	sadd.s32 $0xFFFFFFF4, s16;
	s15 =	sadd.s32 $0x10, s15;
	v10 =	vor.u32 v2, v10;
	v7 =	vld.idx.msk [tilespmem:v7+s1+$0x0], $0xffff;
	[tilespmem:s14+$0x10] =	vst v9;
	v9 =	vor.u32 v2, v12  }
0x30e: {  	s19 =	sadd.s32 $0xFFFFFFC4, s16;
	v12 =	vmov s17;
	s17 =	sadd.s32 $0xFFFFFFE4, s16;
	v13 =	vmov s18;
	p0 =	slt.u32 s15, $0xBF0;
	v11 =	vor.u32 v2, v11;
	v6 =	vld.idx.msk [tilespmem:v6+s1+$0x0], $0xffff  }
0x30f: {  	s22 =	sadd.s32 $0xFFFFFFC8, s16;
	s23 =	sadd.s32 $0xFFFFFFD8, s16;
	s24 =	sadd.s32 $0xFFFFFFE8, s16;
	v14 =	vmov s19;
	v15 =	vmov s17;
	v13 =	vshrl.u32 v13, $0x3  }
0x310: {  	s25 =	sadd.s32 $0xFFFFFFCC, s16;
	s21 =	sadd.s32 $0xFFFFFFDC, s16;
	s20 =	sadd.s32 $0xFFFFFFEC, s16;
	v14 =	vshrl.u32 v14, $0x3;
	v12 =	vshrl.u32 v12, $0x3;
	v13 =	vshll.u32 v13, v1  }
0x311: {  	s19 =	sadd.s32 $0xFFFFFFD0, s16;
	s18 =	sadd.s32 $0xFFFFFFE0, s16;
	s17 =	sadd.s32 $0xFFFFFFF0, s16;
	v14 =	vshll.u32 v14, v1;
	v15 =	vshrl.u32 v15, $0x3;
	v13 =	vbroadcast v13, $0x0;
	[tilespmem:s14+$0x60] =	vst v8;
	v4 =	vld.idx.msk [tilespmem:v4+s1+$0x0], $0xffff  }
0x312: {  	v12 =	vshll.u32 v12, v1;
	v8 =	vbroadcast v14, $0x0;
	v14 =	vshll.u32 v15, v1;
	[tilespmem:s14+$0xFFFFFFA0] =	vst v5;
	v5 =	vld.idx.msk [tilespmem:v9+s1+$0x0], $0xffff  }
0x313: {  	v9 =	vbroadcast v12, $0x0;
	v12 =	vbroadcast v14, $0x0;
	v13 =	vor.u32 v0, v13;
	v10 =	vld.idx.msk [tilespmem:v10+s1+$0x0], $0xffff;
	[tilespmem:s14+$0xFFFFFFE0] =	vst v7  }
0x314: {  	v14 =	vmov s23;
	v7 =	vor.u32 v0, v8;
	v8 =	vmov s22;
	s22 =	sadd.s32 $0xFFFFFFF8, s16;
	v11 =	vld.idx.msk [tilespmem:v11+s1+$0x0], $0xffff;
	[tilespmem:s14+$0x20] =	vst v6  }
0x315: {  	v6 =	vor.u32 v0, v9;
	v9 =	vor.u32 v0, v12;
	v12 =	vmov s22  }
0x316: {  	v15 =	vmov s24;
	v8 =	vshrl.u32 v8, $0x3;
	v12 =	vshrl.u32 v12, $0x3  }
0x317: {  	v15 =	vshrl.u32 v15, $0x3;
	v14 =	vshrl.u32 v14, $0x3;
	v12 =	vshll.u32 v12, v1;
	[tilespmem:s13+$0x30] =	vst v4;
	s13 =	smov.u32 s14  }
0x318: {  	v4 =	vshll.u32 v8, v1;
	v8 =	vshll.u32 v14, v1;
	v12 =	vbroadcast v12, $0x0;
	v13 =	vld.idx.msk [tilespmem:v13+s1+$0x0], $0xffff;
	[tilespmem:s14+$0x70] =	vst v5  }
0x319: {  	v4 =	vbroadcast v4, $0x0;
	v5 =	vld.idx.msk [tilespmem:v7+s1+$0x0], $0xffff;
	v7 =	vbroadcast v8, $0x0;
	v8 =	vshll.u32 v15, v1;
	[tilespmem:s14+$0xFFFFFFB0] =	vst v10  }
0x31a: {  	v10 =	vmov s25;
	v12 =	vor.u32 v2, v12;
	v6 =	vld.idx.msk [tilespmem:v6+s1+$0x0], $0xffff;
	v8 =	vbroadcast v8, $0x0;
	[tilespmem:s14+$0xFFFFFFF0] =	vst v11  }
0x31b: {  	v4 =	vor.u32 v2, v4;
	v11 =	vmov s21;
	s21 =	sadd.s32 $0xFFFFFFFC, s16;
	v7 =	vor.u32 v2, v7;
	v9 =	vld.idx.msk [tilespmem:v9+s1+$0x0], $0xffff  }
0x31c: {  	v14 =	vmov s20;
	v15 =	vmov s21;
	v8 =	vor.u32 v2, v8  }
0x31d: {  	v10 =	vshrl.u32 v10, $0x3;
	s14 =	sadd.s32 $0x100, s14;
	v11 =	vshrl.u32 v11, $0x3;
	v15 =	vshrl.u32 v15, $0x3  }
0x31e: {  	v14 =	vshrl.u32 v14, $0x3;
	v10 =	vshll.u32 v10, v1;
	[tilespmem:s14+$0x40] =	vst v13;
	v13 =	vshll.u32 v15, v1  }
0x31f: {  	[tilespmem:s14+$0xFFFFFF80] =	vst v5;
	v5 =	vshll.u32 v11, v1;
	v11 =	vshll.u32 v14, v1;
	v12 =	vld.idx.msk [tilespmem:v12+s1+$0x0], $0xffff;
	v13 =	vbroadcast v13, $0x0  }
0x320: {  	v10 =	vbroadcast v10, $0x0;
	v14 =	vmov s19;
	v4 =	vld.idx.msk [tilespmem:v4+s1+$0x0], $0xffff;
	[tilespmem:s14+$0xFFFFFFC0] =	vst v6;
	v5 =	vbroadcast v5, $0x0  }
0x321: {  	v16 =	vmov s18;
	v6 =	vbroadcast v11, $0x0;
	v15 =	vld.idx.msk [tilespmem:v7+s1+$0x0], $0xffff;
	[tilespmem:s14+$0x0] =	vst v9;
	v11 =	vor.u32 v0, v13  }
0x322: {  	v13 =	vor.u32 v0, v10;
	v7 =	vor.u32 v0, v5;
	v9 =	vld.idx.msk [tilespmem:v8+s1+$0x0], $0xffff;
	v5 =	vmov s17  }
.Ltmp8:
0x323: {  	v10 =	vmov s16;
	v8 =	vshrl.u32 v14, $0x3;
	v6 =	vor.u32 v0, v6;
	(pc) =	sbr.rel @p0 .LBB2_18-.Ltmp8, $4  }
0x324: {  	v14 =	vshrl.u32 v16, $0x3;
	v10 =	vshrl.u32 v10, $0x3;
	v5 =	vshrl.u32 v5, $0x3  }
0x325: {  	v8 =	vshll.u32 v8, v1;
	v14 =	vshll.u32 v14, v1;
	[tilespmem:s14+$0x50] =	vst v12;
	v12 =	vshll.u32 v10, v1  }
0x326: {  	v16 =	vshll.u32 v5, v1;
	v10 =	vbroadcast v8, $0x0;
	[tilespmem:s14+$0xFFFFFF90] =	vst v4;
	v8 =	vld.idx.msk [tilespmem:v11+s1+$0x0], $0xffff;
	v12 =	vbroadcast v12, $0x0  }
0x327: {  	s16 =	sadd.s32 $0x40, s16;
	v11 =	vbroadcast v14, $0x0;
	v4 =	vor.u32 v2, v3;
	v3 =	vbroadcast v16, $0x0;
	v5 =	vld.idx.msk [tilespmem:v13+s1+$0x0], $0xffff;
	[tilespmem:s14+$0xFFFFFFD0] =	vst v15  }
0x328: {  	_ =	sdelay $0x2  }
0x329: {  	v12 =	vor.u32 v2, v12  }
0x32a: {  	v10 =	vor.u32 v2, v10;
	v7 =	vld.idx.msk [tilespmem:v7+s1+$0x0], $0xffff;
	[tilespmem:s14+$0x10] =	vst v9  }
0x32b: {  	v9 =	vor.u32 v2, v11;
	v6 =	vld.idx.msk [tilespmem:v6+s1+$0x0], $0xffff  }
0x32c: {  	s16 =	simm.s32 $0x30;
	s17 =	simm.s32 $0x0;
	s25 =	simm.s32 $0x20;
	v4 =	vld.idx.msk [tilespmem:v4+s1+$0x0], $0xffff;
	v3 =	vor.u32 v2, v3  }
0x32d: {  	v11 =	vmov s16;
	v13 =	vmov s17;
	v14 =	vmov s25;
	s16 =	simm.s32 $0xC;
	s17 =	simm.s32 $0x1C;
	[tilespmem:s14+$0x60] =	vst v8  }
0x32e: {  	s15 =	simm.s32 $0x10;
	v11 =	vshrl.u32 v11, $0x3;
	v15 =	vmov s16;
	v16 =	vmov s17;
	[tilespmem:s14+$0xFFFFFFA0] =	vst v5;
	v5 =	vld.idx.msk [tilespmem:v12+s1+$0x0], $0xffff  }
0x32f: {  	s17 =	simm.s32 $0x64;
	v8 =	vmov s15;
	v15 =	vshrl.u32 v15, $0x3;
	v16 =	vshrl.u32 v16, $0x3;
	v10 =	vld.idx.msk [tilespmem:v10+s1+$0x0], $0xffff;
	[tilespmem:s14+$0xFFFFFFE0] =	vst v7  }
0x330: {  	v54 =	vmov s17;
	v8 =	vshrl.u32 v8, $0x3;
	v15 =	vshll.u32 v15, v1;
	v9 =	vld.idx.msk [tilespmem:v9+s1+$0x0], $0xffff;
	[tilespmem:s14+$0x20] =	vst v6  }
0x331: {  	s24 =	simm.s32 $0x28;
	v16 =	vshll.u32 v16, v1;
	v12 =	vshrl.u32 v13, $0x3;
	v7 =	vshll.u32 v11, v1;
	v3 =	vld.idx.msk [tilespmem:v3+s1+$0x0], $0xffff  }
0x332: {  	v8 =	vshll.u32 v8, v1;
	[tilespmem:s13+$0x30] =	vst v4;
	v13 =	vmov s24;
	v15 =	vbroadcast v15, $0x0  }
0x333: {  	s25 =	simm.s32 $0x38;
	v11 =	vshll.u32 v12, v1;
	v12 =	vshrl.u32 v14, $0x3;
	v6 =	vbroadcast v7, $0x0;
	[tilespmem:s14+$0x70] =	vst v5  }
0x334: {  	s24 =	simm.s32 $0x44;
	v8 =	vbroadcast v8, $0x0;
	v14 =	vmov s25;
	v13 =	vshrl.u32 v13, $0x3;
	[tilespmem:s14+$0xFFFFFFB0] =	vst v10  }
0x335: {  	s20 =	simm.s32 $0x24;
	v52 =	vmov s24;
	v7 =	vbroadcast v11, $0x0;
	v11 =	vshll.u32 v12, v1;
	[tilespmem:s14+$0xFFFFFFF0] =	vst v9  }
0x336: {  	s19 =	simm.s32 $0x14;
	s25 =	simm.s32 $0x54;
	v12 =	vmov s20;
	v14 =	vshrl.u32 v14, $0x3;
	v13 =	vshll.u32 v13, v1;
	[tilespmem:s14+$0x30] =	vst v3  }
0x337: {  	v15 =	vor.u32 v2, v15;
	v53 =	vmov s25;
	v4 =	vbroadcast v11, $0x0;
	[hbm4b:s26+s1] =	stream.linear.scatter [tilespmem:s7], [sflag:$0x3], $0xC000, $0x38;
	[tilespmem:$0x1E000] =	vst v63  }
0x338: {  	s18 =	simm.s32 $0x4;
	s20 =	simm.s32 $0x50;
	v6 =	vor.u32 v0, v6;
	v11 =	vmov s19;
	v8 =	vor.u32 v0, v8;
	_ =	swait.ge [sflag:s8], $0x3000  }
0x339: {  	s21 =	simm.s32 $0x34;
	v14 =	vshll.u32 v14, v1;
	s19 =	simm.s32 $0x2C;
	v13 =	vbroadcast v13, $0x0;
	v48 =	vmov s20;
	[sflag:s8] =	ssyncset.done $0x0  }
0x33a: {  	s20 =	simm.s32 $0x68;
	v7 =	vor.u32 v0, v7;
	v14 =	vbroadcast v14, $0x0;
	v17 =	vmov s19;
	s15 =	rddreg [dreg:$0xd];
	[sflag:s8] =	ssyncadd.s32 $0xFFFFD000  }
0x33b: {  	v57 =	vmov s20;
	v5 =	vmov s18;
	v10 =	vmov s21;
	[tilespmem:s1], [sflag:$0x1] =	stream.linear.gather [hbm4b:s15+s1], $0x3000, $0x38;
	[tilespmem:$0x1E000] =	vst v63  }
0x33c: {  	v4 =	vor.u32 v0, v4;
	v17 =	vshrl.u32 v17, $0x3;
	v9 =	vshrl.u32 v10, $0x3;
	_ =	swait.ge [sflag:s11], $0xC000  }
0x33d: {  	s23 =	simm.s32 $0x18;
	v5 =	vshrl.u32 v5, $0x3;
	v10 =	vshrl.u32 v11, $0x3;
	v3 =	vshll.u32 v9, v1;
	[sflag:s11] =	ssyncset.done $0x0  }
0x33e: {  	s18 =	simm.s32 $0x3C;
	s21 =	simm.s32 $0x70;
	v11 =	vshrl.u32 v12, $0x3;
	v12 =	vmov s23;
	v3 =	vbroadcast v3, $0x0;
	[sflag:s11] =	ssyncadd.s32 $0xFFFF4000  }
0x33f: {  	v14 =	vor.u32 v0, v14;
	v18 =	vmov s18;
	v49 =	vmov s21;
	v6 =	vld.idx.msk [tilespmem:v6+s6+$0x0], $0xffff  }
0x340: {  	s22 =	simm.s32 $0x8;
	v5 =	vshll.u32 v5, v1;
	v9 =	vshll.u32 v10, v1;
	v3 =	vor.u32 v2, v3  }
0x341: {  	s23 =	simm.s32 $0x60;
	v10 =	vshll.u32 v11, v1;
	v11 =	vmov s22;
	v12 =	vshrl.u32 v12, $0x3  }
0x342: {  	s18 =	simm.s32 $0x48;
	s21 =	simm.s32 $0x78;
	v18 =	vshrl.u32 v18, $0x3;
	v20 =	vmov s23;
	v5 =	vbroadcast v5, $0x0  }
0x343: {  	s13 =	simm.s32 $0x12080;
	v56 =	vmov s18;
	v58 =	vmov s21;
	v9 =	vbroadcast v9, $0x0;
	v7 =	vld.idx.msk [tilespmem:v7+s6+$0x0], $0xffff  }
0x344: {  	v10 =	vbroadcast v10, $0x0;
	v11 =	vshrl.u32 v11, $0x3;
	v5 =	vor.u32 v2, v5;
	v8 =	vld.idx.msk [tilespmem:v8+s6+$0x0], $0xffff;
	[tilespmem:s13+$0x40] =	vst v6  }
0x345: {  	v12 =	vshll.u32 v12, v1;
	v18 =	vshll.u32 v18, v1;
	v9 =	vor.u32 v2, v9;
	v3 =	vld.idx.msk [tilespmem:v3+s6+$0x0], $0xffff  }
0x346: {  	v11 =	vshll.u32 v11, v1;
	v12 =	vbroadcast v12, $0x0;
	v18 =	vbroadcast v18, $0x0;
	v19 =	vld.idx.msk [tilespmem:v4+s6+$0x0], $0xffff  }
0x347: {  	v51 =	vshrl.u32 v20, $0x3;
	v10 =	vor.u32 v2, v10;
	v11 =	vbroadcast v11, $0x0  }
0x348: {  	s22 =	simm.s32 $0x40;
	v59 =	vshrl.u32 v58, $0x3;
	v12 =	vor.u32 v0, v12;
	v47 =	vor.u32 v2, v18;
	[tilespmem:s13+$0xFFFFFF80] =	vst v7  }
0x349: {  	v18 =	vshrl.u32 v49, $0x3;
	v11 =	vor.u32 v0, v11;
	v7 =	vmov s22;
	[tilespmem:s13+$0xFFFFFFC0] =	vst v8;
	v5 =	vld.idx.msk [tilespmem:v5+s6+$0x0], $0xffff  }
0x34a: {  	v50 =	vshll.u32 v18, v1;
	v4 =	vshll.u32 v17, v1;
	v7 =	vshrl.u32 v7, $0x3;
	v9 =	vld.idx.msk [tilespmem:v9+s6+$0x0], $0xffff;
	[tilespmem:s13+$0x50] =	vst v3  }
0x34b: {  	v17 =	vbroadcast v50, $0x0;
	v8 =	vshrl.u32 v48, $0x3;
	[tilespmem:s13+$0x0] =	vst v19;
	v7 =	vshll.u32 v7, v1;
	v14 =	vld.idx.msk [tilespmem:v14+s6+$0x0], $0xffff  }
0x34c: {  	v10 =	vld.idx.msk [tilespmem:v10+s6+$0x0], $0xffff;
	v3 =	vbroadcast v7, $0x0;
	v7 =	vshll.u32 v8, v1;
	v8 =	vshll.u32 v51, v1  }
0x34d: {  	v6 =	vor.u32 v0, v13;
	v7 =	vbroadcast v7, $0x0;
	v8 =	vbroadcast v8, $0x0  }
0x34e: {  	s16 =	simm.s32 $0x74;
	v18 =	vshrl.u32 v54, $0x3;
	v17 =	vor.u32 v0, v17;
	[tilespmem:s13+$0xFFFFFF90] =	vst v5;
	v3 =	vor.u32 v0, v3  }
0x34f: {  	[tilespmem:s13+$0xFFFFFFD0] =	vst v9;
	v11 =	vld.idx.msk [tilespmem:v11+s6+$0x0], $0xffff;
	v5 =	vor.u32 v0, v7;
	v7 =	vor.u32 v0, v8;
	v8 =	vmov s16  }
0x350: {  	v60 =	vshll.u32 v59, v1;
	v55 =	vshll.u32 v18, v1;
	v12 =	vld.idx.msk [tilespmem:v12+s6+$0x0], $0xffff;
	v8 =	vshrl.u32 v8, $0x3;
	[tilespmem:s13+$0x60] =	vst v14  }
0x351: {  	v13 =	vbroadcast v16, $0x0;
	v9 =	vshrl.u32 v52, $0x3;
	[tilespmem:s13+$0x10] =	vst v10;
	v8 =	vshll.u32 v8, v1;
	v14 =	vld.idx.msk [tilespmem:v47+s6+$0x0], $0xffff  }
0x352: {  	v10 =	vshrl.u32 v53, $0x3;
	v6 =	vld.idx.msk [tilespmem:v6+s6+$0x0], $0xffff;
	v9 =	vshll.u32 v9, v1;
	v8 =	vbroadcast v8, $0x0  }
0x353: {  	v13 =	vor.u32 v2, v13;
	v17 =	vld.idx.msk [tilespmem:v17+s6+$0x0], $0xffff;
	v10 =	vshll.u32 v10, v1;
	v9 =	vbroadcast v9, $0x0  }
0x354: {  	s19 =	simm.s32 $0x58;
	v16 =	vbroadcast v55, $0x0;
	v10 =	vbroadcast v10, $0x0;
	[tilespmem:s13+$0xFFFFFFA0] =	vst v11;
	v3 =	vld.idx.msk [tilespmem:v3+s6+$0x0], $0xffff;
	v8 =	vor.u32 v2, v8  }
0x355: {  	v4 =	vbroadcast v4, $0x0;
	v9 =	vor.u32 v2, v9;
	v11 =	vmov s19;
	[tilespmem:s13+$0xFFFFFFE0] =	vst v12;
	v5 =	vld.idx.msk [tilespmem:v5+s6+$0x0], $0xffff  }
0x356: {  	v10 =	vor.u32 v2, v10;
	v12 =	vor.u32 v2, v16;
	v11 =	vshrl.u32 v11, $0x3;
	[tilespmem:s13+$0x70] =	vst v14;
	v14 =	vld.idx.msk [tilespmem:v7+s6+$0x0], $0xffff  }
0x357: {  	s14 =	simm.s32 $0x12180;
	[tilespmem:s13+$0x20] =	vst v6;
	v16 =	vbroadcast v60, $0x0;
	v6 =	vld.idx.msk [tilespmem:v15+s6+$0x0], $0xffff;
	v15 =	vshrl.u32 v56, $0x3;
	v11 =	vshll.u32 v11, v1  }
0x358: {  	s22 =	simm.s32 $0x4C;
	[tilespmem:s14+$0x40] =	vst v17;
	v13 =	vld.idx.msk [tilespmem:v13+s6+$0x0], $0xffff;
	v11 =	vbroadcast v11, $0x0;
	v7 =	vshll.u32 v15, v1;
	v15 =	vshrl.u32 v57, $0x3  }
0x359: {  	s23 =	simm.s32 $0x5C;
	[tilespmem:s14+$0xFFFFFF80] =	vst v3;
	v15 =	vshll.u32 v15, v1;
	v3 =	vld.idx.msk [tilespmem:v8+s6+$0x0], $0xffff;
	v7 =	vbroadcast v7, $0x0;
	v8 =	vmov s22  }
0x35a: {  	s24 =	simm.s32 $0x6C;
	v61 =	vld.idx.msk [tilespmem:v9+s6+$0x0], $0xffff;
	[tilespmem:s14+$0xFFFFFFC0] =	vst v5;
	v5 =	vmov s23;
	v9 =	vbroadcast v15, $0x0;
	v15 =	vor.u32 v0, v16  }
0x35b: {  	s25 =	simm.s32 $0x7C;
	v62 =	vld.idx.msk [tilespmem:v10+s6+$0x0], $0xffff;
	v10 =	vmov s24;
	v8 =	vshrl.u32 v8, $0x3;
	v63 =	vor.u32 v0, v7;
	[tilespmem:s14+$0x0] =	vst v14  }
0x35c: {  	[tilespmem:s13+$0xFFFFFFB0] =	vst v6;
	v7 =	vor.u32 v0, v11;
	v11 =	vmov s25;
	v6 =	vor.u32 v0, v9;
	v9 =	vld.idx.msk [tilespmem:v12+s6+$0x0], $0xffff  }
0x35d: {  	[tilespmem:s13+$0xFFFFFFF0] =	vst v13;
	v5 =	vshrl.u32 v5, $0x3;
	v12 =	vshrl.u32 v10, $0x3;
	v10 =	vshrl.u32 v11, $0x3  }
0x35e: {  	v8 =	vshll.u32 v8, v1;
	v11 =	vshll.u32 v5, v1;
	[tilespmem:s14+$0x50] =	vst v3;
	v3 =	vshll.u32 v10, v1  }
0x35f: {  	[tilespmem:s14+$0xFFFFFF90] =	vst v61;
	v10 =	vbroadcast v8, $0x0;
	v13 =	vshll.u32 v12, v1;
	v8 =	vld.idx.msk [tilespmem:v15+s6+$0x0], $0xffff;
	v12 =	vbroadcast v3, $0x0  }
0x360: {  	s15 =	simm.s32 $0x10;
	v4 =	vor.u32 v2, v4;
	s16 =	simm.s32 $0xBC;
	[tilespmem:s14+$0xFFFFFFD0] =	vst v62;
	v11 =	vbroadcast v11, $0x0;
	v5 =	vld.idx.msk [tilespmem:v63+s6+$0x0], $0xffff;
	v3 =	vbroadcast v13, $0x0  }
.LBB2_20:
0x361: {  	s17 =	sadd.s32 $0xFFFFFFD4, s16;
	s18 =	sadd.s32 $0xFFFFFFF4, s16;
	s15 =	sadd.s32 $0x10, s15;
	v10 =	vor.u32 v2, v10;
	v7 =	vld.idx.msk [tilespmem:v7+s6+$0x0], $0xffff;
	[tilespmem:s14+$0x10] =	vst v9;
	v9 =	vor.u32 v2, v12  }
0x362: {  	s19 =	sadd.s32 $0xFFFFFFC4, s16;
	v12 =	vmov s17;
	s17 =	sadd.s32 $0xFFFFFFE4, s16;
	v13 =	vmov s18;
	p0 =	slt.u32 s15, $0xBF0;
	v11 =	vor.u32 v2, v11;
	v6 =	vld.idx.msk [tilespmem:v6+s6+$0x0], $0xffff  }
0x363: {  	s22 =	sadd.s32 $0xFFFFFFC8, s16;
	s23 =	sadd.s32 $0xFFFFFFD8, s16;
	s24 =	sadd.s32 $0xFFFFFFE8, s16;
	v14 =	vmov s19;
	v15 =	vmov s17;
	v13 =	vshrl.u32 v13, $0x3  }
0x364: {  	s25 =	sadd.s32 $0xFFFFFFCC, s16;
	s21 =	sadd.s32 $0xFFFFFFDC, s16;
	s20 =	sadd.s32 $0xFFFFFFEC, s16;
	v14 =	vshrl.u32 v14, $0x3;
	v12 =	vshrl.u32 v12, $0x3;
	v13 =	vshll.u32 v13, v1  }
0x365: {  	s19 =	sadd.s32 $0xFFFFFFD0, s16;
	s18 =	sadd.s32 $0xFFFFFFE0, s16;
	s17 =	sadd.s32 $0xFFFFFFF0, s16;
	v14 =	vshll.u32 v14, v1;
	v15 =	vshrl.u32 v15, $0x3;
	v13 =	vbroadcast v13, $0x0;
	[tilespmem:s14+$0x60] =	vst v8;
	v4 =	vld.idx.msk [tilespmem:v4+s6+$0x0], $0xffff  }
0x366: {  	v12 =	vshll.u32 v12, v1;
	v8 =	vbroadcast v14, $0x0;
	v14 =	vshll.u32 v15, v1;
	[tilespmem:s14+$0xFFFFFFA0] =	vst v5;
	v5 =	vld.idx.msk [tilespmem:v9+s6+$0x0], $0xffff  }
0x367: {  	v9 =	vbroadcast v12, $0x0;
	v12 =	vbroadcast v14, $0x0;
	v13 =	vor.u32 v0, v13;
	v10 =	vld.idx.msk [tilespmem:v10+s6+$0x0], $0xffff;
	[tilespmem:s14+$0xFFFFFFE0] =	vst v7  }
0x368: {  	v14 =	vmov s23;
	v7 =	vor.u32 v0, v8;
	v8 =	vmov s22;
	s22 =	sadd.s32 $0xFFFFFFF8, s16;
	v11 =	vld.idx.msk [tilespmem:v11+s6+$0x0], $0xffff;
	[tilespmem:s14+$0x20] =	vst v6  }
0x369: {  	v6 =	vor.u32 v0, v9;
	v9 =	vor.u32 v0, v12;
	v12 =	vmov s22  }
0x36a: {  	v15 =	vmov s24;
	v8 =	vshrl.u32 v8, $0x3;
	v12 =	vshrl.u32 v12, $0x3  }
0x36b: {  	v15 =	vshrl.u32 v15, $0x3;
	v14 =	vshrl.u32 v14, $0x3;
	v12 =	vshll.u32 v12, v1;
	[tilespmem:s13+$0x30] =	vst v4;
	s13 =	smov.u32 s14  }
0x36c: {  	v4 =	vshll.u32 v8, v1;
	v8 =	vshll.u32 v14, v1;
	v12 =	vbroadcast v12, $0x0;
	v13 =	vld.idx.msk [tilespmem:v13+s6+$0x0], $0xffff;
	[tilespmem:s14+$0x70] =	vst v5  }
0x36d: {  	v4 =	vbroadcast v4, $0x0;
	v5 =	vld.idx.msk [tilespmem:v7+s6+$0x0], $0xffff;
	v7 =	vbroadcast v8, $0x0;
	v8 =	vshll.u32 v15, v1;
	[tilespmem:s14+$0xFFFFFFB0] =	vst v10  }
0x36e: {  	v10 =	vmov s25;
	v12 =	vor.u32 v2, v12;
	v6 =	vld.idx.msk [tilespmem:v6+s6+$0x0], $0xffff;
	v8 =	vbroadcast v8, $0x0;
	[tilespmem:s14+$0xFFFFFFF0] =	vst v11  }
0x36f: {  	v4 =	vor.u32 v2, v4;
	v11 =	vmov s21;
	s21 =	sadd.s32 $0xFFFFFFFC, s16;
	v7 =	vor.u32 v2, v7;
	v9 =	vld.idx.msk [tilespmem:v9+s6+$0x0], $0xffff  }
0x370: {  	v14 =	vmov s20;
	v15 =	vmov s21;
	v8 =	vor.u32 v2, v8  }
0x371: {  	v10 =	vshrl.u32 v10, $0x3;
	s14 =	sadd.s32 $0x100, s14;
	v11 =	vshrl.u32 v11, $0x3;
	v15 =	vshrl.u32 v15, $0x3  }
0x372: {  	v14 =	vshrl.u32 v14, $0x3;
	v10 =	vshll.u32 v10, v1;
	[tilespmem:s14+$0x40] =	vst v13;
	v13 =	vshll.u32 v15, v1  }
0x373: {  	[tilespmem:s14+$0xFFFFFF80] =	vst v5;
	v5 =	vshll.u32 v11, v1;
	v11 =	vshll.u32 v14, v1;
	v12 =	vld.idx.msk [tilespmem:v12+s6+$0x0], $0xffff;
	v13 =	vbroadcast v13, $0x0  }
0x374: {  	v10 =	vbroadcast v10, $0x0;
	v14 =	vmov s19;
	v4 =	vld.idx.msk [tilespmem:v4+s6+$0x0], $0xffff;
	[tilespmem:s14+$0xFFFFFFC0] =	vst v6;
	v5 =	vbroadcast v5, $0x0  }
0x375: {  	v16 =	vmov s18;
	v6 =	vbroadcast v11, $0x0;
	v15 =	vld.idx.msk [tilespmem:v7+s6+$0x0], $0xffff;
	[tilespmem:s14+$0x0] =	vst v9;
	v11 =	vor.u32 v0, v13  }
0x376: {  	v13 =	vor.u32 v0, v10;
	v7 =	vor.u32 v0, v5;
	v9 =	vld.idx.msk [tilespmem:v8+s6+$0x0], $0xffff;
	v5 =	vmov s17  }
.Ltmp9:
0x377: {  	v10 =	vmov s16;
	v8 =	vshrl.u32 v14, $0x3;
	v6 =	vor.u32 v0, v6;
	(pc) =	sbr.rel @p0 .LBB2_20-.Ltmp9, $4  }
0x378: {  	v14 =	vshrl.u32 v16, $0x3;
	v10 =	vshrl.u32 v10, $0x3;
	v5 =	vshrl.u32 v5, $0x3  }
0x379: {  	v8 =	vshll.u32 v8, v1;
	v14 =	vshll.u32 v14, v1;
	[tilespmem:s14+$0x50] =	vst v12;
	v12 =	vshll.u32 v10, v1  }
0x37a: {  	v16 =	vshll.u32 v5, v1;
	v10 =	vbroadcast v8, $0x0;
	[tilespmem:s14+$0xFFFFFF90] =	vst v4;
	v8 =	vld.idx.msk [tilespmem:v11+s6+$0x0], $0xffff;
	v12 =	vbroadcast v12, $0x0  }
0x37b: {  	s16 =	sadd.s32 $0x40, s16;
	v11 =	vbroadcast v14, $0x0;
	v4 =	vor.u32 v2, v3;
	v3 =	vbroadcast v16, $0x0;
	v5 =	vld.idx.msk [tilespmem:v13+s6+$0x0], $0xffff;
	[tilespmem:s14+$0xFFFFFFD0] =	vst v15  }
0x37c: {  	_ =	sdelay $0x2  }
0x37d: {  	v12 =	vor.u32 v2, v12  }
0x37e: {  	v10 =	vor.u32 v2, v10;
	v7 =	vld.idx.msk [tilespmem:v7+s6+$0x0], $0xffff;
	[tilespmem:s14+$0x10] =	vst v9  }
0x37f: {  	v9 =	vor.u32 v2, v11;
	v6 =	vld.idx.msk [tilespmem:v6+s6+$0x0], $0xffff  }
0x380: {  	s16 =	simm.s32 $0x30;
	s17 =	simm.s32 $0x0;
	s25 =	simm.s32 $0x20;
	v4 =	vld.idx.msk [tilespmem:v4+s6+$0x0], $0xffff;
	v3 =	vor.u32 v2, v3  }
0x381: {  	v11 =	vmov s16;
	v13 =	vmov s17;
	v14 =	vmov s25;
	s16 =	simm.s32 $0xC;
	s17 =	simm.s32 $0x1C;
	[tilespmem:s14+$0x60] =	vst v8  }
0x382: {  	s15 =	simm.s32 $0x10;
	v11 =	vshrl.u32 v11, $0x3;
	v15 =	vmov s16;
	v16 =	vmov s17;
	[tilespmem:s14+$0xFFFFFFA0] =	vst v5;
	v5 =	vld.idx.msk [tilespmem:v12+s6+$0x0], $0xffff  }
0x383: {  	s17 =	simm.s32 $0x64;
	v8 =	vmov s15;
	v15 =	vshrl.u32 v15, $0x3;
	v16 =	vshrl.u32 v16, $0x3;
	v10 =	vld.idx.msk [tilespmem:v10+s6+$0x0], $0xffff;
	[tilespmem:s14+$0xFFFFFFE0] =	vst v7  }
0x384: {  	v54 =	vmov s17;
	v8 =	vshrl.u32 v8, $0x3;
	v15 =	vshll.u32 v15, v1;
	v9 =	vld.idx.msk [tilespmem:v9+s6+$0x0], $0xffff;
	[tilespmem:s14+$0x20] =	vst v6  }
0x385: {  	s24 =	simm.s32 $0x28;
	v16 =	vshll.u32 v16, v1;
	v12 =	vshrl.u32 v13, $0x3;
	v7 =	vshll.u32 v11, v1;
	v3 =	vld.idx.msk [tilespmem:v3+s6+$0x0], $0xffff  }
0x386: {  	v8 =	vshll.u32 v8, v1;
	[tilespmem:s13+$0x30] =	vst v4;
	v13 =	vmov s24;
	v15 =	vbroadcast v15, $0x0  }
0x387: {  	s25 =	simm.s32 $0x38;
	v11 =	vshll.u32 v12, v1;
	v12 =	vshrl.u32 v14, $0x3;
	v6 =	vbroadcast v7, $0x0;
	[tilespmem:s14+$0x70] =	vst v5  }
0x388: {  	s24 =	simm.s32 $0x44;
	v8 =	vbroadcast v8, $0x0;
	v14 =	vmov s25;
	v13 =	vshrl.u32 v13, $0x3;
	[tilespmem:s14+$0xFFFFFFB0] =	vst v10  }
0x389: {  	s20 =	simm.s32 $0x24;
	v52 =	vmov s24;
	v7 =	vbroadcast v11, $0x0;
	v11 =	vshll.u32 v12, v1;
	[tilespmem:s14+$0xFFFFFFF0] =	vst v9  }
0x38a: {  	s19 =	simm.s32 $0x14;
	s25 =	simm.s32 $0x54;
	v12 =	vmov s20;
	v14 =	vshrl.u32 v14, $0x3;
	v13 =	vshll.u32 v13, v1;
	[tilespmem:s14+$0x30] =	vst v3  }
0x38b: {  	v15 =	vor.u32 v2, v15;
	v53 =	vmov s25;
	v4 =	vbroadcast v11, $0x0;
	[hbm4b:s28+s1] =	stream.linear.scatter [tilespmem:s9], [sflag:$0x4], $0xC000, $0x38;
	[tilespmem:$0x1E000] =	vst v63  }
0x38c: {  	s18 =	simm.s32 $0x4;
	s20 =	simm.s32 $0x50;
	v6 =	vor.u32 v0, v6;
	v11 =	vmov s19;
	v8 =	vor.u32 v0, v8;
	_ =	swait.ge [sflag:s5], $0x3000  }
0x38d: {  	s21 =	simm.s32 $0x34;
	v14 =	vshll.u32 v14, v1;
	s19 =	simm.s32 $0x2C;
	v13 =	vbroadcast v13, $0x0;
	v48 =	vmov s20;
	[sflag:s5] =	ssyncset.done $0x0  }
0x38e: {  	s20 =	simm.s32 $0x68;
	v7 =	vor.u32 v0, v7;
	v14 =	vbroadcast v14, $0x0;
	v17 =	vmov s19;
	s15 =	rddreg [dreg:$0xe];
	[sflag:s5] =	ssyncadd.s32 $0xFFFFD000  }
0x38f: {  	v57 =	vmov s20;
	v5 =	vmov s18;
	v10 =	vmov s21;
	[tilespmem:s6], [sflag:$0x2] =	stream.linear.gather [hbm4b:s15+s1], $0x3000, $0x38;
	[tilespmem:$0x1E000] =	vst v63  }
0x390: {  	v4 =	vor.u32 v0, v4;
	v17 =	vshrl.u32 v17, $0x3;
	v9 =	vshrl.u32 v10, $0x3;
	_ =	swait.ge [sflag:s10], $0xC000  }
0x391: {  	s23 =	simm.s32 $0x18;
	v5 =	vshrl.u32 v5, $0x3;
	v10 =	vshrl.u32 v11, $0x3;
	v3 =	vshll.u32 v9, v1;
	[sflag:s10] =	ssyncset.done $0x0  }
0x392: {  	s18 =	simm.s32 $0x3C;
	s21 =	simm.s32 $0x70;
	v11 =	vshrl.u32 v12, $0x3;
	v12 =	vmov s23;
	v3 =	vbroadcast v3, $0x0;
	[sflag:s10] =	ssyncadd.s32 $0xFFFF4000  }
0x393: {  	v14 =	vor.u32 v0, v14;
	v18 =	vmov s18;
	v49 =	vmov s21;
	v6 =	vld.idx.msk [tilespmem:v6+s1+$0x0], $0xffff  }
0x394: {  	s22 =	simm.s32 $0x8;
	v5 =	vshll.u32 v5, v1;
	v9 =	vshll.u32 v10, v1;
	v3 =	vor.u32 v2, v3  }
0x395: {  	s23 =	simm.s32 $0x60;
	v10 =	vshll.u32 v11, v1;
	v11 =	vmov s22;
	v12 =	vshrl.u32 v12, $0x3  }
0x396: {  	s18 =	simm.s32 $0x48;
	s21 =	simm.s32 $0x78;
	v18 =	vshrl.u32 v18, $0x3;
	v20 =	vmov s23;
	v5 =	vbroadcast v5, $0x0  }
0x397: {  	s13 =	simm.s32 $0x6080;
	v56 =	vmov s18;
	v58 =	vmov s21;
	v9 =	vbroadcast v9, $0x0;
	v7 =	vld.idx.msk [tilespmem:v7+s1+$0x0], $0xffff  }
0x398: {  	v10 =	vbroadcast v10, $0x0;
	v11 =	vshrl.u32 v11, $0x3;
	v5 =	vor.u32 v2, v5;
	v8 =	vld.idx.msk [tilespmem:v8+s1+$0x0], $0xffff;
	[tilespmem:s13+$0x40] =	vst v6  }
0x399: {  	v12 =	vshll.u32 v12, v1;
	v18 =	vshll.u32 v18, v1;
	v9 =	vor.u32 v2, v9;
	v3 =	vld.idx.msk [tilespmem:v3+s1+$0x0], $0xffff  }
0x39a: {  	v11 =	vshll.u32 v11, v1;
	v12 =	vbroadcast v12, $0x0;
	v18 =	vbroadcast v18, $0x0;
	v19 =	vld.idx.msk [tilespmem:v4+s1+$0x0], $0xffff  }
0x39b: {  	v51 =	vshrl.u32 v20, $0x3;
	v10 =	vor.u32 v2, v10;
	v11 =	vbroadcast v11, $0x0  }
0x39c: {  	s22 =	simm.s32 $0x40;
	v59 =	vshrl.u32 v58, $0x3;
	v12 =	vor.u32 v0, v12;
	v47 =	vor.u32 v2, v18;
	[tilespmem:s13+$0xFFFFFF80] =	vst v7  }
0x39d: {  	v18 =	vshrl.u32 v49, $0x3;
	v11 =	vor.u32 v0, v11;
	v7 =	vmov s22;
	[tilespmem:s13+$0xFFFFFFC0] =	vst v8;
	v5 =	vld.idx.msk [tilespmem:v5+s1+$0x0], $0xffff  }
0x39e: {  	v50 =	vshll.u32 v18, v1;
	v4 =	vshll.u32 v17, v1;
	v7 =	vshrl.u32 v7, $0x3;
	v9 =	vld.idx.msk [tilespmem:v9+s1+$0x0], $0xffff;
	[tilespmem:s13+$0x50] =	vst v3  }
0x39f: {  	v17 =	vbroadcast v50, $0x0;
	v8 =	vshrl.u32 v48, $0x3;
	[tilespmem:s13+$0x0] =	vst v19;
	v7 =	vshll.u32 v7, v1;
	v14 =	vld.idx.msk [tilespmem:v14+s1+$0x0], $0xffff  }
0x3a0: {  	v10 =	vld.idx.msk [tilespmem:v10+s1+$0x0], $0xffff;
	v3 =	vbroadcast v7, $0x0;
	v7 =	vshll.u32 v8, v1;
	v8 =	vshll.u32 v51, v1  }
0x3a1: {  	v6 =	vor.u32 v0, v13;
	v7 =	vbroadcast v7, $0x0;
	v8 =	vbroadcast v8, $0x0  }
0x3a2: {  	s16 =	simm.s32 $0x74;
	v18 =	vshrl.u32 v54, $0x3;
	v17 =	vor.u32 v0, v17;
	[tilespmem:s13+$0xFFFFFF90] =	vst v5;
	v3 =	vor.u32 v0, v3  }
0x3a3: {  	[tilespmem:s13+$0xFFFFFFD0] =	vst v9;
	v11 =	vld.idx.msk [tilespmem:v11+s1+$0x0], $0xffff;
	v5 =	vor.u32 v0, v7;
	v7 =	vor.u32 v0, v8;
	v8 =	vmov s16  }
0x3a4: {  	v60 =	vshll.u32 v59, v1;
	v55 =	vshll.u32 v18, v1;
	v12 =	vld.idx.msk [tilespmem:v12+s1+$0x0], $0xffff;
	v8 =	vshrl.u32 v8, $0x3;
	[tilespmem:s13+$0x60] =	vst v14  }
0x3a5: {  	v13 =	vbroadcast v16, $0x0;
	v9 =	vshrl.u32 v52, $0x3;
	[tilespmem:s13+$0x10] =	vst v10;
	v8 =	vshll.u32 v8, v1;
	v14 =	vld.idx.msk [tilespmem:v47+s1+$0x0], $0xffff  }
0x3a6: {  	v10 =	vshrl.u32 v53, $0x3;
	v6 =	vld.idx.msk [tilespmem:v6+s1+$0x0], $0xffff;
	v9 =	vshll.u32 v9, v1;
	v8 =	vbroadcast v8, $0x0  }
0x3a7: {  	v13 =	vor.u32 v2, v13;
	v17 =	vld.idx.msk [tilespmem:v17+s1+$0x0], $0xffff;
	v10 =	vshll.u32 v10, v1;
	v9 =	vbroadcast v9, $0x0  }
0x3a8: {  	s19 =	simm.s32 $0x58;
	v16 =	vbroadcast v55, $0x0;
	v10 =	vbroadcast v10, $0x0;
	[tilespmem:s13+$0xFFFFFFA0] =	vst v11;
	v3 =	vld.idx.msk [tilespmem:v3+s1+$0x0], $0xffff;
	v8 =	vor.u32 v2, v8  }
0x3a9: {  	v4 =	vbroadcast v4, $0x0;
	v9 =	vor.u32 v2, v9;
	v11 =	vmov s19;
	[tilespmem:s13+$0xFFFFFFE0] =	vst v12;
	v5 =	vld.idx.msk [tilespmem:v5+s1+$0x0], $0xffff  }
0x3aa: {  	v10 =	vor.u32 v2, v10;
	v12 =	vor.u32 v2, v16;
	v11 =	vshrl.u32 v11, $0x3;
	[tilespmem:s13+$0x70] =	vst v14;
	v14 =	vld.idx.msk [tilespmem:v7+s1+$0x0], $0xffff  }
0x3ab: {  	s14 =	simm.s32 $0x6180;
	[tilespmem:s13+$0x20] =	vst v6;
	v16 =	vbroadcast v60, $0x0;
	v6 =	vld.idx.msk [tilespmem:v15+s1+$0x0], $0xffff;
	v15 =	vshrl.u32 v56, $0x3;
	v11 =	vshll.u32 v11, v1  }
0x3ac: {  	s22 =	simm.s32 $0x4C;
	[tilespmem:s14+$0x40] =	vst v17;
	v13 =	vld.idx.msk [tilespmem:v13+s1+$0x0], $0xffff;
	v11 =	vbroadcast v11, $0x0;
	v7 =	vshll.u32 v15, v1;
	v15 =	vshrl.u32 v57, $0x3  }
0x3ad: {  	s23 =	simm.s32 $0x5C;
	[tilespmem:s14+$0xFFFFFF80] =	vst v3;
	v15 =	vshll.u32 v15, v1;
	v3 =	vld.idx.msk [tilespmem:v8+s1+$0x0], $0xffff;
	v7 =	vbroadcast v7, $0x0;
	v8 =	vmov s22  }
0x3ae: {  	s24 =	simm.s32 $0x6C;
	v61 =	vld.idx.msk [tilespmem:v9+s1+$0x0], $0xffff;
	[tilespmem:s14+$0xFFFFFFC0] =	vst v5;
	v5 =	vmov s23;
	v9 =	vbroadcast v15, $0x0;
	v15 =	vor.u32 v0, v16  }
0x3af: {  	s25 =	simm.s32 $0x7C;
	v62 =	vld.idx.msk [tilespmem:v10+s1+$0x0], $0xffff;
	v10 =	vmov s24;
	v8 =	vshrl.u32 v8, $0x3;
	v63 =	vor.u32 v0, v7;
	[tilespmem:s14+$0x0] =	vst v14  }
0x3b0: {  	[tilespmem:s13+$0xFFFFFFB0] =	vst v6;
	v7 =	vor.u32 v0, v11;
	v11 =	vmov s25;
	v6 =	vor.u32 v0, v9;
	v9 =	vld.idx.msk [tilespmem:v12+s1+$0x0], $0xffff  }
0x3b1: {  	[tilespmem:s13+$0xFFFFFFF0] =	vst v13;
	v5 =	vshrl.u32 v5, $0x3;
	v12 =	vshrl.u32 v10, $0x3;
	v10 =	vshrl.u32 v11, $0x3  }
0x3b2: {  	v8 =	vshll.u32 v8, v1;
	v11 =	vshll.u32 v5, v1;
	[tilespmem:s14+$0x50] =	vst v3;
	v3 =	vshll.u32 v10, v1  }
0x3b3: {  	[tilespmem:s14+$0xFFFFFF90] =	vst v61;
	v10 =	vbroadcast v8, $0x0;
	v13 =	vshll.u32 v12, v1;
	v8 =	vld.idx.msk [tilespmem:v15+s1+$0x0], $0xffff;
	v12 =	vbroadcast v3, $0x0  }
0x3b4: {  	s15 =	simm.s32 $0x10;
	v4 =	vor.u32 v2, v4;
	s16 =	simm.s32 $0xBC;
	[tilespmem:s14+$0xFFFFFFD0] =	vst v62;
	v11 =	vbroadcast v11, $0x0;
	v5 =	vld.idx.msk [tilespmem:v63+s1+$0x0], $0xffff;
	v3 =	vbroadcast v13, $0x0  }
.LBB2_22:
0x3b5: {  	s17 =	sadd.s32 $0xFFFFFFD4, s16;
	s18 =	sadd.s32 $0xFFFFFFF4, s16;
	s15 =	sadd.s32 $0x10, s15;
	v10 =	vor.u32 v2, v10;
	v7 =	vld.idx.msk [tilespmem:v7+s1+$0x0], $0xffff;
	[tilespmem:s14+$0x10] =	vst v9;
	v9 =	vor.u32 v2, v12  }
0x3b6: {  	s19 =	sadd.s32 $0xFFFFFFC4, s16;
	v12 =	vmov s17;
	s17 =	sadd.s32 $0xFFFFFFE4, s16;
	v13 =	vmov s18;
	p0 =	slt.u32 s15, $0xBF0;
	v11 =	vor.u32 v2, v11;
	v6 =	vld.idx.msk [tilespmem:v6+s1+$0x0], $0xffff  }
0x3b7: {  	s22 =	sadd.s32 $0xFFFFFFC8, s16;
	s23 =	sadd.s32 $0xFFFFFFD8, s16;
	s24 =	sadd.s32 $0xFFFFFFE8, s16;
	v14 =	vmov s19;
	v15 =	vmov s17;
	v13 =	vshrl.u32 v13, $0x3  }
0x3b8: {  	s25 =	sadd.s32 $0xFFFFFFCC, s16;
	s21 =	sadd.s32 $0xFFFFFFDC, s16;
	s20 =	sadd.s32 $0xFFFFFFEC, s16;
	v14 =	vshrl.u32 v14, $0x3;
	v12 =	vshrl.u32 v12, $0x3;
	v13 =	vshll.u32 v13, v1  }
0x3b9: {  	s19 =	sadd.s32 $0xFFFFFFD0, s16;
	s18 =	sadd.s32 $0xFFFFFFE0, s16;
	s17 =	sadd.s32 $0xFFFFFFF0, s16;
	v14 =	vshll.u32 v14, v1;
	v15 =	vshrl.u32 v15, $0x3;
	v13 =	vbroadcast v13, $0x0;
	[tilespmem:s14+$0x60] =	vst v8;
	v4 =	vld.idx.msk [tilespmem:v4+s1+$0x0], $0xffff  }
0x3ba: {  	v12 =	vshll.u32 v12, v1;
	v8 =	vbroadcast v14, $0x0;
	v14 =	vshll.u32 v15, v1;
	[tilespmem:s14+$0xFFFFFFA0] =	vst v5;
	v5 =	vld.idx.msk [tilespmem:v9+s1+$0x0], $0xffff  }
0x3bb: {  	v9 =	vbroadcast v12, $0x0;
	v12 =	vbroadcast v14, $0x0;
	v13 =	vor.u32 v0, v13;
	v10 =	vld.idx.msk [tilespmem:v10+s1+$0x0], $0xffff;
	[tilespmem:s14+$0xFFFFFFE0] =	vst v7  }
0x3bc: {  	v14 =	vmov s23;
	v7 =	vor.u32 v0, v8;
	v8 =	vmov s22;
	s22 =	sadd.s32 $0xFFFFFFF8, s16;
	v11 =	vld.idx.msk [tilespmem:v11+s1+$0x0], $0xffff;
	[tilespmem:s14+$0x20] =	vst v6  }
0x3bd: {  	v6 =	vor.u32 v0, v9;
	v9 =	vor.u32 v0, v12;
	v12 =	vmov s22  }
0x3be: {  	v15 =	vmov s24;
	v8 =	vshrl.u32 v8, $0x3;
	v12 =	vshrl.u32 v12, $0x3  }
0x3bf: {  	v15 =	vshrl.u32 v15, $0x3;
	v14 =	vshrl.u32 v14, $0x3;
	v12 =	vshll.u32 v12, v1;
	[tilespmem:s13+$0x30] =	vst v4;
	s13 =	smov.u32 s14  }
0x3c0: {  	v4 =	vshll.u32 v8, v1;
	v8 =	vshll.u32 v14, v1;
	v12 =	vbroadcast v12, $0x0;
	v13 =	vld.idx.msk [tilespmem:v13+s1+$0x0], $0xffff;
	[tilespmem:s14+$0x70] =	vst v5  }
0x3c1: {  	v4 =	vbroadcast v4, $0x0;
	v5 =	vld.idx.msk [tilespmem:v7+s1+$0x0], $0xffff;
	v7 =	vbroadcast v8, $0x0;
	v8 =	vshll.u32 v15, v1;
	[tilespmem:s14+$0xFFFFFFB0] =	vst v10  }
0x3c2: {  	v10 =	vmov s25;
	v12 =	vor.u32 v2, v12;
	v6 =	vld.idx.msk [tilespmem:v6+s1+$0x0], $0xffff;
	v8 =	vbroadcast v8, $0x0;
	[tilespmem:s14+$0xFFFFFFF0] =	vst v11  }
0x3c3: {  	v4 =	vor.u32 v2, v4;
	v11 =	vmov s21;
	s21 =	sadd.s32 $0xFFFFFFFC, s16;
	v7 =	vor.u32 v2, v7;
	v9 =	vld.idx.msk [tilespmem:v9+s1+$0x0], $0xffff  }
0x3c4: {  	v14 =	vmov s20;
	v15 =	vmov s21;
	v8 =	vor.u32 v2, v8  }
0x3c5: {  	v10 =	vshrl.u32 v10, $0x3;
	s14 =	sadd.s32 $0x100, s14;
	v11 =	vshrl.u32 v11, $0x3;
	v15 =	vshrl.u32 v15, $0x3  }
0x3c6: {  	v14 =	vshrl.u32 v14, $0x3;
	v10 =	vshll.u32 v10, v1;
	[tilespmem:s14+$0x40] =	vst v13;
	v13 =	vshll.u32 v15, v1  }
0x3c7: {  	[tilespmem:s14+$0xFFFFFF80] =	vst v5;
	v5 =	vshll.u32 v11, v1;
	v11 =	vshll.u32 v14, v1;
	v12 =	vld.idx.msk [tilespmem:v12+s1+$0x0], $0xffff;
	v13 =	vbroadcast v13, $0x0  }
0x3c8: {  	v10 =	vbroadcast v10, $0x0;
	v14 =	vmov s19;
	v4 =	vld.idx.msk [tilespmem:v4+s1+$0x0], $0xffff;
	[tilespmem:s14+$0xFFFFFFC0] =	vst v6;
	v5 =	vbroadcast v5, $0x0  }
0x3c9: {  	v16 =	vmov s18;
	v6 =	vbroadcast v11, $0x0;
	v15 =	vld.idx.msk [tilespmem:v7+s1+$0x0], $0xffff;
	[tilespmem:s14+$0x0] =	vst v9;
	v11 =	vor.u32 v0, v13  }
0x3ca: {  	v13 =	vor.u32 v0, v10;
	v7 =	vor.u32 v0, v5;
	v9 =	vld.idx.msk [tilespmem:v8+s1+$0x0], $0xffff;
	v5 =	vmov s17  }
.Ltmp10:
0x3cb: {  	v10 =	vmov s16;
	v8 =	vshrl.u32 v14, $0x3;
	v6 =	vor.u32 v0, v6;
	(pc) =	sbr.rel @p0 .LBB2_22-.Ltmp10, $4  }
0x3cc: {  	v14 =	vshrl.u32 v16, $0x3;
	v10 =	vshrl.u32 v10, $0x3;
	v5 =	vshrl.u32 v5, $0x3  }
0x3cd: {  	v8 =	vshll.u32 v8, v1;
	v14 =	vshll.u32 v14, v1;
	[tilespmem:s14+$0x50] =	vst v12;
	v12 =	vshll.u32 v10, v1  }
0x3ce: {  	v16 =	vshll.u32 v5, v1;
	v10 =	vbroadcast v8, $0x0;
	[tilespmem:s14+$0xFFFFFF90] =	vst v4;
	v8 =	vld.idx.msk [tilespmem:v11+s1+$0x0], $0xffff;
	v12 =	vbroadcast v12, $0x0  }
0x3cf: {  	s16 =	sadd.s32 $0x40, s16;
	v11 =	vbroadcast v14, $0x0;
	v4 =	vor.u32 v2, v3;
	v3 =	vbroadcast v16, $0x0;
	v5 =	vld.idx.msk [tilespmem:v13+s1+$0x0], $0xffff;
	[tilespmem:s14+$0xFFFFFFD0] =	vst v15  }
0x3d0: {  	_ =	sdelay $0x2  }
0x3d1: {  	v12 =	vor.u32 v2, v12  }
0x3d2: {  	v10 =	vor.u32 v2, v10;
	v7 =	vld.idx.msk [tilespmem:v7+s1+$0x0], $0xffff;
	[tilespmem:s14+$0x10] =	vst v9  }
0x3d3: {  	v9 =	vor.u32 v2, v11;
	v6 =	vld.idx.msk [tilespmem:v6+s1+$0x0], $0xffff  }
0x3d4: {  	s16 =	simm.s32 $0x30;
	s17 =	simm.s32 $0x0;
	s25 =	simm.s32 $0x20;
	v4 =	vld.idx.msk [tilespmem:v4+s1+$0x0], $0xffff;
	v3 =	vor.u32 v2, v3  }
0x3d5: {  	v11 =	vmov s16;
	v13 =	vmov s17;
	v14 =	vmov s25;
	s16 =	simm.s32 $0xC;
	s17 =	simm.s32 $0x1C;
	[tilespmem:s14+$0x60] =	vst v8  }
0x3d6: {  	s15 =	simm.s32 $0x10;
	v11 =	vshrl.u32 v11, $0x3;
	v15 =	vmov s16;
	v16 =	vmov s17;
	[tilespmem:s14+$0xFFFFFFA0] =	vst v5;
	v5 =	vld.idx.msk [tilespmem:v12+s1+$0x0], $0xffff  }
0x3d7: {  	s17 =	simm.s32 $0x64;
	v8 =	vmov s15;
	v15 =	vshrl.u32 v15, $0x3;
	v16 =	vshrl.u32 v16, $0x3;
	v10 =	vld.idx.msk [tilespmem:v10+s1+$0x0], $0xffff;
	[tilespmem:s14+$0xFFFFFFE0] =	vst v7  }
0x3d8: {  	v54 =	vmov s17;
	v8 =	vshrl.u32 v8, $0x3;
	v15 =	vshll.u32 v15, v1;
	v9 =	vld.idx.msk [tilespmem:v9+s1+$0x0], $0xffff;
	[tilespmem:s14+$0x20] =	vst v6  }
0x3d9: {  	s24 =	simm.s32 $0x28;
	v16 =	vshll.u32 v16, v1;
	v12 =	vshrl.u32 v13, $0x3;
	v7 =	vshll.u32 v11, v1;
	v3 =	vld.idx.msk [tilespmem:v3+s1+$0x0], $0xffff  }
0x3da: {  	v8 =	vshll.u32 v8, v1;
	[tilespmem:s13+$0x30] =	vst v4;
	v13 =	vmov s24;
	v15 =	vbroadcast v15, $0x0  }
0x3db: {  	s25 =	simm.s32 $0x38;
	v11 =	vshll.u32 v12, v1;
	v12 =	vshrl.u32 v14, $0x3;
	v6 =	vbroadcast v7, $0x0;
	[tilespmem:s14+$0x70] =	vst v5  }
0x3dc: {  	s24 =	simm.s32 $0x44;
	v8 =	vbroadcast v8, $0x0;
	v14 =	vmov s25;
	v13 =	vshrl.u32 v13, $0x3;
	[tilespmem:s14+$0xFFFFFFB0] =	vst v10  }
0x3dd: {  	s20 =	simm.s32 $0x24;
	v52 =	vmov s24;
	v7 =	vbroadcast v11, $0x0;
	v11 =	vshll.u32 v12, v1;
	[tilespmem:s14+$0xFFFFFFF0] =	vst v9  }
0x3de: {  	s19 =	simm.s32 $0x14;
	s25 =	simm.s32 $0x54;
	v12 =	vmov s20;
	v14 =	vshrl.u32 v14, $0x3;
	v13 =	vshll.u32 v13, v1;
	[tilespmem:s14+$0x30] =	vst v3  }
0x3df: {  	v15 =	vor.u32 v2, v15;
	v53 =	vmov s25;
	v4 =	vbroadcast v11, $0x0;
	[hbm4b:s30+s1] =	stream.linear.scatter [tilespmem:s7], [sflag:$0x3], $0xC000, $0x38;
	[tilespmem:$0x1E000] =	vst v63  }
0x3e0: {  	s18 =	simm.s32 $0x4;
	s20 =	simm.s32 $0x50;
	v6 =	vor.u32 v0, v6;
	v11 =	vmov s19;
	v8 =	vor.u32 v0, v8;
	_ =	swait.ge [sflag:s8], $0x3000  }
0x3e1: {  	s21 =	simm.s32 $0x34;
	v14 =	vshll.u32 v14, v1;
	s19 =	simm.s32 $0x2C;
	v13 =	vbroadcast v13, $0x0;
	v48 =	vmov s20;
	[sflag:s8] =	ssyncset.done $0x0  }
0x3e2: {  	s20 =	simm.s32 $0x68;
	v7 =	vor.u32 v0, v7;
	v14 =	vbroadcast v14, $0x0;
	v17 =	vmov s19;
	s15 =	rddreg [dreg:$0xf];
	[sflag:s8] =	ssyncadd.s32 $0xFFFFD000  }
0x3e3: {  	v57 =	vmov s20;
	v5 =	vmov s18;
	v10 =	vmov s21;
	[tilespmem:s1], [sflag:$0x1] =	stream.linear.gather [hbm4b:s15+s1], $0x3000, $0x38;
	[tilespmem:$0x1E000] =	vst v63  }
0x3e4: {  	v4 =	vor.u32 v0, v4;
	v17 =	vshrl.u32 v17, $0x3;
	v9 =	vshrl.u32 v10, $0x3;
	_ =	swait.ge [sflag:s11], $0xC000  }
0x3e5: {  	s23 =	simm.s32 $0x18;
	v5 =	vshrl.u32 v5, $0x3;
	v10 =	vshrl.u32 v11, $0x3;
	v3 =	vshll.u32 v9, v1;
	[sflag:s11] =	ssyncset.done $0x0  }
0x3e6: {  	s18 =	simm.s32 $0x3C;
	s21 =	simm.s32 $0x70;
	v11 =	vshrl.u32 v12, $0x3;
	v12 =	vmov s23;
	v3 =	vbroadcast v3, $0x0;
	[sflag:s11] =	ssyncadd.s32 $0xFFFF4000  }
0x3e7: {  	v14 =	vor.u32 v0, v14;
	v18 =	vmov s18;
	v49 =	vmov s21;
	v6 =	vld.idx.msk [tilespmem:v6+s6+$0x0], $0xffff  }
0x3e8: {  	s22 =	simm.s32 $0x8;
	v5 =	vshll.u32 v5, v1;
	v9 =	vshll.u32 v10, v1;
	v3 =	vor.u32 v2, v3  }
0x3e9: {  	s23 =	simm.s32 $0x60;
	v10 =	vshll.u32 v11, v1;
	v11 =	vmov s22;
	v12 =	vshrl.u32 v12, $0x3  }
0x3ea: {  	s18 =	simm.s32 $0x48;
	s21 =	simm.s32 $0x78;
	v18 =	vshrl.u32 v18, $0x3;
	v20 =	vmov s23;
	v5 =	vbroadcast v5, $0x0  }
0x3eb: {  	s13 =	simm.s32 $0x12080;
	v56 =	vmov s18;
	v58 =	vmov s21;
	v9 =	vbroadcast v9, $0x0;
	v7 =	vld.idx.msk [tilespmem:v7+s6+$0x0], $0xffff  }
0x3ec: {  	v10 =	vbroadcast v10, $0x0;
	v11 =	vshrl.u32 v11, $0x3;
	v5 =	vor.u32 v2, v5;
	v8 =	vld.idx.msk [tilespmem:v8+s6+$0x0], $0xffff;
	[tilespmem:s13+$0x40] =	vst v6  }
0x3ed: {  	v12 =	vshll.u32 v12, v1;
	v18 =	vshll.u32 v18, v1;
	v9 =	vor.u32 v2, v9;
	v3 =	vld.idx.msk [tilespmem:v3+s6+$0x0], $0xffff  }
0x3ee: {  	v11 =	vshll.u32 v11, v1;
	v12 =	vbroadcast v12, $0x0;
	v18 =	vbroadcast v18, $0x0;
	v19 =	vld.idx.msk [tilespmem:v4+s6+$0x0], $0xffff  }
0x3ef: {  	v51 =	vshrl.u32 v20, $0x3;
	v10 =	vor.u32 v2, v10;
	v11 =	vbroadcast v11, $0x0  }
0x3f0: {  	s22 =	simm.s32 $0x40;
	v59 =	vshrl.u32 v58, $0x3;
	v12 =	vor.u32 v0, v12;
	v47 =	vor.u32 v2, v18;
	[tilespmem:s13+$0xFFFFFF80] =	vst v7  }
0x3f1: {  	v18 =	vshrl.u32 v49, $0x3;
	v11 =	vor.u32 v0, v11;
	v7 =	vmov s22;
	[tilespmem:s13+$0xFFFFFFC0] =	vst v8;
	v5 =	vld.idx.msk [tilespmem:v5+s6+$0x0], $0xffff  }
0x3f2: {  	v50 =	vshll.u32 v18, v1;
	v4 =	vshll.u32 v17, v1;
	v7 =	vshrl.u32 v7, $0x3;
	v9 =	vld.idx.msk [tilespmem:v9+s6+$0x0], $0xffff;
	[tilespmem:s13+$0x50] =	vst v3  }
0x3f3: {  	v17 =	vbroadcast v50, $0x0;
	v8 =	vshrl.u32 v48, $0x3;
	[tilespmem:s13+$0x0] =	vst v19;
	v7 =	vshll.u32 v7, v1;
	v14 =	vld.idx.msk [tilespmem:v14+s6+$0x0], $0xffff  }
0x3f4: {  	v10 =	vld.idx.msk [tilespmem:v10+s6+$0x0], $0xffff;
	v3 =	vbroadcast v7, $0x0;
	v7 =	vshll.u32 v8, v1;
	v8 =	vshll.u32 v51, v1  }
0x3f5: {  	v6 =	vor.u32 v0, v13;
	v7 =	vbroadcast v7, $0x0;
	v8 =	vbroadcast v8, $0x0  }
0x3f6: {  	s16 =	simm.s32 $0x74;
	v18 =	vshrl.u32 v54, $0x3;
	v17 =	vor.u32 v0, v17;
	[tilespmem:s13+$0xFFFFFF90] =	vst v5;
	v3 =	vor.u32 v0, v3  }
0x3f7: {  	[tilespmem:s13+$0xFFFFFFD0] =	vst v9;
	v11 =	vld.idx.msk [tilespmem:v11+s6+$0x0], $0xffff;
	v5 =	vor.u32 v0, v7;
	v7 =	vor.u32 v0, v8;
	v8 =	vmov s16  }
0x3f8: {  	v60 =	vshll.u32 v59, v1;
	v55 =	vshll.u32 v18, v1;
	v12 =	vld.idx.msk [tilespmem:v12+s6+$0x0], $0xffff;
	v8 =	vshrl.u32 v8, $0x3;
	[tilespmem:s13+$0x60] =	vst v14  }
0x3f9: {  	v13 =	vbroadcast v16, $0x0;
	v9 =	vshrl.u32 v52, $0x3;
	[tilespmem:s13+$0x10] =	vst v10;
	v8 =	vshll.u32 v8, v1;
	v14 =	vld.idx.msk [tilespmem:v47+s6+$0x0], $0xffff  }
0x3fa: {  	v10 =	vshrl.u32 v53, $0x3;
	v6 =	vld.idx.msk [tilespmem:v6+s6+$0x0], $0xffff;
	v9 =	vshll.u32 v9, v1;
	v8 =	vbroadcast v8, $0x0  }
0x3fb: {  	v13 =	vor.u32 v2, v13;
	v17 =	vld.idx.msk [tilespmem:v17+s6+$0x0], $0xffff;
	v10 =	vshll.u32 v10, v1;
	v9 =	vbroadcast v9, $0x0  }
0x3fc: {  	s19 =	simm.s32 $0x58;
	v16 =	vbroadcast v55, $0x0;
	v10 =	vbroadcast v10, $0x0;
	[tilespmem:s13+$0xFFFFFFA0] =	vst v11;
	v3 =	vld.idx.msk [tilespmem:v3+s6+$0x0], $0xffff;
	v8 =	vor.u32 v2, v8  }
0x3fd: {  	v4 =	vbroadcast v4, $0x0;
	v9 =	vor.u32 v2, v9;
	v11 =	vmov s19;
	[tilespmem:s13+$0xFFFFFFE0] =	vst v12;
	v5 =	vld.idx.msk [tilespmem:v5+s6+$0x0], $0xffff  }
0x3fe: {  	v10 =	vor.u32 v2, v10;
	v12 =	vor.u32 v2, v16;
	v11 =	vshrl.u32 v11, $0x3;
	[tilespmem:s13+$0x70] =	vst v14;
	v14 =	vld.idx.msk [tilespmem:v7+s6+$0x0], $0xffff  }
0x3ff: {  	s14 =	simm.s32 $0x12180;
	[tilespmem:s13+$0x20] =	vst v6;
	v16 =	vbroadcast v60, $0x0;
	v6 =	vld.idx.msk [tilespmem:v15+s6+$0x0], $0xffff;
	v15 =	vshrl.u32 v56, $0x3;
	v11 =	vshll.u32 v11, v1  }
0x400: {  	s22 =	simm.s32 $0x4C;
	[tilespmem:s14+$0x40] =	vst v17;
	v13 =	vld.idx.msk [tilespmem:v13+s6+$0x0], $0xffff;
	v11 =	vbroadcast v11, $0x0;
	v7 =	vshll.u32 v15, v1;
	v15 =	vshrl.u32 v57, $0x3  }
0x401: {  	s23 =	simm.s32 $0x5C;
	[tilespmem:s14+$0xFFFFFF80] =	vst v3;
	v15 =	vshll.u32 v15, v1;
	v3 =	vld.idx.msk [tilespmem:v8+s6+$0x0], $0xffff;
	v7 =	vbroadcast v7, $0x0;
	v8 =	vmov s22  }
0x402: {  	s24 =	simm.s32 $0x6C;
	v61 =	vld.idx.msk [tilespmem:v9+s6+$0x0], $0xffff;
	[tilespmem:s14+$0xFFFFFFC0] =	vst v5;
	v5 =	vmov s23;
	v9 =	vbroadcast v15, $0x0;
	v15 =	vor.u32 v0, v16  }
0x403: {  	s25 =	simm.s32 $0x7C;
	v62 =	vld.idx.msk [tilespmem:v10+s6+$0x0], $0xffff;
	v10 =	vmov s24;
	v8 =	vshrl.u32 v8, $0x3;
	v63 =	vor.u32 v0, v7;
	[tilespmem:s14+$0x0] =	vst v14  }
0x404: {  	[tilespmem:s13+$0xFFFFFFB0] =	vst v6;
	v7 =	vor.u32 v0, v11;
	v11 =	vmov s25;
	v6 =	vor.u32 v0, v9;
	v9 =	vld.idx.msk [tilespmem:v12+s6+$0x0], $0xffff  }
0x405: {  	[tilespmem:s13+$0xFFFFFFF0] =	vst v13;
	v5 =	vshrl.u32 v5, $0x3;
	v12 =	vshrl.u32 v10, $0x3;
	v10 =	vshrl.u32 v11, $0x3  }
0x406: {  	v8 =	vshll.u32 v8, v1;
	v11 =	vshll.u32 v5, v1;
	[tilespmem:s14+$0x50] =	vst v3;
	v3 =	vshll.u32 v10, v1  }
0x407: {  	[tilespmem:s14+$0xFFFFFF90] =	vst v61;
	v10 =	vbroadcast v8, $0x0;
	v13 =	vshll.u32 v12, v1;
	v8 =	vld.idx.msk [tilespmem:v15+s6+$0x0], $0xffff;
	v12 =	vbroadcast v3, $0x0  }
0x408: {  	s15 =	simm.s32 $0x10;
	v4 =	vor.u32 v2, v4;
	s16 =	simm.s32 $0xBC;
	[tilespmem:s14+$0xFFFFFFD0] =	vst v62;
	v11 =	vbroadcast v11, $0x0;
	v5 =	vld.idx.msk [tilespmem:v63+s6+$0x0], $0xffff;
	v3 =	vbroadcast v13, $0x0  }
.LBB2_24:
0x409: {  	s17 =	sadd.s32 $0xFFFFFFD4, s16;
	s18 =	sadd.s32 $0xFFFFFFF4, s16;
	s15 =	sadd.s32 $0x10, s15;
	v10 =	vor.u32 v2, v10;
	v7 =	vld.idx.msk [tilespmem:v7+s6+$0x0], $0xffff;
	[tilespmem:s14+$0x10] =	vst v9;
	v9 =	vor.u32 v2, v12  }
0x40a: {  	s19 =	sadd.s32 $0xFFFFFFC4, s16;
	v12 =	vmov s17;
	s17 =	sadd.s32 $0xFFFFFFE4, s16;
	v13 =	vmov s18;
	p0 =	slt.u32 s15, $0xBF0;
	v11 =	vor.u32 v2, v11;
	v6 =	vld.idx.msk [tilespmem:v6+s6+$0x0], $0xffff  }
0x40b: {  	s22 =	sadd.s32 $0xFFFFFFC8, s16;
	s23 =	sadd.s32 $0xFFFFFFD8, s16;
	s24 =	sadd.s32 $0xFFFFFFE8, s16;
	v14 =	vmov s19;
	v15 =	vmov s17;
	v13 =	vshrl.u32 v13, $0x3  }
0x40c: {  	s25 =	sadd.s32 $0xFFFFFFCC, s16;
	s21 =	sadd.s32 $0xFFFFFFDC, s16;
	s20 =	sadd.s32 $0xFFFFFFEC, s16;
	v14 =	vshrl.u32 v14, $0x3;
	v12 =	vshrl.u32 v12, $0x3;
	v13 =	vshll.u32 v13, v1  }
0x40d: {  	s19 =	sadd.s32 $0xFFFFFFD0, s16;
	s18 =	sadd.s32 $0xFFFFFFE0, s16;
	s17 =	sadd.s32 $0xFFFFFFF0, s16;
	v14 =	vshll.u32 v14, v1;
	v15 =	vshrl.u32 v15, $0x3;
	v13 =	vbroadcast v13, $0x0;
	[tilespmem:s14+$0x60] =	vst v8;
	v4 =	vld.idx.msk [tilespmem:v4+s6+$0x0], $0xffff  }
0x40e: {  	v12 =	vshll.u32 v12, v1;
	v8 =	vbroadcast v14, $0x0;
	v14 =	vshll.u32 v15, v1;
	[tilespmem:s14+$0xFFFFFFA0] =	vst v5;
	v5 =	vld.idx.msk [tilespmem:v9+s6+$0x0], $0xffff  }
0x40f: {  	v9 =	vbroadcast v12, $0x0;
	v12 =	vbroadcast v14, $0x0;
	v13 =	vor.u32 v0, v13;
	v10 =	vld.idx.msk [tilespmem:v10+s6+$0x0], $0xffff;
	[tilespmem:s14+$0xFFFFFFE0] =	vst v7  }
0x410: {  	v14 =	vmov s23;
	v7 =	vor.u32 v0, v8;
	v8 =	vmov s22;
	s22 =	sadd.s32 $0xFFFFFFF8, s16;
	v11 =	vld.idx.msk [tilespmem:v11+s6+$0x0], $0xffff;
	[tilespmem:s14+$0x20] =	vst v6  }
0x411: {  	v6 =	vor.u32 v0, v9;
	v9 =	vor.u32 v0, v12;
	v12 =	vmov s22  }
0x412: {  	v15 =	vmov s24;
	v8 =	vshrl.u32 v8, $0x3;
	v12 =	vshrl.u32 v12, $0x3  }
0x413: {  	v15 =	vshrl.u32 v15, $0x3;
	v14 =	vshrl.u32 v14, $0x3;
	v12 =	vshll.u32 v12, v1;
	[tilespmem:s13+$0x30] =	vst v4;
	s13 =	smov.u32 s14  }
0x414: {  	v4 =	vshll.u32 v8, v1;
	v8 =	vshll.u32 v14, v1;
	v12 =	vbroadcast v12, $0x0;
	v13 =	vld.idx.msk [tilespmem:v13+s6+$0x0], $0xffff;
	[tilespmem:s14+$0x70] =	vst v5  }
0x415: {  	v4 =	vbroadcast v4, $0x0;
	v5 =	vld.idx.msk [tilespmem:v7+s6+$0x0], $0xffff;
	v7 =	vbroadcast v8, $0x0;
	v8 =	vshll.u32 v15, v1;
	[tilespmem:s14+$0xFFFFFFB0] =	vst v10  }
0x416: {  	v10 =	vmov s25;
	v12 =	vor.u32 v2, v12;
	v6 =	vld.idx.msk [tilespmem:v6+s6+$0x0], $0xffff;
	v8 =	vbroadcast v8, $0x0;
	[tilespmem:s14+$0xFFFFFFF0] =	vst v11  }
0x417: {  	v4 =	vor.u32 v2, v4;
	v11 =	vmov s21;
	s21 =	sadd.s32 $0xFFFFFFFC, s16;
	v7 =	vor.u32 v2, v7;
	v9 =	vld.idx.msk [tilespmem:v9+s6+$0x0], $0xffff  }
0x418: {  	v14 =	vmov s20;
	v15 =	vmov s21;
	v8 =	vor.u32 v2, v8  }
0x419: {  	v10 =	vshrl.u32 v10, $0x3;
	s14 =	sadd.s32 $0x100, s14;
	v11 =	vshrl.u32 v11, $0x3;
	v15 =	vshrl.u32 v15, $0x3  }
0x41a: {  	v14 =	vshrl.u32 v14, $0x3;
	v10 =	vshll.u32 v10, v1;
	[tilespmem:s14+$0x40] =	vst v13;
	v13 =	vshll.u32 v15, v1  }
0x41b: {  	[tilespmem:s14+$0xFFFFFF80] =	vst v5;
	v5 =	vshll.u32 v11, v1;
	v11 =	vshll.u32 v14, v1;
	v12 =	vld.idx.msk [tilespmem:v12+s6+$0x0], $0xffff;
	v13 =	vbroadcast v13, $0x0  }
0x41c: {  	v10 =	vbroadcast v10, $0x0;
	v14 =	vmov s19;
	v4 =	vld.idx.msk [tilespmem:v4+s6+$0x0], $0xffff;
	[tilespmem:s14+$0xFFFFFFC0] =	vst v6;
	v5 =	vbroadcast v5, $0x0  }
0x41d: {  	v16 =	vmov s18;
	v6 =	vbroadcast v11, $0x0;
	v15 =	vld.idx.msk [tilespmem:v7+s6+$0x0], $0xffff;
	[tilespmem:s14+$0x0] =	vst v9;
	v11 =	vor.u32 v0, v13  }
0x41e: {  	v13 =	vor.u32 v0, v10;
	v7 =	vor.u32 v0, v5;
	v9 =	vld.idx.msk [tilespmem:v8+s6+$0x0], $0xffff;
	v5 =	vmov s17  }
.Ltmp11:
0x41f: {  	v10 =	vmov s16;
	v8 =	vshrl.u32 v14, $0x3;
	v6 =	vor.u32 v0, v6;
	(pc) =	sbr.rel @p0 .LBB2_24-.Ltmp11, $4  }
0x420: {  	v14 =	vshrl.u32 v16, $0x3;
	v10 =	vshrl.u32 v10, $0x3;
	v5 =	vshrl.u32 v5, $0x3  }
0x421: {  	v8 =	vshll.u32 v8, v1;
	v14 =	vshll.u32 v14, v1;
	[tilespmem:s14+$0x50] =	vst v12;
	v12 =	vshll.u32 v10, v1  }
0x422: {  	v16 =	vshll.u32 v5, v1;
	v10 =	vbroadcast v8, $0x0;
	[tilespmem:s14+$0xFFFFFF90] =	vst v4;
	v8 =	vld.idx.msk [tilespmem:v11+s6+$0x0], $0xffff;
	v12 =	vbroadcast v12, $0x0  }
0x423: {  	s16 =	sadd.s32 $0x40, s16;
	v11 =	vbroadcast v14, $0x0;
	v4 =	vor.u32 v2, v3;
	v3 =	vbroadcast v16, $0x0;
	v5 =	vld.idx.msk [tilespmem:v13+s6+$0x0], $0xffff;
	[tilespmem:s14+$0xFFFFFFD0] =	vst v15  }
0x424: {  	_ =	sdelay $0x2  }
0x425: {  	v12 =	vor.u32 v2, v12  }
0x426: {  	v10 =	vor.u32 v2, v10;
	v7 =	vld.idx.msk [tilespmem:v7+s6+$0x0], $0xffff;
	[tilespmem:s14+$0x10] =	vst v9  }
0x427: {  	v9 =	vor.u32 v2, v11;
	v6 =	vld.idx.msk [tilespmem:v6+s6+$0x0], $0xffff  }
0x428: {  	s16 =	simm.s32 $0x30;
	s17 =	simm.s32 $0x0;
	s25 =	simm.s32 $0x20;
	v4 =	vld.idx.msk [tilespmem:v4+s6+$0x0], $0xffff;
	v3 =	vor.u32 v2, v3  }
0x429: {  	v11 =	vmov s16;
	v13 =	vmov s17;
	v14 =	vmov s25;
	s16 =	simm.s32 $0xC;
	s17 =	simm.s32 $0x1C;
	[tilespmem:s14+$0x60] =	vst v8  }
0x42a: {  	s15 =	simm.s32 $0x10;
	v11 =	vshrl.u32 v11, $0x3;
	v15 =	vmov s16;
	v16 =	vmov s17;
	[tilespmem:s14+$0xFFFFFFA0] =	vst v5;
	v5 =	vld.idx.msk [tilespmem:v12+s6+$0x0], $0xffff  }
0x42b: {  	s17 =	simm.s32 $0x64;
	v8 =	vmov s15;
	v15 =	vshrl.u32 v15, $0x3;
	v16 =	vshrl.u32 v16, $0x3;
	v10 =	vld.idx.msk [tilespmem:v10+s6+$0x0], $0xffff;
	[tilespmem:s14+$0xFFFFFFE0] =	vst v7  }
0x42c: {  	v54 =	vmov s17;
	v8 =	vshrl.u32 v8, $0x3;
	v15 =	vshll.u32 v15, v1;
	v9 =	vld.idx.msk [tilespmem:v9+s6+$0x0], $0xffff;
	[tilespmem:s14+$0x20] =	vst v6  }
0x42d: {  	s24 =	simm.s32 $0x28;
	v16 =	vshll.u32 v16, v1;
	v12 =	vshrl.u32 v13, $0x3;
	v7 =	vshll.u32 v11, v1;
	v3 =	vld.idx.msk [tilespmem:v3+s6+$0x0], $0xffff  }
0x42e: {  	v8 =	vshll.u32 v8, v1;
	[tilespmem:s13+$0x30] =	vst v4;
	v13 =	vmov s24;
	v15 =	vbroadcast v15, $0x0  }
0x42f: {  	s25 =	simm.s32 $0x38;
	v11 =	vshll.u32 v12, v1;
	v12 =	vshrl.u32 v14, $0x3;
	v6 =	vbroadcast v7, $0x0;
	[tilespmem:s14+$0x70] =	vst v5  }
0x430: {  	s24 =	simm.s32 $0x44;
	v8 =	vbroadcast v8, $0x0;
	v14 =	vmov s25;
	v13 =	vshrl.u32 v13, $0x3;
	[tilespmem:s14+$0xFFFFFFB0] =	vst v10  }
0x431: {  	s20 =	simm.s32 $0x24;
	v52 =	vmov s24;
	v7 =	vbroadcast v11, $0x0;
	v11 =	vshll.u32 v12, v1;
	[tilespmem:s14+$0xFFFFFFF0] =	vst v9  }
0x432: {  	s19 =	simm.s32 $0x14;
	s25 =	simm.s32 $0x54;
	v12 =	vmov s20;
	v14 =	vshrl.u32 v14, $0x3;
	v13 =	vshll.u32 v13, v1;
	[tilespmem:s14+$0x30] =	vst v3  }
0x433: {  	v15 =	vor.u32 v2, v15;
	v53 =	vmov s25;
	v4 =	vbroadcast v11, $0x0;
	[hbm4b:s31+s1] =	stream.linear.scatter [tilespmem:s9], [sflag:$0x4], $0xC000, $0x38;
	[tilespmem:$0x1E000] =	vst v63  }
0x434: {  	s18 =	simm.s32 $0x4;
	s20 =	simm.s32 $0x50;
	v6 =	vor.u32 v0, v6;
	v11 =	vmov s19;
	v8 =	vor.u32 v0, v8;
	_ =	swait.ge [sflag:s5], $0x3000  }
0x435: {  	s21 =	simm.s32 $0x34;
	v14 =	vshll.u32 v14, v1;
	s19 =	simm.s32 $0x2C;
	v13 =	vbroadcast v13, $0x0;
	v48 =	vmov s20;
	[sflag:s5] =	ssyncset.done $0x0  }
0x436: {  	s20 =	simm.s32 $0x68;
	v7 =	vor.u32 v0, v7;
	v14 =	vbroadcast v14, $0x0;
	v17 =	vmov s19;
	s15 =	rddreg [dreg:$0x10];
	[sflag:s5] =	ssyncadd.s32 $0xFFFFD000  }
0x437: {  	v57 =	vmov s20;
	v5 =	vmov s18;
	v10 =	vmov s21;
	[tilespmem:s6], [sflag:$0x2] =	stream.linear.gather [hbm4b:s15+s1], $0x3000, $0x38;
	[tilespmem:$0x1E000] =	vst v63  }
0x438: {  	v4 =	vor.u32 v0, v4;
	v17 =	vshrl.u32 v17, $0x3;
	v9 =	vshrl.u32 v10, $0x3;
	_ =	swait.ge [sflag:s10], $0xC000  }
0x439: {  	s23 =	simm.s32 $0x18;
	v5 =	vshrl.u32 v5, $0x3;
	v10 =	vshrl.u32 v11, $0x3;
	v3 =	vshll.u32 v9, v1;
	[sflag:s10] =	ssyncset.done $0x0  }
0x43a: {  	s18 =	simm.s32 $0x3C;
	s21 =	simm.s32 $0x70;
	v11 =	vshrl.u32 v12, $0x3;
	v12 =	vmov s23;
	v3 =	vbroadcast v3, $0x0;
	[sflag:s10] =	ssyncadd.s32 $0xFFFF4000  }
0x43b: {  	v14 =	vor.u32 v0, v14;
	v18 =	vmov s18;
	v49 =	vmov s21;
	v6 =	vld.idx.msk [tilespmem:v6+s1+$0x0], $0xffff  }
0x43c: {  	s22 =	simm.s32 $0x8;
	v5 =	vshll.u32 v5, v1;
	v9 =	vshll.u32 v10, v1;
	v3 =	vor.u32 v2, v3  }
0x43d: {  	s23 =	simm.s32 $0x60;
	v10 =	vshll.u32 v11, v1;
	v11 =	vmov s22;
	v12 =	vshrl.u32 v12, $0x3  }
0x43e: {  	s18 =	simm.s32 $0x48;
	s21 =	simm.s32 $0x78;
	v18 =	vshrl.u32 v18, $0x3;
	v20 =	vmov s23;
	v5 =	vbroadcast v5, $0x0  }
0x43f: {  	s13 =	simm.s32 $0x6080;
	v56 =	vmov s18;
	v58 =	vmov s21;
	v9 =	vbroadcast v9, $0x0;
	v7 =	vld.idx.msk [tilespmem:v7+s1+$0x0], $0xffff  }
0x440: {  	v10 =	vbroadcast v10, $0x0;
	v11 =	vshrl.u32 v11, $0x3;
	v5 =	vor.u32 v2, v5;
	v8 =	vld.idx.msk [tilespmem:v8+s1+$0x0], $0xffff;
	[tilespmem:s13+$0x40] =	vst v6  }
0x441: {  	v12 =	vshll.u32 v12, v1;
	v18 =	vshll.u32 v18, v1;
	v9 =	vor.u32 v2, v9;
	v3 =	vld.idx.msk [tilespmem:v3+s1+$0x0], $0xffff  }
0x442: {  	v11 =	vshll.u32 v11, v1;
	v12 =	vbroadcast v12, $0x0;
	v18 =	vbroadcast v18, $0x0;
	v19 =	vld.idx.msk [tilespmem:v4+s1+$0x0], $0xffff  }
0x443: {  	v51 =	vshrl.u32 v20, $0x3;
	v10 =	vor.u32 v2, v10;
	v11 =	vbroadcast v11, $0x0  }
0x444: {  	s22 =	simm.s32 $0x40;
	v59 =	vshrl.u32 v58, $0x3;
	v12 =	vor.u32 v0, v12;
	v47 =	vor.u32 v2, v18;
	[tilespmem:s13+$0xFFFFFF80] =	vst v7  }
0x445: {  	v18 =	vshrl.u32 v49, $0x3;
	v11 =	vor.u32 v0, v11;
	v7 =	vmov s22;
	[tilespmem:s13+$0xFFFFFFC0] =	vst v8;
	v5 =	vld.idx.msk [tilespmem:v5+s1+$0x0], $0xffff  }
0x446: {  	v50 =	vshll.u32 v18, v1;
	v4 =	vshll.u32 v17, v1;
	v7 =	vshrl.u32 v7, $0x3;
	v9 =	vld.idx.msk [tilespmem:v9+s1+$0x0], $0xffff;
	[tilespmem:s13+$0x50] =	vst v3  }
0x447: {  	v17 =	vbroadcast v50, $0x0;
	v8 =	vshrl.u32 v48, $0x3;
	[tilespmem:s13+$0x0] =	vst v19;
	v7 =	vshll.u32 v7, v1;
	v14 =	vld.idx.msk [tilespmem:v14+s1+$0x0], $0xffff  }
0x448: {  	v10 =	vld.idx.msk [tilespmem:v10+s1+$0x0], $0xffff;
	v3 =	vbroadcast v7, $0x0;
	v7 =	vshll.u32 v8, v1;
	v8 =	vshll.u32 v51, v1  }
0x449: {  	v6 =	vor.u32 v0, v13;
	v7 =	vbroadcast v7, $0x0;
	v8 =	vbroadcast v8, $0x0  }
0x44a: {  	s16 =	simm.s32 $0x74;
	v18 =	vshrl.u32 v54, $0x3;
	v17 =	vor.u32 v0, v17;
	[tilespmem:s13+$0xFFFFFF90] =	vst v5;
	v3 =	vor.u32 v0, v3  }
0x44b: {  	[tilespmem:s13+$0xFFFFFFD0] =	vst v9;
	v11 =	vld.idx.msk [tilespmem:v11+s1+$0x0], $0xffff;
	v5 =	vor.u32 v0, v7;
	v7 =	vor.u32 v0, v8;
	v8 =	vmov s16  }
0x44c: {  	v60 =	vshll.u32 v59, v1;
	v55 =	vshll.u32 v18, v1;
	v12 =	vld.idx.msk [tilespmem:v12+s1+$0x0], $0xffff;
	v8 =	vshrl.u32 v8, $0x3;
	[tilespmem:s13+$0x60] =	vst v14  }
0x44d: {  	v13 =	vbroadcast v16, $0x0;
	v9 =	vshrl.u32 v52, $0x3;
	[tilespmem:s13+$0x10] =	vst v10;
	v8 =	vshll.u32 v8, v1;
	v14 =	vld.idx.msk [tilespmem:v47+s1+$0x0], $0xffff  }
0x44e: {  	v10 =	vshrl.u32 v53, $0x3;
	v6 =	vld.idx.msk [tilespmem:v6+s1+$0x0], $0xffff;
	v9 =	vshll.u32 v9, v1;
	v8 =	vbroadcast v8, $0x0  }
0x44f: {  	v13 =	vor.u32 v2, v13;
	v17 =	vld.idx.msk [tilespmem:v17+s1+$0x0], $0xffff;
	v10 =	vshll.u32 v10, v1;
	v9 =	vbroadcast v9, $0x0  }
0x450: {  	s19 =	simm.s32 $0x58;
	v16 =	vbroadcast v55, $0x0;
	v10 =	vbroadcast v10, $0x0;
	[tilespmem:s13+$0xFFFFFFA0] =	vst v11;
	v3 =	vld.idx.msk [tilespmem:v3+s1+$0x0], $0xffff;
	v8 =	vor.u32 v2, v8  }
0x451: {  	v4 =	vbroadcast v4, $0x0;
	v9 =	vor.u32 v2, v9;
	v11 =	vmov s19;
	[tilespmem:s13+$0xFFFFFFE0] =	vst v12;
	v5 =	vld.idx.msk [tilespmem:v5+s1+$0x0], $0xffff  }
0x452: {  	v10 =	vor.u32 v2, v10;
	v12 =	vor.u32 v2, v16;
	v11 =	vshrl.u32 v11, $0x3;
	[tilespmem:s13+$0x70] =	vst v14;
	v14 =	vld.idx.msk [tilespmem:v7+s1+$0x0], $0xffff  }
0x453: {  	s14 =	simm.s32 $0x6180;
	[tilespmem:s13+$0x20] =	vst v6;
	v16 =	vbroadcast v60, $0x0;
	v6 =	vld.idx.msk [tilespmem:v15+s1+$0x0], $0xffff;
	v15 =	vshrl.u32 v56, $0x3;
	v11 =	vshll.u32 v11, v1  }
0x454: {  	s22 =	simm.s32 $0x4C;
	[tilespmem:s14+$0x40] =	vst v17;
	v13 =	vld.idx.msk [tilespmem:v13+s1+$0x0], $0xffff;
	v11 =	vbroadcast v11, $0x0;
	v7 =	vshll.u32 v15, v1;
	v15 =	vshrl.u32 v57, $0x3  }
0x455: {  	s23 =	simm.s32 $0x5C;
	[tilespmem:s14+$0xFFFFFF80] =	vst v3;
	v15 =	vshll.u32 v15, v1;
	v3 =	vld.idx.msk [tilespmem:v8+s1+$0x0], $0xffff;
	v7 =	vbroadcast v7, $0x0;
	v8 =	vmov s22  }
0x456: {  	s24 =	simm.s32 $0x6C;
	v61 =	vld.idx.msk [tilespmem:v9+s1+$0x0], $0xffff;
	[tilespmem:s14+$0xFFFFFFC0] =	vst v5;
	v5 =	vmov s23;
	v9 =	vbroadcast v15, $0x0;
	v15 =	vor.u32 v0, v16  }
0x457: {  	s25 =	simm.s32 $0x7C;
	v62 =	vld.idx.msk [tilespmem:v10+s1+$0x0], $0xffff;
	v10 =	vmov s24;
	v8 =	vshrl.u32 v8, $0x3;
	v63 =	vor.u32 v0, v7;
	[tilespmem:s14+$0x0] =	vst v14  }
0x458: {  	[tilespmem:s13+$0xFFFFFFB0] =	vst v6;
	v7 =	vor.u32 v0, v11;
	v11 =	vmov s25;
	v6 =	vor.u32 v0, v9;
	v9 =	vld.idx.msk [tilespmem:v12+s1+$0x0], $0xffff  }
0x459: {  	[tilespmem:s13+$0xFFFFFFF0] =	vst v13;
	v5 =	vshrl.u32 v5, $0x3;
	v12 =	vshrl.u32 v10, $0x3;
	v10 =	vshrl.u32 v11, $0x3  }
0x45a: {  	v8 =	vshll.u32 v8, v1;
	v11 =	vshll.u32 v5, v1;
	[tilespmem:s14+$0x50] =	vst v3;
	v3 =	vshll.u32 v10, v1  }
0x45b: {  	[tilespmem:s14+$0xFFFFFF90] =	vst v61;
	v10 =	vbroadcast v8, $0x0;
	v13 =	vshll.u32 v12, v1;
	v8 =	vld.idx.msk [tilespmem:v15+s1+$0x0], $0xffff;
	v12 =	vbroadcast v3, $0x0  }
0x45c: {  	s15 =	simm.s32 $0x10;
	v4 =	vor.u32 v2, v4;
	s16 =	simm.s32 $0xBC;
	[tilespmem:s14+$0xFFFFFFD0] =	vst v62;
	v11 =	vbroadcast v11, $0x0;
	v5 =	vld.idx.msk [tilespmem:v63+s1+$0x0], $0xffff;
	v3 =	vbroadcast v13, $0x0  }
.LBB2_26:
0x45d: {  	s17 =	sadd.s32 $0xFFFFFFD4, s16;
	s18 =	sadd.s32 $0xFFFFFFF4, s16;
	s15 =	sadd.s32 $0x10, s15;
	v10 =	vor.u32 v2, v10;
	v7 =	vld.idx.msk [tilespmem:v7+s1+$0x0], $0xffff;
	[tilespmem:s14+$0x10] =	vst v9;
	v9 =	vor.u32 v2, v12  }
0x45e: {  	s19 =	sadd.s32 $0xFFFFFFC4, s16;
	v12 =	vmov s17;
	s17 =	sadd.s32 $0xFFFFFFE4, s16;
	v13 =	vmov s18;
	p0 =	slt.u32 s15, $0xBF0;
	v11 =	vor.u32 v2, v11;
	v6 =	vld.idx.msk [tilespmem:v6+s1+$0x0], $0xffff  }
0x45f: {  	s22 =	sadd.s32 $0xFFFFFFC8, s16;
	s23 =	sadd.s32 $0xFFFFFFD8, s16;
	s24 =	sadd.s32 $0xFFFFFFE8, s16;
	v14 =	vmov s19;
	v15 =	vmov s17;
	v13 =	vshrl.u32 v13, $0x3  }
0x460: {  	s25 =	sadd.s32 $0xFFFFFFCC, s16;
	s21 =	sadd.s32 $0xFFFFFFDC, s16;
	s20 =	sadd.s32 $0xFFFFFFEC, s16;
	v14 =	vshrl.u32 v14, $0x3;
	v12 =	vshrl.u32 v12, $0x3;
	v13 =	vshll.u32 v13, v1  }
0x461: {  	s19 =	sadd.s32 $0xFFFFFFD0, s16;
	s18 =	sadd.s32 $0xFFFFFFE0, s16;
	s17 =	sadd.s32 $0xFFFFFFF0, s16;
	v14 =	vshll.u32 v14, v1;
	v15 =	vshrl.u32 v15, $0x3;
	v13 =	vbroadcast v13, $0x0;
	[tilespmem:s14+$0x60] =	vst v8;
	v4 =	vld.idx.msk [tilespmem:v4+s1+$0x0], $0xffff  }
0x462: {  	v12 =	vshll.u32 v12, v1;
	v8 =	vbroadcast v14, $0x0;
	v14 =	vshll.u32 v15, v1;
	[tilespmem:s14+$0xFFFFFFA0] =	vst v5;
	v5 =	vld.idx.msk [tilespmem:v9+s1+$0x0], $0xffff  }
0x463: {  	v9 =	vbroadcast v12, $0x0;
	v12 =	vbroadcast v14, $0x0;
	v13 =	vor.u32 v0, v13;
	v10 =	vld.idx.msk [tilespmem:v10+s1+$0x0], $0xffff;
	[tilespmem:s14+$0xFFFFFFE0] =	vst v7  }
0x464: {  	v14 =	vmov s23;
	v7 =	vor.u32 v0, v8;
	v8 =	vmov s22;
	s22 =	sadd.s32 $0xFFFFFFF8, s16;
	v11 =	vld.idx.msk [tilespmem:v11+s1+$0x0], $0xffff;
	[tilespmem:s14+$0x20] =	vst v6  }
0x465: {  	v6 =	vor.u32 v0, v9;
	v9 =	vor.u32 v0, v12;
	v12 =	vmov s22  }
0x466: {  	v15 =	vmov s24;
	v8 =	vshrl.u32 v8, $0x3;
	v12 =	vshrl.u32 v12, $0x3  }
0x467: {  	v15 =	vshrl.u32 v15, $0x3;
	v14 =	vshrl.u32 v14, $0x3;
	v12 =	vshll.u32 v12, v1;
	[tilespmem:s13+$0x30] =	vst v4;
	s13 =	smov.u32 s14  }
0x468: {  	v4 =	vshll.u32 v8, v1;
	v8 =	vshll.u32 v14, v1;
	v12 =	vbroadcast v12, $0x0;
	v13 =	vld.idx.msk [tilespmem:v13+s1+$0x0], $0xffff;
	[tilespmem:s14+$0x70] =	vst v5  }
0x469: {  	v4 =	vbroadcast v4, $0x0;
	v5 =	vld.idx.msk [tilespmem:v7+s1+$0x0], $0xffff;
	v7 =	vbroadcast v8, $0x0;
	v8 =	vshll.u32 v15, v1;
	[tilespmem:s14+$0xFFFFFFB0] =	vst v10  }
0x46a: {  	v10 =	vmov s25;
	v12 =	vor.u32 v2, v12;
	v6 =	vld.idx.msk [tilespmem:v6+s1+$0x0], $0xffff;
	v8 =	vbroadcast v8, $0x0;
	[tilespmem:s14+$0xFFFFFFF0] =	vst v11  }
0x46b: {  	v4 =	vor.u32 v2, v4;
	v11 =	vmov s21;
	s21 =	sadd.s32 $0xFFFFFFFC, s16;
	v7 =	vor.u32 v2, v7;
	v9 =	vld.idx.msk [tilespmem:v9+s1+$0x0], $0xffff  }
0x46c: {  	v14 =	vmov s20;
	v15 =	vmov s21;
	v8 =	vor.u32 v2, v8  }
0x46d: {  	v10 =	vshrl.u32 v10, $0x3;
	s14 =	sadd.s32 $0x100, s14;
	v11 =	vshrl.u32 v11, $0x3;
	v15 =	vshrl.u32 v15, $0x3  }
0x46e: {  	v14 =	vshrl.u32 v14, $0x3;
	v10 =	vshll.u32 v10, v1;
	[tilespmem:s14+$0x40] =	vst v13;
	v13 =	vshll.u32 v15, v1  }
0x46f: {  	[tilespmem:s14+$0xFFFFFF80] =	vst v5;
	v5 =	vshll.u32 v11, v1;
	v11 =	vshll.u32 v14, v1;
	v12 =	vld.idx.msk [tilespmem:v12+s1+$0x0], $0xffff;
	v13 =	vbroadcast v13, $0x0  }
0x470: {  	v10 =	vbroadcast v10, $0x0;
	v14 =	vmov s19;
	v4 =	vld.idx.msk [tilespmem:v4+s1+$0x0], $0xffff;
	[tilespmem:s14+$0xFFFFFFC0] =	vst v6;
	v5 =	vbroadcast v5, $0x0  }
0x471: {  	v16 =	vmov s18;
	v6 =	vbroadcast v11, $0x0;
	v15 =	vld.idx.msk [tilespmem:v7+s1+$0x0], $0xffff;
	[tilespmem:s14+$0x0] =	vst v9;
	v11 =	vor.u32 v0, v13  }
0x472: {  	v13 =	vor.u32 v0, v10;
	v7 =	vor.u32 v0, v5;
	v9 =	vld.idx.msk [tilespmem:v8+s1+$0x0], $0xffff;
	v5 =	vmov s17  }
.Ltmp12:
0x473: {  	v10 =	vmov s16;
	v8 =	vshrl.u32 v14, $0x3;
	v6 =	vor.u32 v0, v6;
	(pc) =	sbr.rel @p0 .LBB2_26-.Ltmp12, $4  }
0x474: {  	v14 =	vshrl.u32 v16, $0x3;
	v10 =	vshrl.u32 v10, $0x3;
	v5 =	vshrl.u32 v5, $0x3  }
0x475: {  	v8 =	vshll.u32 v8, v1;
	v14 =	vshll.u32 v14, v1;
	[tilespmem:s14+$0x50] =	vst v12;
	v12 =	vshll.u32 v10, v1  }
0x476: {  	v16 =	vshll.u32 v5, v1;
	v10 =	vbroadcast v8, $0x0;
	[tilespmem:s14+$0xFFFFFF90] =	vst v4;
	v8 =	vld.idx.msk [tilespmem:v11+s1+$0x0], $0xffff;
	v12 =	vbroadcast v12, $0x0  }
0x477: {  	s16 =	sadd.s32 $0x40, s16;
	v11 =	vbroadcast v14, $0x0;
	v4 =	vor.u32 v2, v3;
	v3 =	vbroadcast v16, $0x0;
	v5 =	vld.idx.msk [tilespmem:v13+s1+$0x0], $0xffff;
	[tilespmem:s14+$0xFFFFFFD0] =	vst v15  }
0x478: {  	_ =	sdelay $0x2  }
0x479: {  	v12 =	vor.u32 v2, v12  }
0x47a: {  	v10 =	vor.u32 v2, v10;
	v7 =	vld.idx.msk [tilespmem:v7+s1+$0x0], $0xffff;
	[tilespmem:s14+$0x10] =	vst v9  }
0x47b: {  	v9 =	vor.u32 v2, v11;
	v6 =	vld.idx.msk [tilespmem:v6+s1+$0x0], $0xffff  }
0x47c: {  	s16 =	simm.s32 $0x30;
	s17 =	simm.s32 $0x0;
	s25 =	simm.s32 $0x20;
	v4 =	vld.idx.msk [tilespmem:v4+s1+$0x0], $0xffff;
	v3 =	vor.u32 v2, v3  }
0x47d: {  	v11 =	vmov s16;
	v13 =	vmov s17;
	v14 =	vmov s25;
	s16 =	simm.s32 $0xC;
	s17 =	simm.s32 $0x1C;
	[tilespmem:s14+$0x60] =	vst v8  }
0x47e: {  	s15 =	simm.s32 $0x10;
	v11 =	vshrl.u32 v11, $0x3;
	v15 =	vmov s16;
	v16 =	vmov s17;
	[tilespmem:s14+$0xFFFFFFA0] =	vst v5;
	v5 =	vld.idx.msk [tilespmem:v12+s1+$0x0], $0xffff  }
0x47f: {  	s17 =	simm.s32 $0x64;
	v8 =	vmov s15;
	v15 =	vshrl.u32 v15, $0x3;
	v16 =	vshrl.u32 v16, $0x3;
	v10 =	vld.idx.msk [tilespmem:v10+s1+$0x0], $0xffff;
	[tilespmem:s14+$0xFFFFFFE0] =	vst v7  }
0x480: {  	v54 =	vmov s17;
	v8 =	vshrl.u32 v8, $0x3;
	v15 =	vshll.u32 v15, v1;
	v9 =	vld.idx.msk [tilespmem:v9+s1+$0x0], $0xffff;
	[tilespmem:s14+$0x20] =	vst v6  }
0x481: {  	s24 =	simm.s32 $0x28;
	v16 =	vshll.u32 v16, v1;
	v12 =	vshrl.u32 v13, $0x3;
	v7 =	vshll.u32 v11, v1;
	v3 =	vld.idx.msk [tilespmem:v3+s1+$0x0], $0xffff  }
0x482: {  	v8 =	vshll.u32 v8, v1;
	[tilespmem:s13+$0x30] =	vst v4;
	v13 =	vmov s24;
	v15 =	vbroadcast v15, $0x0  }
0x483: {  	s25 =	simm.s32 $0x38;
	v11 =	vshll.u32 v12, v1;
	v12 =	vshrl.u32 v14, $0x3;
	v6 =	vbroadcast v7, $0x0;
	[tilespmem:s14+$0x70] =	vst v5  }
0x484: {  	s24 =	simm.s32 $0x44;
	v8 =	vbroadcast v8, $0x0;
	v14 =	vmov s25;
	v13 =	vshrl.u32 v13, $0x3;
	[tilespmem:s14+$0xFFFFFFB0] =	vst v10  }
0x485: {  	s20 =	simm.s32 $0x24;
	v52 =	vmov s24;
	v7 =	vbroadcast v11, $0x0;
	v11 =	vshll.u32 v12, v1;
	[tilespmem:s14+$0xFFFFFFF0] =	vst v9  }
0x486: {  	s19 =	simm.s32 $0x14;
	s25 =	simm.s32 $0x54;
	v12 =	vmov s20;
	v14 =	vshrl.u32 v14, $0x3;
	v13 =	vshll.u32 v13, v1;
	[tilespmem:s14+$0x30] =	vst v3  }
0x487: {  	v15 =	vor.u32 v2, v15;
	v53 =	vmov s25;
	v4 =	vbroadcast v11, $0x0;
	[hbm4b:s29+s1] =	stream.linear.scatter [tilespmem:s7], [sflag:$0x3], $0xC000, $0x38;
	[tilespmem:$0x1E000] =	vst v63  }
0x488: {  	s18 =	simm.s32 $0x4;
	s20 =	simm.s32 $0x50;
	v6 =	vor.u32 v0, v6;
	v11 =	vmov s19;
	v8 =	vor.u32 v0, v8;
	_ =	swait.ge [sflag:s8], $0x3000  }
0x489: {  	s21 =	simm.s32 $0x34;
	v14 =	vshll.u32 v14, v1;
	s19 =	simm.s32 $0x2C;
	v13 =	vbroadcast v13, $0x0;
	v48 =	vmov s20;
	[sflag:s8] =	ssyncset.done $0x0  }
0x48a: {  	s20 =	simm.s32 $0x68;
	v7 =	vor.u32 v0, v7;
	v14 =	vbroadcast v14, $0x0;
	v17 =	vmov s19;
	s15 =	rddreg [dreg:$0x11];
	[sflag:s8] =	ssyncadd.s32 $0xFFFFD000  }
0x48b: {  	v57 =	vmov s20;
	v5 =	vmov s18;
	v10 =	vmov s21;
	[tilespmem:s1], [sflag:$0x1] =	stream.linear.gather [hbm4b:s15+s1], $0x3000, $0x38;
	[tilespmem:$0x1E000] =	vst v63  }
0x48c: {  	v4 =	vor.u32 v0, v4;
	v17 =	vshrl.u32 v17, $0x3;
	v9 =	vshrl.u32 v10, $0x3;
	_ =	swait.ge [sflag:s11], $0xC000  }
0x48d: {  	s23 =	simm.s32 $0x18;
	v5 =	vshrl.u32 v5, $0x3;
	v10 =	vshrl.u32 v11, $0x3;
	v3 =	vshll.u32 v9, v1;
	[sflag:s11] =	ssyncset.done $0x0  }
0x48e: {  	s18 =	simm.s32 $0x3C;
	s21 =	simm.s32 $0x70;
	v11 =	vshrl.u32 v12, $0x3;
	v12 =	vmov s23;
	v3 =	vbroadcast v3, $0x0;
	[sflag:s11] =	ssyncadd.s32 $0xFFFF4000  }
0x48f: {  	v14 =	vor.u32 v0, v14;
	v18 =	vmov s18;
	v49 =	vmov s21;
	v6 =	vld.idx.msk [tilespmem:v6+s6+$0x0], $0xffff  }
0x490: {  	s22 =	simm.s32 $0x8;
	v5 =	vshll.u32 v5, v1;
	v9 =	vshll.u32 v10, v1;
	v3 =	vor.u32 v2, v3  }
0x491: {  	s23 =	simm.s32 $0x60;
	v10 =	vshll.u32 v11, v1;
	v11 =	vmov s22;
	v12 =	vshrl.u32 v12, $0x3  }
0x492: {  	s18 =	simm.s32 $0x48;
	s21 =	simm.s32 $0x78;
	v18 =	vshrl.u32 v18, $0x3;
	v20 =	vmov s23;
	v5 =	vbroadcast v5, $0x0  }
0x493: {  	s13 =	simm.s32 $0x12080;
	v56 =	vmov s18;
	v58 =	vmov s21;
	v9 =	vbroadcast v9, $0x0;
	v7 =	vld.idx.msk [tilespmem:v7+s6+$0x0], $0xffff  }
0x494: {  	v10 =	vbroadcast v10, $0x0;
	v11 =	vshrl.u32 v11, $0x3;
	v5 =	vor.u32 v2, v5;
	v8 =	vld.idx.msk [tilespmem:v8+s6+$0x0], $0xffff;
	[tilespmem:s13+$0x40] =	vst v6  }
0x495: {  	v12 =	vshll.u32 v12, v1;
	v18 =	vshll.u32 v18, v1;
	v9 =	vor.u32 v2, v9;
	v3 =	vld.idx.msk [tilespmem:v3+s6+$0x0], $0xffff  }
0x496: {  	v11 =	vshll.u32 v11, v1;
	v12 =	vbroadcast v12, $0x0;
	v18 =	vbroadcast v18, $0x0;
	v19 =	vld.idx.msk [tilespmem:v4+s6+$0x0], $0xffff  }
0x497: {  	v51 =	vshrl.u32 v20, $0x3;
	v10 =	vor.u32 v2, v10;
	v11 =	vbroadcast v11, $0x0  }
0x498: {  	s22 =	simm.s32 $0x40;
	v59 =	vshrl.u32 v58, $0x3;
	v12 =	vor.u32 v0, v12;
	v47 =	vor.u32 v2, v18;
	[tilespmem:s13+$0xFFFFFF80] =	vst v7  }
0x499: {  	v18 =	vshrl.u32 v49, $0x3;
	v11 =	vor.u32 v0, v11;
	v7 =	vmov s22;
	[tilespmem:s13+$0xFFFFFFC0] =	vst v8;
	v5 =	vld.idx.msk [tilespmem:v5+s6+$0x0], $0xffff  }
0x49a: {  	v50 =	vshll.u32 v18, v1;
	v4 =	vshll.u32 v17, v1;
	v7 =	vshrl.u32 v7, $0x3;
	v9 =	vld.idx.msk [tilespmem:v9+s6+$0x0], $0xffff;
	[tilespmem:s13+$0x50] =	vst v3  }
0x49b: {  	v17 =	vbroadcast v50, $0x0;
	v8 =	vshrl.u32 v48, $0x3;
	[tilespmem:s13+$0x0] =	vst v19;
	v7 =	vshll.u32 v7, v1;
	v14 =	vld.idx.msk [tilespmem:v14+s6+$0x0], $0xffff  }
0x49c: {  	v10 =	vld.idx.msk [tilespmem:v10+s6+$0x0], $0xffff;
	v3 =	vbroadcast v7, $0x0;
	v7 =	vshll.u32 v8, v1;
	v8 =	vshll.u32 v51, v1  }
0x49d: {  	v6 =	vor.u32 v0, v13;
	v7 =	vbroadcast v7, $0x0;
	v8 =	vbroadcast v8, $0x0  }
0x49e: {  	s16 =	simm.s32 $0x74;
	v18 =	vshrl.u32 v54, $0x3;
	v17 =	vor.u32 v0, v17;
	[tilespmem:s13+$0xFFFFFF90] =	vst v5;
	v3 =	vor.u32 v0, v3  }
0x49f: {  	[tilespmem:s13+$0xFFFFFFD0] =	vst v9;
	v11 =	vld.idx.msk [tilespmem:v11+s6+$0x0], $0xffff;
	v5 =	vor.u32 v0, v7;
	v7 =	vor.u32 v0, v8;
	v8 =	vmov s16  }
0x4a0: {  	v60 =	vshll.u32 v59, v1;
	v55 =	vshll.u32 v18, v1;
	v12 =	vld.idx.msk [tilespmem:v12+s6+$0x0], $0xffff;
	v8 =	vshrl.u32 v8, $0x3;
	[tilespmem:s13+$0x60] =	vst v14  }
0x4a1: {  	v13 =	vbroadcast v16, $0x0;
	v9 =	vshrl.u32 v52, $0x3;
	[tilespmem:s13+$0x10] =	vst v10;
	v8 =	vshll.u32 v8, v1;
	v14 =	vld.idx.msk [tilespmem:v47+s6+$0x0], $0xffff  }
0x4a2: {  	v10 =	vshrl.u32 v53, $0x3;
	v6 =	vld.idx.msk [tilespmem:v6+s6+$0x0], $0xffff;
	v9 =	vshll.u32 v9, v1;
	v8 =	vbroadcast v8, $0x0  }
0x4a3: {  	v13 =	vor.u32 v2, v13;
	v17 =	vld.idx.msk [tilespmem:v17+s6+$0x0], $0xffff;
	v10 =	vshll.u32 v10, v1;
	v9 =	vbroadcast v9, $0x0  }
0x4a4: {  	s19 =	simm.s32 $0x58;
	v16 =	vbroadcast v55, $0x0;
	v10 =	vbroadcast v10, $0x0;
	[tilespmem:s13+$0xFFFFFFA0] =	vst v11;
	v3 =	vld.idx.msk [tilespmem:v3+s6+$0x0], $0xffff;
	v8 =	vor.u32 v2, v8  }
0x4a5: {  	v4 =	vbroadcast v4, $0x0;
	v9 =	vor.u32 v2, v9;
	v11 =	vmov s19;
	[tilespmem:s13+$0xFFFFFFE0] =	vst v12;
	v5 =	vld.idx.msk [tilespmem:v5+s6+$0x0], $0xffff  }
0x4a6: {  	v10 =	vor.u32 v2, v10;
	v12 =	vor.u32 v2, v16;
	v11 =	vshrl.u32 v11, $0x3;
	[tilespmem:s13+$0x70] =	vst v14;
	v14 =	vld.idx.msk [tilespmem:v7+s6+$0x0], $0xffff  }
0x4a7: {  	s14 =	simm.s32 $0x12180;
	[tilespmem:s13+$0x20] =	vst v6;
	v16 =	vbroadcast v60, $0x0;
	v6 =	vld.idx.msk [tilespmem:v15+s6+$0x0], $0xffff;
	v15 =	vshrl.u32 v56, $0x3;
	v11 =	vshll.u32 v11, v1  }
0x4a8: {  	s22 =	simm.s32 $0x4C;
	[tilespmem:s14+$0x40] =	vst v17;
	v13 =	vld.idx.msk [tilespmem:v13+s6+$0x0], $0xffff;
	v11 =	vbroadcast v11, $0x0;
	v7 =	vshll.u32 v15, v1;
	v15 =	vshrl.u32 v57, $0x3  }
0x4a9: {  	s23 =	simm.s32 $0x5C;
	[tilespmem:s14+$0xFFFFFF80] =	vst v3;
	v15 =	vshll.u32 v15, v1;
	v3 =	vld.idx.msk [tilespmem:v8+s6+$0x0], $0xffff;
	v7 =	vbroadcast v7, $0x0;
	v8 =	vmov s22  }
0x4aa: {  	s24 =	simm.s32 $0x6C;
	v61 =	vld.idx.msk [tilespmem:v9+s6+$0x0], $0xffff;
	[tilespmem:s14+$0xFFFFFFC0] =	vst v5;
	v5 =	vmov s23;
	v9 =	vbroadcast v15, $0x0;
	v15 =	vor.u32 v0, v16  }
0x4ab: {  	s25 =	simm.s32 $0x7C;
	v62 =	vld.idx.msk [tilespmem:v10+s6+$0x0], $0xffff;
	v10 =	vmov s24;
	v8 =	vshrl.u32 v8, $0x3;
	v63 =	vor.u32 v0, v7;
	[tilespmem:s14+$0x0] =	vst v14  }
0x4ac: {  	[tilespmem:s13+$0xFFFFFFB0] =	vst v6;
	v7 =	vor.u32 v0, v11;
	v11 =	vmov s25;
	v6 =	vor.u32 v0, v9;
	v9 =	vld.idx.msk [tilespmem:v12+s6+$0x0], $0xffff  }
0x4ad: {  	[tilespmem:s13+$0xFFFFFFF0] =	vst v13;
	v5 =	vshrl.u32 v5, $0x3;
	v12 =	vshrl.u32 v10, $0x3;
	v10 =	vshrl.u32 v11, $0x3  }
0x4ae: {  	v8 =	vshll.u32 v8, v1;
	v11 =	vshll.u32 v5, v1;
	[tilespmem:s14+$0x50] =	vst v3;
	v3 =	vshll.u32 v10, v1  }
0x4af: {  	[tilespmem:s14+$0xFFFFFF90] =	vst v61;
	v10 =	vbroadcast v8, $0x0;
	v13 =	vshll.u32 v12, v1;
	v8 =	vld.idx.msk [tilespmem:v15+s6+$0x0], $0xffff;
	v12 =	vbroadcast v3, $0x0  }
0x4b0: {  	s15 =	simm.s32 $0x10;
	v4 =	vor.u32 v2, v4;
	s16 =	simm.s32 $0xBC;
	[tilespmem:s14+$0xFFFFFFD0] =	vst v62;
	v11 =	vbroadcast v11, $0x0;
	v5 =	vld.idx.msk [tilespmem:v63+s6+$0x0], $0xffff;
	v3 =	vbroadcast v13, $0x0  }
.LBB2_28:
0x4b1: {  	s17 =	sadd.s32 $0xFFFFFFD4, s16;
	s18 =	sadd.s32 $0xFFFFFFF4, s16;
	s15 =	sadd.s32 $0x10, s15;
	v10 =	vor.u32 v2, v10;
	v7 =	vld.idx.msk [tilespmem:v7+s6+$0x0], $0xffff;
	[tilespmem:s14+$0x10] =	vst v9;
	v9 =	vor.u32 v2, v12  }
0x4b2: {  	s19 =	sadd.s32 $0xFFFFFFC4, s16;
	v12 =	vmov s17;
	s17 =	sadd.s32 $0xFFFFFFE4, s16;
	v13 =	vmov s18;
	p0 =	slt.u32 s15, $0xBF0;
	v11 =	vor.u32 v2, v11;
	v6 =	vld.idx.msk [tilespmem:v6+s6+$0x0], $0xffff  }
0x4b3: {  	s22 =	sadd.s32 $0xFFFFFFC8, s16;
	s23 =	sadd.s32 $0xFFFFFFD8, s16;
	s24 =	sadd.s32 $0xFFFFFFE8, s16;
	v14 =	vmov s19;
	v15 =	vmov s17;
	v13 =	vshrl.u32 v13, $0x3  }
0x4b4: {  	s25 =	sadd.s32 $0xFFFFFFCC, s16;
	s21 =	sadd.s32 $0xFFFFFFDC, s16;
	s20 =	sadd.s32 $0xFFFFFFEC, s16;
	v14 =	vshrl.u32 v14, $0x3;
	v12 =	vshrl.u32 v12, $0x3;
	v13 =	vshll.u32 v13, v1  }
0x4b5: {  	s19 =	sadd.s32 $0xFFFFFFD0, s16;
	s18 =	sadd.s32 $0xFFFFFFE0, s16;
	s17 =	sadd.s32 $0xFFFFFFF0, s16;
	v14 =	vshll.u32 v14, v1;
	v15 =	vshrl.u32 v15, $0x3;
	v13 =	vbroadcast v13, $0x0;
	[tilespmem:s14+$0x60] =	vst v8;
	v4 =	vld.idx.msk [tilespmem:v4+s6+$0x0], $0xffff  }
0x4b6: {  	v12 =	vshll.u32 v12, v1;
	v8 =	vbroadcast v14, $0x0;
	v14 =	vshll.u32 v15, v1;
	[tilespmem:s14+$0xFFFFFFA0] =	vst v5;
	v5 =	vld.idx.msk [tilespmem:v9+s6+$0x0], $0xffff  }
0x4b7: {  	v9 =	vbroadcast v12, $0x0;
	v12 =	vbroadcast v14, $0x0;
	v13 =	vor.u32 v0, v13;
	v10 =	vld.idx.msk [tilespmem:v10+s6+$0x0], $0xffff;
	[tilespmem:s14+$0xFFFFFFE0] =	vst v7  }
0x4b8: {  	v14 =	vmov s23;
	v7 =	vor.u32 v0, v8;
	v8 =	vmov s22;
	s22 =	sadd.s32 $0xFFFFFFF8, s16;
	v11 =	vld.idx.msk [tilespmem:v11+s6+$0x0], $0xffff;
	[tilespmem:s14+$0x20] =	vst v6  }
0x4b9: {  	v6 =	vor.u32 v0, v9;
	v9 =	vor.u32 v0, v12;
	v12 =	vmov s22  }
0x4ba: {  	v15 =	vmov s24;
	v8 =	vshrl.u32 v8, $0x3;
	v12 =	vshrl.u32 v12, $0x3  }
0x4bb: {  	v15 =	vshrl.u32 v15, $0x3;
	v14 =	vshrl.u32 v14, $0x3;
	v12 =	vshll.u32 v12, v1;
	[tilespmem:s13+$0x30] =	vst v4;
	s13 =	smov.u32 s14  }
0x4bc: {  	v4 =	vshll.u32 v8, v1;
	v8 =	vshll.u32 v14, v1;
	v12 =	vbroadcast v12, $0x0;
	v13 =	vld.idx.msk [tilespmem:v13+s6+$0x0], $0xffff;
	[tilespmem:s14+$0x70] =	vst v5  }
0x4bd: {  	v4 =	vbroadcast v4, $0x0;
	v5 =	vld.idx.msk [tilespmem:v7+s6+$0x0], $0xffff;
	v7 =	vbroadcast v8, $0x0;
	v8 =	vshll.u32 v15, v1;
	[tilespmem:s14+$0xFFFFFFB0] =	vst v10  }
0x4be: {  	v10 =	vmov s25;
	v12 =	vor.u32 v2, v12;
	v6 =	vld.idx.msk [tilespmem:v6+s6+$0x0], $0xffff;
	v8 =	vbroadcast v8, $0x0;
	[tilespmem:s14+$0xFFFFFFF0] =	vst v11  }
0x4bf: {  	v4 =	vor.u32 v2, v4;
	v11 =	vmov s21;
	s21 =	sadd.s32 $0xFFFFFFFC, s16;
	v7 =	vor.u32 v2, v7;
	v9 =	vld.idx.msk [tilespmem:v9+s6+$0x0], $0xffff  }
0x4c0: {  	v14 =	vmov s20;
	v15 =	vmov s21;
	v8 =	vor.u32 v2, v8  }
0x4c1: {  	v10 =	vshrl.u32 v10, $0x3;
	s14 =	sadd.s32 $0x100, s14;
	v11 =	vshrl.u32 v11, $0x3;
	v15 =	vshrl.u32 v15, $0x3  }
0x4c2: {  	v14 =	vshrl.u32 v14, $0x3;
	v10 =	vshll.u32 v10, v1;
	[tilespmem:s14+$0x40] =	vst v13;
	v13 =	vshll.u32 v15, v1  }
0x4c3: {  	[tilespmem:s14+$0xFFFFFF80] =	vst v5;
	v5 =	vshll.u32 v11, v1;
	v11 =	vshll.u32 v14, v1;
	v12 =	vld.idx.msk [tilespmem:v12+s6+$0x0], $0xffff;
	v13 =	vbroadcast v13, $0x0  }
0x4c4: {  	v10 =	vbroadcast v10, $0x0;
	v14 =	vmov s19;
	v4 =	vld.idx.msk [tilespmem:v4+s6+$0x0], $0xffff;
	[tilespmem:s14+$0xFFFFFFC0] =	vst v6;
	v5 =	vbroadcast v5, $0x0  }
0x4c5: {  	v16 =	vmov s18;
	v6 =	vbroadcast v11, $0x0;
	v15 =	vld.idx.msk [tilespmem:v7+s6+$0x0], $0xffff;
	[tilespmem:s14+$0x0] =	vst v9;
	v11 =	vor.u32 v0, v13  }
0x4c6: {  	v13 =	vor.u32 v0, v10;
	v7 =	vor.u32 v0, v5;
	v9 =	vld.idx.msk [tilespmem:v8+s6+$0x0], $0xffff;
	v5 =	vmov s17  }
.Ltmp13:
0x4c7: {  	v10 =	vmov s16;
	v8 =	vshrl.u32 v14, $0x3;
	v6 =	vor.u32 v0, v6;
	(pc) =	sbr.rel @p0 .LBB2_28-.Ltmp13, $4  }
0x4c8: {  	v14 =	vshrl.u32 v16, $0x3;
	v10 =	vshrl.u32 v10, $0x3;
	v5 =	vshrl.u32 v5, $0x3  }
0x4c9: {  	v8 =	vshll.u32 v8, v1;
	v14 =	vshll.u32 v14, v1;
	[tilespmem:s14+$0x50] =	vst v12;
	v12 =	vshll.u32 v10, v1  }
0x4ca: {  	v16 =	vshll.u32 v5, v1;
	v10 =	vbroadcast v8, $0x0;
	[tilespmem:s14+$0xFFFFFF90] =	vst v4;
	v8 =	vld.idx.msk [tilespmem:v11+s6+$0x0], $0xffff;
	v12 =	vbroadcast v12, $0x0  }
0x4cb: {  	s16 =	sadd.s32 $0x40, s16;
	v11 =	vbroadcast v14, $0x0;
	v4 =	vor.u32 v2, v3;
	v3 =	vbroadcast v16, $0x0;
	v5 =	vld.idx.msk [tilespmem:v13+s6+$0x0], $0xffff;
	[tilespmem:s14+$0xFFFFFFD0] =	vst v15  }
0x4cc: {  	_ =	sdelay $0x2  }
0x4cd: {  	v12 =	vor.u32 v2, v12  }
0x4ce: {  	v10 =	vor.u32 v2, v10;
	v7 =	vld.idx.msk [tilespmem:v7+s6+$0x0], $0xffff;
	[tilespmem:s14+$0x10] =	vst v9  }
0x4cf: {  	v9 =	vor.u32 v2, v11;
	v6 =	vld.idx.msk [tilespmem:v6+s6+$0x0], $0xffff  }
0x4d0: {  	s16 =	simm.s32 $0x30;
	s17 =	simm.s32 $0x0;
	s25 =	simm.s32 $0x20;
	v4 =	vld.idx.msk [tilespmem:v4+s6+$0x0], $0xffff;
	v3 =	vor.u32 v2, v3  }
0x4d1: {  	v11 =	vmov s16;
	v13 =	vmov s17;
	v14 =	vmov s25;
	s16 =	simm.s32 $0xC;
	s17 =	simm.s32 $0x1C;
	[tilespmem:s14+$0x60] =	vst v8  }
0x4d2: {  	s15 =	simm.s32 $0x10;
	v11 =	vshrl.u32 v11, $0x3;
	v15 =	vmov s16;
	v16 =	vmov s17;
	[tilespmem:s14+$0xFFFFFFA0] =	vst v5;
	v5 =	vld.idx.msk [tilespmem:v12+s6+$0x0], $0xffff  }
0x4d3: {  	s17 =	simm.s32 $0x64;
	v8 =	vmov s15;
	v15 =	vshrl.u32 v15, $0x3;
	v16 =	vshrl.u32 v16, $0x3;
	v10 =	vld.idx.msk [tilespmem:v10+s6+$0x0], $0xffff;
	[tilespmem:s14+$0xFFFFFFE0] =	vst v7  }
0x4d4: {  	v54 =	vmov s17;
	v8 =	vshrl.u32 v8, $0x3;
	v15 =	vshll.u32 v15, v1;
	v9 =	vld.idx.msk [tilespmem:v9+s6+$0x0], $0xffff;
	[tilespmem:s14+$0x20] =	vst v6  }
0x4d5: {  	s24 =	simm.s32 $0x28;
	v16 =	vshll.u32 v16, v1;
	v12 =	vshrl.u32 v13, $0x3;
	v7 =	vshll.u32 v11, v1;
	v3 =	vld.idx.msk [tilespmem:v3+s6+$0x0], $0xffff  }
0x4d6: {  	v8 =	vshll.u32 v8, v1;
	[tilespmem:s13+$0x30] =	vst v4;
	v13 =	vmov s24;
	v15 =	vbroadcast v15, $0x0  }
0x4d7: {  	s25 =	simm.s32 $0x38;
	v11 =	vshll.u32 v12, v1;
	v12 =	vshrl.u32 v14, $0x3;
	v6 =	vbroadcast v7, $0x0;
	[tilespmem:s14+$0x70] =	vst v5  }
0x4d8: {  	s24 =	simm.s32 $0x44;
	v8 =	vbroadcast v8, $0x0;
	v14 =	vmov s25;
	v13 =	vshrl.u32 v13, $0x3;
	[tilespmem:s14+$0xFFFFFFB0] =	vst v10  }
0x4d9: {  	s20 =	simm.s32 $0x24;
	v52 =	vmov s24;
	v7 =	vbroadcast v11, $0x0;
	v11 =	vshll.u32 v12, v1;
	[tilespmem:s14+$0xFFFFFFF0] =	vst v9  }
0x4da: {  	s19 =	simm.s32 $0x14;
	s25 =	simm.s32 $0x54;
	v12 =	vmov s20;
	v14 =	vshrl.u32 v14, $0x3;
	v13 =	vshll.u32 v13, v1;
	[tilespmem:s14+$0x30] =	vst v3  }
0x4db: {  	v15 =	vor.u32 v2, v15;
	v53 =	vmov s25;
	v4 =	vbroadcast v11, $0x0;
	[hbm4b:s0+s1] =	stream.linear.scatter [tilespmem:s9], [sflag:$0x4], $0xC000, $0x38;
	[tilespmem:$0x1E000] =	vst v63  }
0x4dc: {  	s18 =	simm.s32 $0x4;
	s20 =	simm.s32 $0x50;
	v6 =	vor.u32 v0, v6;
	v11 =	vmov s19;
	v8 =	vor.u32 v0, v8;
	_ =	swait.ge [sflag:s5], $0x3000  }
0x4dd: {  	s21 =	simm.s32 $0x34;
	v14 =	vshll.u32 v14, v1;
	s19 =	simm.s32 $0x2C;
	v13 =	vbroadcast v13, $0x0;
	v48 =	vmov s20;
	[sflag:s5] =	ssyncset.done $0x0  }
0x4de: {  	s20 =	simm.s32 $0x68;
	v7 =	vor.u32 v0, v7;
	v14 =	vbroadcast v14, $0x0;
	v17 =	vmov s19;
	s15 =	rddreg [dreg:$0x12];
	[sflag:s5] =	ssyncadd.s32 $0xFFFFD000  }
0x4df: {  	v57 =	vmov s20;
	v5 =	vmov s18;
	v10 =	vmov s21;
	[tilespmem:s6], [sflag:$0x2] =	stream.linear.gather [hbm4b:s15+s1], $0x3000, $0x38;
	[tilespmem:$0x1E000] =	vst v63  }
0x4e0: {  	v4 =	vor.u32 v0, v4;
	v17 =	vshrl.u32 v17, $0x3;
	v9 =	vshrl.u32 v10, $0x3;
	_ =	swait.ge [sflag:s10], $0xC000  }
0x4e1: {  	s23 =	simm.s32 $0x18;
	v5 =	vshrl.u32 v5, $0x3;
	v10 =	vshrl.u32 v11, $0x3;
	v3 =	vshll.u32 v9, v1;
	[sflag:s10] =	ssyncset.done $0x0  }
0x4e2: {  	s18 =	simm.s32 $0x3C;
	s21 =	simm.s32 $0x70;
	v11 =	vshrl.u32 v12, $0x3;
	v12 =	vmov s23;
	v3 =	vbroadcast v3, $0x0;
	[sflag:s10] =	ssyncadd.s32 $0xFFFF4000  }
0x4e3: {  	v14 =	vor.u32 v0, v14;
	v18 =	vmov s18;
	v49 =	vmov s21;
	v6 =	vld.idx.msk [tilespmem:v6+s1+$0x0], $0xffff  }
0x4e4: {  	s22 =	simm.s32 $0x8;
	v5 =	vshll.u32 v5, v1;
	v9 =	vshll.u32 v10, v1;
	v3 =	vor.u32 v2, v3  }
0x4e5: {  	s23 =	simm.s32 $0x60;
	v10 =	vshll.u32 v11, v1;
	v11 =	vmov s22;
	v12 =	vshrl.u32 v12, $0x3  }
0x4e6: {  	s18 =	simm.s32 $0x48;
	s21 =	simm.s32 $0x78;
	v18 =	vshrl.u32 v18, $0x3;
	v20 =	vmov s23;
	v5 =	vbroadcast v5, $0x0  }
0x4e7: {  	s13 =	simm.s32 $0x6080;
	v56 =	vmov s18;
	v58 =	vmov s21;
	v9 =	vbroadcast v9, $0x0;
	v7 =	vld.idx.msk [tilespmem:v7+s1+$0x0], $0xffff  }
0x4e8: {  	v10 =	vbroadcast v10, $0x0;
	v11 =	vshrl.u32 v11, $0x3;
	v5 =	vor.u32 v2, v5;
	v8 =	vld.idx.msk [tilespmem:v8+s1+$0x0], $0xffff;
	[tilespmem:s13+$0x40] =	vst v6  }
0x4e9: {  	v12 =	vshll.u32 v12, v1;
	v18 =	vshll.u32 v18, v1;
	v9 =	vor.u32 v2, v9;
	v3 =	vld.idx.msk [tilespmem:v3+s1+$0x0], $0xffff  }
0x4ea: {  	v11 =	vshll.u32 v11, v1;
	v12 =	vbroadcast v12, $0x0;
	v18 =	vbroadcast v18, $0x0;
	v19 =	vld.idx.msk [tilespmem:v4+s1+$0x0], $0xffff  }
0x4eb: {  	v51 =	vshrl.u32 v20, $0x3;
	v10 =	vor.u32 v2, v10;
	v11 =	vbroadcast v11, $0x0  }
0x4ec: {  	s22 =	simm.s32 $0x40;
	v59 =	vshrl.u32 v58, $0x3;
	v12 =	vor.u32 v0, v12;
	v47 =	vor.u32 v2, v18;
	[tilespmem:s13+$0xFFFFFF80] =	vst v7  }
0x4ed: {  	v18 =	vshrl.u32 v49, $0x3;
	v11 =	vor.u32 v0, v11;
	v7 =	vmov s22;
	[tilespmem:s13+$0xFFFFFFC0] =	vst v8;
	v5 =	vld.idx.msk [tilespmem:v5+s1+$0x0], $0xffff  }
0x4ee: {  	v50 =	vshll.u32 v18, v1;
	v4 =	vshll.u32 v17, v1;
	v7 =	vshrl.u32 v7, $0x3;
	v9 =	vld.idx.msk [tilespmem:v9+s1+$0x0], $0xffff;
	[tilespmem:s13+$0x50] =	vst v3  }
0x4ef: {  	v17 =	vbroadcast v50, $0x0;
	v8 =	vshrl.u32 v48, $0x3;
	[tilespmem:s13+$0x0] =	vst v19;
	v7 =	vshll.u32 v7, v1;
	v14 =	vld.idx.msk [tilespmem:v14+s1+$0x0], $0xffff  }
0x4f0: {  	v10 =	vld.idx.msk [tilespmem:v10+s1+$0x0], $0xffff;
	v3 =	vbroadcast v7, $0x0;
	v7 =	vshll.u32 v8, v1;
	v8 =	vshll.u32 v51, v1  }
0x4f1: {  	v6 =	vor.u32 v0, v13;
	v7 =	vbroadcast v7, $0x0;
	v8 =	vbroadcast v8, $0x0  }
0x4f2: {  	s16 =	simm.s32 $0x74;
	v18 =	vshrl.u32 v54, $0x3;
	v17 =	vor.u32 v0, v17;
	[tilespmem:s13+$0xFFFFFF90] =	vst v5;
	v3 =	vor.u32 v0, v3  }
0x4f3: {  	[tilespmem:s13+$0xFFFFFFD0] =	vst v9;
	v11 =	vld.idx.msk [tilespmem:v11+s1+$0x0], $0xffff;
	v5 =	vor.u32 v0, v7;
	v7 =	vor.u32 v0, v8;
	v8 =	vmov s16  }
0x4f4: {  	v60 =	vshll.u32 v59, v1;
	v55 =	vshll.u32 v18, v1;
	v12 =	vld.idx.msk [tilespmem:v12+s1+$0x0], $0xffff;
	v8 =	vshrl.u32 v8, $0x3;
	[tilespmem:s13+$0x60] =	vst v14  }
0x4f5: {  	v13 =	vbroadcast v16, $0x0;
	v9 =	vshrl.u32 v52, $0x3;
	[tilespmem:s13+$0x10] =	vst v10;
	v8 =	vshll.u32 v8, v1;
	v14 =	vld.idx.msk [tilespmem:v47+s1+$0x0], $0xffff  }
0x4f6: {  	v10 =	vshrl.u32 v53, $0x3;
	v6 =	vld.idx.msk [tilespmem:v6+s1+$0x0], $0xffff;
	v9 =	vshll.u32 v9, v1;
	v8 =	vbroadcast v8, $0x0  }
0x4f7: {  	v13 =	vor.u32 v2, v13;
	v17 =	vld.idx.msk [tilespmem:v17+s1+$0x0], $0xffff;
	v10 =	vshll.u32 v10, v1;
	v9 =	vbroadcast v9, $0x0  }
0x4f8: {  	s19 =	simm.s32 $0x58;
	v16 =	vbroadcast v55, $0x0;
	v10 =	vbroadcast v10, $0x0;
	[tilespmem:s13+$0xFFFFFFA0] =	vst v11;
	v3 =	vld.idx.msk [tilespmem:v3+s1+$0x0], $0xffff;
	v8 =	vor.u32 v2, v8  }
0x4f9: {  	v4 =	vbroadcast v4, $0x0;
	v9 =	vor.u32 v2, v9;
	v11 =	vmov s19;
	[tilespmem:s13+$0xFFFFFFE0] =	vst v12;
	v5 =	vld.idx.msk [tilespmem:v5+s1+$0x0], $0xffff  }
0x4fa: {  	v10 =	vor.u32 v2, v10;
	v12 =	vor.u32 v2, v16;
	v11 =	vshrl.u32 v11, $0x3;
	[tilespmem:s13+$0x70] =	vst v14;
	v14 =	vld.idx.msk [tilespmem:v7+s1+$0x0], $0xffff  }
0x4fb: {  	s14 =	simm.s32 $0x6180;
	[tilespmem:s13+$0x20] =	vst v6;
	v16 =	vbroadcast v60, $0x0;
	v6 =	vld.idx.msk [tilespmem:v15+s1+$0x0], $0xffff;
	v15 =	vshrl.u32 v56, $0x3;
	v11 =	vshll.u32 v11, v1  }
0x4fc: {  	s22 =	simm.s32 $0x4C;
	[tilespmem:s14+$0x40] =	vst v17;
	v13 =	vld.idx.msk [tilespmem:v13+s1+$0x0], $0xffff;
	v11 =	vbroadcast v11, $0x0;
	v7 =	vshll.u32 v15, v1;
	v15 =	vshrl.u32 v57, $0x3  }
0x4fd: {  	s23 =	simm.s32 $0x5C;
	[tilespmem:s14+$0xFFFFFF80] =	vst v3;
	v15 =	vshll.u32 v15, v1;
	v3 =	vld.idx.msk [tilespmem:v8+s1+$0x0], $0xffff;
	v7 =	vbroadcast v7, $0x0;
	v8 =	vmov s22  }
0x4fe: {  	s24 =	simm.s32 $0x6C;
	v61 =	vld.idx.msk [tilespmem:v9+s1+$0x0], $0xffff;
	[tilespmem:s14+$0xFFFFFFC0] =	vst v5;
	v5 =	vmov s23;
	v9 =	vbroadcast v15, $0x0;
	v15 =	vor.u32 v0, v16  }
0x4ff: {  	s25 =	simm.s32 $0x7C;
	v62 =	vld.idx.msk [tilespmem:v10+s1+$0x0], $0xffff;
	v10 =	vmov s24;
	v8 =	vshrl.u32 v8, $0x3;
	v63 =	vor.u32 v0, v7;
	[tilespmem:s14+$0x0] =	vst v14  }
0x500: {  	[tilespmem:s13+$0xFFFFFFB0] =	vst v6;
	v7 =	vor.u32 v0, v11;
	v11 =	vmov s25;
	v6 =	vor.u32 v0, v9;
	v9 =	vld.idx.msk [tilespmem:v12+s1+$0x0], $0xffff  }
0x501: {  	[tilespmem:s13+$0xFFFFFFF0] =	vst v13;
	v5 =	vshrl.u32 v5, $0x3;
	v12 =	vshrl.u32 v10, $0x3;
	v10 =	vshrl.u32 v11, $0x3  }
0x502: {  	v8 =	vshll.u32 v8, v1;
	v11 =	vshll.u32 v5, v1;
	[tilespmem:s14+$0x50] =	vst v3;
	v3 =	vshll.u32 v10, v1  }
0x503: {  	[tilespmem:s14+$0xFFFFFF90] =	vst v61;
	v10 =	vbroadcast v8, $0x0;
	v13 =	vshll.u32 v12, v1;
	v8 =	vld.idx.msk [tilespmem:v15+s1+$0x0], $0xffff;
	v12 =	vbroadcast v3, $0x0  }
0x504: {  	s15 =	simm.s32 $0x10;
	v4 =	vor.u32 v2, v4;
	s16 =	simm.s32 $0xBC;
	[tilespmem:s14+$0xFFFFFFD0] =	vst v62;
	v11 =	vbroadcast v11, $0x0;
	v5 =	vld.idx.msk [tilespmem:v63+s1+$0x0], $0xffff;
	v3 =	vbroadcast v13, $0x0  }
.LBB2_30:
0x505: {  	s17 =	sadd.s32 $0xFFFFFFD4, s16;
	s18 =	sadd.s32 $0xFFFFFFF4, s16;
	s15 =	sadd.s32 $0x10, s15;
	v10 =	vor.u32 v2, v10;
	v7 =	vld.idx.msk [tilespmem:v7+s1+$0x0], $0xffff;
	[tilespmem:s14+$0x10] =	vst v9;
	v9 =	vor.u32 v2, v12  }
0x506: {  	s19 =	sadd.s32 $0xFFFFFFC4, s16;
	v12 =	vmov s17;
	s17 =	sadd.s32 $0xFFFFFFE4, s16;
	v13 =	vmov s18;
	p0 =	slt.u32 s15, $0xBF0;
	v11 =	vor.u32 v2, v11;
	v6 =	vld.idx.msk [tilespmem:v6+s1+$0x0], $0xffff  }
0x507: {  	s22 =	sadd.s32 $0xFFFFFFC8, s16;
	s23 =	sadd.s32 $0xFFFFFFD8, s16;
	s24 =	sadd.s32 $0xFFFFFFE8, s16;
	v14 =	vmov s19;
	v15 =	vmov s17;
	v13 =	vshrl.u32 v13, $0x3  }
0x508: {  	s25 =	sadd.s32 $0xFFFFFFCC, s16;
	s21 =	sadd.s32 $0xFFFFFFDC, s16;
	s20 =	sadd.s32 $0xFFFFFFEC, s16;
	v14 =	vshrl.u32 v14, $0x3;
	v12 =	vshrl.u32 v12, $0x3;
	v13 =	vshll.u32 v13, v1  }
0x509: {  	s19 =	sadd.s32 $0xFFFFFFD0, s16;
	s18 =	sadd.s32 $0xFFFFFFE0, s16;
	s17 =	sadd.s32 $0xFFFFFFF0, s16;
	v14 =	vshll.u32 v14, v1;
	v15 =	vshrl.u32 v15, $0x3;
	v13 =	vbroadcast v13, $0x0;
	[tilespmem:s14+$0x60] =	vst v8;
	v4 =	vld.idx.msk [tilespmem:v4+s1+$0x0], $0xffff  }
0x50a: {  	v12 =	vshll.u32 v12, v1;
	v8 =	vbroadcast v14, $0x0;
	v14 =	vshll.u32 v15, v1;
	[tilespmem:s14+$0xFFFFFFA0] =	vst v5;
	v5 =	vld.idx.msk [tilespmem:v9+s1+$0x0], $0xffff  }
0x50b: {  	v9 =	vbroadcast v12, $0x0;
	v12 =	vbroadcast v14, $0x0;
	v13 =	vor.u32 v0, v13;
	v10 =	vld.idx.msk [tilespmem:v10+s1+$0x0], $0xffff;
	[tilespmem:s14+$0xFFFFFFE0] =	vst v7  }
0x50c: {  	v14 =	vmov s23;
	v7 =	vor.u32 v0, v8;
	v8 =	vmov s22;
	s22 =	sadd.s32 $0xFFFFFFF8, s16;
	v11 =	vld.idx.msk [tilespmem:v11+s1+$0x0], $0xffff;
	[tilespmem:s14+$0x20] =	vst v6  }
0x50d: {  	v6 =	vor.u32 v0, v9;
	v9 =	vor.u32 v0, v12;
	v12 =	vmov s22  }
0x50e: {  	v15 =	vmov s24;
	v8 =	vshrl.u32 v8, $0x3;
	v12 =	vshrl.u32 v12, $0x3  }
0x50f: {  	v15 =	vshrl.u32 v15, $0x3;
	v14 =	vshrl.u32 v14, $0x3;
	v12 =	vshll.u32 v12, v1;
	[tilespmem:s13+$0x30] =	vst v4;
	s13 =	smov.u32 s14  }
0x510: {  	v4 =	vshll.u32 v8, v1;
	v8 =	vshll.u32 v14, v1;
	v12 =	vbroadcast v12, $0x0;
	v13 =	vld.idx.msk [tilespmem:v13+s1+$0x0], $0xffff;
	[tilespmem:s14+$0x70] =	vst v5  }
0x511: {  	v4 =	vbroadcast v4, $0x0;
	v5 =	vld.idx.msk [tilespmem:v7+s1+$0x0], $0xffff;
	v7 =	vbroadcast v8, $0x0;
	v8 =	vshll.u32 v15, v1;
	[tilespmem:s14+$0xFFFFFFB0] =	vst v10  }
0x512: {  	v10 =	vmov s25;
	v12 =	vor.u32 v2, v12;
	v6 =	vld.idx.msk [tilespmem:v6+s1+$0x0], $0xffff;
	v8 =	vbroadcast v8, $0x0;
	[tilespmem:s14+$0xFFFFFFF0] =	vst v11  }
0x513: {  	v4 =	vor.u32 v2, v4;
	v11 =	vmov s21;
	s21 =	sadd.s32 $0xFFFFFFFC, s16;
	v7 =	vor.u32 v2, v7;
	v9 =	vld.idx.msk [tilespmem:v9+s1+$0x0], $0xffff  }
0x514: {  	v14 =	vmov s20;
	v15 =	vmov s21;
	v8 =	vor.u32 v2, v8  }
0x515: {  	v10 =	vshrl.u32 v10, $0x3;
	s14 =	sadd.s32 $0x100, s14;
	v11 =	vshrl.u32 v11, $0x3;
	v15 =	vshrl.u32 v15, $0x3  }
0x516: {  	v14 =	vshrl.u32 v14, $0x3;
	v10 =	vshll.u32 v10, v1;
	[tilespmem:s14+$0x40] =	vst v13;
	v13 =	vshll.u32 v15, v1  }
0x517: {  	[tilespmem:s14+$0xFFFFFF80] =	vst v5;
	v5 =	vshll.u32 v11, v1;
	v11 =	vshll.u32 v14, v1;
	v12 =	vld.idx.msk [tilespmem:v12+s1+$0x0], $0xffff;
	v13 =	vbroadcast v13, $0x0  }
0x518: {  	v10 =	vbroadcast v10, $0x0;
	v14 =	vmov s19;
	v4 =	vld.idx.msk [tilespmem:v4+s1+$0x0], $0xffff;
	[tilespmem:s14+$0xFFFFFFC0] =	vst v6;
	v5 =	vbroadcast v5, $0x0  }
0x519: {  	v16 =	vmov s18;
	v6 =	vbroadcast v11, $0x0;
	v15 =	vld.idx.msk [tilespmem:v7+s1+$0x0], $0xffff;
	[tilespmem:s14+$0x0] =	vst v9;
	v11 =	vor.u32 v0, v13  }
0x51a: {  	v13 =	vor.u32 v0, v10;
	v7 =	vor.u32 v0, v5;
	v9 =	vld.idx.msk [tilespmem:v8+s1+$0x0], $0xffff;
	v5 =	vmov s17  }
.Ltmp14:
0x51b: {  	v10 =	vmov s16;
	v8 =	vshrl.u32 v14, $0x3;
	v6 =	vor.u32 v0, v6;
	(pc) =	sbr.rel @p0 .LBB2_30-.Ltmp14, $4  }
0x51c: {  	v14 =	vshrl.u32 v16, $0x3;
	v10 =	vshrl.u32 v10, $0x3;
	v5 =	vshrl.u32 v5, $0x3  }
0x51d: {  	v8 =	vshll.u32 v8, v1;
	v14 =	vshll.u32 v14, v1;
	[tilespmem:s14+$0x50] =	vst v12;
	v12 =	vshll.u32 v10, v1  }
0x51e: {  	v16 =	vshll.u32 v5, v1;
	v10 =	vbroadcast v8, $0x0;
	[tilespmem:s14+$0xFFFFFF90] =	vst v4;
	v8 =	vld.idx.msk [tilespmem:v11+s1+$0x0], $0xffff;
	v12 =	vbroadcast v12, $0x0  }
0x51f: {  	s16 =	sadd.s32 $0x40, s16;
	v11 =	vbroadcast v14, $0x0;
	v4 =	vor.u32 v2, v3;
	v3 =	vbroadcast v16, $0x0;
	v5 =	vld.idx.msk [tilespmem:v13+s1+$0x0], $0xffff;
	[tilespmem:s14+$0xFFFFFFD0] =	vst v15  }
0x520: {  	_ =	sdelay $0x2  }
0x521: {  	v12 =	vor.u32 v2, v12  }
0x522: {  	v10 =	vor.u32 v2, v10;
	v7 =	vld.idx.msk [tilespmem:v7+s1+$0x0], $0xffff;
	[tilespmem:s14+$0x10] =	vst v9  }
0x523: {  	s16 =	simm.s32 $0x30;
	s17 =	simm.s32 $0x0;
	s18 =	simm.s32 $0x20;
	v9 =	vor.u32 v2, v11;
	v6 =	vld.idx.msk [tilespmem:v6+s1+$0x0], $0xffff;
	v3 =	vor.u32 v2, v3  }
0x524: {  	v11 =	vmov s16;
	v13 =	vmov s17;
	v14 =	vmov s18;
	s16 =	simm.s32 $0xC;
	s17 =	simm.s32 $0x1C  }
0x525: {  	s15 =	simm.s32 $0x10;
	v4 =	vld.idx.msk [tilespmem:v4+s1+$0x0], $0xffff;
	s18 =	simm.s32 $0x3C;
	v11 =	vshrl.u32 v11, $0x3;
	v15 =	vmov s16;
	v16 =	vmov s17;
	[tilespmem:s14+$0x60] =	vst v8  }
0x526: {  	v18 =	vmov s18;
	s17 =	simm.s32 $0x64;
	v8 =	vmov s15;
	v15 =	vshrl.u32 v15, $0x3;
	[tilespmem:s14+$0xFFFFFFA0] =	vst v5;
	v5 =	vld.idx.msk [tilespmem:v12+s1+$0x0], $0xffff  }
0x527: {  	s18 =	simm.s32 $0x48;
	v16 =	vshrl.u32 v16, $0x3;
	v18 =	vshrl.u32 v18, $0x3;
	v54 =	vmov s17;
	v10 =	vld.idx.msk [tilespmem:v10+s1+$0x0], $0xffff;
	[tilespmem:s14+$0xFFFFFFE0] =	vst v7  }
0x528: {  	v56 =	vmov s18;
	v8 =	vshrl.u32 v8, $0x3;
	v15 =	vshll.u32 v15, v1;
	v9 =	vld.idx.msk [tilespmem:v9+s1+$0x0], $0xffff;
	[tilespmem:s14+$0x20] =	vst v6  }
0x529: {  	s25 =	simm.s32 $0x28;
	v18 =	vshll.u32 v18, v1;
	v16 =	vshll.u32 v16, v1;
	v12 =	vshrl.u32 v13, $0x3;
	v3 =	vld.idx.msk [tilespmem:v3+s1+$0x0], $0xffff  }
0x52a: {  	v7 =	vshll.u32 v11, v1;
	v8 =	vshll.u32 v8, v1;
	[tilespmem:s13+$0x30] =	vst v4;
	v13 =	vmov s25  }
0x52b: {  	v15 =	vbroadcast v15, $0x0;
	v18 =	vbroadcast v18, $0x0;
	v11 =	vshll.u32 v12, v1;
	[tilespmem:s14+$0x70] =	vst v5  }
0x52c: {  	s15 =	simm.s32 $0x38;
	s25 =	simm.s32 $0x54;
	v12 =	vshrl.u32 v14, $0x3;
	v6 =	vbroadcast v7, $0x0;
	v8 =	vbroadcast v8, $0x0;
	[tilespmem:s14+$0xFFFFFFB0] =	vst v10  }
0x52d: {  	s21 =	simm.s32 $0x24;
	v14 =	vmov s15;
	v13 =	vshrl.u32 v13, $0x3;
	v53 =	vmov s25;
	[tilespmem:s14+$0xFFFFFFF0] =	vst v9  }
0x52e: {  	v7 =	vbroadcast v11, $0x0;
	v11 =	vshll.u32 v12, v1;
	v12 =	vmov s21;
	[tilespmem:s14+$0x30] =	vst v3  }
0x52f: {  	v14 =	vshrl.u32 v14, $0x3;
	v13 =	vshll.u32 v13, v1;
	v15 =	vor.u32 v2, v15;
	[hbm4b:s2+s1] =	stream.linear.scatter [tilespmem:s7], [sflag:$0x3], $0xC000, $0x38;
	[tilespmem:$0x1E000] =	vst v63  }
0x530: {  	s20 =	simm.s32 $0x14;
	v47 =	vor.u32 v2, v18;
	v4 =	vbroadcast v11, $0x0;
	v6 =	vor.u32 v0, v6;
	_ =	swait.ge [sflag:s8], $0x3000  }
0x531: {  	s22 =	simm.s32 $0x34;
	s21 =	simm.s32 $0x70;
	v11 =	vmov s20;
	v8 =	vor.u32 v0, v8;
	v14 =	vshll.u32 v14, v1;
	[sflag:s8] =	ssyncset.done $0x0  }
0x532: {  	v13 =	vbroadcast v13, $0x0;
	v49 =	vmov s21;
	v10 =	vmov s22;
	[sflag:s8] =	ssyncadd.s32 $0xFFFFD000  }
0x533: {  	s20 =	simm.s32 $0x50;
	v7 =	vor.u32 v0, v7;
	v14 =	vbroadcast v14, $0x0;
	v9 =	vshrl.u32 v10, $0x3;
	_ =	swait.ge [sflag:s11], $0xC000  }
0x534: {  	s19 =	simm.s32 $0x4;
	v48 =	vmov s20;
	v18 =	vshrl.u32 v49, $0x3;
	v3 =	vshll.u32 v9, v1;
	[sflag:s11] =	ssyncset.done $0x0  }
0x535: {  	s21 =	simm.s32 $0x78;
	v5 =	vmov s19;
	v4 =	vor.u32 v0, v4;
	v3 =	vbroadcast v3, $0x0;
	[sflag:s11] =	ssyncadd.s32 $0xFFFF4000  }
0x536: {  	v58 =	vmov s21;
	v5 =	vshrl.u32 v5, $0x3;
	v10 =	vshrl.u32 v11, $0x3;
	v6 =	vld.idx.msk [tilespmem:v6+s6+$0x0], $0xffff  }
0x537: {  	v11 =	vshrl.u32 v12, $0x3;
	v5 =	vshll.u32 v5, v1;
	v3 =	vor.u32 v2, v3  }
0x538: {  	v9 =	vshll.u32 v10, v1;
	v10 =	vshll.u32 v11, v1;
	v5 =	vbroadcast v5, $0x0  }
0x539: {  	s24 =	simm.s32 $0x18;
	v50 =	vshll.u32 v18, v1;
	v18 =	vshrl.u32 v54, $0x3;
	v10 =	vbroadcast v10, $0x0;
	v7 =	vld.idx.msk [tilespmem:v7+s6+$0x0], $0xffff  }
0x53a: {  	s23 =	simm.s32 $0x8;
	s13 =	simm.s32 $0x12080;
	v12 =	vmov s24;
	v9 =	vbroadcast v9, $0x0;
	v5 =	vor.u32 v2, v5;
	v19 =	vld.idx.msk [tilespmem:v4+s6+$0x0], $0xffff  }
0x53b: {  	v14 =	vor.u32 v0, v14;
	v11 =	vmov s23;
	v10 =	vor.u32 v2, v10;
	v8 =	vld.idx.msk [tilespmem:v8+s6+$0x0], $0xffff;
	[tilespmem:s13+$0x40] =	vst v6  }
0x53c: {  	s19 =	simm.s32 $0x2C;
	v12 =	vshrl.u32 v12, $0x3;
	v11 =	vshrl.u32 v11, $0x3;
	v9 =	vor.u32 v2, v9;
	v3 =	vld.idx.msk [tilespmem:v3+s6+$0x0], $0xffff  }
0x53d: {  	v17 =	vmov s19;
	s23 =	simm.s32 $0x60;
	v12 =	vshll.u32 v12, v1;
	v11 =	vshll.u32 v11, v1  }
0x53e: {  	s20 =	simm.s32 $0x68;
	v20 =	vmov s23;
	v12 =	vbroadcast v12, $0x0;
	v11 =	vbroadcast v11, $0x0;
	[tilespmem:s13+$0xFFFFFF80] =	vst v7  }
0x53f: {  	s22 =	simm.s32 $0x40;
	v57 =	vmov s20;
	v17 =	vshrl.u32 v17, $0x3;
	v51 =	vshrl.u32 v20, $0x3;
	[tilespmem:s13+$0x0] =	vst v19;
	v5 =	vld.idx.msk [tilespmem:v5+s6+$0x0], $0xffff  }
0x540: {  	v12 =	vor.u32 v0, v12;
	v11 =	vor.u32 v0, v11;
	v7 =	vmov s22;
	[tilespmem:s13+$0xFFFFFFC0] =	vst v8;
	v10 =	vld.idx.msk [tilespmem:v10+s6+$0x0], $0xffff  }
0x541: {  	v4 =	vshll.u32 v17, v1;
	v6 =	vor.u32 v0, v13;
	v7 =	vshrl.u32 v7, $0x3;
	v9 =	vld.idx.msk [tilespmem:v9+s6+$0x0], $0xffff;
	[tilespmem:s13+$0x50] =	vst v3  }
0x542: {  	v17 =	vbroadcast v50, $0x0;
	v8 =	vshrl.u32 v48, $0x3;
	v7 =	vshll.u32 v7, v1;
	v14 =	vld.idx.msk [tilespmem:v14+s6+$0x0], $0xffff  }
0x543: {  	v3 =	vbroadcast v7, $0x0;
	v7 =	vshll.u32 v8, v1;
	v8 =	vshll.u32 v51, v1  }
0x544: {  	v17 =	vor.u32 v0, v17;
	[tilespmem:s13+$0xFFFFFF90] =	vst v5;
	v7 =	vbroadcast v7, $0x0;
	v8 =	vbroadcast v8, $0x0  }
0x545: {  	s16 =	simm.s32 $0x74;
	v59 =	vshrl.u32 v58, $0x3;
	v13 =	vbroadcast v16, $0x0;
	[tilespmem:s13+$0x10] =	vst v10;
	v11 =	vld.idx.msk [tilespmem:v11+s6+$0x0], $0xffff;
	v3 =	vor.u32 v0, v3  }
0x546: {  	s24 =	simm.s32 $0x44;
	[tilespmem:s13+$0xFFFFFFD0] =	vst v9;
	v6 =	vld.idx.msk [tilespmem:v6+s6+$0x0], $0xffff;
	v5 =	vor.u32 v0, v7;
	v7 =	vor.u32 v0, v8;
	v8 =	vmov s16  }
0x547: {  	v55 =	vshll.u32 v18, v1;
	v52 =	vmov s24;
	v12 =	vld.idx.msk [tilespmem:v12+s6+$0x0], $0xffff;
	v8 =	vshrl.u32 v8, $0x3;
	[tilespmem:s13+$0x60] =	vst v14  }
0x548: {  	v13 =	vor.u32 v2, v13;
	v9 =	vshrl.u32 v52, $0x3;
	v8 =	vshll.u32 v8, v1;
	v14 =	vld.idx.msk [tilespmem:v47+s6+$0x0], $0xffff  }
0x549: {  	v17 =	vld.idx.msk [tilespmem:v17+s6+$0x0], $0xffff;
	v10 =	vshrl.u32 v53, $0x3;
	v9 =	vshll.u32 v9, v1;
	v8 =	vbroadcast v8, $0x0  }
0x54a: {  	v60 =	vshll.u32 v59, v1;
	v10 =	vshll.u32 v10, v1;
	v9 =	vbroadcast v9, $0x0;
	[tilespmem:s13+$0xFFFFFFA0] =	vst v11;
	v3 =	vld.idx.msk [tilespmem:v3+s6+$0x0], $0xffff  }
0x54b: {  	s23 =	simm.s32 $0x5C;
	v16 =	vbroadcast v55, $0x0;
	v10 =	vbroadcast v10, $0x0;
	[tilespmem:s13+$0x20] =	vst v6;
	v6 =	vld.idx.msk [tilespmem:v15+s6+$0x0], $0xffff;
	v8 =	vor.u32 v2, v8  }
0x54c: {  	s19 =	simm.s32 $0x58;
	v62 =	vmov s23;
	v4 =	vbroadcast v4, $0x0;
	v9 =	vor.u32 v2, v9;
	[tilespmem:s13+$0xFFFFFFE0] =	vst v12;
	v5 =	vld.idx.msk [tilespmem:v5+s6+$0x0], $0xffff  }
0x54d: {  	s14 =	simm.s32 $0x12180;
	v10 =	vor.u32 v2, v10;
	v11 =	vmov s19;
	v12 =	vor.u32 v2, v16;
	[tilespmem:s13+$0x70] =	vst v14;
	v14 =	vld.idx.msk [tilespmem:v7+s6+$0x0], $0xffff  }
0x54e: {  	[tilespmem:s14+$0x40] =	vst v17;
	v16 =	vbroadcast v60, $0x0;
	v15 =	vshrl.u32 v56, $0x3;
	v11 =	vshrl.u32 v11, $0x3;
	v13 =	vld.idx.msk [tilespmem:v13+s6+$0x0], $0xffff  }
0x54f: {  	v11 =	vshll.u32 v11, v1;
	v7 =	vshll.u32 v15, v1;
	v15 =	vshrl.u32 v57, $0x3;
	[tilespmem:s14+$0xFFFFFF80] =	vst v3  }
0x550: {  	s22 =	simm.s32 $0x4C;
	v11 =	vbroadcast v11, $0x0;
	[tilespmem:s13+$0xFFFFFFB0] =	vst v6;
	v15 =	vshll.u32 v15, v1;
	v3 =	vld.idx.msk [tilespmem:v8+s6+$0x0], $0xffff;
	v7 =	vbroadcast v7, $0x0  }
0x551: {  	s24 =	simm.s32 $0x6C;
	v8 =	vmov s22;
	v61 =	vld.idx.msk [tilespmem:v9+s6+$0x0], $0xffff;
	[tilespmem:s14+$0xFFFFFFC0] =	vst v5;
	v5 =	vbroadcast v15, $0x0;
	v15 =	vor.u32 v0, v16  }
0x552: {  	s25 =	simm.s32 $0x7C;
	v63 =	vld.idx.msk [tilespmem:v10+s6+$0x0], $0xffff;
	v10 =	vmov s24;
	v8 =	vshrl.u32 v8, $0x3;
	v6 =	vor.u32 v0, v7;
	[tilespmem:s14+$0x0] =	vst v14  }
0x553: {  	[tilespmem:s13+$0xFFFFFFF0] =	vst v13;
	v7 =	vor.u32 v0, v11;
	v11 =	vmov s25;
	v13 =	vshrl.u32 v10, $0x3;
	v9 =	vld.idx.msk [tilespmem:v12+s6+$0x0], $0xffff  }
0x554: {  	v8 =	vshll.u32 v8, v1;
	v5 =	vor.u32 v0, v5;
	v10 =	vshrl.u32 v11, $0x3  }
0x555: {  	v13 =	vshll.u32 v13, v1;
	v12 =	vshrl.u32 v62, $0x3;
	[tilespmem:s14+$0x50] =	vst v3;
	v3 =	vshll.u32 v10, v1  }
0x556: {  	[tilespmem:s14+$0xFFFFFF90] =	vst v61;
	v10 =	vbroadcast v8, $0x0;
	v11 =	vshll.u32 v12, v1;
	v8 =	vld.idx.msk [tilespmem:v15+s6+$0x0], $0xffff;
	v12 =	vbroadcast v3, $0x0  }
0x557: {  	s15 =	simm.s32 $0x10;
	v4 =	vor.u32 v2, v4;
	s16 =	simm.s32 $0xBC;
	[tilespmem:s14+$0xFFFFFFD0] =	vst v63;
	v3 =	vbroadcast v13, $0x0;
	v6 =	vld.idx.msk [tilespmem:v6+s6+$0x0], $0xffff;
	v11 =	vbroadcast v11, $0x0  }
.LBB2_32:
0x558: {  	s17 =	sadd.s32 $0xFFFFFFD4, s16;
	s18 =	sadd.s32 $0xFFFFFFF4, s16;
	s15 =	sadd.s32 $0x10, s15;
	v10 =	vor.u32 v2, v10;
	v7 =	vld.idx.msk [tilespmem:v7+s6+$0x0], $0xffff;
	[tilespmem:s14+$0x10] =	vst v9;
	v9 =	vor.u32 v2, v12  }
0x559: {  	s19 =	sadd.s32 $0xFFFFFFC4, s16;
	v12 =	vmov s17;
	s17 =	sadd.s32 $0xFFFFFFE4, s16;
	v13 =	vmov s18;
	p0 =	slt.u32 s15, $0xBF0;
	v11 =	vor.u32 v2, v11;
	v5 =	vld.idx.msk [tilespmem:v5+s6+$0x0], $0xffff  }
0x55a: {  	s22 =	sadd.s32 $0xFFFFFFC8, s16;
	s23 =	sadd.s32 $0xFFFFFFD8, s16;
	s24 =	sadd.s32 $0xFFFFFFE8, s16;
	v14 =	vmov s19;
	v15 =	vmov s17;
	v13 =	vshrl.u32 v13, $0x3  }
0x55b: {  	s25 =	sadd.s32 $0xFFFFFFCC, s16;
	s21 =	sadd.s32 $0xFFFFFFDC, s16;
	s20 =	sadd.s32 $0xFFFFFFEC, s16;
	v14 =	vshrl.u32 v14, $0x3;
	v12 =	vshrl.u32 v12, $0x3;
	v13 =	vshll.u32 v13, v1  }
0x55c: {  	s19 =	sadd.s32 $0xFFFFFFD0, s16;
	s18 =	sadd.s32 $0xFFFFFFE0, s16;
	s17 =	sadd.s32 $0xFFFFFFF0, s16;
	v14 =	vshll.u32 v14, v1;
	v15 =	vshrl.u32 v15, $0x3;
	v13 =	vbroadcast v13, $0x0;
	[tilespmem:s14+$0x60] =	vst v8;
	v4 =	vld.idx.msk [tilespmem:v4+s6+$0x0], $0xffff  }
0x55d: {  	v12 =	vshll.u32 v12, v1;
	v8 =	vbroadcast v14, $0x0;
	v14 =	vshll.u32 v15, v1;
	[tilespmem:s14+$0xFFFFFFA0] =	vst v6;
	v6 =	vld.idx.msk [tilespmem:v9+s6+$0x0], $0xffff  }
0x55e: {  	v9 =	vbroadcast v12, $0x0;
	v12 =	vbroadcast v14, $0x0;
	v13 =	vor.u32 v0, v13;
	v10 =	vld.idx.msk [tilespmem:v10+s6+$0x0], $0xffff;
	[tilespmem:s14+$0xFFFFFFE0] =	vst v7  }
0x55f: {  	v14 =	vmov s23;
	v7 =	vor.u32 v0, v8;
	v8 =	vmov s22;
	s22 =	sadd.s32 $0xFFFFFFF8, s16;
	v11 =	vld.idx.msk [tilespmem:v11+s6+$0x0], $0xffff;
	[tilespmem:s14+$0x20] =	vst v5  }
0x560: {  	v5 =	vor.u32 v0, v9;
	v9 =	vor.u32 v0, v12;
	v12 =	vmov s22  }
0x561: {  	v15 =	vmov s24;
	v8 =	vshrl.u32 v8, $0x3;
	v12 =	vshrl.u32 v12, $0x3  }
0x562: {  	v15 =	vshrl.u32 v15, $0x3;
	v14 =	vshrl.u32 v14, $0x3;
	v12 =	vshll.u32 v12, v1;
	[tilespmem:s13+$0x30] =	vst v4;
	s13 =	smov.u32 s14  }
0x563: {  	v4 =	vshll.u32 v8, v1;
	v8 =	vshll.u32 v14, v1;
	v12 =	vbroadcast v12, $0x0;
	v13 =	vld.idx.msk [tilespmem:v13+s6+$0x0], $0xffff;
	[tilespmem:s14+$0x70] =	vst v6  }
0x564: {  	v4 =	vbroadcast v4, $0x0;
	v6 =	vld.idx.msk [tilespmem:v7+s6+$0x0], $0xffff;
	v7 =	vbroadcast v8, $0x0;
	v8 =	vshll.u32 v15, v1;
	[tilespmem:s14+$0xFFFFFFB0] =	vst v10  }
0x565: {  	v10 =	vmov s25;
	v12 =	vor.u32 v2, v12;
	v5 =	vld.idx.msk [tilespmem:v5+s6+$0x0], $0xffff;
	v8 =	vbroadcast v8, $0x0;
	[tilespmem:s14+$0xFFFFFFF0] =	vst v11  }
0x566: {  	v4 =	vor.u32 v2, v4;
	v11 =	vmov s21;
	s21 =	sadd.s32 $0xFFFFFFFC, s16;
	v7 =	vor.u32 v2, v7;
	v9 =	vld.idx.msk [tilespmem:v9+s6+$0x0], $0xffff  }
0x567: {  	v14 =	vmov s20;
	v15 =	vmov s21;
	v8 =	vor.u32 v2, v8  }
0x568: {  	v10 =	vshrl.u32 v10, $0x3;
	s14 =	sadd.s32 $0x100, s14;
	v11 =	vshrl.u32 v11, $0x3;
	v15 =	vshrl.u32 v15, $0x3  }
0x569: {  	v14 =	vshrl.u32 v14, $0x3;
	v10 =	vshll.u32 v10, v1;
	[tilespmem:s14+$0x40] =	vst v13;
	v13 =	vshll.u32 v15, v1  }
0x56a: {  	[tilespmem:s14+$0xFFFFFF80] =	vst v6;
	v6 =	vshll.u32 v11, v1;
	v11 =	vshll.u32 v14, v1;
	v12 =	vld.idx.msk [tilespmem:v12+s6+$0x0], $0xffff;
	v13 =	vbroadcast v13, $0x0  }
0x56b: {  	v10 =	vbroadcast v10, $0x0;
	v14 =	vmov s19;
	v4 =	vld.idx.msk [tilespmem:v4+s6+$0x0], $0xffff;
	[tilespmem:s14+$0xFFFFFFC0] =	vst v5;
	v5 =	vbroadcast v6, $0x0  }
0x56c: {  	v6 =	vmov s18;
	v11 =	vbroadcast v11, $0x0;
	v15 =	vld.idx.msk [tilespmem:v7+s6+$0x0], $0xffff;
	[tilespmem:s14+$0x0] =	vst v9;
	v13 =	vor.u32 v0, v13  }
0x56d: {  	v16 =	vor.u32 v0, v10;
	v7 =	vor.u32 v0, v5;
	v9 =	vld.idx.msk [tilespmem:v8+s6+$0x0], $0xffff;
	v8 =	vmov s17  }
.Ltmp15:
0x56e: {  	v10 =	vshrl.u32 v14, $0x3;
	v5 =	vor.u32 v0, v11;
	v11 =	vmov s16;
	(pc) =	sbr.rel @p0 .LBB2_32-.Ltmp15, $4  }
0x56f: {  	v6 =	vshrl.u32 v6, $0x3;
	v8 =	vshrl.u32 v8, $0x3;
	v11 =	vshrl.u32 v11, $0x3  }
0x570: {  	v10 =	vshll.u32 v10, v1;
	v14 =	vshll.u32 v6, v1;
	v6 =	vshll.u32 v11, v1;
	[tilespmem:s14+$0x50] =	vst v12  }
0x571: {  	v10 =	vbroadcast v10, $0x0;
	v17 =	vshll.u32 v8, v1;
	v12 =	vbroadcast v6, $0x0;
	[tilespmem:s14+$0xFFFFFF90] =	vst v4;
	v8 =	vld.idx.msk [tilespmem:v13+s6+$0x0], $0xffff  }
0x572: {  	s16 =	sadd.s32 $0x40, s16;
	v11 =	vbroadcast v14, $0x0;
	v4 =	vor.u32 v2, v3;
	v3 =	vbroadcast v17, $0x0;
	v6 =	vld.idx.msk [tilespmem:v16+s6+$0x0], $0xffff;
	[tilespmem:s14+$0xFFFFFFD0] =	vst v15  }
0x573: {  	_ =	sdelay $0x2  }
0x574: {  	v12 =	vor.u32 v2, v12  }
0x575: {  	v10 =	vor.u32 v2, v10;
	v7 =	vld.idx.msk [tilespmem:v7+s6+$0x0], $0xffff;
	[tilespmem:s14+$0x10] =	vst v9  }
0x576: {  	v61 =	vor.u32 v2, v11;
	v5 =	vld.idx.msk [tilespmem:v5+s6+$0x0], $0xffff  }
0x577: {  	v3 =	vor.u32 v2, v3  }
0x578: {  	v4 =	vld.idx.msk [tilespmem:v4+s6+$0x0], $0xffff;
	[tilespmem:s14+$0x60] =	vst v8  }
0x579: {  	[tilespmem:s14+$0xFFFFFFA0] =	vst v6;
	v62 =	vld.idx.msk [tilespmem:v12+s6+$0x0], $0xffff  }
0x57a: {  	v63 =	vld.idx.msk [tilespmem:v10+s6+$0x0], $0xffff;
	[tilespmem:s14+$0xFFFFFFE0] =	vst v7  }
0x57b: {  	v7 =	vld.idx.msk [tilespmem:v61+s6+$0x0], $0xffff;
	[tilespmem:s14+$0x20] =	vst v5  }
0x57c: {  	v3 =	vld.idx.msk [tilespmem:v3+s6+$0x0], $0xffff  }
0x57d: {  	[tilespmem:s13+$0x30] =	vst v4  }
0x57e: {  	[tilespmem:s14+$0x70] =	vst v62  }
0x57f: {  	[tilespmem:s14+$0xFFFFFFB0] =	vst v63  }
0x580: {  	[tilespmem:s14+$0xFFFFFFF0] =	vst v7  }
0x581: {  	s12 =	sadd.s32 $0x1, s12;
	[tilespmem:s14+$0x30] =	vst v3  }
0x582: {  	[hbm4b:s3+s1] =	stream.linear.scatter [tilespmem:s9], [sflag:$0x4], $0xC000, $0x38;
	[tilespmem:$0x1E000] =	vst v63  }
0x583: {  	p0 =	sne.s32 s12, s4;
	_ =	swait.ge [sflag:s10], $0xC000  }
.Ltmp16:
0x584: {  	[sflag:s10] =	ssyncset.done $0x0;
	(pc) =	sbr.rel @p0 .LBB2_1-.Ltmp16, $4  }
0x585: {  	[sflag:s10] =	ssyncadd.s32 $0xFFFF4000  }
0x586: {  	_ =	swait.ge [sflag:s11], $0xC000  }
0x587: {  	[sflag:s11] =	ssyncset.done $0x0  }
0x588: {  	[sflag:s11] =	ssyncadd.s32 $0xFFFF4000  }
0x589: {  	_ =	sfence.sel $0x180000  }
0x58a: {  	[bflag:$0x0] =	sbarrier.arrive $0xFFFF  }
0x58b: {  	_ =	strace $0x90000047  }
0x58c: {  	s0 =	stileid.u32;
	[bflag:$0x2] =	sbarrier.arrive $0xFFFF  }
0x58d: {  	p0 =	sne.s32 s0, $0x0;
	s0 =	rddreg [dreg:$0x2]  }
0x58e: {  	s0 =	sadd.s32 @!p0 $0x100000, s0  }
0x58f: {  	[sflag:s0] =	ssyncadd.tile.s32 @!p0 $0x1;
	_ =	shalt  }
.Lfunc_end2:
_tile_overlayer_lowered:
.L_overlay_start_2:
0x590: {  	(tag) =	ssettag $0x2  }
0x591: {  	s0 =	rddreg [dreg:$0x0];
	s2 =	stileid.u32  }
0x592: {  	s1 =	rddreg [dreg:$0x1];
	p0 =	sne.s32 s2, $0x0  }
0x593: {  	s3 =	rddreg [dreg:$0x2];
	[bflag:$0x3] =	sbarrier.arrive $0xFFFF;
	s2 =	simm.s32 @!p0 $0x1C05  }
0x594: {  	[timem:s3], [sflag:s2] =	dma.local @!p0 [hbm:s0], s1  }
0x595: {  	s0 =	simm.s32 @!p0 $0x5  }
0x596: {  	_ =	swait.ge @!p0 [sflag:s0], s1  }
0x597: {  	s1 =	ssub.s32 @!p0 $0x0, s1;
	[sflag:s0] =	ssyncset.done @!p0 $0x0  }
0x598: {  	[sflag:s0] =	ssyncadd.s32 @!p0 s1  }
0x599: {  	[bflag:$0x3] =	sbarrier.arrive $0xFFFF  }
0x59a: {  	_ =	shalt  }

</sc_bundles>
